<compile_context>
chip_gen: v7x
topology: tpu7x:2x2x1
jax: 0.10.2.dev20260603
libtpu: 0.0.44.dev20260713+nightly
codegen_flags: <defaults>
</compile_context>

<pallas_src>
import functools
import math

import jax
import jax.numpy as jnp
from jax import lax
from jax.experimental import pallas as pl
from jax.experimental.pallas import tpu as pltpu
from jax.experimental.pallas import tpu_sc as plsc

N = 100000
E = 1600000
NB = 8
INV_SQRT_NN = 1.0 / math.sqrt(16.0)

EDGE_BLK = 8000
NODE_BLK = 2000

BF = jnp.bfloat16


def _silu(v):
    return v * jax.nn.sigmoid(v)


def _edge_mlp_body(h_ref,
                   wr10, br10, wr20, br20, wr30,
                   wr11, br11, wr21, br21, wr31,
                   wr12, br12, wr22, br22, wr32,
                   w0_ref, wc_ref):
    h = h_ref[...].astype(BF)

    def chain(wr1, br1, wr2, br2, wr3):
        a = _silu(jnp.dot(h, wr1[...].astype(BF),
                          preferred_element_type=jnp.float32)
                  + br1[...][None, :])
        b = _silu(jnp.dot(a.astype(BF), wr2[...].astype(BF),
                          preferred_element_type=jnp.float32)
                  + br2[...][None, :])
        return jnp.dot(b.astype(BF), wr3[...].astype(BF),
                       preferred_element_type=jnp.float32)

    w0_ref[...] = chain(wr10, br10, wr20, br20, wr30).astype(BF)
    w1 = chain(wr11, br11, wr21, br21, wr31)
    w2 = chain(wr12, br12, wr22, br22, wr32)
    wc_ref[...] = jnp.concatenate([w1, w2], axis=1)


def _edge_mlp(h_edge, packs):
    grid = (E // EDGE_BLK,)
    full = lambda *s: pl.BlockSpec(s, lambda i: (0,) * len(s))
    in_specs = [pl.BlockSpec((EDGE_BLK, NB), lambda i: (i, 0))]
    args = [h_edge]
    for (wr1, br1, wr2, br2, wr3) in packs:
        in_specs += [full(*wr1.shape), full(*br1.shape), full(*wr2.shape),
                     full(*br2.shape), full(*wr3.shape)]
        args += [wr1, br1, wr2, br2, wr3]
    out_specs = [pl.BlockSpec((EDGE_BLK, 32), lambda i: (i, 0)),
                 pl.BlockSpec((EDGE_BLK, 128), lambda i: (i, 0))]
    out_shape = [jax.ShapeDtypeStruct((E, 32), BF),
                 jax.ShapeDtypeStruct((E, 128), jnp.float32)]
    return pl.pallas_call(
        _edge_mlp_body, grid=grid, in_specs=in_specs, out_specs=out_specs,
        out_shape=out_shape)(*args)


def _node_pre_body(x_ref, z_ref, wsc_ref, w1_ref, sc_ref, *x1_refs, c):
    x = x_ref[...]
    z = z_ref[...]
    acc = jnp.zeros((x.shape[0], 64), jnp.float32)
    for j in range(8):
        acc += jnp.dot(x * z[:, j][:, None], wsc_ref[j],
                       preferred_element_type=jnp.float32)
    sc_ref[...] = acc * (1.0 / math.sqrt(c * 8.0))
    x1 = jnp.dot(x, w1_ref[...],
                 preferred_element_type=jnp.float32) * (1.0 / math.sqrt(c))
    for k, ref in enumerate(x1_refs):
        ref[...] = x1[:, 32 * k:32 * (k + 1)].astype(BF)


def _node_pre(x, z, wsc_t, w1):
    c = x.shape[1]
    nchunk = w1.shape[1] // 32
    grid = (N // NODE_BLK,)
    return pl.pallas_call(
        functools.partial(_node_pre_body, c=c),
        grid=grid,
        in_specs=[
            pl.BlockSpec((NODE_BLK, c), lambda i: (i, 0)),
            pl.BlockSpec((NODE_BLK, 8), lambda i: (i, 0)),
            pl.BlockSpec(wsc_t.shape, lambda i: (0, 0, 0)),
            pl.BlockSpec(w1.shape, lambda i: (0, 0)),
        ],
        out_specs=[pl.BlockSpec((NODE_BLK, 64), lambda i: (i, 0))] +
                  [pl.BlockSpec((NODE_BLK, 32), lambda i: (i, 0))] * nchunk,
        out_shape=[jax.ShapeDtypeStruct((N, 64), jnp.float32)] +
                  [jax.ShapeDtypeStruct((N, 32), BF)] * nchunk,
    )(x, z, wsc_t, w1)


def _combine_body(*refs, scale, npairs):
    sc_ref = refs[0]
    out_ref = refs[1 + 2 * npairs]
    y = jnp.zeros((NODE_BLK, 64), jnp.float32)
    for p in range(npairs):
        agg = refs[1 + 2 * p][...]
        w2 = refs[2 + 2 * p][...]
        y += jnp.dot(agg, w2.astype(BF), preferred_element_type=jnp.float32)
    out_ref[...] = _silu(sc_ref[...] + y * scale)


def _combine(sc, pairs, c):
    scale = (1.0 / math.sqrt(c)) * INV_SQRT_NN
    grid = (N // NODE_BLK,)
    in_specs = [pl.BlockSpec((NODE_BLK, 64), lambda i: (i, 0))]
    args = [sc]
    for (agg, w2) in pairs:
        in_specs += [
            pl.BlockSpec((NODE_BLK, 32), lambda i: (i, 0)),
            pl.BlockSpec(w2.shape, lambda i: (0, 0)),
        ]
        args += [agg, w2]
    return pl.pallas_call(
        functools.partial(_combine_body, scale=scale, npairs=len(pairs)),
        grid=grid,
        in_specs=in_specs,
        out_specs=pl.BlockSpec((NODE_BLK, 64), lambda i: (i, 0)),
        out_shape=jax.ShapeDtypeStruct((N, 64), jnp.float32))(*args)


def _final_body(x_ref, z_ref, wz_ref, out_ref):
    t = jnp.dot(z_ref[...], wz_ref[...], preferred_element_type=jnp.float32)
    out_ref[...] = jnp.sum(x_ref[...] * t, axis=1, keepdims=True) * (
        1.0 / math.sqrt(64.0 * 8.0))


def _final(x, z, wz):
    grid = (N // NODE_BLK,)
    return pl.pallas_call(
        _final_body, grid=grid,
        in_specs=[
            pl.BlockSpec((NODE_BLK, 64), lambda i: (i, 0)),
            pl.BlockSpec((NODE_BLK, 8), lambda i: (i, 0)),
            pl.BlockSpec((8, 64), lambda i: (0, 0)),
        ],
        out_specs=pl.BlockSpec((NODE_BLK, 1), lambda i: (i, 0)),
        out_shape=jax.ShapeDtypeStruct((N, 1), jnp.float32))(x, z, wz)


GRP = 128
GPB = 4
BLK = GRP * GPB
NBLK = E // BLK
ROWS_MAIN = 6256
ROWS_LAST = N - 15 * ROWS_MAIN

def _sc_scratch(w_dtype):
    return [
        pltpu.VMEM((GPB, GRP), jnp.int32),
        pltpu.VMEM((GPB, GRP), jnp.int32),
        pltpu.VMEM((BLK, 32), BF),
        pltpu.VMEM((BLK, 32), w_dtype),
        pltpu.VMEM_SHARED((N, 32), BF),
        pltpu.SemaphoreType.DMA,
        pltpu.SemaphoreType.DMA,
    ]


def _sc_process_block(x1_ref, w_ref, loff, blk,
                      src2d, dst2d, accum, sidx, didx, xg, wv, sem, sem2):
    r0 = blk * GPB
    e0 = blk * BLK
    pltpu.sync_copy(src2d.at[pl.ds(r0, GPB), :], sidx)
    pltpu.sync_copy(dst2d.at[pl.ds(r0, GPB), :], didx)
    if loff is None:
        wcopy = pltpu.async_copy(w_ref.at[pl.ds(e0, BLK), :], wv, sem2)
    else:
        wcopy = pltpu.async_copy(w_ref.at[pl.ds(e0, BLK), pl.ds(loff, 32)],
                                 wv, sem2)
    gathers = [
        pltpu.async_copy(x1_ref.at[sidx.at[g]],
                         xg.at[pl.ds(g * GRP, GRP), :], sem)
        for g in range(GPB)
    ]
    for cp in gathers:
        cp.wait()
    wcopy.wait()

    if loff is None:
        def mul_body(r, carry):
            for u in range(4):
                e = r * 4 + u
                xg[e, :] = xg[e, :] * wv[e, :]
            return carry
    else:
        def mul_body(r, carry):
            for u in range(4):
                e = r * 4 + u
                wlo = wv[e, pl.ds(0, 16)]
                whi = wv[e, pl.ds(16, 16)]
                wbf = plsc.pack(wlo, whi, format=plsc.PackFormat.INTERLEAVED)
                xg[e, :] = xg[e, :] * wbf
            return carry

    lax.fori_loop(0, BLK // 4, mul_body, 0)
    for g in range(GPB):
        pltpu.sync_copy(xg.at[pl.ds(g * GRP, GRP), :],
                        accum.at[didx.at[g]], add=True)


def _sc_rowcopy(src_ref, dst_ref, sid):
    @pl.when(sid < 15)
    def _():
        n0 = pl.multiple_of(sid * ROWS_MAIN, 16)
        pltpu.sync_copy(src_ref.at[pl.ds(n0, ROWS_MAIN), :],
                        dst_ref.at[pl.ds(n0, ROWS_MAIN), :])

    @pl.when(sid == 15)
    def _():
        pltpu.sync_copy(src_ref.at[pl.ds(15 * ROWS_MAIN, ROWS_LAST), :],
                        dst_ref.at[pl.ds(15 * ROWS_MAIN, ROWS_LAST), :])


def _sc_edge_stage_wide(x1a, x1b, src2d, dst2d, wcomb, loff, zeros):
    mesh = plsc.VectorSubcoreMesh(core_axis_name="c", subcore_axis_name="s")

    @functools.partial(
        pl.kernel,
        out_type=[jax.ShapeDtypeStruct((N, 32), BF)] * 2,
        mesh=mesh,
        scratch_types=_sc_scratch(jnp.float32),
        compiler_params=pltpu.CompilerParams(use_tc_tiling_on_sc=False,
                                             needs_layout_passes=False),
    )
    def body(x1a_r, x1b_r, src_r, dst_r, wc_r, zeros_r,
             agg_a, agg_b,
             sidx, didx, xg, wv, accum, sem, sem2):
        cid = lax.axis_index("c")
        sid = lax.axis_index("s")

        def do_chunk(x1_ref, off, agg_ref):
            _sc_rowcopy(zeros_r, accum, sid)
            plsc.subcore_barrier()

            def blk_body(i, carry):
                blk = i * 16 + sid

                @pl.when(blk < NBLK)
                def _():
                    _sc_process_block(x1_ref, wc_r, off, blk, src_r, dst_r,
                                      accum, sidx, didx, xg, wv, sem, sem2)
                return carry

            lax.fori_loop(0, (NBLK + 15) // 16, blk_body, 0)
            plsc.subcore_barrier()
            _sc_rowcopy(accum, agg_ref, sid)

        @pl.when(cid == 0)
        def _():
            do_chunk(x1a_r, loff, agg_a)

        @pl.when(cid == 1)
        def _():
            do_chunk(x1b_r, loff + 32, agg_b)

    return body(x1a, x1b, src2d, dst2d, wcomb, zeros)


def _sc_edge_stage_narrow(x1p, src2d, dst2d, w, zeros):
    mesh = plsc.VectorSubcoreMesh(core_axis_name="c", subcore_axis_name="s")

    @functools.partial(
        pl.kernel,
        out_type=[jax.ShapeDtypeStruct((N, 32), BF)] * 2,
        mesh=mesh,
        scratch_types=_sc_scratch(BF),
        compiler_params=pltpu.CompilerParams(use_tc_tiling_on_sc=False,
                                             needs_layout_passes=False),
    )
    def body(x1_r, src_r, dst_r, w_r, zeros_r, agg_a, agg_b,
             sidx, didx, xg, wv, accum, sem, sem2):
        cid = lax.axis_index("c")
        sid = lax.axis_index("s")
        wid = cid * 16 + sid

        _sc_rowcopy(zeros_r, accum, sid)
        plsc.subcore_barrier()

        def blk_body(i, carry):
            blk = i * 32 + wid

            @pl.when(blk < NBLK)
            def _():
                _sc_process_block(x1_r, w_r, None, blk, src_r, dst_r, accum,
                                  sidx, didx, xg, wv, sem, sem2)
            return carry

        lax.fori_loop(0, (NBLK + 31) // 32, blk_body, 0)
        plsc.subcore_barrier()

        @pl.when(cid == 0)
        def _():
            _sc_rowcopy(accum, agg_a, sid)

        @pl.when(cid == 1)
        def _():
            _sc_rowcopy(accum, agg_b, sid)

    return body(x1p, src2d, dst2d, w, zeros)


def kernel(h_node_x, h_node_z, edge_index, edge_attr, h_edge,
           Wsc0, W10, Wr10, br10, Wr20, br20, Wr30, W20,
           Wsc1, W11, Wr11, br11, Wr21, br21, Wr31, W21,
           Wsc2, W12, Wr12, br12, Wr22, br22, Wr32, W22,
           Wout):
    src = edge_index[0]
    dst = edge_index[1]

    perm = (jnp.arange(32) % 2) * 16 + jnp.arange(32) // 2

    W10p = jnp.pad(W10, ((0, 0), (0, 24)))[:, perm]
    Wr30p = jnp.pad(Wr30, ((0, 0), (0, 24)))[:, perm]
    W20p = jnp.pad(W20, ((0, 24), (0, 0)))[perm, :]

    w0, wcomb = _edge_mlp(h_edge, [
        (Wr10, br10, Wr20, br20, Wr30p),
        (Wr11, br11, Wr21, br21, Wr31),
        (Wr12, br12, Wr22, br22, Wr32),
    ])

    src2d = src.reshape(E // GRP, GRP)
    dst2d = dst.reshape(E // GRP, GRP)
    zeros = jnp.zeros((N, 32), BF)

    x = h_node_x
    z = h_node_z

    sc, x1p = _node_pre(x, z, jnp.transpose(Wsc0, (1, 0, 2)), W10p)
    agg_a, agg_b = _sc_edge_stage_narrow(x1p, src2d, dst2d, w0, zeros)
    x = _combine(sc, [(agg_a, W20p), (agg_b, W20p)], 8)

    for (Wsc, W1, loff, W2) in ((Wsc1, W11, 0, W21), (Wsc2, W12, 64, W22)):
        W1p = jnp.concatenate([W1[:, :32][:, perm], W1[:, 32:][:, perm]],
                              axis=1)
        sc, x1a, x1b = _node_pre(x, z, jnp.transpose(Wsc, (1, 0, 2)), W1p)
        agg_a, agg_b = _sc_edge_stage_wide(x1a, x1b, src2d, dst2d, wcomb,
                                           loff, zeros)
        x = _combine(sc, [(agg_a, W2[:32, :][perm, :]),
                          (agg_b, W2[32:, :][perm, :])], 64)

    wz = jnp.transpose(Wout[:, :, 0])
    return _final(x, z, wz)

# --- scband reference (transcript-rebuilt; emitter-appended) ---
"""Pipeline reference for scband-nequ-ip-39024072851884 (READ-ONLY COPY).

The authoritative reference and input builder live on the scoring server;
editing this copy changes nothing except your own understanding.
"""

import jax, jax.numpy as jnp
import numpy as np

N = 100000
E = 1600000
C_IN = 8
C_H = 64
NB = 8
NUM_CONVS = 3
NUM_NEIGHBORS = 16.0
R_HID = [16, 64]


def _layer_params(key, c_in, c_out):
    ks = jax.random.split(key, 8)
    return dict(
        Wsc=jax.random.normal(ks[0], (c_in, C_IN, c_out), jnp.float32),
        W1=jax.random.normal(ks[1], (c_in, c_in), jnp.float32),
        Wr1=jax.random.normal(ks[2], (NB, R_HID[0]), jnp.float32) / np.sqrt(NB),
        br1=jnp.zeros((R_HID[0],), jnp.float32),
        Wr2=jax.random.normal(ks[3], (R_HID[0], R_HID[1]), jnp.float32) / np.sqrt(R_HID[0]),
        br2=jnp.zeros((R_HID[1],), jnp.float32),
        Wr3=jax.random.normal(ks[4], (R_HID[1], c_in), jnp.float32) / np.sqrt(R_HID[1]),
        W2=jax.random.normal(ks[5], (c_in, c_out), jnp.float32),
    )


def setup_inputs(seed: int = 0):
    key = jax.random.key(seed)
    ks = jax.random.split(key, 10)
    inp = {}
    inp["h_node_x"] = jax.random.normal(ks[0], (N, C_IN), jnp.float32)
    inp["h_node_z"] = jax.random.normal(ks[1], (N, C_IN), jnp.float32)
    inp["edge_index"] = jax.random.randint(ks[2], (2, E), 0, N, dtype=jnp.int32)
    inp["edge_attr"] = jax.random.normal(ks[3], (E, 3), jnp.float32)
    inp["h_edge"] = jax.random.uniform(ks[4], (E, NB), jnp.float32)
    c = C_IN
    for i in range(NUM_CONVS):
        p = _layer_params(ks[5 + i], c, C_H)
        for k, v in p.items():
            inp[k + str(i)] = v
        c = C_H
    inp["Wout"] = jax.random.normal(ks[8], (C_H, C_IN, 1), jnp.float32)
    return inp


def _forward(h_node_x, h_node_z, src, dst, h_edge, layers, Wout, n_edges):
    # spherical_harmonics('1x0e', edge_attr, normalize=True, normalization='component') == 1
    edge_sh = jnp.ones((n_edges, 1), jnp.float32)
    x = h_node_x
    z = h_node_z
    for (Wsc, W1, Wr1, br1, Wr2, br2, Wr3, W2) in layers:
        c = x.shape[1]
        # self-connection: FullyConnectedTensorProduct(irreps_in, irreps_node_z, irreps_out)
        sc = jnp.einsum('ni,nj,ijo->no', x, z, Wsc) / np.sqrt(c * z.shape[1])
        # linear on node features
        x1 = (x @ W1) / np.sqrt(c)
        # radial MLP producing per-edge tensor-product weights ('uvu' on scalars)
        h = jax.nn.silu(h_edge @ Wr1 + br1)
        h = jax.nn.silu(h @ Wr2 + br2)
        w = h @ Wr3  # [E, c]
        # messages: gather source node features, weight per-edge, multiply edge sh (==1 for 0e)
        m = x1[src] * w * edge_sh
        # scatter-add to destination nodes, normalize by sqrt(num_neighbors)
        agg = jnp.zeros((x.shape[0], c), x.dtype).at[dst].add(m) / np.sqrt(NUM_NEIGHBORS)
        # output linear + gate (silu on even scalars)
        x = jax.nn.silu(sc + (agg @ W2) / np.sqrt(c))
    return jnp.einsum('ni,nj,ijo->no', x, z, Wout) / np.sqrt(x.shape[1] * z.shape[1])


def reference(h_node_x, h_node_z, edge_index, edge_attr, h_edge,
              Wsc0, W10, Wr10, br10, Wr20, br20, Wr30, W20,
              Wsc1, W11, Wr11, br11, Wr21, br21, Wr31, W21,
              Wsc2, W12, Wr12, br12, Wr22, br22, Wr32, W22,
              Wout):
    src = edge_index[0]
    dst = edge_index[1]
    layers = [
        (Wsc0, W10, Wr10, br10, Wr20, br20, Wr30, W20),
        (Wsc1, W11, Wr11, br11, Wr21, br21, Wr31, W21),
        (Wsc2, W12, Wr12, br12, Wr22, br22, Wr32, W22),
    ]
    return _forward(h_node_x, h_node_z, src, dst, h_edge, layers, Wout, edge_attr.shape[0])

if __name__ == "__main__":
    import jax
    _d = setup_inputs()
    print(jax.jit(kernel)(*tuple(_d.values())))

</pallas_src>

<mosaic_0001>
#map = affine_map<(d0, d1) -> (0, 0)>
module attributes {stable_mosaic.version = 14 : i64} {
  func.func @body(%arg0: i32, %arg1: i32, %arg2: memref<100000x32xbf16, #tpu.memory_space<hbm>>, %arg3: memref<12500x128xi32, #tpu.memory_space<hbm>>, %arg4: memref<12500x128xi32, #tpu.memory_space<hbm>>, %arg5: memref<1600000x32xbf16, #tpu.memory_space<hbm>>, %arg6: memref<100000x32xbf16, #tpu.memory_space<hbm>>, %arg7: memref<100000x32xbf16, #tpu.memory_space<hbm>>, %arg8: memref<100000x32xbf16, #tpu.memory_space<hbm>>, %arg9: memref<4x128xi32, #tpu.memory_space<vmem>>, %arg10: memref<4x128xi32, #tpu.memory_space<vmem>>, %arg11: memref<512x32xbf16, #tpu.memory_space<vmem>>, %arg12: memref<512x32xbf16, #tpu.memory_space<vmem>>, %arg13: memref<100000x32xbf16, #tpu.memory_space<vmem_shared>>, %arg14: memref<!tpu.dma_semaphore, #tpu.memory_space<semaphore_mem>>, %arg15: memref<!tpu.dma_semaphore, #tpu.memory_space<semaphore_mem>>) attributes {dimension_semantics = [#tpu.dimension_semantics<core_parallel>, #tpu.dimension_semantics<subcore_parallel>], iteration_bounds = array<i64: 2, 16>, scalar_prefetch = 0 : i64, scratch_operands = 7 : i64, tpu.core_type = #tpu.core_type<sc_vector_subcore>, window_params = [{transform_indices = #map}, {transform_indices = #map}, {transform_indices = #map}, {transform_indices = #map}, {transform_indices = #map}, {transform_indices = #map}, {transform_indices = #map}]} {
    %mul3A = arith.constant 16 : i32
    %mul3A_0 = arith.muli %arg0, %mul3A : i32
    %add3A = arith.addi %mul3A_0, %arg1 : i32
    %lt3A = arith.constant 15 : i32
    %lt3A_1 = arith.cmpi slt, %arg1, %lt3A : i32
    %convert_element_type3A = arith.extui %lt3A_1 : i1 to i32
    %cond3A = arith.constant 0 : i32
    %cond3A_2 = arith.cmpi ne, %convert_element_type3A, %cond3A : i32
    scf.if %cond3A_2 {
      %mul3A_23 = arith.constant 6256 : i32
      %mul3A_24 = arith.muli %arg1, %mul3A_23 : i32
      %multiple_of3A = tpu.assume_multiple %mul3A_24, 16 : i32
      "tpu.region"() ({
        %run_scoped3A = tpu.sem_alloc : memref<!tpu.dma_semaphore, #tpu.memory_space<semaphore_mem>>
        %dma_start3A = arith.constant 0 : i32
        %dma_start3A_25 = tpu.memref_slice %arg13[%multiple_of3A, %dma_start3A] : memref<100000x32xbf16, #tpu.memory_space<vmem_shared>> -> memref<6256x32xbf16, #tpu.memory_space<vmem_shared>>
        %dma_start3A_26 = arith.constant 0 : i32
        %dma_start3A_27 = tpu.memref_slice %arg6[%multiple_of3A, %dma_start3A_26] : memref<100000x32xbf16, #tpu.memory_space<hbm>> -> memref<6256x32xbf16, #tpu.memory_space<hbm>>
        tpu.enqueue_dma source(%dma_start3A_27 : memref<6256x32xbf16, #tpu.memory_space<hbm>>) target(%dma_start3A_25 : memref<6256x32xbf16, #tpu.memory_space<vmem_shared>>) target_semaphore(%run_scoped3A : memref<!tpu.dma_semaphore, #tpu.memory_space<semaphore_mem>>)
        %dma_wait3A = arith.constant 0 : i32
        %dma_wait3A_28 = tpu.memref_slice %arg13[%multiple_of3A, %dma_wait3A] : memref<100000x32xbf16, #tpu.memory_space<vmem_shared>> -> memref<6256x32xbf16, #tpu.memory_space<vmem_shared>>
        %dma_wait3A_29 = arith.constant 0 : i32
        %dma_wait3A_30 = tpu.memref_slice %arg6[%multiple_of3A, %dma_wait3A_29] : memref<100000x32xbf16, #tpu.memory_space<hbm>> -> memref<6256x32xbf16, #tpu.memory_space<hbm>>
        tpu.wait_dma2 semaphore(%run_scoped3A : memref<!tpu.dma_semaphore, #tpu.memory_space<semaphore_mem>>) src(%dma_wait3A_30 : memref<6256x32xbf16, #tpu.memory_space<hbm>>) dst(%dma_wait3A_28 : memref<6256x32xbf16, #tpu.memory_space<vmem_shared>>)
        tpu.yield
      }) : () -> ()
    } else {
    }
    %eq3A = arith.constant 15 : i32
    %eq3A_3 = arith.cmpi eq, %arg1, %eq3A : i32
    %convert_element_type3A_4 = arith.extui %eq3A_3 : i1 to i32
    %cond3A_5 = arith.constant 0 : i32
    %cond3A_6 = arith.cmpi ne, %convert_element_type3A_4, %cond3A_5 : i32
    scf.if %cond3A_6 {
      "tpu.region"() ({
        %run_scoped3A = tpu.sem_alloc : memref<!tpu.dma_semaphore, #tpu.memory_space<semaphore_mem>>
        %dma_start3A = arith.constant 93840 : i32
        %dma_start3A_23 = arith.constant 0 : i32
        %dma_start3A_24 = tpu.memref_slice %arg13[%dma_start3A, %dma_start3A_23] : memref<100000x32xbf16, #tpu.memory_space<vmem_shared>> -> memref<6160x32xbf16, #tpu.memory_space<vmem_shared>>
        %dma_start3A_25 = arith.constant 93840 : i32
        %dma_start3A_26 = arith.constant 0 : i32
        %dma_start3A_27 = tpu.memref_slice %arg6[%dma_start3A_25, %dma_start3A_26] : memref<100000x32xbf16, #tpu.memory_space<hbm>> -> memref<6160x32xbf16, #tpu.memory_space<hbm>>
        tpu.enqueue_dma source(%dma_start3A_27 : memref<6160x32xbf16, #tpu.memory_space<hbm>>) target(%dma_start3A_24 : memref<6160x32xbf16, #tpu.memory_space<vmem_shared>>) target_semaphore(%run_scoped3A : memref<!tpu.dma_semaphore, #tpu.memory_space<semaphore_mem>>)
        %dma_wait3A = arith.constant 93840 : i32
        %dma_wait3A_28 = arith.constant 0 : i32
        %dma_wait3A_29 = tpu.memref_slice %arg13[%dma_wait3A, %dma_wait3A_28] : memref<100000x32xbf16, #tpu.memory_space<vmem_shared>> -> memref<6160x32xbf16, #tpu.memory_space<vmem_shared>>
        %dma_wait3A_30 = arith.constant 93840 : i32
        %dma_wait3A_31 = arith.constant 0 : i32
        %dma_wait3A_32 = tpu.memref_slice %arg6[%dma_wait3A_30, %dma_wait3A_31] : memref<100000x32xbf16, #tpu.memory_space<hbm>> -> memref<6160x32xbf16, #tpu.memory_space<hbm>>
        tpu.wait_dma2 semaphore(%run_scoped3A : memref<!tpu.dma_semaphore, #tpu.memory_space<semaphore_mem>>) src(%dma_wait3A_32 : memref<6160x32xbf16, #tpu.memory_space<hbm>>) dst(%dma_wait3A_29 : memref<6160x32xbf16, #tpu.memory_space<vmem_shared>>)
        tpu.yield
      }) : () -> ()
    } else {
    }
    %barrier3A = arith.constant 0 : index
    tpu.barrier barrier_id(%barrier3A)
    %scan3A = arith.constant 0 : i32
    %scan3A_7 = arith.constant 0 : i32
    %scan3A_8 = arith.constant 98 : i32
    %scan3A_9 = arith.addi %scan3A_7, %scan3A_8 : i32
    %scan3A_10 = arith.constant 1 : i32
    scf.for %scan3A_23 = %scan3A_7 to %scan3A_9 step %scan3A_10  : i32 {
      %mul3A_24 = arith.constant 32 : i32
      %mul3A_25 = arith.muli %scan3A_23, %mul3A_24 : i32
      %add3A_26 = arith.addi %mul3A_25, %add3A : i32
      %lt3A_27 = arith.constant 3125 : i32
      %lt3A_28 = arith.cmpi slt, %add3A_26, %lt3A_27 : i32
      %convert_element_type3A_29 = arith.extui %lt3A_28 : i1 to i32
      %cond3A_30 = arith.constant 0 : i32
      %cond3A_31 = arith.cmpi ne, %convert_element_type3A_29, %cond3A_30 : i32
      scf.if %cond3A_31 {
        %mul3A_32 = arith.constant 4 : i32
        %mul3A_33 = arith.muli %add3A_26, %mul3A_32 : i32
        %mul3A_34 = arith.constant 512 : i32
        %mul3A_35 = arith.muli %add3A_26, %mul3A_34 : i32
        "tpu.region"() ({
          %run_scoped3A_131 = tpu.sem_alloc : memref<!tpu.dma_semaphore, #tpu.memory_space<semaphore_mem>>
          %dma_start3A_132 = arith.constant 0 : i32
          %dma_start3A_133 = tpu.memref_slice %arg3[%mul3A_33, %dma_start3A_132] : memref<12500x128xi32, #tpu.memory_space<hbm>> -> memref<4x128xi32, #tpu.memory_space<hbm>>
          %dma_start3A_134 = arith.constant 0 : i32
          %dma_start3A_135 = tpu.memref_slice %arg3[%mul3A_33, %dma_start3A_134] : memref<12500x128xi32, #tpu.memory_space<hbm>> -> memref<4x128xi32, #tpu.memory_space<hbm>>
          tpu.enqueue_dma source(%dma_start3A_135 : memref<4x128xi32, #tpu.memory_space<hbm>>) target(%arg9 : memref<4x128xi32, #tpu.memory_space<vmem>>) target_semaphore(%run_scoped3A_131 : memref<!tpu.dma_semaphore, #tpu.memory_space<semaphore_mem>>)
          %dma_wait3A_136 = arith.constant 0 : i32
          %dma_wait3A_137 = tpu.memref_slice %arg3[%mul3A_33, %dma_wait3A_136] : memref<12500x128xi32, #tpu.memory_space<hbm>> -> memref<4x128xi32, #tpu.memory_space<hbm>>
          %dma_wait3A_138 = arith.constant 0 : i32
          %dma_wait3A_139 = tpu.memref_slice %arg3[%mul3A_33, %dma_wait3A_138] : memref<12500x128xi32, #tpu.memory_space<hbm>> -> memref<4x128xi32, #tpu.memory_space<hbm>>
          tpu.wait_dma2 semaphore(%run_scoped3A_131 : memref<!tpu.dma_semaphore, #tpu.memory_space<semaphore_mem>>) src(%dma_wait3A_139 : memref<4x128xi32, #tpu.memory_space<hbm>>) dst(%arg9 : memref<4x128xi32, #tpu.memory_space<vmem>>)
          tpu.yield
        }) : () -> ()
        "tpu.region"() ({
          %run_scoped3A_131 = tpu.sem_alloc : memref<!tpu.dma_semaphore, #tpu.memory_space<semaphore_mem>>
          %dma_start3A_132 = arith.constant 0 : i32
          %dma_start3A_133 = tpu.memref_slice %arg4[%mul3A_33, %dma_start3A_132] : memref<12500x128xi32, #tpu.memory_space<hbm>> -> memref<4x128xi32, #tpu.memory_space<hbm>>
          %dma_start3A_134 = arith.constant 0 : i32
          %dma_start3A_135 = tpu.memref_slice %arg4[%mul3A_33, %dma_start3A_134] : memref<12500x128xi32, #tpu.memory_space<hbm>> -> memref<4x128xi32, #tpu.memory_space<hbm>>
          tpu.enqueue_dma source(%dma_start3A_135 : memref<4x128xi32, #tpu.memory_space<hbm>>) target(%arg10 : memref<4x128xi32, #tpu.memory_space<vmem>>) target_semaphore(%run_scoped3A_131 : memref<!tpu.dma_semaphore, #tpu.memory_space<semaphore_mem>>)
          %dma_wait3A_136 = arith.constant 0 : i32
          %dma_wait3A_137 = tpu.memref_slice %arg4[%mul3A_33, %dma_wait3A_136] : memref<12500x128xi32, #tpu.memory_space<hbm>> -> memref<4x128xi32, #tpu.memory_space<hbm>>
          %dma_wait3A_138 = arith.constant 0 : i32
          %dma_wait3A_139 = tpu.memref_slice %arg4[%mul3A_33, %dma_wait3A_138] : memref<12500x128xi32, #tpu.memory_space<hbm>> -> memref<4x128xi32, #tpu.memory_space<hbm>>
          tpu.wait_dma2 semaphore(%run_scoped3A_131 : memref<!tpu.dma_semaphore, #tpu.memory_space<semaphore_mem>>) src(%dma_wait3A_139 : memref<4x128xi32, #tpu.memory_space<hbm>>) dst(%arg10 : memref<4x128xi32, #tpu.memory_space<vmem>>)
          tpu.yield
        }) : () -> ()
        %dma_start3A = arith.constant 0 : i32
        %dma_start3A_36 = tpu.memref_slice %arg5[%mul3A_35, %dma_start3A] : memref<1600000x32xbf16, #tpu.memory_space<hbm>> -> memref<512x32xbf16, #tpu.memory_space<hbm>>
        %dma_start3A_37 = arith.constant 0 : i32
        %dma_start3A_38 = tpu.memref_slice %arg5[%mul3A_35, %dma_start3A_37] : memref<1600000x32xbf16, #tpu.memory_space<hbm>> -> memref<512x32xbf16, #tpu.memory_space<hbm>>
        tpu.enqueue_dma source(%dma_start3A_38 : memref<512x32xbf16, #tpu.memory_space<hbm>>) target(%arg12 : memref<512x32xbf16, #tpu.memory_space<vmem>>) target_semaphore(%arg15 : memref<!tpu.dma_semaphore, #tpu.memory_space<semaphore_mem>>)
        %dma_start3A_39 = arith.constant 0 : i32
        %dma_start3A_40 = arith.constant 0 : i32
        %dma_start3A_41 = arith.constant 0 : i32
        %dma_start3A_42 = tpu.memref_slice %arg11[%dma_start3A_40, %dma_start3A_41] : memref<512x32xbf16, #tpu.memory_space<vmem>> -> memref<128x32xbf16, #tpu.memory_space<vmem>>
        %dma_start3A_43 = arith.constant 0 : i32
        %dma_start3A_44 = tpu.memref_slice %arg9[%dma_start3A_39, %dma_start3A_43] : memref<4x128xi32, #tpu.memory_space<vmem>> -> memref<1x128xi32, #tpu.memory_space<vmem>>
        %dma_start3A_45 = tpu.memref_squeeze %dma_start3A_44 : memref<1x128xi32, #tpu.memory_space<vmem>> -> memref<128xi32, #tpu.memory_space<vmem>>
        %dma_start3A_46 = arith.constant 0 : i32
        %dma_start3A_47 = arith.constant 0 : i32
        %dma_start3A_48 = tpu.memref_slice %arg2[%dma_start3A_46, %dma_start3A_47] : memref<100000x32xbf16, #tpu.memory_space<hbm>> -> memref<100000x32xbf16, #tpu.memory_space<hbm>>
        tpu.enqueue_indirect_dma source(%dma_start3A_48 : memref<100000x32xbf16, #tpu.memory_space<hbm>>) target(%dma_start3A_42 : memref<128x32xbf16, #tpu.memory_space<vmem>>) offsets(%dma_start3A_45 : memref<128xi32, #tpu.memory_space<vmem>>) semaphore(%arg14 : memref<!tpu.dma_semaphore, #tpu.memory_space<semaphore_mem>>)
        %dma_start3A_49 = arith.constant 1 : i32
        %dma_start3A_50 = arith.constant 128 : i32
        %dma_start3A_51 = arith.constant 0 : i32
        %dma_start3A_52 = tpu.memref_slice %arg11[%dma_start3A_50, %dma_start3A_51] : memref<512x32xbf16, #tpu.memory_space<vmem>> -> memref<128x32xbf16, #tpu.memory_space<vmem>>
        %dma_start3A_53 = arith.constant 0 : i32
        %dma_start3A_54 = tpu.memref_slice %arg9[%dma_start3A_49, %dma_start3A_53] : memref<4x128xi32, #tpu.memory_space<vmem>> -> memref<1x128xi32, #tpu.memory_space<vmem>>
        %dma_start3A_55 = tpu.memref_squeeze %dma_start3A_54 : memref<1x128xi32, #tpu.memory_space<vmem>> -> memref<128xi32, #tpu.memory_space<vmem>>
        %dma_start3A_56 = arith.constant 0 : i32
        %dma_start3A_57 = arith.constant 0 : i32
        %dma_start3A_58 = tpu.memref_slice %arg2[%dma_start3A_56, %dma_start3A_57] : memref<100000x32xbf16, #tpu.memory_space<hbm>> -> memref<100000x32xbf16, #tpu.memory_space<hbm>>
        tpu.enqueue_indirect_dma source(%dma_start3A_58 : memref<100000x32xbf16, #tpu.memory_space<hbm>>) target(%dma_start3A_52 : memref<128x32xbf16, #tpu.memory_space<vmem>>) offsets(%dma_start3A_55 : memref<128xi32, #tpu.memory_space<vmem>>) semaphore(%arg14 : memref<!tpu.dma_semaphore, #tpu.memory_space<semaphore_mem>>)
        %dma_start3A_59 = arith.constant 2 : i32
        %dma_start3A_60 = arith.constant 256 : i32
        %dma_start3A_61 = arith.constant 0 : i32
        %dma_start3A_62 = tpu.memref_slice %arg11[%dma_start3A_60, %dma_start3A_61] : memref<512x32xbf16, #tpu.memory_space<vmem>> -> memref<128x32xbf16, #tpu.memory_space<vmem>>
        %dma_start3A_63 = arith.constant 0 : i32
        %dma_start3A_64 = tpu.memref_slice %arg9[%dma_start3A_59, %dma_start3A_63] : memref<4x128xi32, #tpu.memory_space<vmem>> -> memref<1x128xi32, #tpu.memory_space<vmem>>
        %dma_start3A_65 = tpu.memref_squeeze %dma_start3A_64 : memref<1x128xi32, #tpu.memory_space<vmem>> -> memref<128xi32, #tpu.memory_space<vmem>>
        %dma_start3A_66 = arith.constant 0 : i32
        %dma_start3A_67 = arith.constant 0 : i32
        %dma_start3A_68 = tpu.memref_slice %arg2[%dma_start3A_66, %dma_start3A_67] : memref<100000x32xbf16, #tpu.memory_space<hbm>> -> memref<100000x32xbf16, #tpu.memory_space<hbm>>
        tpu.enqueue_indirect_dma source(%dma_start3A_68 : memref<100000x32xbf16, #tpu.memory_space<hbm>>) target(%dma_start3A_62 : memref<128x32xbf16, #tpu.memory_space<vmem>>) offsets(%dma_start3A_65 : memref<128xi32, #tpu.memory_space<vmem>>) semaphore(%arg14 : memref<!tpu.dma_semaphore, #tpu.memory_space<semaphore_mem>>)
        %dma_start3A_69 = arith.constant 3 : i32
        %dma_start3A_70 = arith.constant 384 : i32
        %dma_start3A_71 = arith.constant 0 : i32
        %dma_start3A_72 = tpu.memref_slice %arg11[%dma_start3A_70, %dma_start3A_71] : memref<512x32xbf16, #tpu.memory_space<vmem>> -> memref<128x32xbf16, #tpu.memory_space<vmem>>
        %dma_start3A_73 = arith.constant 0 : i32
        %dma_start3A_74 = tpu.memref_slice %arg9[%dma_start3A_69, %dma_start3A_73] : memref<4x128xi32, #tpu.memory_space<vmem>> -> memref<1x128xi32, #tpu.memory_space<vmem>>
        %dma_start3A_75 = tpu.memref_squeeze %dma_start3A_74 : memref<1x128xi32, #tpu.memory_space<vmem>> -> memref<128xi32, #tpu.memory_space<vmem>>
        %dma_start3A_76 = arith.constant 0 : i32
        %dma_start3A_77 = arith.constant 0 : i32
        %dma_start3A_78 = tpu.memref_slice %arg2[%dma_start3A_76, %dma_start3A_77] : memref<100000x32xbf16, #tpu.memory_space<hbm>> -> memref<100000x32xbf16, #tpu.memory_space<hbm>>
        tpu.enqueue_indirect_dma source(%dma_start3A_78 : memref<100000x32xbf16, #tpu.memory_space<hbm>>) target(%dma_start3A_72 : memref<128x32xbf16, #tpu.memory_space<vmem>>) offsets(%dma_start3A_75 : memref<128xi32, #tpu.memory_space<vmem>>) semaphore(%arg14 : memref<!tpu.dma_semaphore, #tpu.memory_space<semaphore_mem>>)
        %dma_wait3A = arith.constant 0 : i32
        %dma_wait3A_79 = arith.constant 0 : i32
        %dma_wait3A_80 = arith.constant 0 : i32
        %dma_wait3A_81 = tpu.memref_slice %arg11[%dma_wait3A_79, %dma_wait3A_80] : memref<512x32xbf16, #tpu.memory_space<vmem>> -> memref<128x32xbf16, #tpu.memory_space<vmem>>
        %dma_wait3A_82 = arith.constant 0 : i32
        %dma_wait3A_83 = tpu.memref_slice %arg9[%dma_wait3A, %dma_wait3A_82] : memref<4x128xi32, #tpu.memory_space<vmem>> -> memref<1x128xi32, #tpu.memory_space<vmem>>
        %dma_wait3A_84 = tpu.memref_squeeze %dma_wait3A_83 : memref<1x128xi32, #tpu.memory_space<vmem>> -> memref<128xi32, #tpu.memory_space<vmem>>
        %dma_wait3A_85 = arith.constant 0 : i32
        %dma_wait3A_86 = arith.constant 0 : i32
        %dma_wait3A_87 = tpu.memref_slice %arg2[%dma_wait3A_85, %dma_wait3A_86] : memref<100000x32xbf16, #tpu.memory_space<hbm>> -> memref<100000x32xbf16, #tpu.memory_space<hbm>>
        tpu.wait_indirect_dma semaphore(%arg14 : memref<!tpu.dma_semaphore, #tpu.memory_space<semaphore_mem>>) src(%dma_wait3A_87 : memref<100000x32xbf16, #tpu.memory_space<hbm>>) dst(%dma_wait3A_81 : memref<128x32xbf16, #tpu.memory_space<vmem>>)
        %dma_wait3A_88 = arith.constant 1 : i32
        %dma_wait3A_89 = arith.constant 128 : i32
        %dma_wait3A_90 = arith.constant 0 : i32
        %dma_wait3A_91 = tpu.memref_slice %arg11[%dma_wait3A_89, %dma_wait3A_90] : memref<512x32xbf16, #tpu.memory_space<vmem>> -> memref<128x32xbf16, #tpu.memory_space<vmem>>
        %dma_wait3A_92 = arith.constant 0 : i32
        %dma_wait3A_93 = tpu.memref_slice %arg9[%dma_wait3A_88, %dma_wait3A_92] : memref<4x128xi32, #tpu.memory_space<vmem>> -> memref<1x128xi32, #tpu.memory_space<vmem>>
        %dma_wait3A_94 = tpu.memref_squeeze %dma_wait3A_93 : memref<1x128xi32, #tpu.memory_space<vmem>> -> memref<128xi32, #tpu.memory_space<vmem>>
        %dma_wait3A_95 = arith.constant 0 : i32
        %dma_wait3A_96 = arith.constant 0 : i32
        %dma_wait3A_97 = tpu.memref_slice %arg2[%dma_wait3A_95, %dma_wait3A_96] : memref<100000x32xbf16, #tpu.memory_space<hbm>> -> memref<100000x32xbf16, #tpu.memory_space<hbm>>
        tpu.wait_indirect_dma semaphore(%arg14 : memref<!tpu.dma_semaphore, #tpu.memory_space<semaphore_mem>>) src(%dma_wait3A_97 : memref<100000x32xbf16, #tpu.memory_space<hbm>>) dst(%dma_wait3A_91 : memref<128x32xbf16, #tpu.memory_space<vmem>>)
        %dma_wait3A_98 = arith.constant 2 : i32
        %dma_wait3A_99 = arith.constant 256 : i32
        %dma_wait3A_100 = arith.constant 0 : i32
        %dma_wait3A_101 = tpu.memref_slice %arg11[%dma_wait3A_99, %dma_wait3A_100] : memref<512x32xbf16, #tpu.memory_space<vmem>> -> memref<128x32xbf16, #tpu.memory_space<vmem>>
        %dma_wait3A_102 = arith.constant 0 : i32
        %dma_wait3A_103 = tpu.memref_slice %arg9[%dma_wait3A_98, %dma_wait3A_102] : memref<4x128xi32, #tpu.memory_space<vmem>> -> memref<1x128xi32, #tpu.memory_space<vmem>>
        %dma_wait3A_104 = tpu.memref_squeeze %dma_wait3A_103 : memref<1x128xi32, #tpu.memory_space<vmem>> -> memref<128xi32, #tpu.memory_space<vmem>>
        %dma_wait3A_105 = arith.constant 0 : i32
        %dma_wait3A_106 = arith.constant 0 : i32
        %dma_wait3A_107 = tpu.memref_slice %arg2[%dma_wait3A_105, %dma_wait3A_106] : memref<100000x32xbf16, #tpu.memory_space<hbm>> -> memref<100000x32xbf16, #tpu.memory_space<hbm>>
        tpu.wait_indirect_dma semaphore(%arg14 : memref<!tpu.dma_semaphore, #tpu.memory_space<semaphore_mem>>) src(%dma_wait3A_107 : memref<100000x32xbf16, #tpu.memory_space<hbm>>) dst(%dma_wait3A_101 : memref<128x32xbf16, #tpu.memory_space<vmem>>)
        %dma_wait3A_108 = arith.constant 3 : i32
        %dma_wait3A_109 = arith.constant 384 : i32
        %dma_wait3A_110 = arith.constant 0 : i32
        %dma_wait3A_111 = tpu.memref_slice %arg11[%dma_wait3A_109, %dma_wait3A_110] : memref<512x32xbf16, #tpu.memory_space<vmem>> -> memref<128x32xbf16, #tpu.memory_space<vmem>>
        %dma_wait3A_112 = arith.constant 0 : i32
        %dma_wait3A_113 = tpu.memref_slice %arg9[%dma_wait3A_108, %dma_wait3A_112] : memref<4x128xi32, #tpu.memory_space<vmem>> -> memref<1x128xi32, #tpu.memory_space<vmem>>
        %dma_wait3A_114 = tpu.memref_squeeze %dma_wait3A_113 : memref<1x128xi32, #tpu.memory_space<vmem>> -> memref<128xi32, #tpu.memory_space<vmem>>
        %dma_wait3A_115 = arith.constant 0 : i32
        %dma_wait3A_116 = arith.constant 0 : i32
        %dma_wait3A_117 = tpu.memref_slice %arg2[%dma_wait3A_115, %dma_wait3A_116] : memref<100000x32xbf16, #tpu.memory_space<hbm>> -> memref<100000x32xbf16, #tpu.memory_space<hbm>>
        tpu.wait_indirect_dma semaphore(%arg14 : memref<!tpu.dma_semaphore, #tpu.memory_space<semaphore_mem>>) src(%dma_wait3A_117 : memref<100000x32xbf16, #tpu.memory_space<hbm>>) dst(%dma_wait3A_111 : memref<128x32xbf16, #tpu.memory_space<vmem>>)
        %dma_wait3A_118 = arith.constant 0 : i32
        %dma_wait3A_119 = tpu.memref_slice %arg5[%mul3A_35, %dma_wait3A_118] : memref<1600000x32xbf16, #tpu.memory_space<hbm>> -> memref<512x32xbf16, #tpu.memory_space<hbm>>
        %dma_wait3A_120 = arith.constant 0 : i32
        %dma_wait3A_121 = tpu.memref_slice %arg5[%mul3A_35, %dma_wait3A_120] : memref<1600000x32xbf16, #tpu.memory_space<hbm>> -> memref<512x32xbf16, #tpu.memory_space<hbm>>
        tpu.wait_dma2 semaphore(%arg15 : memref<!tpu.dma_semaphore, #tpu.memory_space<semaphore_mem>>) src(%dma_wait3A_121 : memref<512x32xbf16, #tpu.memory_space<hbm>>) dst(%arg12 : memref<512x32xbf16, #tpu.memory_space<vmem>>)
        %scan3A_122 = arith.constant 0 : i32
        %scan3A_123 = arith.constant 0 : i32
        %scan3A_124 = arith.constant 128 : i32
        %scan3A_125 = arith.addi %scan3A_123, %scan3A_124 : i32
        %scan3A_126 = arith.constant 1 : i32
        scf.for %scan3A_131 = %scan3A_123 to %scan3A_125 step %scan3A_126  : i32 {
          %mul3A_132 = arith.constant 4 : i32
          %mul3A_133 = arith.muli %scan3A_131, %mul3A_132 : i32
          %add3A_134 = arith.constant 0 : i32
          %add3A_135 = arith.addi %mul3A_133, %add3A_134 : i32
          %get3A = arith.index_cast %add3A_135 : i32 to index
          %get3A_136 = arith.constant 0 : index
          %get3A_137 = tpu.vector_load %arg11[%get3A, %get3A_136] {strides = array<i32>} : memref<512x32xbf16, #tpu.memory_space<vmem>>, vector<32xbf16>,
          %get3A_138 = arith.index_cast %add3A_135 : i32 to index
          %get3A_139 = arith.constant 0 : index
          %get3A_140 = tpu.vector_load %arg12[%get3A_138, %get3A_139] {strides = array<i32>} : memref<512x32xbf16, #tpu.memory_space<vmem>>, vector<32xbf16>,
          %mul3A_141 = arith.mulf %get3A_137, %get3A_140 : vector<32xbf16>
          %swap3A = arith.index_cast %add3A_135 : i32 to index
          %swap3A_142 = arith.constant 0 : index
          %swap3A_143 = tpu.vector_load %arg11[%swap3A, %swap3A_142] {strides = array<i32>} : memref<512x32xbf16, #tpu.memory_space<vmem>>, vector<32xbf16>,
          tpu.vector_store %arg11[%swap3A, %swap3A_142], %mul3A_141 {strides = array<i32>} : memref<512x32xbf16, #tpu.memory_space<vmem>>, vector<32xbf16>,
          %mul3A_144 = arith.constant 4 : i32
          %mul3A_145 = arith.muli %scan3A_131, %mul3A_144 : i32
          %add3A_146 = arith.constant 1 : i32
          %add3A_147 = arith.addi %mul3A_145, %add3A_146 : i32
          %get3A_148 = arith.index_cast %add3A_147 : i32 to index
          %get3A_149 = arith.constant 0 : index
          %get3A_150 = tpu.vector_load %arg11[%get3A_148, %get3A_149] {strides = array<i32>} : memref<512x32xbf16, #tpu.memory_space<vmem>>, vector<32xbf16>,
          %get3A_151 = arith.index_cast %add3A_147 : i32 to index
          %get3A_152 = arith.constant 0 : index
          %get3A_153 = tpu.vector_load %arg12[%get3A_151, %get3A_152] {strides = array<i32>} : memref<512x32xbf16, #tpu.memory_space<vmem>>, vector<32xbf16>,
          %mul3A_154 = arith.mulf %get3A_150, %get3A_153 : vector<32xbf16>
          %swap3A_155 = arith.index_cast %add3A_147 : i32 to index
          %swap3A_156 = arith.constant 0 : index
          %swap3A_157 = tpu.vector_load %arg11[%swap3A_155, %swap3A_156] {strides = array<i32>} : memref<512x32xbf16, #tpu.memory_space<vmem>>, vector<32xbf16>,
          tpu.vector_store %arg11[%swap3A_155, %swap3A_156], %mul3A_154 {strides = array<i32>} : memref<512x32xbf16, #tpu.memory_space<vmem>>, vector<32xbf16>,
          %mul3A_158 = arith.constant 4 : i32
          %mul3A_159 = arith.muli %scan3A_131, %mul3A_158 : i32
          %add3A_160 = arith.constant 2 : i32
          %add3A_161 = arith.addi %mul3A_159, %add3A_160 : i32
          %get3A_162 = arith.index_cast %add3A_161 : i32 to index
          %get3A_163 = arith.constant 0 : index
          %get3A_164 = tpu.vector_load %arg11[%get3A_162, %get3A_163] {strides = array<i32>} : memref<512x32xbf16, #tpu.memory_space<vmem>>, vector<32xbf16>,
          %get3A_165 = arith.index_cast %add3A_161 : i32 to index
          %get3A_166 = arith.constant 0 : index
          %get3A_167 = tpu.vector_load %arg12[%get3A_165, %get3A_166] {strides = array<i32>} : memref<512x32xbf16, #tpu.memory_space<vmem>>, vector<32xbf16>,
          %mul3A_168 = arith.mulf %get3A_164, %get3A_167 : vector<32xbf16>
          %swap3A_169 = arith.index_cast %add3A_161 : i32 to index
          %swap3A_170 = arith.constant 0 : index
          %swap3A_171 = tpu.vector_load %arg11[%swap3A_169, %swap3A_170] {strides = array<i32>} : memref<512x32xbf16, #tpu.memory_space<vmem>>, vector<32xbf16>,
          tpu.vector_store %arg11[%swap3A_169, %swap3A_170], %mul3A_168 {strides = array<i32>} : memref<512x32xbf16, #tpu.memory_space<vmem>>, vector<32xbf16>,
          %mul3A_172 = arith.constant 4 : i32
          %mul3A_173 = arith.muli %scan3A_131, %mul3A_172 : i32
          %add3A_174 = arith.constant 3 : i32
          %add3A_175 = arith.addi %mul3A_173, %add3A_174 : i32
          %get3A_176 = arith.index_cast %add3A_175 : i32 to index
          %get3A_177 = arith.constant 0 : index
          %get3A_178 = tpu.vector_load %arg11[%get3A_176, %get3A_177] {strides = array<i32>} : memref<512x32xbf16, #tpu.memory_space<vmem>>, vector<32xbf16>,
          %get3A_179 = arith.index_cast %add3A_175 : i32 to index
          %get3A_180 = arith.constant 0 : index
          %get3A_181 = tpu.vector_load %arg12[%get3A_179, %get3A_180] {strides = array<i32>} : memref<512x32xbf16, #tpu.memory_space<vmem>>, vector<32xbf16>,
          %mul3A_182 = arith.mulf %get3A_178, %get3A_181 : vector<32xbf16>
          %swap3A_183 = arith.index_cast %add3A_175 : i32 to index
          %swap3A_184 = arith.constant 0 : index
          %swap3A_185 = tpu.vector_load %arg11[%swap3A_183, %swap3A_184] {strides = array<i32>} : memref<512x32xbf16, #tpu.memory_space<vmem>>, vector<32xbf16>,
          tpu.vector_store %arg11[%swap3A_183, %swap3A_184], %mul3A_182 {strides = array<i32>} : memref<512x32xbf16, #tpu.memory_space<vmem>>, vector<32xbf16>,
        }
        %scan3A_127 = arith.constant 128 : i32
        %run_scoped3A = arith.constant 0 : i32
        "tpu.region"() ({
          %run_scoped3A_131 = tpu.sem_alloc : memref<!tpu.dma_semaphore, #tpu.memory_space<semaphore_mem>>
          %dma_start3A_132 = arith.constant 0 : i32
          %dma_start3A_133 = arith.constant 0 : i32
          %dma_start3A_134 = tpu.memref_slice %arg11[%dma_start3A_132, %dma_start3A_133] : memref<512x32xbf16, #tpu.memory_space<vmem>> -> memref<128x32xbf16, #tpu.memory_space<vmem>>
          %dma_start3A_135 = arith.constant 0 : i32
          %dma_start3A_136 = tpu.memref_slice %arg10[%run_scoped3A, %dma_start3A_135] : memref<4x128xi32, #tpu.memory_space<vmem>> -> memref<1x128xi32, #tpu.memory_space<vmem>>
          %dma_start3A_137 = tpu.memref_squeeze %dma_start3A_136 : memref<1x128xi32, #tpu.memory_space<vmem>> -> memref<128xi32, #tpu.memory_space<vmem>>
          %dma_start3A_138 = arith.constant 0 : i32
          %dma_start3A_139 = arith.constant 0 : i32
          %dma_start3A_140 = tpu.memref_slice %arg13[%dma_start3A_138, %dma_start3A_139] : memref<100000x32xbf16, #tpu.memory_space<vmem_shared>> -> memref<100000x32xbf16, #tpu.memory_space<vmem_shared>>
          tpu.enqueue_indirect_dma source(%dma_start3A_134 : memref<128x32xbf16, #tpu.memory_space<vmem>>) target(%dma_start3A_140 : memref<100000x32xbf16, #tpu.memory_space<vmem_shared>>) offsets(%dma_start3A_137 : memref<128xi32, #tpu.memory_space<vmem>>) semaphore(%run_scoped3A_131 : memref<!tpu.dma_semaphore, #tpu.memory_space<semaphore_mem>>) {add = true}
          %dma_wait3A_141 = arith.constant 0 : i32
          %dma_wait3A_142 = arith.constant 0 : i32
          %dma_wait3A_143 = tpu.memref_slice %arg11[%dma_wait3A_141, %dma_wait3A_142] : memref<512x32xbf16, #tpu.memory_space<vmem>> -> memref<128x32xbf16, #tpu.memory_space<vmem>>
          %dma_wait3A_144 = arith.constant 0 : i32
          %dma_wait3A_145 = tpu.memref_slice %arg10[%run_scoped3A, %dma_wait3A_144] : memref<4x128xi32, #tpu.memory_space<vmem>> -> memref<1x128xi32, #tpu.memory_space<vmem>>
          %dma_wait3A_146 = tpu.memref_squeeze %dma_wait3A_145 : memref<1x128xi32, #tpu.memory_space<vmem>> -> memref<128xi32, #tpu.memory_space<vmem>>
          %dma_wait3A_147 = arith.constant 0 : i32
          %dma_wait3A_148 = arith.constant 0 : i32
          %dma_wait3A_149 = tpu.memref_slice %arg13[%dma_wait3A_147, %dma_wait3A_148] : memref<100000x32xbf16, #tpu.memory_space<vmem_shared>> -> memref<100000x32xbf16, #tpu.memory_space<vmem_shared>>
          tpu.wait_indirect_dma semaphore(%run_scoped3A_131 : memref<!tpu.dma_semaphore, #tpu.memory_space<semaphore_mem>>) src(%dma_wait3A_143 : memref<128x32xbf16, #tpu.memory_space<vmem>>) dst(%dma_wait3A_149 : memref<100000x32xbf16, #tpu.memory_space<vmem_shared>>)
          tpu.yield
        }) : () -> ()
        %run_scoped3A_128 = arith.constant 1 : i32
        "tpu.region"() ({
          %run_scoped3A_131 = tpu.sem_alloc : memref<!tpu.dma_semaphore, #tpu.memory_space<semaphore_mem>>
          %dma_start3A_132 = arith.constant 128 : i32
          %dma_start3A_133 = arith.constant 0 : i32
          %dma_start3A_134 = tpu.memref_slice %arg11[%dma_start3A_132, %dma_start3A_133] : memref<512x32xbf16, #tpu.memory_space<vmem>> -> memref<128x32xbf16, #tpu.memory_space<vmem>>
          %dma_start3A_135 = arith.constant 0 : i32
          %dma_start3A_136 = tpu.memref_slice %arg10[%run_scoped3A_128, %dma_start3A_135] : memref<4x128xi32, #tpu.memory_space<vmem>> -> memref<1x128xi32, #tpu.memory_space<vmem>>
          %dma_start3A_137 = tpu.memref_squeeze %dma_start3A_136 : memref<1x128xi32, #tpu.memory_space<vmem>> -> memref<128xi32, #tpu.memory_space<vmem>>
          %dma_start3A_138 = arith.constant 0 : i32
          %dma_start3A_139 = arith.constant 0 : i32
          %dma_start3A_140 = tpu.memref_slice %arg13[%dma_start3A_138, %dma_start3A_139] : memref<100000x32xbf16, #tpu.memory_space<vmem_shared>> -> memref<100000x32xbf16, #tpu.memory_space<vmem_shared>>
          tpu.enqueue_indirect_dma source(%dma_start3A_134 : memref<128x32xbf16, #tpu.memory_space<vmem>>) target(%dma_start3A_140 : memref<100000x32xbf16, #tpu.memory_space<vmem_shared>>) offsets(%dma_start3A_137 : memref<128xi32, #tpu.memory_space<vmem>>) semaphore(%run_scoped3A_131 : memref<!tpu.dma_semaphore, #tpu.memory_space<semaphore_mem>>) {add = true}
          %dma_wait3A_141 = arith.constant 128 : i32
          %dma_wait3A_142 = arith.constant 0 : i32
          %dma_wait3A_143 = tpu.memref_slice %arg11[%dma_wait3A_141, %dma_wait3A_142] : memref<512x32xbf16, #tpu.memory_space<vmem>> -> memref<128x32xbf16, #tpu.memory_space<vmem>>
          %dma_wait3A_144 = arith.constant 0 : i32
          %dma_wait3A_145 = tpu.memref_slice %arg10[%run_scoped3A_128, %dma_wait3A_144] : memref<4x128xi32, #tpu.memory_space<vmem>> -> memref<1x128xi32, #tpu.memory_space<vmem>>
          %dma_wait3A_146 = tpu.memref_squeeze %dma_wait3A_145 : memref<1x128xi32, #tpu.memory_space<vmem>> -> memref<128xi32, #tpu.memory_space<vmem>>
          %dma_wait3A_147 = arith.constant 0 : i32
          %dma_wait3A_148 = arith.constant 0 : i32
          %dma_wait3A_149 = tpu.memref_slice %arg13[%dma_wait3A_147, %dma_wait3A_148] : memref<100000x32xbf16, #tpu.memory_space<vmem_shared>> -> memref<100000x32xbf16, #tpu.memory_space<vmem_shared>>
          tpu.wait_indirect_dma semaphore(%run_scoped3A_131 : memref<!tpu.dma_semaphore, #tpu.memory_space<semaphore_mem>>) src(%dma_wait3A_143 : memref<128x32xbf16, #tpu.memory_space<vmem>>) dst(%dma_wait3A_149 : memref<100000x32xbf16, #tpu.memory_space<vmem_shared>>)
          tpu.yield
        }) : () -> ()
        %run_scoped3A_129 = arith.constant 2 : i32
        "tpu.region"() ({
          %run_scoped3A_131 = tpu.sem_alloc : memref<!tpu.dma_semaphore, #tpu.memory_space<semaphore_mem>>
          %dma_start3A_132 = arith.constant 256 : i32
          %dma_start3A_133 = arith.constant 0 : i32
          %dma_start3A_134 = tpu.memref_slice %arg11[%dma_start3A_132, %dma_start3A_133] : memref<512x32xbf16, #tpu.memory_space<vmem>> -> memref<128x32xbf16, #tpu.memory_space<vmem>>
          %dma_start3A_135 = arith.constant 0 : i32
          %dma_start3A_136 = tpu.memref_slice %arg10[%run_scoped3A_129, %dma_start3A_135] : memref<4x128xi32, #tpu.memory_space<vmem>> -> memref<1x128xi32, #tpu.memory_space<vmem>>
          %dma_start3A_137 = tpu.memref_squeeze %dma_start3A_136 : memref<1x128xi32, #tpu.memory_space<vmem>> -> memref<128xi32, #tpu.memory_space<vmem>>
          %dma_start3A_138 = arith.constant 0 : i32
          %dma_start3A_139 = arith.constant 0 : i32
          %dma_start3A_140 = tpu.memref_slice %arg13[%dma_start3A_138, %dma_start3A_139] : memref<100000x32xbf16, #tpu.memory_space<vmem_shared>> -> memref<100000x32xbf16, #tpu.memory_space<vmem_shared>>
          tpu.enqueue_indirect_dma source(%dma_start3A_134 : memref<128x32xbf16, #tpu.memory_space<vmem>>) target(%dma_start3A_140 : memref<100000x32xbf16, #tpu.memory_space<vmem_shared>>) offsets(%dma_start3A_137 : memref<128xi32, #tpu.memory_space<vmem>>) semaphore(%run_scoped3A_131 : memref<!tpu.dma_semaphore, #tpu.memory_space<semaphore_mem>>) {add = true}
          %dma_wait3A_141 = arith.constant 256 : i32
          %dma_wait3A_142 = arith.constant 0 : i32
          %dma_wait3A_143 = tpu.memref_slice %arg11[%dma_wait3A_141, %dma_wait3A_142] : memref<512x32xbf16, #tpu.memory_space<vmem>> -> memref<128x32xbf16, #tpu.memory_space<vmem>>
          %dma_wait3A_144 = arith.constant 0 : i32
          %dma_wait3A_145 = tpu.memref_slice %arg10[%run_scoped3A_129, %dma_wait3A_144] : memref<4x128xi32, #tpu.memory_space<vmem>> -> memref<1x128xi32, #tpu.memory_space<vmem>>
          %dma_wait3A_146 = tpu.memref_squeeze %dma_wait3A_145 : memref<1x128xi32, #tpu.memory_space<vmem>> -> memref<128xi32, #tpu.memory_space<vmem>>
          %dma_wait3A_147 = arith.constant 0 : i32
          %dma_wait3A_148 = arith.constant 0 : i32
          %dma_wait3A_149 = tpu.memref_slice %arg13[%dma_wait3A_147, %dma_wait3A_148] : memref<100000x32xbf16, #tpu.memory_space<vmem_shared>> -> memref<100000x32xbf16, #tpu.memory_space<vmem_shared>>
          tpu.wait_indirect_dma semaphore(%run_scoped3A_131 : memref<!tpu.dma_semaphore, #tpu.memory_space<semaphore_mem>>) src(%dma_wait3A_143 : memref<128x32xbf16, #tpu.memory_space<vmem>>) dst(%dma_wait3A_149 : memref<100000x32xbf16, #tpu.memory_space<vmem_shared>>)
          tpu.yield
        }) : () -> ()
        %run_scoped3A_130 = arith.constant 3 : i32
        "tpu.region"() ({
          %run_scoped3A_131 = tpu.sem_alloc : memref<!tpu.dma_semaphore, #tpu.memory_space<semaphore_mem>>
          %dma_start3A_132 = arith.constant 384 : i32
          %dma_start3A_133 = arith.constant 0 : i32
          %dma_start3A_134 = tpu.memref_slice %arg11[%dma_start3A_132, %dma_start3A_133] : memref<512x32xbf16, #tpu.memory_space<vmem>> -> memref<128x32xbf16, #tpu.memory_space<vmem>>
          %dma_start3A_135 = arith.constant 0 : i32
          %dma_start3A_136 = tpu.memref_slice %arg10[%run_scoped3A_130, %dma_start3A_135] : memref<4x128xi32, #tpu.memory_space<vmem>> -> memref<1x128xi32, #tpu.memory_space<vmem>>
          %dma_start3A_137 = tpu.memref_squeeze %dma_start3A_136 : memref<1x128xi32, #tpu.memory_space<vmem>> -> memref<128xi32, #tpu.memory_space<vmem>>
          %dma_start3A_138 = arith.constant 0 : i32
          %dma_start3A_139 = arith.constant 0 : i32
          %dma_start3A_140 = tpu.memref_slice %arg13[%dma_start3A_138, %dma_start3A_139] : memref<100000x32xbf16, #tpu.memory_space<vmem_shared>> -> memref<100000x32xbf16, #tpu.memory_space<vmem_shared>>
          tpu.enqueue_indirect_dma source(%dma_start3A_134 : memref<128x32xbf16, #tpu.memory_space<vmem>>) target(%dma_start3A_140 : memref<100000x32xbf16, #tpu.memory_space<vmem_shared>>) offsets(%dma_start3A_137 : memref<128xi32, #tpu.memory_space<vmem>>) semaphore(%run_scoped3A_131 : memref<!tpu.dma_semaphore, #tpu.memory_space<semaphore_mem>>) {add = true}
          %dma_wait3A_141 = arith.constant 384 : i32
          %dma_wait3A_142 = arith.constant 0 : i32
          %dma_wait3A_143 = tpu.memref_slice %arg11[%dma_wait3A_141, %dma_wait3A_142] : memref<512x32xbf16, #tpu.memory_space<vmem>> -> memref<128x32xbf16, #tpu.memory_space<vmem>>
          %dma_wait3A_144 = arith.constant 0 : i32
          %dma_wait3A_145 = tpu.memref_slice %arg10[%run_scoped3A_130, %dma_wait3A_144] : memref<4x128xi32, #tpu.memory_space<vmem>> -> memref<1x128xi32, #tpu.memory_space<vmem>>
          %dma_wait3A_146 = tpu.memref_squeeze %dma_wait3A_145 : memref<1x128xi32, #tpu.memory_space<vmem>> -> memref<128xi32, #tpu.memory_space<vmem>>
          %dma_wait3A_147 = arith.constant 0 : i32
          %dma_wait3A_148 = arith.constant 0 : i32
          %dma_wait3A_149 = tpu.memref_slice %arg13[%dma_wait3A_147, %dma_wait3A_148] : memref<100000x32xbf16, #tpu.memory_space<vmem_shared>> -> memref<100000x32xbf16, #tpu.memory_space<vmem_shared>>
          tpu.wait_indirect_dma semaphore(%run_scoped3A_131 : memref<!tpu.dma_semaphore, #tpu.memory_space<semaphore_mem>>) src(%dma_wait3A_143 : memref<128x32xbf16, #tpu.memory_space<vmem>>) dst(%dma_wait3A_149 : memref<100000x32xbf16, #tpu.memory_space<vmem_shared>>)
          tpu.yield
        }) : () -> ()
      } else {
      }
    }
    %scan3A_11 = arith.constant 98 : i32
    %barrier3A_12 = arith.constant 0 : index
    tpu.barrier barrier_id(%barrier3A_12)
    %eq3A_13 = arith.constant 0 : i32
    %eq3A_14 = arith.cmpi eq, %arg0, %eq3A_13 : i32
    %convert_element_type3A_15 = arith.extui %eq3A_14 : i1 to i32
    %cond3A_16 = arith.constant 0 : i32
    %cond3A_17 = arith.cmpi ne, %convert_element_type3A_15, %cond3A_16 : i32
    scf.if %cond3A_17 {
      %lt3A_23 = arith.constant 15 : i32
      %lt3A_24 = arith.cmpi slt, %arg1, %lt3A_23 : i32
      %convert_element_type3A_25 = arith.extui %lt3A_24 : i1 to i32
      %cond3A_26 = arith.constant 0 : i32
      %cond3A_27 = arith.cmpi ne, %convert_element_type3A_25, %cond3A_26 : i32
      scf.if %cond3A_27 {
        %mul3A_33 = arith.constant 6256 : i32
        %mul3A_34 = arith.muli %arg1, %mul3A_33 : i32
        %multiple_of3A = tpu.assume_multiple %mul3A_34, 16 : i32
        "tpu.region"() ({
          %run_scoped3A = tpu.sem_alloc : memref<!tpu.dma_semaphore, #tpu.memory_space<semaphore_mem>>
          %dma_start3A = arith.constant 0 : i32
          %dma_start3A_35 = tpu.memref_slice %arg7[%multiple_of3A, %dma_start3A] : memref<100000x32xbf16, #tpu.memory_space<hbm>> -> memref<6256x32xbf16, #tpu.memory_space<hbm>>
          %dma_start3A_36 = arith.constant 0 : i32
          %dma_start3A_37 = tpu.memref_slice %arg13[%multiple_of3A, %dma_start3A_36] : memref<100000x32xbf16, #tpu.memory_space<vmem_shared>> -> memref<6256x32xbf16, #tpu.memory_space<vmem_shared>>
          tpu.enqueue_dma source(%dma_start3A_37 : memref<6256x32xbf16, #tpu.memory_space<vmem_shared>>) target(%dma_start3A_35 : memref<6256x32xbf16, #tpu.memory_space<hbm>>) target_semaphore(%run_scoped3A : memref<!tpu.dma_semaphore, #tpu.memory_space<semaphore_mem>>)
          %dma_wait3A = arith.constant 0 : i32
          %dma_wait3A_38 = tpu.memref_slice %arg7[%multiple_of3A, %dma_wait3A] : memref<100000x32xbf16, #tpu.memory_space<hbm>> -> memref<6256x32xbf16, #tpu.memory_space<hbm>>
          %dma_wait3A_39 = arith.constant 0 : i32
          %dma_wait3A_40 = tpu.memref_slice %arg13[%multiple_of3A, %dma_wait3A_39] : memref<100000x32xbf16, #tpu.memory_space<vmem_shared>> -> memref<6256x32xbf16, #tpu.memory_space<vmem_shared>>
          tpu.wait_dma2 semaphore(%run_scoped3A : memref<!tpu.dma_semaphore, #tpu.memory_space<semaphore_mem>>) src(%dma_wait3A_40 : memref<6256x32xbf16, #tpu.memory_space<vmem_shared>>) dst(%dma_wait3A_38 : memref<6256x32xbf16, #tpu.memory_space<hbm>>)
          tpu.yield
        }) : () -> ()
      } else {
      }
      %eq3A_28 = arith.constant 15 : i32
      %eq3A_29 = arith.cmpi eq, %arg1, %eq3A_28 : i32
      %convert_element_type3A_30 = arith.extui %eq3A_29 : i1 to i32
      %cond3A_31 = arith.constant 0 : i32
      %cond3A_32 = arith.cmpi ne, %convert_element_type3A_30, %cond3A_31 : i32
      scf.if %cond3A_32 {
        "tpu.region"() ({
          %run_scoped3A = tpu.sem_alloc : memref<!tpu.dma_semaphore, #tpu.memory_space<semaphore_mem>>
          %dma_start3A = arith.constant 93840 : i32
          %dma_start3A_33 = arith.constant 0 : i32
          %dma_start3A_34 = tpu.memref_slice %arg7[%dma_start3A, %dma_start3A_33] : memref<100000x32xbf16, #tpu.memory_space<hbm>> -> memref<6160x32xbf16, #tpu.memory_space<hbm>>
          %dma_start3A_35 = arith.constant 93840 : i32
          %dma_start3A_36 = arith.constant 0 : i32
          %dma_start3A_37 = tpu.memref_slice %arg13[%dma_start3A_35, %dma_start3A_36] : memref<100000x32xbf16, #tpu.memory_space<vmem_shared>> -> memref<6160x32xbf16, #tpu.memory_space<vmem_shared>>
          tpu.enqueue_dma source(%dma_start3A_37 : memref<6160x32xbf16, #tpu.memory_space<vmem_shared>>) target(%dma_start3A_34 : memref<6160x32xbf16, #tpu.memory_space<hbm>>) target_semaphore(%run_scoped3A : memref<!tpu.dma_semaphore, #tpu.memory_space<semaphore_mem>>)
          %dma_wait3A = arith.constant 93840 : i32
          %dma_wait3A_38 = arith.constant 0 : i32
          %dma_wait3A_39 = tpu.memref_slice %arg7[%dma_wait3A, %dma_wait3A_38] : memref<100000x32xbf16, #tpu.memory_space<hbm>> -> memref<6160x32xbf16, #tpu.memory_space<hbm>>
          %dma_wait3A_40 = arith.constant 93840 : i32
          %dma_wait3A_41 = arith.constant 0 : i32
          %dma_wait3A_42 = tpu.memref_slice %arg13[%dma_wait3A_40, %dma_wait3A_41] : memref<100000x32xbf16, #tpu.memory_space<vmem_shared>> -> memref<6160x32xbf16, #tpu.memory_space<vmem_shared>>
          tpu.wait_dma2 semaphore(%run_scoped3A : memref<!tpu.dma_semaphore, #tpu.memory_space<semaphore_mem>>) src(%dma_wait3A_42 : memref<6160x32xbf16, #tpu.memory_space<vmem_shared>>) dst(%dma_wait3A_39 : memref<6160x32xbf16, #tpu.memory_space<hbm>>)
          tpu.yield
        }) : () -> ()
      } else {
      }
    } else {
    }
    %eq3A_18 = arith.constant 1 : i32
    %eq3A_19 = arith.cmpi eq, %arg0, %eq3A_18 : i32
    %convert_element_type3A_20 = arith.extui %eq3A_19 : i1 to i32
    %cond3A_21 = arith.constant 0 : i32
    %cond3A_22 = arith.cmpi ne, %convert_element_type3A_20, %cond3A_21 : i32
    scf.if %cond3A_22 {
      %lt3A_23 = arith.constant 15 : i32
      %lt3A_24 = arith.cmpi slt, %arg1, %lt3A_23 : i32
      %convert_element_type3A_25 = arith.extui %lt3A_24 : i1 to i32
      %cond3A_26 = arith.constant 0 : i32
      %cond3A_27 = arith.cmpi ne, %convert_element_type3A_25, %cond3A_26 : i32
      scf.if %cond3A_27 {
        %mul3A_33 = arith.constant 6256 : i32
        %mul3A_34 = arith.muli %arg1, %mul3A_33 : i32
        %multiple_of3A = tpu.assume_multiple %mul3A_34, 16 : i32
        "tpu.region"() ({
          %run_scoped3A = tpu.sem_alloc : memref<!tpu.dma_semaphore, #tpu.memory_space<semaphore_mem>>
          %dma_start3A = arith.constant 0 : i32
          %dma_start3A_35 = tpu.memref_slice %arg8[%multiple_of3A, %dma_start3A] : memref<100000x32xbf16, #tpu.memory_space<hbm>> -> memref<6256x32xbf16, #tpu.memory_space<hbm>>
          %dma_start3A_36 = arith.constant 0 : i32
          %dma_start3A_37 = tpu.memref_slice %arg13[%multiple_of3A, %dma_start3A_36] : memref<100000x32xbf16, #tpu.memory_space<vmem_shared>> -> memref<6256x32xbf16, #tpu.memory_space<vmem_shared>>
          tpu.enqueue_dma source(%dma_start3A_37 : memref<6256x32xbf16, #tpu.memory_space<vmem_shared>>) target(%dma_start3A_35 : memref<6256x32xbf16, #tpu.memory_space<hbm>>) target_semaphore(%run_scoped3A : memref<!tpu.dma_semaphore, #tpu.memory_space<semaphore_mem>>)
          %dma_wait3A = arith.constant 0 : i32
          %dma_wait3A_38 = tpu.memref_slice %arg8[%multiple_of3A, %dma_wait3A] : memref<100000x32xbf16, #tpu.memory_space<hbm>> -> memref<6256x32xbf16, #tpu.memory_space<hbm>>
          %dma_wait3A_39 = arith.constant 0 : i32
          %dma_wait3A_40 = tpu.memref_slice %arg13[%multiple_of3A, %dma_wait3A_39] : memref<100000x32xbf16, #tpu.memory_space<vmem_shared>> -> memref<6256x32xbf16, #tpu.memory_space<vmem_shared>>
          tpu.wait_dma2 semaphore(%run_scoped3A : memref<!tpu.dma_semaphore, #tpu.memory_space<semaphore_mem>>) src(%dma_wait3A_40 : memref<6256x32xbf16, #tpu.memory_space<vmem_shared>>) dst(%dma_wait3A_38 : memref<6256x32xbf16, #tpu.memory_space<hbm>>)
          tpu.yield
        }) : () -> ()
      } else {
      }
      %eq3A_28 = arith.constant 15 : i32
      %eq3A_29 = arith.cmpi eq, %arg1, %eq3A_28 : i32
      %convert_element_type3A_30 = arith.extui %eq3A_29 : i1 to i32
      %cond3A_31 = arith.constant 0 : i32
      %cond3A_32 = arith.cmpi ne, %convert_element_type3A_30, %cond3A_31 : i32
      scf.if %cond3A_32 {
        "tpu.region"() ({
          %run_scoped3A = tpu.sem_alloc : memref<!tpu.dma_semaphore, #tpu.memory_space<semaphore_mem>>
          %dma_start3A = arith.constant 93840 : i32
          %dma_start3A_33 = arith.constant 0 : i32
          %dma_start3A_34 = tpu.memref_slice %arg8[%dma_start3A, %dma_start3A_33] : memref<100000x32xbf16, #tpu.memory_space<hbm>> -> memref<6160x32xbf16, #tpu.memory_space<hbm>>
          %dma_start3A_35 = arith.constant 93840 : i32
          %dma_start3A_36 = arith.constant 0 : i32
          %dma_start3A_37 = tpu.memref_slice %arg13[%dma_start3A_35, %dma_start3A_36] : memref<100000x32xbf16, #tpu.memory_space<vmem_shared>> -> memref<6160x32xbf16, #tpu.memory_space<vmem_shared>>
          tpu.enqueue_dma source(%dma_start3A_37 : memref<6160x32xbf16, #tpu.memory_space<vmem_shared>>) target(%dma_start3A_34 : memref<6160x32xbf16, #tpu.memory_space<hbm>>) target_semaphore(%run_scoped3A : memref<!tpu.dma_semaphore, #tpu.memory_space<semaphore_mem>>)
          %dma_wait3A = arith.constant 93840 : i32
          %dma_wait3A_38 = arith.constant 0 : i32
          %dma_wait3A_39 = tpu.memref_slice %arg8[%dma_wait3A, %dma_wait3A_38] : memref<100000x32xbf16, #tpu.memory_space<hbm>> -> memref<6160x32xbf16, #tpu.memory_space<hbm>>
          %dma_wait3A_40 = arith.constant 93840 : i32
          %dma_wait3A_41 = arith.constant 0 : i32
          %dma_wait3A_42 = tpu.memref_slice %arg13[%dma_wait3A_40, %dma_wait3A_41] : memref<100000x32xbf16, #tpu.memory_space<vmem_shared>> -> memref<6160x32xbf16, #tpu.memory_space<vmem_shared>>
          tpu.wait_dma2 semaphore(%run_scoped3A : memref<!tpu.dma_semaphore, #tpu.memory_space<semaphore_mem>>) src(%dma_wait3A_42 : memref<6160x32xbf16, #tpu.memory_space<vmem_shared>>) dst(%dma_wait3A_39 : memref<6160x32xbf16, #tpu.memory_space<hbm>>)
          tpu.yield
        }) : () -> ()
      } else {
      }
    } else {
    }
    return
  }
}

#map = affine_map<(d0, d1) -> (0, 0)>
module attributes {stable_mosaic.version = 14 : i64} {
  func.func @body(%arg0: i32, %arg1: i32, %arg2: memref<100000x32xbf16, #tpu.memory_space<hbm>>, %arg3: memref<100000x32xbf16, #tpu.memory_space<hbm>>, %arg4: memref<12500x128xi32, #tpu.memory_space<hbm>>, %arg5: memref<12500x128xi32, #tpu.memory_space<hbm>>, %arg6: memref<1600000x128xf32, #tpu.memory_space<hbm>>, %arg7: memref<100000x32xbf16, #tpu.memory_space<hbm>>, %arg8: memref<100000x32xbf16, #tpu.memory_space<hbm>>, %arg9: memref<100000x32xbf16, #tpu.memory_space<hbm>>, %arg10: memref<4x128xi32, #tpu.memory_space<vmem>>, %arg11: memref<4x128xi32, #tpu.memory_space<vmem>>, %arg12: memref<512x32xbf16, #tpu.memory_space<vmem>>, %arg13: memref<512x32xf32, #tpu.memory_space<vmem>>, %arg14: memref<100000x32xbf16, #tpu.memory_space<vmem_shared>>, %arg15: memref<!tpu.dma_semaphore, #tpu.memory_space<semaphore_mem>>, %arg16: memref<!tpu.dma_semaphore, #tpu.memory_space<semaphore_mem>>) attributes {dimension_semantics = [#tpu.dimension_semantics<core_parallel>, #tpu.dimension_semantics<subcore_parallel>], iteration_bounds = array<i64: 2, 16>, scalar_prefetch = 0 : i64, scratch_operands = 7 : i64, tpu.core_type = #tpu.core_type<sc_vector_subcore>, window_params = [{transform_indices = #map}, {transform_indices = #map}, {transform_indices = #map}, {transform_indices = #map}, {transform_indices = #map}, {transform_indices = #map}, {transform_indices = #map}, {transform_indices = #map}]} {
    %eq3A = arith.constant 0 : i32
    %eq3A_0 = arith.cmpi eq, %arg0, %eq3A : i32
    %convert_element_type3A = arith.extui %eq3A_0 : i1 to i32
    %cond3A = arith.constant 0 : i32
    %cond3A_1 = arith.cmpi ne, %convert_element_type3A, %cond3A : i32
    scf.if %cond3A_1 {
      %lt3A = arith.constant 15 : i32
      %lt3A_7 = arith.cmpi slt, %arg1, %lt3A : i32
      %convert_element_type3A_8 = arith.extui %lt3A_7 : i1 to i32
      %cond3A_9 = arith.constant 0 : i32
      %cond3A_10 = arith.cmpi ne, %convert_element_type3A_8, %cond3A_9 : i32
      scf.if %cond3A_10 {
        %mul3A = arith.constant 6256 : i32
        %mul3A_32 = arith.muli %arg1, %mul3A : i32
        %multiple_of3A = tpu.assume_multiple %mul3A_32, 16 : i32
        "tpu.region"() ({
          %run_scoped3A = tpu.sem_alloc : memref<!tpu.dma_semaphore, #tpu.memory_space<semaphore_mem>>
          %dma_start3A = arith.constant 0 : i32
          %dma_start3A_33 = tpu.memref_slice %arg14[%multiple_of3A, %dma_start3A] : memref<100000x32xbf16, #tpu.memory_space<vmem_shared>> -> memref<6256x32xbf16, #tpu.memory_space<vmem_shared>>
          %dma_start3A_34 = arith.constant 0 : i32
          %dma_start3A_35 = tpu.memref_slice %arg7[%multiple_of3A, %dma_start3A_34] : memref<100000x32xbf16, #tpu.memory_space<hbm>> -> memref<6256x32xbf16, #tpu.memory_space<hbm>>
          tpu.enqueue_dma source(%dma_start3A_35 : memref<6256x32xbf16, #tpu.memory_space<hbm>>) target(%dma_start3A_33 : memref<6256x32xbf16, #tpu.memory_space<vmem_shared>>) target_semaphore(%run_scoped3A : memref<!tpu.dma_semaphore, #tpu.memory_space<semaphore_mem>>)
          %dma_wait3A = arith.constant 0 : i32
          %dma_wait3A_36 = tpu.memref_slice %arg14[%multiple_of3A, %dma_wait3A] : memref<100000x32xbf16, #tpu.memory_space<vmem_shared>> -> memref<6256x32xbf16, #tpu.memory_space<vmem_shared>>
          %dma_wait3A_37 = arith.constant 0 : i32
          %dma_wait3A_38 = tpu.memref_slice %arg7[%multiple_of3A, %dma_wait3A_37] : memref<100000x32xbf16, #tpu.memory_space<hbm>> -> memref<6256x32xbf16, #tpu.memory_space<hbm>>
          tpu.wait_dma2 semaphore(%run_scoped3A : memref<!tpu.dma_semaphore, #tpu.memory_space<semaphore_mem>>) src(%dma_wait3A_38 : memref<6256x32xbf16, #tpu.memory_space<hbm>>) dst(%dma_wait3A_36 : memref<6256x32xbf16, #tpu.memory_space<vmem_shared>>)
          tpu.yield
        }) : () -> ()
      } else {
      }
      %eq3A_11 = arith.constant 15 : i32
      %eq3A_12 = arith.cmpi eq, %arg1, %eq3A_11 : i32
      %convert_element_type3A_13 = arith.extui %eq3A_12 : i1 to i32
      %cond3A_14 = arith.constant 0 : i32
      %cond3A_15 = arith.cmpi ne, %convert_element_type3A_13, %cond3A_14 : i32
      scf.if %cond3A_15 {
        "tpu.region"() ({
          %run_scoped3A = tpu.sem_alloc : memref<!tpu.dma_semaphore, #tpu.memory_space<semaphore_mem>>
          %dma_start3A = arith.constant 93840 : i32
          %dma_start3A_32 = arith.constant 0 : i32
          %dma_start3A_33 = tpu.memref_slice %arg14[%dma_start3A, %dma_start3A_32] : memref<100000x32xbf16, #tpu.memory_space<vmem_shared>> -> memref<6160x32xbf16, #tpu.memory_space<vmem_shared>>
          %dma_start3A_34 = arith.constant 93840 : i32
          %dma_start3A_35 = arith.constant 0 : i32
          %dma_start3A_36 = tpu.memref_slice %arg7[%dma_start3A_34, %dma_start3A_35] : memref<100000x32xbf16, #tpu.memory_space<hbm>> -> memref<6160x32xbf16, #tpu.memory_space<hbm>>
          tpu.enqueue_dma source(%dma_start3A_36 : memref<6160x32xbf16, #tpu.memory_space<hbm>>) target(%dma_start3A_33 : memref<6160x32xbf16, #tpu.memory_space<vmem_shared>>) target_semaphore(%run_scoped3A : memref<!tpu.dma_semaphore, #tpu.memory_space<semaphore_mem>>)
          %dma_wait3A = arith.constant 93840 : i32
          %dma_wait3A_37 = arith.constant 0 : i32
          %dma_wait3A_38 = tpu.memref_slice %arg14[%dma_wait3A, %dma_wait3A_37] : memref<100000x32xbf16, #tpu.memory_space<vmem_shared>> -> memref<6160x32xbf16, #tpu.memory_space<vmem_shared>>
          %dma_wait3A_39 = arith.constant 93840 : i32
          %dma_wait3A_40 = arith.constant 0 : i32
          %dma_wait3A_41 = tpu.memref_slice %arg7[%dma_wait3A_39, %dma_wait3A_40] : memref<100000x32xbf16, #tpu.memory_space<hbm>> -> memref<6160x32xbf16, #tpu.memory_space<hbm>>
          tpu.wait_dma2 semaphore(%run_scoped3A : memref<!tpu.dma_semaphore, #tpu.memory_space<semaphore_mem>>) src(%dma_wait3A_41 : memref<6160x32xbf16, #tpu.memory_space<hbm>>) dst(%dma_wait3A_38 : memref<6160x32xbf16, #tpu.memory_space<vmem_shared>>)
          tpu.yield
        }) : () -> ()
      } else {
      }
      %barrier3A = arith.constant 0 : index
      tpu.barrier barrier_id(%barrier3A)
      %scan3A = arith.constant 0 : i32
      %scan3A_16 = arith.constant 0 : i32
      %scan3A_17 = arith.constant 196 : i32
      %scan3A_18 = arith.addi %scan3A_16, %scan3A_17 : i32
      %scan3A_19 = arith.constant 1 : i32
      scf.for %scan3A_32 = %scan3A_16 to %scan3A_18 step %scan3A_19  : i32 {
        %mul3A = arith.constant 16 : i32
        %mul3A_33 = arith.muli %scan3A_32, %mul3A : i32
        %add3A = arith.addi %mul3A_33, %arg1 : i32
        %lt3A_34 = arith.constant 3125 : i32
        %lt3A_35 = arith.cmpi slt, %add3A, %lt3A_34 : i32
        %convert_element_type3A_36 = arith.extui %lt3A_35 : i1 to i32
        %cond3A_37 = arith.constant 0 : i32
        %cond3A_38 = arith.cmpi ne, %convert_element_type3A_36, %cond3A_37 : i32
        scf.if %cond3A_38 {
          %mul3A_39 = arith.constant 4 : i32
          %mul3A_40 = arith.muli %add3A, %mul3A_39 : i32
          %mul3A_41 = arith.constant 512 : i32
          %mul3A_42 = arith.muli %add3A, %mul3A_41 : i32
          "tpu.region"() ({
            %run_scoped3A_138 = tpu.sem_alloc : memref<!tpu.dma_semaphore, #tpu.memory_space<semaphore_mem>>
            %dma_start3A_139 = arith.constant 0 : i32
            %dma_start3A_140 = tpu.memref_slice %arg4[%mul3A_40, %dma_start3A_139] : memref<12500x128xi32, #tpu.memory_space<hbm>> -> memref<4x128xi32, #tpu.memory_space<hbm>>
            %dma_start3A_141 = arith.constant 0 : i32
            %dma_start3A_142 = tpu.memref_slice %arg4[%mul3A_40, %dma_start3A_141] : memref<12500x128xi32, #tpu.memory_space<hbm>> -> memref<4x128xi32, #tpu.memory_space<hbm>>
            tpu.enqueue_dma source(%dma_start3A_142 : memref<4x128xi32, #tpu.memory_space<hbm>>) target(%arg10 : memref<4x128xi32, #tpu.memory_space<vmem>>) target_semaphore(%run_scoped3A_138 : memref<!tpu.dma_semaphore, #tpu.memory_space<semaphore_mem>>)
            %dma_wait3A_143 = arith.constant 0 : i32
            %dma_wait3A_144 = tpu.memref_slice %arg4[%mul3A_40, %dma_wait3A_143] : memref<12500x128xi32, #tpu.memory_space<hbm>> -> memref<4x128xi32, #tpu.memory_space<hbm>>
            %dma_wait3A_145 = arith.constant 0 : i32
            %dma_wait3A_146 = tpu.memref_slice %arg4[%mul3A_40, %dma_wait3A_145] : memref<12500x128xi32, #tpu.memory_space<hbm>> -> memref<4x128xi32, #tpu.memory_space<hbm>>
            tpu.wait_dma2 semaphore(%run_scoped3A_138 : memref<!tpu.dma_semaphore, #tpu.memory_space<semaphore_mem>>) src(%dma_wait3A_146 : memref<4x128xi32, #tpu.memory_space<hbm>>) dst(%arg10 : memref<4x128xi32, #tpu.memory_space<vmem>>)
            tpu.yield
          }) : () -> ()
          "tpu.region"() ({
            %run_scoped3A_138 = tpu.sem_alloc : memref<!tpu.dma_semaphore, #tpu.memory_space<semaphore_mem>>
            %dma_start3A_139 = arith.constant 0 : i32
            %dma_start3A_140 = tpu.memref_slice %arg5[%mul3A_40, %dma_start3A_139] : memref<12500x128xi32, #tpu.memory_space<hbm>> -> memref<4x128xi32, #tpu.memory_space<hbm>>
            %dma_start3A_141 = arith.constant 0 : i32
            %dma_start3A_142 = tpu.memref_slice %arg5[%mul3A_40, %dma_start3A_141] : memref<12500x128xi32, #tpu.memory_space<hbm>> -> memref<4x128xi32, #tpu.memory_space<hbm>>
            tpu.enqueue_dma source(%dma_start3A_142 : memref<4x128xi32, #tpu.memory_space<hbm>>) target(%arg11 : memref<4x128xi32, #tpu.memory_space<vmem>>) target_semaphore(%run_scoped3A_138 : memref<!tpu.dma_semaphore, #tpu.memory_space<semaphore_mem>>)
            %dma_wait3A_143 = arith.constant 0 : i32
            %dma_wait3A_144 = tpu.memref_slice %arg5[%mul3A_40, %dma_wait3A_143] : memref<12500x128xi32, #tpu.memory_space<hbm>> -> memref<4x128xi32, #tpu.memory_space<hbm>>
            %dma_wait3A_145 = arith.constant 0 : i32
            %dma_wait3A_146 = tpu.memref_slice %arg5[%mul3A_40, %dma_wait3A_145] : memref<12500x128xi32, #tpu.memory_space<hbm>> -> memref<4x128xi32, #tpu.memory_space<hbm>>
            tpu.wait_dma2 semaphore(%run_scoped3A_138 : memref<!tpu.dma_semaphore, #tpu.memory_space<semaphore_mem>>) src(%dma_wait3A_146 : memref<4x128xi32, #tpu.memory_space<hbm>>) dst(%arg11 : memref<4x128xi32, #tpu.memory_space<vmem>>)
            tpu.yield
          }) : () -> ()
          %dma_start3A = arith.constant 0 : i32
          %dma_start3A_43 = tpu.memref_slice %arg6[%mul3A_42, %dma_start3A] : memref<1600000x128xf32, #tpu.memory_space<hbm>> -> memref<512x32xf32, #tpu.memory_space<hbm>>
          %dma_start3A_44 = arith.constant 0 : i32
          %dma_start3A_45 = tpu.memref_slice %arg6[%mul3A_42, %dma_start3A_44] : memref<1600000x128xf32, #tpu.memory_space<hbm>> -> memref<512x32xf32, #tpu.memory_space<hbm>>
          tpu.enqueue_dma source(%dma_start3A_45 : memref<512x32xf32, #tpu.memory_space<hbm>>) target(%arg13 : memref<512x32xf32, #tpu.memory_space<vmem>>) target_semaphore(%arg16 : memref<!tpu.dma_semaphore, #tpu.memory_space<semaphore_mem>>)
          %dma_start3A_46 = arith.constant 0 : i32
          %dma_start3A_47 = arith.constant 0 : i32
          %dma_start3A_48 = arith.constant 0 : i32
          %dma_start3A_49 = tpu.memref_slice %arg12[%dma_start3A_47, %dma_start3A_48] : memref<512x32xbf16, #tpu.memory_space<vmem>> -> memref<128x32xbf16, #tpu.memory_space<vmem>>
          %dma_start3A_50 = arith.constant 0 : i32
          %dma_start3A_51 = tpu.memref_slice %arg10[%dma_start3A_46, %dma_start3A_50] : memref<4x128xi32, #tpu.memory_space<vmem>> -> memref<1x128xi32, #tpu.memory_space<vmem>>
          %dma_start3A_52 = tpu.memref_squeeze %dma_start3A_51 : memref<1x128xi32, #tpu.memory_space<vmem>> -> memref<128xi32, #tpu.memory_space<vmem>>
          %dma_start3A_53 = arith.constant 0 : i32
          %dma_start3A_54 = arith.constant 0 : i32
          %dma_start3A_55 = tpu.memref_slice %arg2[%dma_start3A_53, %dma_start3A_54] : memref<100000x32xbf16, #tpu.memory_space<hbm>> -> memref<100000x32xbf16, #tpu.memory_space<hbm>>
          tpu.enqueue_indirect_dma source(%dma_start3A_55 : memref<100000x32xbf16, #tpu.memory_space<hbm>>) target(%dma_start3A_49 : memref<128x32xbf16, #tpu.memory_space<vmem>>) offsets(%dma_start3A_52 : memref<128xi32, #tpu.memory_space<vmem>>) semaphore(%arg15 : memref<!tpu.dma_semaphore, #tpu.memory_space<semaphore_mem>>)
          %dma_start3A_56 = arith.constant 1 : i32
          %dma_start3A_57 = arith.constant 128 : i32
          %dma_start3A_58 = arith.constant 0 : i32
          %dma_start3A_59 = tpu.memref_slice %arg12[%dma_start3A_57, %dma_start3A_58] : memref<512x32xbf16, #tpu.memory_space<vmem>> -> memref<128x32xbf16, #tpu.memory_space<vmem>>
          %dma_start3A_60 = arith.constant 0 : i32
          %dma_start3A_61 = tpu.memref_slice %arg10[%dma_start3A_56, %dma_start3A_60] : memref<4x128xi32, #tpu.memory_space<vmem>> -> memref<1x128xi32, #tpu.memory_space<vmem>>
          %dma_start3A_62 = tpu.memref_squeeze %dma_start3A_61 : memref<1x128xi32, #tpu.memory_space<vmem>> -> memref<128xi32, #tpu.memory_space<vmem>>
          %dma_start3A_63 = arith.constant 0 : i32
          %dma_start3A_64 = arith.constant 0 : i32
          %dma_start3A_65 = tpu.memref_slice %arg2[%dma_start3A_63, %dma_start3A_64] : memref<100000x32xbf16, #tpu.memory_space<hbm>> -> memref<100000x32xbf16, #tpu.memory_space<hbm>>
          tpu.enqueue_indirect_dma source(%dma_start3A_65 : memref<100000x32xbf16, #tpu.memory_space<hbm>>) target(%dma_start3A_59 : memref<128x32xbf16, #tpu.memory_space<vmem>>) offsets(%dma_start3A_62 : memref<128xi32, #tpu.memory_space<vmem>>) semaphore(%arg15 : memref<!tpu.dma_semaphore, #tpu.memory_space<semaphore_mem>>)
          %dma_start3A_66 = arith.constant 2 : i32
          %dma_start3A_67 = arith.constant 256 : i32
          %dma_start3A_68 = arith.constant 0 : i32
          %dma_start3A_69 = tpu.memref_slice %arg12[%dma_start3A_67, %dma_start3A_68] : memref<512x32xbf16, #tpu.memory_space<vmem>> -> memref<128x32xbf16, #tpu.memory_space<vmem>>
          %dma_start3A_70 = arith.constant 0 : i32
          %dma_start3A_71 = tpu.memref_slice %arg10[%dma_start3A_66, %dma_start3A_70] : memref<4x128xi32, #tpu.memory_space<vmem>> -> memref<1x128xi32, #tpu.memory_space<vmem>>
          %dma_start3A_72 = tpu.memref_squeeze %dma_start3A_71 : memref<1x128xi32, #tpu.memory_space<vmem>> -> memref<128xi32, #tpu.memory_space<vmem>>
          %dma_start3A_73 = arith.constant 0 : i32
          %dma_start3A_74 = arith.constant 0 : i32
          %dma_start3A_75 = tpu.memref_slice %arg2[%dma_start3A_73, %dma_start3A_74] : memref<100000x32xbf16, #tpu.memory_space<hbm>> -> memref<100000x32xbf16, #tpu.memory_space<hbm>>
          tpu.enqueue_indirect_dma source(%dma_start3A_75 : memref<100000x32xbf16, #tpu.memory_space<hbm>>) target(%dma_start3A_69 : memref<128x32xbf16, #tpu.memory_space<vmem>>) offsets(%dma_start3A_72 : memref<128xi32, #tpu.memory_space<vmem>>) semaphore(%arg15 : memref<!tpu.dma_semaphore, #tpu.memory_space<semaphore_mem>>)
          %dma_start3A_76 = arith.constant 3 : i32
          %dma_start3A_77 = arith.constant 384 : i32
          %dma_start3A_78 = arith.constant 0 : i32
          %dma_start3A_79 = tpu.memref_slice %arg12[%dma_start3A_77, %dma_start3A_78] : memref<512x32xbf16, #tpu.memory_space<vmem>> -> memref<128x32xbf16, #tpu.memory_space<vmem>>
          %dma_start3A_80 = arith.constant 0 : i32
          %dma_start3A_81 = tpu.memref_slice %arg10[%dma_start3A_76, %dma_start3A_80] : memref<4x128xi32, #tpu.memory_space<vmem>> -> memref<1x128xi32, #tpu.memory_space<vmem>>
          %dma_start3A_82 = tpu.memref_squeeze %dma_start3A_81 : memref<1x128xi32, #tpu.memory_space<vmem>> -> memref<128xi32, #tpu.memory_space<vmem>>
          %dma_start3A_83 = arith.constant 0 : i32
          %dma_start3A_84 = arith.constant 0 : i32
          %dma_start3A_85 = tpu.memref_slice %arg2[%dma_start3A_83, %dma_start3A_84] : memref<100000x32xbf16, #tpu.memory_space<hbm>> -> memref<100000x32xbf16, #tpu.memory_space<hbm>>
          tpu.enqueue_indirect_dma source(%dma_start3A_85 : memref<100000x32xbf16, #tpu.memory_space<hbm>>) target(%dma_start3A_79 : memref<128x32xbf16, #tpu.memory_space<vmem>>) offsets(%dma_start3A_82 : memref<128xi32, #tpu.memory_space<vmem>>) semaphore(%arg15 : memref<!tpu.dma_semaphore, #tpu.memory_space<semaphore_mem>>)
          %dma_wait3A = arith.constant 0 : i32
          %dma_wait3A_86 = arith.constant 0 : i32
          %dma_wait3A_87 = arith.constant 0 : i32
          %dma_wait3A_88 = tpu.memref_slice %arg12[%dma_wait3A_86, %dma_wait3A_87] : memref<512x32xbf16, #tpu.memory_space<vmem>> -> memref<128x32xbf16, #tpu.memory_space<vmem>>
          %dma_wait3A_89 = arith.constant 0 : i32
          %dma_wait3A_90 = tpu.memref_slice %arg10[%dma_wait3A, %dma_wait3A_89] : memref<4x128xi32, #tpu.memory_space<vmem>> -> memref<1x128xi32, #tpu.memory_space<vmem>>
          %dma_wait3A_91 = tpu.memref_squeeze %dma_wait3A_90 : memref<1x128xi32, #tpu.memory_space<vmem>> -> memref<128xi32, #tpu.memory_space<vmem>>
          %dma_wait3A_92 = arith.constant 0 : i32
          %dma_wait3A_93 = arith.constant 0 : i32
          %dma_wait3A_94 = tpu.memref_slice %arg2[%dma_wait3A_92, %dma_wait3A_93] : memref<100000x32xbf16, #tpu.memory_space<hbm>> -> memref<100000x32xbf16, #tpu.memory_space<hbm>>
          tpu.wait_indirect_dma semaphore(%arg15 : memref<!tpu.dma_semaphore, #tpu.memory_space<semaphore_mem>>) src(%dma_wait3A_94 : memref<100000x32xbf16, #tpu.memory_space<hbm>>) dst(%dma_wait3A_88 : memref<128x32xbf16, #tpu.memory_space<vmem>>)
          %dma_wait3A_95 = arith.constant 1 : i32
          %dma_wait3A_96 = arith.constant 128 : i32
          %dma_wait3A_97 = arith.constant 0 : i32
          %dma_wait3A_98 = tpu.memref_slice %arg12[%dma_wait3A_96, %dma_wait3A_97] : memref<512x32xbf16, #tpu.memory_space<vmem>> -> memref<128x32xbf16, #tpu.memory_space<vmem>>
          %dma_wait3A_99 = arith.constant 0 : i32
          %dma_wait3A_100 = tpu.memref_slice %arg10[%dma_wait3A_95, %dma_wait3A_99] : memref<4x128xi32, #tpu.memory_space<vmem>> -> memref<1x128xi32, #tpu.memory_space<vmem>>
          %dma_wait3A_101 = tpu.memref_squeeze %dma_wait3A_100 : memref<1x128xi32, #tpu.memory_space<vmem>> -> memref<128xi32, #tpu.memory_space<vmem>>
          %dma_wait3A_102 = arith.constant 0 : i32
          %dma_wait3A_103 = arith.constant 0 : i32
          %dma_wait3A_104 = tpu.memref_slice %arg2[%dma_wait3A_102, %dma_wait3A_103] : memref<100000x32xbf16, #tpu.memory_space<hbm>> -> memref<100000x32xbf16, #tpu.memory_space<hbm>>
          tpu.wait_indirect_dma semaphore(%arg15 : memref<!tpu.dma_semaphore, #tpu.memory_space<semaphore_mem>>) src(%dma_wait3A_104 : memref<100000x32xbf16, #tpu.memory_space<hbm>>) dst(%dma_wait3A_98 : memref<128x32xbf16, #tpu.memory_space<vmem>>)
          %dma_wait3A_105 = arith.constant 2 : i32
          %dma_wait3A_106 = arith.constant 256 : i32
          %dma_wait3A_107 = arith.constant 0 : i32
          %dma_wait3A_108 = tpu.memref_slice %arg12[%dma_wait3A_106, %dma_wait3A_107] : memref<512x32xbf16, #tpu.memory_space<vmem>> -> memref<128x32xbf16, #tpu.memory_space<vmem>>
          %dma_wait3A_109 = arith.constant 0 : i32
          %dma_wait3A_110 = tpu.memref_slice %arg10[%dma_wait3A_105, %dma_wait3A_109] : memref<4x128xi32, #tpu.memory_space<vmem>> -> memref<1x128xi32, #tpu.memory_space<vmem>>
          %dma_wait3A_111 = tpu.memref_squeeze %dma_wait3A_110 : memref<1x128xi32, #tpu.memory_space<vmem>> -> memref<128xi32, #tpu.memory_space<vmem>>
          %dma_wait3A_112 = arith.constant 0 : i32
          %dma_wait3A_113 = arith.constant 0 : i32
          %dma_wait3A_114 = tpu.memref_slice %arg2[%dma_wait3A_112, %dma_wait3A_113] : memref<100000x32xbf16, #tpu.memory_space<hbm>> -> memref<100000x32xbf16, #tpu.memory_space<hbm>>
          tpu.wait_indirect_dma semaphore(%arg15 : memref<!tpu.dma_semaphore, #tpu.memory_space<semaphore_mem>>) src(%dma_wait3A_114 : memref<100000x32xbf16, #tpu.memory_space<hbm>>) dst(%dma_wait3A_108 : memref<128x32xbf16, #tpu.memory_space<vmem>>)
          %dma_wait3A_115 = arith.constant 3 : i32
          %dma_wait3A_116 = arith.constant 384 : i32
          %dma_wait3A_117 = arith.constant 0 : i32
          %dma_wait3A_118 = tpu.memref_slice %arg12[%dma_wait3A_116, %dma_wait3A_117] : memref<512x32xbf16, #tpu.memory_space<vmem>> -> memref<128x32xbf16, #tpu.memory_space<vmem>>
          %dma_wait3A_119 = arith.constant 0 : i32
          %dma_wait3A_120 = tpu.memref_slice %arg10[%dma_wait3A_115, %dma_wait3A_119] : memref<4x128xi32, #tpu.memory_space<vmem>> -> memref<1x128xi32, #tpu.memory_space<vmem>>
          %dma_wait3A_121 = tpu.memref_squeeze %dma_wait3A_120 : memref<1x128xi32, #tpu.memory_space<vmem>> -> memref<128xi32, #tpu.memory_space<vmem>>
          %dma_wait3A_122 = arith.constant 0 : i32
          %dma_wait3A_123 = arith.constant 0 : i32
          %dma_wait3A_124 = tpu.memref_slice %arg2[%dma_wait3A_122, %dma_wait3A_123] : memref<100000x32xbf16, #tpu.memory_space<hbm>> -> memref<100000x32xbf16, #tpu.memory_space<hbm>>
          tpu.wait_indirect_dma semaphore(%arg15 : memref<!tpu.dma_semaphore, #tpu.memory_space<semaphore_mem>>) src(%dma_wait3A_124 : memref<100000x32xbf16, #tpu.memory_space<hbm>>) dst(%dma_wait3A_118 : memref<128x32xbf16, #tpu.memory_space<vmem>>)
          %dma_wait3A_125 = arith.constant 0 : i32
          %dma_wait3A_126 = tpu.memref_slice %arg6[%mul3A_42, %dma_wait3A_125] : memref<1600000x128xf32, #tpu.memory_space<hbm>> -> memref<512x32xf32, #tpu.memory_space<hbm>>
          %dma_wait3A_127 = arith.constant 0 : i32
          %dma_wait3A_128 = tpu.memref_slice %arg6[%mul3A_42, %dma_wait3A_127] : memref<1600000x128xf32, #tpu.memory_space<hbm>> -> memref<512x32xf32, #tpu.memory_space<hbm>>
          tpu.wait_dma2 semaphore(%arg16 : memref<!tpu.dma_semaphore, #tpu.memory_space<semaphore_mem>>) src(%dma_wait3A_128 : memref<512x32xf32, #tpu.memory_space<hbm>>) dst(%arg13 : memref<512x32xf32, #tpu.memory_space<vmem>>)
          %scan3A_129 = arith.constant 0 : i32
          %scan3A_130 = arith.constant 0 : i32
          %scan3A_131 = arith.constant 128 : i32
          %scan3A_132 = arith.addi %scan3A_130, %scan3A_131 : i32
          %scan3A_133 = arith.constant 1 : i32
          scf.for %scan3A_138 = %scan3A_130 to %scan3A_132 step %scan3A_133  : i32 {
            %mul3A_139 = arith.constant 4 : i32
            %mul3A_140 = arith.muli %scan3A_138, %mul3A_139 : i32
            %add3A_141 = arith.constant 0 : i32
            %add3A_142 = arith.addi %mul3A_140, %add3A_141 : i32
            %get3A = arith.index_cast %add3A_142 : i32 to index
            %get3A_143 = arith.constant 0 : index
            %get3A_144 = tpu.vector_load %arg13[%get3A, %get3A_143] {strides = array<i32>} : memref<512x32xf32, #tpu.memory_space<vmem>>, vector<16xf32>,
            %get3A_145 = arith.index_cast %add3A_142 : i32 to index
            %get3A_146 = arith.constant 16 : index
            %get3A_147 = tpu.vector_load %arg13[%get3A_145, %get3A_146] {strides = array<i32>} : memref<512x32xf32, #tpu.memory_space<vmem>>, vector<16xf32>,
            %pack3A = tpu.pack_subelements %get3A_144, %get3A_147 {pack_format = #tpu.pack_format<interleaved>, positions = array<i32: 0, 1>} : vector<16xf32>, vector<16xf32> -> vector<32xbf16>
            %get3A_148 = arith.index_cast %add3A_142 : i32 to index
            %get3A_149 = arith.constant 0 : index
            %get3A_150 = tpu.vector_load %arg12[%get3A_148, %get3A_149] {strides = array<i32>} : memref<512x32xbf16, #tpu.memory_space<vmem>>, vector<32xbf16>,
            %mul3A_151 = arith.mulf %get3A_150, %pack3A : vector<32xbf16>
            %swap3A = arith.index_cast %add3A_142 : i32 to index
            %swap3A_152 = arith.constant 0 : index
            %swap3A_153 = tpu.vector_load %arg12[%swap3A, %swap3A_152] {strides = array<i32>} : memref<512x32xbf16, #tpu.memory_space<vmem>>, vector<32xbf16>,
            tpu.vector_store %arg12[%swap3A, %swap3A_152], %mul3A_151 {strides = array<i32>} : memref<512x32xbf16, #tpu.memory_space<vmem>>, vector<32xbf16>,
            %mul3A_154 = arith.constant 4 : i32
            %mul3A_155 = arith.muli %scan3A_138, %mul3A_154 : i32
            %add3A_156 = arith.constant 1 : i32
            %add3A_157 = arith.addi %mul3A_155, %add3A_156 : i32
            %get3A_158 = arith.index_cast %add3A_157 : i32 to index
            %get3A_159 = arith.constant 0 : index
            %get3A_160 = tpu.vector_load %arg13[%get3A_158, %get3A_159] {strides = array<i32>} : memref<512x32xf32, #tpu.memory_space<vmem>>, vector<16xf32>,
            %get3A_161 = arith.index_cast %add3A_157 : i32 to index
            %get3A_162 = arith.constant 16 : index
            %get3A_163 = tpu.vector_load %arg13[%get3A_161, %get3A_162] {strides = array<i32>} : memref<512x32xf32, #tpu.memory_space<vmem>>, vector<16xf32>,
            %pack3A_164 = tpu.pack_subelements %get3A_160, %get3A_163 {pack_format = #tpu.pack_format<interleaved>, positions = array<i32: 0, 1>} : vector<16xf32>, vector<16xf32> -> vector<32xbf16>
            %get3A_165 = arith.index_cast %add3A_157 : i32 to index
            %get3A_166 = arith.constant 0 : index
            %get3A_167 = tpu.vector_load %arg12[%get3A_165, %get3A_166] {strides = array<i32>} : memref<512x32xbf16, #tpu.memory_space<vmem>>, vector<32xbf16>,
            %mul3A_168 = arith.mulf %get3A_167, %pack3A_164 : vector<32xbf16>
            %swap3A_169 = arith.index_cast %add3A_157 : i32 to index
            %swap3A_170 = arith.constant 0 : index
            %swap3A_171 = tpu.vector_load %arg12[%swap3A_169, %swap3A_170] {strides = array<i32>} : memref<512x32xbf16, #tpu.memory_space<vmem>>, vector<32xbf16>,
            tpu.vector_store %arg12[%swap3A_169, %swap3A_170], %mul3A_168 {strides = array<i32>} : memref<512x32xbf16, #tpu.memory_space<vmem>>, vector<32xbf16>,
            %mul3A_172 = arith.constant 4 : i32
            %mul3A_173 = arith.muli %scan3A_138, %mul3A_172 : i32
            %add3A_174 = arith.constant 2 : i32
            %add3A_175 = arith.addi %mul3A_173, %add3A_174 : i32
            %get3A_176 = arith.index_cast %add3A_175 : i32 to index
            %get3A_177 = arith.constant 0 : index
            %get3A_178 = tpu.vector_load %arg13[%get3A_176, %get3A_177] {strides = array<i32>} : memref<512x32xf32, #tpu.memory_space<vmem>>, vector<16xf32>,
            %get3A_179 = arith.index_cast %add3A_175 : i32 to index
            %get3A_180 = arith.constant 16 : index
            %get3A_181 = tpu.vector_load %arg13[%get3A_179, %get3A_180] {strides = array<i32>} : memref<512x32xf32, #tpu.memory_space<vmem>>, vector<16xf32>,
            %pack3A_182 = tpu.pack_subelements %get3A_178, %get3A_181 {pack_format = #tpu.pack_format<interleaved>, positions = array<i32: 0, 1>} : vector<16xf32>, vector<16xf32> -> vector<32xbf16>
            %get3A_183 = arith.index_cast %add3A_175 : i32 to index
            %get3A_184 = arith.constant 0 : index
            %get3A_185 = tpu.vector_load %arg12[%get3A_183, %get3A_184] {strides = array<i32>} : memref<512x32xbf16, #tpu.memory_space<vmem>>, vector<32xbf16>,
            %mul3A_186 = arith.mulf %get3A_185, %pack3A_182 : vector<32xbf16>
            %swap3A_187 = arith.index_cast %add3A_175 : i32 to index
            %swap3A_188 = arith.constant 0 : index
            %swap3A_189 = tpu.vector_load %arg12[%swap3A_187, %swap3A_188] {strides = array<i32>} : memref<512x32xbf16, #tpu.memory_space<vmem>>, vector<32xbf16>,
            tpu.vector_store %arg12[%swap3A_187, %swap3A_188], %mul3A_186 {strides = array<i32>} : memref<512x32xbf16, #tpu.memory_space<vmem>>, vector<32xbf16>,
            %mul3A_190 = arith.constant 4 : i32
            %mul3A_191 = arith.muli %scan3A_138, %mul3A_190 : i32
            %add3A_192 = arith.constant 3 : i32
            %add3A_193 = arith.addi %mul3A_191, %add3A_192 : i32
            %get3A_194 = arith.index_cast %add3A_193 : i32 to index
            %get3A_195 = arith.constant 0 : index
            %get3A_196 = tpu.vector_load %arg13[%get3A_194, %get3A_195] {strides = array<i32>} : memref<512x32xf32, #tpu.memory_space<vmem>>, vector<16xf32>,
            %get3A_197 = arith.index_cast %add3A_193 : i32 to index
            %get3A_198 = arith.constant 16 : index
            %get3A_199 = tpu.vector_load %arg13[%get3A_197, %get3A_198] {strides = array<i32>} : memref<512x32xf32, #tpu.memory_space<vmem>>, vector<16xf32>,
            %pack3A_200 = tpu.pack_subelements %get3A_196, %get3A_199 {pack_format = #tpu.pack_format<interleaved>, positions = array<i32: 0, 1>} : vector<16xf32>, vector<16xf32> -> vector<32xbf16>
            %get3A_201 = arith.index_cast %add3A_193 : i32 to index
            %get3A_202 = arith.constant 0 : index
            %get3A_203 = tpu.vector_load %arg12[%get3A_201, %get3A_202] {strides = array<i32>} : memref<512x32xbf16, #tpu.memory_space<vmem>>, vector<32xbf16>,
            %mul3A_204 = arith.mulf %get3A_203, %pack3A_200 : vector<32xbf16>
            %swap3A_205 = arith.index_cast %add3A_193 : i32 to index
            %swap3A_206 = arith.constant 0 : index
            %swap3A_207 = tpu.vector_load %arg12[%swap3A_205, %swap3A_206] {strides = array<i32>} : memref<512x32xbf16, #tpu.memory_space<vmem>>, vector<32xbf16>,
            tpu.vector_store %arg12[%swap3A_205, %swap3A_206], %mul3A_204 {strides = array<i32>} : memref<512x32xbf16, #tpu.memory_space<vmem>>, vector<32xbf16>,
          }
          %scan3A_134 = arith.constant 128 : i32
          %run_scoped3A = arith.constant 0 : i32
          "tpu.region"() ({
            %run_scoped3A_138 = tpu.sem_alloc : memref<!tpu.dma_semaphore, #tpu.memory_space<semaphore_mem>>
            %dma_start3A_139 = arith.constant 0 : i32
            %dma_start3A_140 = arith.constant 0 : i32
            %dma_start3A_141 = tpu.memref_slice %arg12[%dma_start3A_139, %dma_start3A_140] : memref<512x32xbf16, #tpu.memory_space<vmem>> -> memref<128x32xbf16, #tpu.memory_space<vmem>>
            %dma_start3A_142 = arith.constant 0 : i32
            %dma_start3A_143 = tpu.memref_slice %arg11[%run_scoped3A, %dma_start3A_142] : memref<4x128xi32, #tpu.memory_space<vmem>> -> memref<1x128xi32, #tpu.memory_space<vmem>>
            %dma_start3A_144 = tpu.memref_squeeze %dma_start3A_143 : memref<1x128xi32, #tpu.memory_space<vmem>> -> memref<128xi32, #tpu.memory_space<vmem>>
            %dma_start3A_145 = arith.constant 0 : i32
            %dma_start3A_146 = arith.constant 0 : i32
            %dma_start3A_147 = tpu.memref_slice %arg14[%dma_start3A_145, %dma_start3A_146] : memref<100000x32xbf16, #tpu.memory_space<vmem_shared>> -> memref<100000x32xbf16, #tpu.memory_space<vmem_shared>>
            tpu.enqueue_indirect_dma source(%dma_start3A_141 : memref<128x32xbf16, #tpu.memory_space<vmem>>) target(%dma_start3A_147 : memref<100000x32xbf16, #tpu.memory_space<vmem_shared>>) offsets(%dma_start3A_144 : memref<128xi32, #tpu.memory_space<vmem>>) semaphore(%run_scoped3A_138 : memref<!tpu.dma_semaphore, #tpu.memory_space<semaphore_mem>>) {add = true}
            %dma_wait3A_148 = arith.constant 0 : i32
            %dma_wait3A_149 = arith.constant 0 : i32
            %dma_wait3A_150 = tpu.memref_slice %arg12[%dma_wait3A_148, %dma_wait3A_149] : memref<512x32xbf16, #tpu.memory_space<vmem>> -> memref<128x32xbf16, #tpu.memory_space<vmem>>
            %dma_wait3A_151 = arith.constant 0 : i32
            %dma_wait3A_152 = tpu.memref_slice %arg11[%run_scoped3A, %dma_wait3A_151] : memref<4x128xi32, #tpu.memory_space<vmem>> -> memref<1x128xi32, #tpu.memory_space<vmem>>
            %dma_wait3A_153 = tpu.memref_squeeze %dma_wait3A_152 : memref<1x128xi32, #tpu.memory_space<vmem>> -> memref<128xi32, #tpu.memory_space<vmem>>
            %dma_wait3A_154 = arith.constant 0 : i32
            %dma_wait3A_155 = arith.constant 0 : i32
            %dma_wait3A_156 = tpu.memref_slice %arg14[%dma_wait3A_154, %dma_wait3A_155] : memref<100000x32xbf16, #tpu.memory_space<vmem_shared>> -> memref<100000x32xbf16, #tpu.memory_space<vmem_shared>>
            tpu.wait_indirect_dma semaphore(%run_scoped3A_138 : memref<!tpu.dma_semaphore, #tpu.memory_space<semaphore_mem>>) src(%dma_wait3A_150 : memref<128x32xbf16, #tpu.memory_space<vmem>>) dst(%dma_wait3A_156 : memref<100000x32xbf16, #tpu.memory_space<vmem_shared>>)
            tpu.yield
          }) : () -> ()
          %run_scoped3A_135 = arith.constant 1 : i32
          "tpu.region"() ({
            %run_scoped3A_138 = tpu.sem_alloc : memref<!tpu.dma_semaphore, #tpu.memory_space<semaphore_mem>>
            %dma_start3A_139 = arith.constant 128 : i32
            %dma_start3A_140 = arith.constant 0 : i32
            %dma_start3A_141 = tpu.memref_slice %arg12[%dma_start3A_139, %dma_start3A_140] : memref<512x32xbf16, #tpu.memory_space<vmem>> -> memref<128x32xbf16, #tpu.memory_space<vmem>>
            %dma_start3A_142 = arith.constant 0 : i32
            %dma_start3A_143 = tpu.memref_slice %arg11[%run_scoped3A_135, %dma_start3A_142] : memref<4x128xi32, #tpu.memory_space<vmem>> -> memref<1x128xi32, #tpu.memory_space<vmem>>
            %dma_start3A_144 = tpu.memref_squeeze %dma_start3A_143 : memref<1x128xi32, #tpu.memory_space<vmem>> -> memref<128xi32, #tpu.memory_space<vmem>>
            %dma_start3A_145 = arith.constant 0 : i32
            %dma_start3A_146 = arith.constant 0 : i32
            %dma_start3A_147 = tpu.memref_slice %arg14[%dma_start3A_145, %dma_start3A_146] : memref<100000x32xbf16, #tpu.memory_space<vmem_shared>> -> memref<100000x32xbf16, #tpu.memory_space<vmem_shared>>
            tpu.enqueue_indirect_dma source(%dma_start3A_141 : memref<128x32xbf16, #tpu.memory_space<vmem>>) target(%dma_start3A_147 : memref<100000x32xbf16, #tpu.memory_space<vmem_shared>>) offsets(%dma_start3A_144 : memref<128xi32, #tpu.memory_space<vmem>>) semaphore(%run_scoped3A_138 : memref<!tpu.dma_semaphore, #tpu.memory_space<semaphore_mem>>) {add = true}
            %dma_wait3A_148 = arith.constant 128 : i32
            %dma_wait3A_149 = arith.constant 0 : i32
            %dma_wait3A_150 = tpu.memref_slice %arg12[%dma_wait3A_148, %dma_wait3A_149] : memref<512x32xbf16, #tpu.memory_space<vmem>> -> memref<128x32xbf16, #tpu.memory_space<vmem>>
            %dma_wait3A_151 = arith.constant 0 : i32
            %dma_wait3A_152 = tpu.memref_slice %arg11[%run_scoped3A_135, %dma_wait3A_151] : memref<4x128xi32, #tpu.memory_space<vmem>> -> memref<1x128xi32, #tpu.memory_space<vmem>>
            %dma_wait3A_153 = tpu.memref_squeeze %dma_wait3A_152 : memref<1x128xi32, #tpu.memory_space<vmem>> -> memref<128xi32, #tpu.memory_space<vmem>>
            %dma_wait3A_154 = arith.constant 0 : i32
            %dma_wait3A_155 = arith.constant 0 : i32
            %dma_wait3A_156 = tpu.memref_slice %arg14[%dma_wait3A_154, %dma_wait3A_155] : memref<100000x32xbf16, #tpu.memory_space<vmem_shared>> -> memref<100000x32xbf16, #tpu.memory_space<vmem_shared>>
            tpu.wait_indirect_dma semaphore(%run_scoped3A_138 : memref<!tpu.dma_semaphore, #tpu.memory_space<semaphore_mem>>) src(%dma_wait3A_150 : memref<128x32xbf16, #tpu.memory_space<vmem>>) dst(%dma_wait3A_156 : memref<100000x32xbf16, #tpu.memory_space<vmem_shared>>)
            tpu.yield
          }) : () -> ()
          %run_scoped3A_136 = arith.constant 2 : i32
          "tpu.region"() ({
            %run_scoped3A_138 = tpu.sem_alloc : memref<!tpu.dma_semaphore, #tpu.memory_space<semaphore_mem>>
            %dma_start3A_139 = arith.constant 256 : i32
            %dma_start3A_140 = arith.constant 0 : i32
            %dma_start3A_141 = tpu.memref_slice %arg12[%dma_start3A_139, %dma_start3A_140] : memref<512x32xbf16, #tpu.memory_space<vmem>> -> memref<128x32xbf16, #tpu.memory_space<vmem>>
            %dma_start3A_142 = arith.constant 0 : i32
            %dma_start3A_143 = tpu.memref_slice %arg11[%run_scoped3A_136, %dma_start3A_142] : memref<4x128xi32, #tpu.memory_space<vmem>> -> memref<1x128xi32, #tpu.memory_space<vmem>>
            %dma_start3A_144 = tpu.memref_squeeze %dma_start3A_143 : memref<1x128xi32, #tpu.memory_space<vmem>> -> memref<128xi32, #tpu.memory_space<vmem>>
            %dma_start3A_145 = arith.constant 0 : i32
            %dma_start3A_146 = arith.constant 0 : i32
            %dma_start3A_147 = tpu.memref_slice %arg14[%dma_start3A_145, %dma_start3A_146] : memref<100000x32xbf16, #tpu.memory_space<vmem_shared>> -> memref<100000x32xbf16, #tpu.memory_space<vmem_shared>>
            tpu.enqueue_indirect_dma source(%dma_start3A_141 : memref<128x32xbf16, #tpu.memory_space<vmem>>) target(%dma_start3A_147 : memref<100000x32xbf16, #tpu.memory_space<vmem_shared>>) offsets(%dma_start3A_144 : memref<128xi32, #tpu.memory_space<vmem>>) semaphore(%run_scoped3A_138 : memref<!tpu.dma_semaphore, #tpu.memory_space<semaphore_mem>>) {add = true}
            %dma_wait3A_148 = arith.constant 256 : i32
            %dma_wait3A_149 = arith.constant 0 : i32
            %dma_wait3A_150 = tpu.memref_slice %arg12[%dma_wait3A_148, %dma_wait3A_149] : memref<512x32xbf16, #tpu.memory_space<vmem>> -> memref<128x32xbf16, #tpu.memory_space<vmem>>
            %dma_wait3A_151 = arith.constant 0 : i32
            %dma_wait3A_152 = tpu.memref_slice %arg11[%run_scoped3A_136, %dma_wait3A_151] : memref<4x128xi32, #tpu.memory_space<vmem>> -> memref<1x128xi32, #tpu.memory_space<vmem>>
            %dma_wait3A_153 = tpu.memref_squeeze %dma_wait3A_152 : memref<1x128xi32, #tpu.memory_space<vmem>> -> memref<128xi32, #tpu.memory_space<vmem>>
            %dma_wait3A_154 = arith.constant 0 : i32
            %dma_wait3A_155 = arith.constant 0 : i32
            %dma_wait3A_156 = tpu.memref_slice %arg14[%dma_wait3A_154, %dma_wait3A_155] : memref<100000x32xbf16, #tpu.memory_space<vmem_shared>> -> memref<100000x32xbf16, #tpu.memory_space<vmem_shared>>
            tpu.wait_indirect_dma semaphore(%run_scoped3A_138 : memref<!tpu.dma_semaphore, #tpu.memory_space<semaphore_mem>>) src(%dma_wait3A_150 : memref<128x32xbf16, #tpu.memory_space<vmem>>) dst(%dma_wait3A_156 : memref<100000x32xbf16, #tpu.memory_space<vmem_shared>>)
            tpu.yield
          }) : () -> ()
          %run_scoped3A_137 = arith.constant 3 : i32
          "tpu.region"() ({
            %run_scoped3A_138 = tpu.sem_alloc : memref<!tpu.dma_semaphore, #tpu.memory_space<semaphore_mem>>
            %dma_start3A_139 = arith.constant 384 : i32
            %dma_start3A_140 = arith.constant 0 : i32
            %dma_start3A_141 = tpu.memref_slice %arg12[%dma_start3A_139, %dma_start3A_140] : memref<512x32xbf16, #tpu.memory_space<vmem>> -> memref<128x32xbf16, #tpu.memory_space<vmem>>
            %dma_start3A_142 = arith.constant 0 : i32
            %dma_start3A_143 = tpu.memref_slice %arg11[%run_scoped3A_137, %dma_start3A_142] : memref<4x128xi32, #tpu.memory_space<vmem>> -> memref<1x128xi32, #tpu.memory_space<vmem>>
            %dma_start3A_144 = tpu.memref_squeeze %dma_start3A_143 : memref<1x128xi32, #tpu.memory_space<vmem>> -> memref<128xi32, #tpu.memory_space<vmem>>
            %dma_start3A_145 = arith.constant 0 : i32
            %dma_start3A_146 = arith.constant 0 : i32
            %dma_start3A_147 = tpu.memref_slice %arg14[%dma_start3A_145, %dma_start3A_146] : memref<100000x32xbf16, #tpu.memory_space<vmem_shared>> -> memref<100000x32xbf16, #tpu.memory_space<vmem_shared>>
            tpu.enqueue_indirect_dma source(%dma_start3A_141 : memref<128x32xbf16, #tpu.memory_space<vmem>>) target(%dma_start3A_147 : memref<100000x32xbf16, #tpu.memory_space<vmem_shared>>) offsets(%dma_start3A_144 : memref<128xi32, #tpu.memory_space<vmem>>) semaphore(%run_scoped3A_138 : memref<!tpu.dma_semaphore, #tpu.memory_space<semaphore_mem>>) {add = true}
            %dma_wait3A_148 = arith.constant 384 : i32
            %dma_wait3A_149 = arith.constant 0 : i32
            %dma_wait3A_150 = tpu.memref_slice %arg12[%dma_wait3A_148, %dma_wait3A_149] : memref<512x32xbf16, #tpu.memory_space<vmem>> -> memref<128x32xbf16, #tpu.memory_space<vmem>>
            %dma_wait3A_151 = arith.constant 0 : i32
            %dma_wait3A_152 = tpu.memref_slice %arg11[%run_scoped3A_137, %dma_wait3A_151] : memref<4x128xi32, #tpu.memory_space<vmem>> -> memref<1x128xi32, #tpu.memory_space<vmem>>
            %dma_wait3A_153 = tpu.memref_squeeze %dma_wait3A_152 : memref<1x128xi32, #tpu.memory_space<vmem>> -> memref<128xi32, #tpu.memory_space<vmem>>
            %dma_wait3A_154 = arith.constant 0 : i32
            %dma_wait3A_155 = arith.constant 0 : i32
            %dma_wait3A_156 = tpu.memref_slice %arg14[%dma_wait3A_154, %dma_wait3A_155] : memref<100000x32xbf16, #tpu.memory_space<vmem_shared>> -> memref<100000x32xbf16, #tpu.memory_space<vmem_shared>>
            tpu.wait_indirect_dma semaphore(%run_scoped3A_138 : memref<!tpu.dma_semaphore, #tpu.memory_space<semaphore_mem>>) src(%dma_wait3A_150 : memref<128x32xbf16, #tpu.memory_space<vmem>>) dst(%dma_wait3A_156 : memref<100000x32xbf16, #tpu.memory_space<vmem_shared>>)
            tpu.yield
          }) : () -> ()
        } else {
        }
      }
      %scan3A_20 = arith.constant 196 : i32
      %barrier3A_21 = arith.constant 0 : index
      tpu.barrier barrier_id(%barrier3A_21)
      %lt3A_22 = arith.constant 15 : i32
      %lt3A_23 = arith.cmpi slt, %arg1, %lt3A_22 : i32
      %convert_element_type3A_24 = arith.extui %lt3A_23 : i1 to i32
      %cond3A_25 = arith.constant 0 : i32
      %cond3A_26 = arith.cmpi ne, %convert_element_type3A_24, %cond3A_25 : i32
      scf.if %cond3A_26 {
        %mul3A = arith.constant 6256 : i32
        %mul3A_32 = arith.muli %arg1, %mul3A : i32
        %multiple_of3A = tpu.assume_multiple %mul3A_32, 16 : i32
        "tpu.region"() ({
          %run_scoped3A = tpu.sem_alloc : memref<!tpu.dma_semaphore, #tpu.memory_space<semaphore_mem>>
          %dma_start3A = arith.constant 0 : i32
          %dma_start3A_33 = tpu.memref_slice %arg8[%multiple_of3A, %dma_start3A] : memref<100000x32xbf16, #tpu.memory_space<hbm>> -> memref<6256x32xbf16, #tpu.memory_space<hbm>>
          %dma_start3A_34 = arith.constant 0 : i32
          %dma_start3A_35 = tpu.memref_slice %arg14[%multiple_of3A, %dma_start3A_34] : memref<100000x32xbf16, #tpu.memory_space<vmem_shared>> -> memref<6256x32xbf16, #tpu.memory_space<vmem_shared>>
          tpu.enqueue_dma source(%dma_start3A_35 : memref<6256x32xbf16, #tpu.memory_space<vmem_shared>>) target(%dma_start3A_33 : memref<6256x32xbf16, #tpu.memory_space<hbm>>) target_semaphore(%run_scoped3A : memref<!tpu.dma_semaphore, #tpu.memory_space<semaphore_mem>>)
          %dma_wait3A = arith.constant 0 : i32
          %dma_wait3A_36 = tpu.memref_slice %arg8[%multiple_of3A, %dma_wait3A] : memref<100000x32xbf16, #tpu.memory_space<hbm>> -> memref<6256x32xbf16, #tpu.memory_space<hbm>>
          %dma_wait3A_37 = arith.constant 0 : i32
          %dma_wait3A_38 = tpu.memref_slice %arg14[%multiple_of3A, %dma_wait3A_37] : memref<100000x32xbf16, #tpu.memory_space<vmem_shared>> -> memref<6256x32xbf16, #tpu.memory_space<vmem_shared>>
          tpu.wait_dma2 semaphore(%run_scoped3A : memref<!tpu.dma_semaphore, #tpu.memory_space<semaphore_mem>>) src(%dma_wait3A_38 : memref<6256x32xbf16, #tpu.memory_space<vmem_shared>>) dst(%dma_wait3A_36 : memref<6256x32xbf16, #tpu.memory_space<hbm>>)
          tpu.yield
        }) : () -> ()
      } else {
      }
      %eq3A_27 = arith.constant 15 : i32
      %eq3A_28 = arith.cmpi eq, %arg1, %eq3A_27 : i32
      %convert_element_type3A_29 = arith.extui %eq3A_28 : i1 to i32
      %cond3A_30 = arith.constant 0 : i32
      %cond3A_31 = arith.cmpi ne, %convert_element_type3A_29, %cond3A_30 : i32
      scf.if %cond3A_31 {
        "tpu.region"() ({
          %run_scoped3A = tpu.sem_alloc : memref<!tpu.dma_semaphore, #tpu.memory_space<semaphore_mem>>
          %dma_start3A = arith.constant 93840 : i32
          %dma_start3A_32 = arith.constant 0 : i32
          %dma_start3A_33 = tpu.memref_slice %arg8[%dma_start3A, %dma_start3A_32] : memref<100000x32xbf16, #tpu.memory_space<hbm>> -> memref<6160x32xbf16, #tpu.memory_space<hbm>>
          %dma_start3A_34 = arith.constant 93840 : i32
          %dma_start3A_35 = arith.constant 0 : i32
          %dma_start3A_36 = tpu.memref_slice %arg14[%dma_start3A_34, %dma_start3A_35] : memref<100000x32xbf16, #tpu.memory_space<vmem_shared>> -> memref<6160x32xbf16, #tpu.memory_space<vmem_shared>>
          tpu.enqueue_dma source(%dma_start3A_36 : memref<6160x32xbf16, #tpu.memory_space<vmem_shared>>) target(%dma_start3A_33 : memref<6160x32xbf16, #tpu.memory_space<hbm>>) target_semaphore(%run_scoped3A : memref<!tpu.dma_semaphore, #tpu.memory_space<semaphore_mem>>)
          %dma_wait3A = arith.constant 93840 : i32
          %dma_wait3A_37 = arith.constant 0 : i32
          %dma_wait3A_38 = tpu.memref_slice %arg8[%dma_wait3A, %dma_wait3A_37] : memref<100000x32xbf16, #tpu.memory_space<hbm>> -> memref<6160x32xbf16, #tpu.memory_space<hbm>>
          %dma_wait3A_39 = arith.constant 93840 : i32
          %dma_wait3A_40 = arith.constant 0 : i32
          %dma_wait3A_41 = tpu.memref_slice %arg14[%dma_wait3A_39, %dma_wait3A_40] : memref<100000x32xbf16, #tpu.memory_space<vmem_shared>> -> memref<6160x32xbf16, #tpu.memory_space<vmem_shared>>
          tpu.wait_dma2 semaphore(%run_scoped3A : memref<!tpu.dma_semaphore, #tpu.memory_space<semaphore_mem>>) src(%dma_wait3A_41 : memref<6160x32xbf16, #tpu.memory_space<vmem_shared>>) dst(%dma_wait3A_38 : memref<6160x32xbf16, #tpu.memory_space<hbm>>)
          tpu.yield
        }) : () -> ()
      } else {
      }
    } else {
    }
    %eq3A_2 = arith.constant 1 : i32
    %eq3A_3 = arith.cmpi eq, %arg0, %eq3A_2 : i32
    %convert_element_type3A_4 = arith.extui %eq3A_3 : i1 to i32
    %cond3A_5 = arith.constant 0 : i32
    %cond3A_6 = arith.cmpi ne, %convert_element_type3A_4, %cond3A_5 : i32
    scf.if %cond3A_6 {
      %lt3A = arith.constant 15 : i32
      %lt3A_7 = arith.cmpi slt, %arg1, %lt3A : i32
      %convert_element_type3A_8 = arith.extui %lt3A_7 : i1 to i32
      %cond3A_9 = arith.constant 0 : i32
      %cond3A_10 = arith.cmpi ne, %convert_element_type3A_8, %cond3A_9 : i32
      scf.if %cond3A_10 {
        %mul3A = arith.constant 6256 : i32
        %mul3A_32 = arith.muli %arg1, %mul3A : i32
        %multiple_of3A = tpu.assume_multiple %mul3A_32, 16 : i32
        "tpu.region"() ({
          %run_scoped3A = tpu.sem_alloc : memref<!tpu.dma_semaphore, #tpu.memory_space<semaphore_mem>>
          %dma_start3A = arith.constant 0 : i32
          %dma_start3A_33 = tpu.memref_slice %arg14[%multiple_of3A, %dma_start3A] : memref<100000x32xbf16, #tpu.memory_space<vmem_shared>> -> memref<6256x32xbf16, #tpu.memory_space<vmem_shared>>
          %dma_start3A_34 = arith.constant 0 : i32
          %dma_start3A_35 = tpu.memref_slice %arg7[%multiple_of3A, %dma_start3A_34] : memref<100000x32xbf16, #tpu.memory_space<hbm>> -> memref<6256x32xbf16, #tpu.memory_space<hbm>>
          tpu.enqueue_dma source(%dma_start3A_35 : memref<6256x32xbf16, #tpu.memory_space<hbm>>) target(%dma_start3A_33 : memref<6256x32xbf16, #tpu.memory_space<vmem_shared>>) target_semaphore(%run_scoped3A : memref<!tpu.dma_semaphore, #tpu.memory_space<semaphore_mem>>)
          %dma_wait3A = arith.constant 0 : i32
          %dma_wait3A_36 = tpu.memref_slice %arg14[%multiple_of3A, %dma_wait3A] : memref<100000x32xbf16, #tpu.memory_space<vmem_shared>> -> memref<6256x32xbf16, #tpu.memory_space<vmem_shared>>
          %dma_wait3A_37 = arith.constant 0 : i32
          %dma_wait3A_38 = tpu.memref_slice %arg7[%multiple_of3A, %dma_wait3A_37] : memref<100000x32xbf16, #tpu.memory_space<hbm>> -> memref<6256x32xbf16, #tpu.memory_space<hbm>>
          tpu.wait_dma2 semaphore(%run_scoped3A : memref<!tpu.dma_semaphore, #tpu.memory_space<semaphore_mem>>) src(%dma_wait3A_38 : memref<6256x32xbf16, #tpu.memory_space<hbm>>) dst(%dma_wait3A_36 : memref<6256x32xbf16, #tpu.memory_space<vmem_shared>>)
          tpu.yield
        }) : () -> ()
      } else {
      }
      %eq3A_11 = arith.constant 15 : i32
      %eq3A_12 = arith.cmpi eq, %arg1, %eq3A_11 : i32
      %convert_element_type3A_13 = arith.extui %eq3A_12 : i1 to i32
      %cond3A_14 = arith.constant 0 : i32
      %cond3A_15 = arith.cmpi ne, %convert_element_type3A_13, %cond3A_14 : i32
      scf.if %cond3A_15 {
        "tpu.region"() ({
          %run_scoped3A = tpu.sem_alloc : memref<!tpu.dma_semaphore, #tpu.memory_space<semaphore_mem>>
          %dma_start3A = arith.constant 93840 : i32
          %dma_start3A_32 = arith.constant 0 : i32
          %dma_start3A_33 = tpu.memref_slice %arg14[%dma_start3A, %dma_start3A_32] : memref<100000x32xbf16, #tpu.memory_space<vmem_shared>> -> memref<6160x32xbf16, #tpu.memory_space<vmem_shared>>
          %dma_start3A_34 = arith.constant 93840 : i32
          %dma_start3A_35 = arith.constant 0 : i32
          %dma_start3A_36 = tpu.memref_slice %arg7[%dma_start3A_34, %dma_start3A_35] : memref<100000x32xbf16, #tpu.memory_space<hbm>> -> memref<6160x32xbf16, #tpu.memory_space<hbm>>
          tpu.enqueue_dma source(%dma_start3A_36 : memref<6160x32xbf16, #tpu.memory_space<hbm>>) target(%dma_start3A_33 : memref<6160x32xbf16, #tpu.memory_space<vmem_shared>>) target_semaphore(%run_scoped3A : memref<!tpu.dma_semaphore, #tpu.memory_space<semaphore_mem>>)
          %dma_wait3A = arith.constant 93840 : i32
          %dma_wait3A_37 = arith.constant 0 : i32
          %dma_wait3A_38 = tpu.memref_slice %arg14[%dma_wait3A, %dma_wait3A_37] : memref<100000x32xbf16, #tpu.memory_space<vmem_shared>> -> memref<6160x32xbf16, #tpu.memory_space<vmem_shared>>
          %dma_wait3A_39 = arith.constant 93840 : i32
          %dma_wait3A_40 = arith.constant 0 : i32
          %dma_wait3A_41 = tpu.memref_slice %arg7[%dma_wait3A_39, %dma_wait3A_40] : memref<100000x32xbf16, #tpu.memory_space<hbm>> -> memref<6160x32xbf16, #tpu.memory_space<hbm>>
          tpu.wait_dma2 semaphore(%run_scoped3A : memref<!tpu.dma_semaphore, #tpu.memory_space<semaphore_mem>>) src(%dma_wait3A_41 : memref<6160x32xbf16, #tpu.memory_space<hbm>>) dst(%dma_wait3A_38 : memref<6160x32xbf16, #tpu.memory_space<vmem_shared>>)
          tpu.yield
        }) : () -> ()
      } else {
      }
      %barrier3A = arith.constant 0 : index
      tpu.barrier barrier_id(%barrier3A)
      %scan3A = arith.constant 0 : i32
      %scan3A_16 = arith.constant 0 : i32
      %scan3A_17 = arith.constant 196 : i32
      %scan3A_18 = arith.addi %scan3A_16, %scan3A_17 : i32
      %scan3A_19 = arith.constant 1 : i32
      scf.for %scan3A_32 = %scan3A_16 to %scan3A_18 step %scan3A_19  : i32 {
        %mul3A = arith.constant 16 : i32
        %mul3A_33 = arith.muli %scan3A_32, %mul3A : i32
        %add3A = arith.addi %mul3A_33, %arg1 : i32
        %lt3A_34 = arith.constant 3125 : i32
        %lt3A_35 = arith.cmpi slt, %add3A, %lt3A_34 : i32
        %convert_element_type3A_36 = arith.extui %lt3A_35 : i1 to i32
        %cond3A_37 = arith.constant 0 : i32
        %cond3A_38 = arith.cmpi ne, %convert_element_type3A_36, %cond3A_37 : i32
        scf.if %cond3A_38 {
          %mul3A_39 = arith.constant 4 : i32
          %mul3A_40 = arith.muli %add3A, %mul3A_39 : i32
          %mul3A_41 = arith.constant 512 : i32
          %mul3A_42 = arith.muli %add3A, %mul3A_41 : i32
          "tpu.region"() ({
            %run_scoped3A_138 = tpu.sem_alloc : memref<!tpu.dma_semaphore, #tpu.memory_space<semaphore_mem>>
            %dma_start3A_139 = arith.constant 0 : i32
            %dma_start3A_140 = tpu.memref_slice %arg4[%mul3A_40, %dma_start3A_139] : memref<12500x128xi32, #tpu.memory_space<hbm>> -> memref<4x128xi32, #tpu.memory_space<hbm>>
            %dma_start3A_141 = arith.constant 0 : i32
            %dma_start3A_142 = tpu.memref_slice %arg4[%mul3A_40, %dma_start3A_141] : memref<12500x128xi32, #tpu.memory_space<hbm>> -> memref<4x128xi32, #tpu.memory_space<hbm>>
            tpu.enqueue_dma source(%dma_start3A_142 : memref<4x128xi32, #tpu.memory_space<hbm>>) target(%arg10 : memref<4x128xi32, #tpu.memory_space<vmem>>) target_semaphore(%run_scoped3A_138 : memref<!tpu.dma_semaphore, #tpu.memory_space<semaphore_mem>>)
            %dma_wait3A_143 = arith.constant 0 : i32
            %dma_wait3A_144 = tpu.memref_slice %arg4[%mul3A_40, %dma_wait3A_143] : memref<12500x128xi32, #tpu.memory_space<hbm>> -> memref<4x128xi32, #tpu.memory_space<hbm>>
            %dma_wait3A_145 = arith.constant 0 : i32
            %dma_wait3A_146 = tpu.memref_slice %arg4[%mul3A_40, %dma_wait3A_145] : memref<12500x128xi32, #tpu.memory_space<hbm>> -> memref<4x128xi32, #tpu.memory_space<hbm>>
            tpu.wait_dma2 semaphore(%run_scoped3A_138 : memref<!tpu.dma_semaphore, #tpu.memory_space<semaphore_mem>>) src(%dma_wait3A_146 : memref<4x128xi32, #tpu.memory_space<hbm>>) dst(%arg10 : memref<4x128xi32, #tpu.memory_space<vmem>>)
            tpu.yield
          }) : () -> ()
          "tpu.region"() ({
            %run_scoped3A_138 = tpu.sem_alloc : memref<!tpu.dma_semaphore, #tpu.memory_space<semaphore_mem>>
            %dma_start3A_139 = arith.constant 0 : i32
            %dma_start3A_140 = tpu.memref_slice %arg5[%mul3A_40, %dma_start3A_139] : memref<12500x128xi32, #tpu.memory_space<hbm>> -> memref<4x128xi32, #tpu.memory_space<hbm>>
            %dma_start3A_141 = arith.constant 0 : i32
            %dma_start3A_142 = tpu.memref_slice %arg5[%mul3A_40, %dma_start3A_141] : memref<12500x128xi32, #tpu.memory_space<hbm>> -> memref<4x128xi32, #tpu.memory_space<hbm>>
            tpu.enqueue_dma source(%dma_start3A_142 : memref<4x128xi32, #tpu.memory_space<hbm>>) target(%arg11 : memref<4x128xi32, #tpu.memory_space<vmem>>) target_semaphore(%run_scoped3A_138 : memref<!tpu.dma_semaphore, #tpu.memory_space<semaphore_mem>>)
            %dma_wait3A_143 = arith.constant 0 : i32
            %dma_wait3A_144 = tpu.memref_slice %arg5[%mul3A_40, %dma_wait3A_143] : memref<12500x128xi32, #tpu.memory_space<hbm>> -> memref<4x128xi32, #tpu.memory_space<hbm>>
            %dma_wait3A_145 = arith.constant 0 : i32
            %dma_wait3A_146 = tpu.memref_slice %arg5[%mul3A_40, %dma_wait3A_145] : memref<12500x128xi32, #tpu.memory_space<hbm>> -> memref<4x128xi32, #tpu.memory_space<hbm>>
            tpu.wait_dma2 semaphore(%run_scoped3A_138 : memref<!tpu.dma_semaphore, #tpu.memory_space<semaphore_mem>>) src(%dma_wait3A_146 : memref<4x128xi32, #tpu.memory_space<hbm>>) dst(%arg11 : memref<4x128xi32, #tpu.memory_space<vmem>>)
            tpu.yield
          }) : () -> ()
          %dma_start3A = arith.constant 32 : i32
          %dma_start3A_43 = tpu.memref_slice %arg6[%mul3A_42, %dma_start3A] : memref<1600000x128xf32, #tpu.memory_space<hbm>> -> memref<512x32xf32, #tpu.memory_space<hbm>>
          %dma_start3A_44 = arith.constant 32 : i32
          %dma_start3A_45 = tpu.memref_slice %arg6[%mul3A_42, %dma_start3A_44] : memref<1600000x128xf32, #tpu.memory_space<hbm>> -> memref<512x32xf32, #tpu.memory_space<hbm>>
          tpu.enqueue_dma source(%dma_start3A_45 : memref<512x32xf32, #tpu.memory_space<hbm>>) target(%arg13 : memref<512x32xf32, #tpu.memory_space<vmem>>) target_semaphore(%arg16 : memref<!tpu.dma_semaphore, #tpu.memory_space<semaphore_mem>>)
          %dma_start3A_46 = arith.constant 0 : i32
          %dma_start3A_47 = arith.constant 0 : i32
          %dma_start3A_48 = arith.constant 0 : i32
          %dma_start3A_49 = tpu.memref_slice %arg12[%dma_start3A_47, %dma_start3A_48] : memref<512x32xbf16, #tpu.memory_space<vmem>> -> memref<128x32xbf16, #tpu.memory_space<vmem>>
          %dma_start3A_50 = arith.constant 0 : i32
          %dma_start3A_51 = tpu.memref_slice %arg10[%dma_start3A_46, %dma_start3A_50] : memref<4x128xi32, #tpu.memory_space<vmem>> -> memref<1x128xi32, #tpu.memory_space<vmem>>
          %dma_start3A_52 = tpu.memref_squeeze %dma_start3A_51 : memref<1x128xi32, #tpu.memory_space<vmem>> -> memref<128xi32, #tpu.memory_space<vmem>>
          %dma_start3A_53 = arith.constant 0 : i32
          %dma_start3A_54 = arith.constant 0 : i32
          %dma_start3A_55 = tpu.memref_slice %arg3[%dma_start3A_53, %dma_start3A_54] : memref<100000x32xbf16, #tpu.memory_space<hbm>> -> memref<100000x32xbf16, #tpu.memory_space<hbm>>
          tpu.enqueue_indirect_dma source(%dma_start3A_55 : memref<100000x32xbf16, #tpu.memory_space<hbm>>) target(%dma_start3A_49 : memref<128x32xbf16, #tpu.memory_space<vmem>>) offsets(%dma_start3A_52 : memref<128xi32, #tpu.memory_space<vmem>>) semaphore(%arg15 : memref<!tpu.dma_semaphore, #tpu.memory_space<semaphore_mem>>)
          %dma_start3A_56 = arith.constant 1 : i32
          %dma_start3A_57 = arith.constant 128 : i32
          %dma_start3A_58 = arith.constant 0 : i32
          %dma_start3A_59 = tpu.memref_slice %arg12[%dma_start3A_57, %dma_start3A_58] : memref<512x32xbf16, #tpu.memory_space<vmem>> -> memref<128x32xbf16, #tpu.memory_space<vmem>>
          %dma_start3A_60 = arith.constant 0 : i32
          %dma_start3A_61 = tpu.memref_slice %arg10[%dma_start3A_56, %dma_start3A_60] : memref<4x128xi32, #tpu.memory_space<vmem>> -> memref<1x128xi32, #tpu.memory_space<vmem>>
          %dma_start3A_62 = tpu.memref_squeeze %dma_start3A_61 : memref<1x128xi32, #tpu.memory_space<vmem>> -> memref<128xi32, #tpu.memory_space<vmem>>
          %dma_start3A_63 = arith.constant 0 : i32
          %dma_start3A_64 = arith.constant 0 : i32
          %dma_start3A_65 = tpu.memref_slice %arg3[%dma_start3A_63, %dma_start3A_64] : memref<100000x32xbf16, #tpu.memory_space<hbm>> -> memref<100000x32xbf16, #tpu.memory_space<hbm>>
          tpu.enqueue_indirect_dma source(%dma_start3A_65 : memref<100000x32xbf16, #tpu.memory_space<hbm>>) target(%dma_start3A_59 : memref<128x32xbf16, #tpu.memory_space<vmem>>) offsets(%dma_start3A_62 : memref<128xi32, #tpu.memory_space<vmem>>) semaphore(%arg15 : memref<!tpu.dma_semaphore, #tpu.memory_space<semaphore_mem>>)
          %dma_start3A_66 = arith.constant 2 : i32
          %dma_start3A_67 = arith.constant 256 : i32
          %dma_start3A_68 = arith.constant 0 : i32
          %dma_start3A_69 = tpu.memref_slice %arg12[%dma_start3A_67, %dma_start3A_68] : memref<512x32xbf16, #tpu.memory_space<vmem>> -> memref<128x32xbf16, #tpu.memory_space<vmem>>
          %dma_start3A_70 = arith.constant 0 : i32
          %dma_start3A_71 = tpu.memref_slice %arg10[%dma_start3A_66, %dma_start3A_70] : memref<4x128xi32, #tpu.memory_space<vmem>> -> memref<1x128xi32, #tpu.memory_space<vmem>>
          %dma_start3A_72 = tpu.memref_squeeze %dma_start3A_71 : memref<1x128xi32, #tpu.memory_space<vmem>> -> memref<128xi32, #tpu.memory_space<vmem>>
          %dma_start3A_73 = arith.constant 0 : i32
          %dma_start3A_74 = arith.constant 0 : i32
          %dma_start3A_75 = tpu.memref_slice %arg3[%dma_start3A_73, %dma_start3A_74] : memref<100000x32xbf16, #tpu.memory_space<hbm>> -> memref<100000x32xbf16, #tpu.memory_space<hbm>>
          tpu.enqueue_indirect_dma source(%dma_start3A_75 : memref<100000x32xbf16, #tpu.memory_space<hbm>>) target(%dma_start3A_69 : memref<128x32xbf16, #tpu.memory_space<vmem>>) offsets(%dma_start3A_72 : memref<128xi32, #tpu.memory_space<vmem>>) semaphore(%arg15 : memref<!tpu.dma_semaphore, #tpu.memory_space<semaphore_mem>>)
          %dma_start3A_76 = arith.constant 3 : i32
          %dma_start3A_77 = arith.constant 384 : i32
          %dma_start3A_78 = arith.constant 0 : i32
          %dma_start3A_79 = tpu.memref_slice %arg12[%dma_start3A_77, %dma_start3A_78] : memref<512x32xbf16, #tpu.memory_space<vmem>> -> memref<128x32xbf16, #tpu.memory_space<vmem>>
          %dma_start3A_80 = arith.constant 0 : i32
          %dma_start3A_81 = tpu.memref_slice %arg10[%dma_start3A_76, %dma_start3A_80] : memref<4x128xi32, #tpu.memory_space<vmem>> -> memref<1x128xi32, #tpu.memory_space<vmem>>
          %dma_start3A_82 = tpu.memref_squeeze %dma_start3A_81 : memref<1x128xi32, #tpu.memory_space<vmem>> -> memref<128xi32, #tpu.memory_space<vmem>>
          %dma_start3A_83 = arith.constant 0 : i32
          %dma_start3A_84 = arith.constant 0 : i32
          %dma_start3A_85 = tpu.memref_slice %arg3[%dma_start3A_83, %dma_start3A_84] : memref<100000x32xbf16, #tpu.memory_space<hbm>> -> memref<100000x32xbf16, #tpu.memory_space<hbm>>
          tpu.enqueue_indirect_dma source(%dma_start3A_85 : memref<100000x32xbf16, #tpu.memory_space<hbm>>) target(%dma_start3A_79 : memref<128x32xbf16, #tpu.memory_space<vmem>>) offsets(%dma_start3A_82 : memref<128xi32, #tpu.memory_space<vmem>>) semaphore(%arg15 : memref<!tpu.dma_semaphore, #tpu.memory_space<semaphore_mem>>)
          %dma_wait3A = arith.constant 0 : i32
          %dma_wait3A_86 = arith.constant 0 : i32
          %dma_wait3A_87 = arith.constant 0 : i32
          %dma_wait3A_88 = tpu.memref_slice %arg12[%dma_wait3A_86, %dma_wait3A_87] : memref<512x32xbf16, #tpu.memory_space<vmem>> -> memref<128x32xbf16, #tpu.memory_space<vmem>>
          %dma_wait3A_89 = arith.constant 0 : i32
          %dma_wait3A_90 = tpu.memref_slice %arg10[%dma_wait3A, %dma_wait3A_89] : memref<4x128xi32, #tpu.memory_space<vmem>> -> memref<1x128xi32, #tpu.memory_space<vmem>>
          %dma_wait3A_91 = tpu.memref_squeeze %dma_wait3A_90 : memref<1x128xi32, #tpu.memory_space<vmem>> -> memref<128xi32, #tpu.memory_space<vmem>>
          %dma_wait3A_92 = arith.constant 0 : i32
          %dma_wait3A_93 = arith.constant 0 : i32
          %dma_wait3A_94 = tpu.memref_slice %arg3[%dma_wait3A_92, %dma_wait3A_93] : memref<100000x32xbf16, #tpu.memory_space<hbm>> -> memref<100000x32xbf16, #tpu.memory_space<hbm>>
          tpu.wait_indirect_dma semaphore(%arg15 : memref<!tpu.dma_semaphore, #tpu.memory_space<semaphore_mem>>) src(%dma_wait3A_94 : memref<100000x32xbf16, #tpu.memory_space<hbm>>) dst(%dma_wait3A_88 : memref<128x32xbf16, #tpu.memory_space<vmem>>)
          %dma_wait3A_95 = arith.constant 1 : i32
          %dma_wait3A_96 = arith.constant 128 : i32
          %dma_wait3A_97 = arith.constant 0 : i32
          %dma_wait3A_98 = tpu.memref_slice %arg12[%dma_wait3A_96, %dma_wait3A_97] : memref<512x32xbf16, #tpu.memory_space<vmem>> -> memref<128x32xbf16, #tpu.memory_space<vmem>>
          %dma_wait3A_99 = arith.constant 0 : i32
          %dma_wait3A_100 = tpu.memref_slice %arg10[%dma_wait3A_95, %dma_wait3A_99] : memref<4x128xi32, #tpu.memory_space<vmem>> -> memref<1x128xi32, #tpu.memory_space<vmem>>
          %dma_wait3A_101 = tpu.memref_squeeze %dma_wait3A_100 : memref<1x128xi32, #tpu.memory_space<vmem>> -> memref<128xi32, #tpu.memory_space<vmem>>
          %dma_wait3A_102 = arith.constant 0 : i32
          %dma_wait3A_103 = arith.constant 0 : i32
          %dma_wait3A_104 = tpu.memref_slice %arg3[%dma_wait3A_102, %dma_wait3A_103] : memref<100000x32xbf16, #tpu.memory_space<hbm>> -> memref<100000x32xbf16, #tpu.memory_space<hbm>>
          tpu.wait_indirect_dma semaphore(%arg15 : memref<!tpu.dma_semaphore, #tpu.memory_space<semaphore_mem>>) src(%dma_wait3A_104 : memref<100000x32xbf16, #tpu.memory_space<hbm>>) dst(%dma_wait3A_98 : memref<128x32xbf16, #tpu.memory_space<vmem>>)
          %dma_wait3A_105 = arith.constant 2 : i32
          %dma_wait3A_106 = arith.constant 256 : i32
          %dma_wait3A_107 = arith.constant 0 : i32
          %dma_wait3A_108 = tpu.memref_slice %arg12[%dma_wait3A_106, %dma_wait3A_107] : memref<512x32xbf16, #tpu.memory_space<vmem>> -> memref<128x32xbf16, #tpu.memory_space<vmem>>
          %dma_wait3A_109 = arith.constant 0 : i32
          %dma_wait3A_110 = tpu.memref_slice %arg10[%dma_wait3A_105, %dma_wait3A_109] : memref<4x128xi32, #tpu.memory_space<vmem>> -> memref<1x128xi32, #tpu.memory_space<vmem>>
          %dma_wait3A_111 = tpu.memref_squeeze %dma_wait3A_110 : memref<1x128xi32, #tpu.memory_space<vmem>> -> memref<128xi32, #tpu.memory_space<vmem>>
          %dma_wait3A_112 = arith.constant 0 : i32
          %dma_wait3A_113 = arith.constant 0 : i32
          %dma_wait3A_114 = tpu.memref_slice %arg3[%dma_wait3A_112, %dma_wait3A_113] : memref<100000x32xbf16, #tpu.memory_space<hbm>> -> memref<100000x32xbf16, #tpu.memory_space<hbm>>
          tpu.wait_indirect_dma semaphore(%arg15 : memref<!tpu.dma_semaphore, #tpu.memory_space<semaphore_mem>>) src(%dma_wait3A_114 : memref<100000x32xbf16, #tpu.memory_space<hbm>>) dst(%dma_wait3A_108 : memref<128x32xbf16, #tpu.memory_space<vmem>>)
          %dma_wait3A_115 = arith.constant 3 : i32
          %dma_wait3A_116 = arith.constant 384 : i32
          %dma_wait3A_117 = arith.constant 0 : i32
          %dma_wait3A_118 = tpu.memref_slice %arg12[%dma_wait3A_116, %dma_wait3A_117] : memref<512x32xbf16, #tpu.memory_space<vmem>> -> memref<128x32xbf16, #tpu.memory_space<vmem>>
          %dma_wait3A_119 = arith.constant 0 : i32
          %dma_wait3A_120 = tpu.memref_slice %arg10[%dma_wait3A_115, %dma_wait3A_119] : memref<4x128xi32, #tpu.memory_space<vmem>> -> memref<1x128xi32, #tpu.memory_space<vmem>>
          %dma_wait3A_121 = tpu.memref_squeeze %dma_wait3A_120 : memref<1x128xi32, #tpu.memory_space<vmem>> -> memref<128xi32, #tpu.memory_space<vmem>>
          %dma_wait3A_122 = arith.constant 0 : i32
          %dma_wait3A_123 = arith.constant 0 : i32
          %dma_wait3A_124 = tpu.memref_slice %arg3[%dma_wait3A_122, %dma_wait3A_123] : memref<100000x32xbf16, #tpu.memory_space<hbm>> -> memref<100000x32xbf16, #tpu.memory_space<hbm>>
          tpu.wait_indirect_dma semaphore(%arg15 : memref<!tpu.dma_semaphore, #tpu.memory_space<semaphore_mem>>) src(%dma_wait3A_124 : memref<100000x32xbf16, #tpu.memory_space<hbm>>) dst(%dma_wait3A_118 : memref<128x32xbf16, #tpu.memory_space<vmem>>)
          %dma_wait3A_125 = arith.constant 32 : i32
          %dma_wait3A_126 = tpu.memref_slice %arg6[%mul3A_42, %dma_wait3A_125] : memref<1600000x128xf32, #tpu.memory_space<hbm>> -> memref<512x32xf32, #tpu.memory_space<hbm>>
          %dma_wait3A_127 = arith.constant 32 : i32
          %dma_wait3A_128 = tpu.memref_slice %arg6[%mul3A_42, %dma_wait3A_127] : memref<1600000x128xf32, #tpu.memory_space<hbm>> -> memref<512x32xf32, #tpu.memory_space<hbm>>
          tpu.wait_dma2 semaphore(%arg16 : memref<!tpu.dma_semaphore, #tpu.memory_space<semaphore_mem>>) src(%dma_wait3A_128 : memref<512x32xf32, #tpu.memory_space<hbm>>) dst(%arg13 : memref<512x32xf32, #tpu.memory_space<vmem>>)
          %scan3A_129 = arith.constant 0 : i32
          %scan3A_130 = arith.constant 0 : i32
          %scan3A_131 = arith.constant 128 : i32
          %scan3A_132 = arith.addi %scan3A_130, %scan3A_131 : i32
          %scan3A_133 = arith.constant 1 : i32
          scf.for %scan3A_138 = %scan3A_130 to %scan3A_132 step %scan3A_133  : i32 {
            %mul3A_139 = arith.constant 4 : i32
            %mul3A_140 = arith.muli %scan3A_138, %mul3A_139 : i32
            %add3A_141 = arith.constant 0 : i32
            %add3A_142 = arith.addi %mul3A_140, %add3A_141 : i32
            %get3A = arith.index_cast %add3A_142 : i32 to index
            %get3A_143 = arith.constant 0 : index
            %get3A_144 = tpu.vector_load %arg13[%get3A, %get3A_143] {strides = array<i32>} : memref<512x32xf32, #tpu.memory_space<vmem>>, vector<16xf32>,
            %get3A_145 = arith.index_cast %add3A_142 : i32 to index
            %get3A_146 = arith.constant 16 : index
            %get3A_147 = tpu.vector_load %arg13[%get3A_145, %get3A_146] {strides = array<i32>} : memref<512x32xf32, #tpu.memory_space<vmem>>, vector<16xf32>,
            %pack3A = tpu.pack_subelements %get3A_144, %get3A_147 {pack_format = #tpu.pack_format<interleaved>, positions = array<i32: 0, 1>} : vector<16xf32>, vector<16xf32> -> vector<32xbf16>
            %get3A_148 = arith.index_cast %add3A_142 : i32 to index
            %get3A_149 = arith.constant 0 : index
            %get3A_150 = tpu.vector_load %arg12[%get3A_148, %get3A_149] {strides = array<i32>} : memref<512x32xbf16, #tpu.memory_space<vmem>>, vector<32xbf16>,
            %mul3A_151 = arith.mulf %get3A_150, %pack3A : vector<32xbf16>
            %swap3A = arith.index_cast %add3A_142 : i32 to index
            %swap3A_152 = arith.constant 0 : index
            %swap3A_153 = tpu.vector_load %arg12[%swap3A, %swap3A_152] {strides = array<i32>} : memref<512x32xbf16, #tpu.memory_space<vmem>>, vector<32xbf16>,
            tpu.vector_store %arg12[%swap3A, %swap3A_152], %mul3A_151 {strides = array<i32>} : memref<512x32xbf16, #tpu.memory_space<vmem>>, vector<32xbf16>,
            %mul3A_154 = arith.constant 4 : i32
            %mul3A_155 = arith.muli %scan3A_138, %mul3A_154 : i32
            %add3A_156 = arith.constant 1 : i32
            %add3A_157 = arith.addi %mul3A_155, %add3A_156 : i32
            %get3A_158 = arith.index_cast %add3A_157 : i32 to index
            %get3A_159 = arith.constant 0 : index
            %get3A_160 = tpu.vector_load %arg13[%get3A_158, %get3A_159] {strides = array<i32>} : memref<512x32xf32, #tpu.memory_space<vmem>>, vector<16xf32>,
            %get3A_161 = arith.index_cast %add3A_157 : i32 to index
            %get3A_162 = arith.constant 16 : index
            %get3A_163 = tpu.vector_load %arg13[%get3A_161, %get3A_162] {strides = array<i32>} : memref<512x32xf32, #tpu.memory_space<vmem>>, vector<16xf32>,
            %pack3A_164 = tpu.pack_subelements %get3A_160, %get3A_163 {pack_format = #tpu.pack_format<interleaved>, positions = array<i32: 0, 1>} : vector<16xf32>, vector<16xf32> -> vector<32xbf16>
            %get3A_165 = arith.index_cast %add3A_157 : i32 to index
            %get3A_166 = arith.constant 0 : index
            %get3A_167 = tpu.vector_load %arg12[%get3A_165, %get3A_166] {strides = array<i32>} : memref<512x32xbf16, #tpu.memory_space<vmem>>, vector<32xbf16>,
            %mul3A_168 = arith.mulf %get3A_167, %pack3A_164 : vector<32xbf16>
            %swap3A_169 = arith.index_cast %add3A_157 : i32 to index
            %swap3A_170 = arith.constant 0 : index
            %swap3A_171 = tpu.vector_load %arg12[%swap3A_169, %swap3A_170] {strides = array<i32>} : memref<512x32xbf16, #tpu.memory_space<vmem>>, vector<32xbf16>,
            tpu.vector_store %arg12[%swap3A_169, %swap3A_170], %mul3A_168 {strides = array<i32>} : memref<512x32xbf16, #tpu.memory_space<vmem>>, vector<32xbf16>,
            %mul3A_172 = arith.constant 4 : i32
            %mul3A_173 = arith.muli %scan3A_138, %mul3A_172 : i32
            %add3A_174 = arith.constant 2 : i32
            %add3A_175 = arith.addi %mul3A_173, %add3A_174 : i32
            %get3A_176 = arith.index_cast %add3A_175 : i32 to index
            %get3A_177 = arith.constant 0 : index
            %get3A_178 = tpu.vector_load %arg13[%get3A_176, %get3A_177] {strides = array<i32>} : memref<512x32xf32, #tpu.memory_space<vmem>>, vector<16xf32>,
            %get3A_179 = arith.index_cast %add3A_175 : i32 to index
            %get3A_180 = arith.constant 16 : index
            %get3A_181 = tpu.vector_load %arg13[%get3A_179, %get3A_180] {strides = array<i32>} : memref<512x32xf32, #tpu.memory_space<vmem>>, vector<16xf32>,
            %pack3A_182 = tpu.pack_subelements %get3A_178, %get3A_181 {pack_format = #tpu.pack_format<interleaved>, positions = array<i32: 0, 1>} : vector<16xf32>, vector<16xf32> -> vector<32xbf16>
            %get3A_183 = arith.index_cast %add3A_175 : i32 to index
            %get3A_184 = arith.constant 0 : index
            %get3A_185 = tpu.vector_load %arg12[%get3A_183, %get3A_184] {strides = array<i32>} : memref<512x32xbf16, #tpu.memory_space<vmem>>, vector<32xbf16>,
            %mul3A_186 = arith.mulf %get3A_185, %pack3A_182 : vector<32xbf16>
            %swap3A_187 = arith.index_cast %add3A_175 : i32 to index
            %swap3A_188 = arith.constant 0 : index
            %swap3A_189 = tpu.vector_load %arg12[%swap3A_187, %swap3A_188] {strides = array<i32>} : memref<512x32xbf16, #tpu.memory_space<vmem>>, vector<32xbf16>,
            tpu.vector_store %arg12[%swap3A_187, %swap3A_188], %mul3A_186 {strides = array<i32>} : memref<512x32xbf16, #tpu.memory_space<vmem>>, vector<32xbf16>,
            %mul3A_190 = arith.constant 4 : i32
            %mul3A_191 = arith.muli %scan3A_138, %mul3A_190 : i32
            %add3A_192 = arith.constant 3 : i32
            %add3A_193 = arith.addi %mul3A_191, %add3A_192 : i32
            %get3A_194 = arith.index_cast %add3A_193 : i32 to index
            %get3A_195 = arith.constant 0 : index
            %get3A_196 = tpu.vector_load %arg13[%get3A_194, %get3A_195] {strides = array<i32>} : memref<512x32xf32, #tpu.memory_space<vmem>>, vector<16xf32>,
            %get3A_197 = arith.index_cast %add3A_193 : i32 to index
            %get3A_198 = arith.constant 16 : index
            %get3A_199 = tpu.vector_load %arg13[%get3A_197, %get3A_198] {strides = array<i32>} : memref<512x32xf32, #tpu.memory_space<vmem>>, vector<16xf32>,
            %pack3A_200 = tpu.pack_subelements %get3A_196, %get3A_199 {pack_format = #tpu.pack_format<interleaved>, positions = array<i32: 0, 1>} : vector<16xf32>, vector<16xf32> -> vector<32xbf16>
            %get3A_201 = arith.index_cast %add3A_193 : i32 to index
            %get3A_202 = arith.constant 0 : index
            %get3A_203 = tpu.vector_load %arg12[%get3A_201, %get3A_202] {strides = array<i32>} : memref<512x32xbf16, #tpu.memory_space<vmem>>, vector<32xbf16>,
            %mul3A_204 = arith.mulf %get3A_203, %pack3A_200 : vector<32xbf16>
            %swap3A_205 = arith.index_cast %add3A_193 : i32 to index
            %swap3A_206 = arith.constant 0 : index
            %swap3A_207 = tpu.vector_load %arg12[%swap3A_205, %swap3A_206] {strides = array<i32>} : memref<512x32xbf16, #tpu.memory_space<vmem>>, vector<32xbf16>,
            tpu.vector_store %arg12[%swap3A_205, %swap3A_206], %mul3A_204 {strides = array<i32>} : memref<512x32xbf16, #tpu.memory_space<vmem>>, vector<32xbf16>,
          }
          %scan3A_134 = arith.constant 128 : i32
          %run_scoped3A = arith.constant 0 : i32
          "tpu.region"() ({
            %run_scoped3A_138 = tpu.sem_alloc : memref<!tpu.dma_semaphore, #tpu.memory_space<semaphore_mem>>
            %dma_start3A_139 = arith.constant 0 : i32
            %dma_start3A_140 = arith.constant 0 : i32
            %dma_start3A_141 = tpu.memref_slice %arg12[%dma_start3A_139, %dma_start3A_140] : memref<512x32xbf16, #tpu.memory_space<vmem>> -> memref<128x32xbf16, #tpu.memory_space<vmem>>
            %dma_start3A_142 = arith.constant 0 : i32
            %dma_start3A_143 = tpu.memref_slice %arg11[%run_scoped3A, %dma_start3A_142] : memref<4x128xi32, #tpu.memory_space<vmem>> -> memref<1x128xi32, #tpu.memory_space<vmem>>
            %dma_start3A_144 = tpu.memref_squeeze %dma_start3A_143 : memref<1x128xi32, #tpu.memory_space<vmem>> -> memref<128xi32, #tpu.memory_space<vmem>>
            %dma_start3A_145 = arith.constant 0 : i32
            %dma_start3A_146 = arith.constant 0 : i32
            %dma_start3A_147 = tpu.memref_slice %arg14[%dma_start3A_145, %dma_start3A_146] : memref<100000x32xbf16, #tpu.memory_space<vmem_shared>> -> memref<100000x32xbf16, #tpu.memory_space<vmem_shared>>
            tpu.enqueue_indirect_dma source(%dma_start3A_141 : memref<128x32xbf16, #tpu.memory_space<vmem>>) target(%dma_start3A_147 : memref<100000x32xbf16, #tpu.memory_space<vmem_shared>>) offsets(%dma_start3A_144 : memref<128xi32, #tpu.memory_space<vmem>>) semaphore(%run_scoped3A_138 : memref<!tpu.dma_semaphore, #tpu.memory_space<semaphore_mem>>) {add = true}
            %dma_wait3A_148 = arith.constant 0 : i32
            %dma_wait3A_149 = arith.constant 0 : i32
            %dma_wait3A_150 = tpu.memref_slice %arg12[%dma_wait3A_148, %dma_wait3A_149] : memref<512x32xbf16, #tpu.memory_space<vmem>> -> memref<128x32xbf16, #tpu.memory_space<vmem>>
            %dma_wait3A_151 = arith.constant 0 : i32
            %dma_wait3A_152 = tpu.memref_slice %arg11[%run_scoped3A, %dma_wait3A_151] : memref<4x128xi32, #tpu.memory_space<vmem>> -> memref<1x128xi32, #tpu.memory_space<vmem>>
            %dma_wait3A_153 = tpu.memref_squeeze %dma_wait3A_152 : memref<1x128xi32, #tpu.memory_space<vmem>> -> memref<128xi32, #tpu.memory_space<vmem>>
            %dma_wait3A_154 = arith.constant 0 : i32
            %dma_wait3A_155 = arith.constant 0 : i32
            %dma_wait3A_156 = tpu.memref_slice %arg14[%dma_wait3A_154, %dma_wait3A_155] : memref<100000x32xbf16, #tpu.memory_space<vmem_shared>> -> memref<100000x32xbf16, #tpu.memory_space<vmem_shared>>
            tpu.wait_indirect_dma semaphore(%run_scoped3A_138 : memref<!tpu.dma_semaphore, #tpu.memory_space<semaphore_mem>>) src(%dma_wait3A_150 : memref<128x32xbf16, #tpu.memory_space<vmem>>) dst(%dma_wait3A_156 : memref<100000x32xbf16, #tpu.memory_space<vmem_shared>>)
            tpu.yield
          }) : () -> ()
          %run_scoped3A_135 = arith.constant 1 : i32
          "tpu.region"() ({
            %run_scoped3A_138 = tpu.sem_alloc : memref<!tpu.dma_semaphore, #tpu.memory_space<semaphore_mem>>
            %dma_start3A_139 = arith.constant 128 : i32
            %dma_start3A_140 = arith.constant 0 : i32
            %dma_start3A_141 = tpu.memref_slice %arg12[%dma_start3A_139, %dma_start3A_140] : memref<512x32xbf16, #tpu.memory_space<vmem>> -> memref<128x32xbf16, #tpu.memory_space<vmem>>
            %dma_start3A_142 = arith.constant 0 : i32
            %dma_start3A_143 = tpu.memref_slice %arg11[%run_scoped3A_135, %dma_start3A_142] : memref<4x128xi32, #tpu.memory_space<vmem>> -> memref<1x128xi32, #tpu.memory_space<vmem>>
            %dma_start3A_144 = tpu.memref_squeeze %dma_start3A_143 : memref<1x128xi32, #tpu.memory_space<vmem>> -> memref<128xi32, #tpu.memory_space<vmem>>
            %dma_start3A_145 = arith.constant 0 : i32
            %dma_start3A_146 = arith.constant 0 : i32
            %dma_start3A_147 = tpu.memref_slice %arg14[%dma_start3A_145, %dma_start3A_146] : memref<100000x32xbf16, #tpu.memory_space<vmem_shared>> -> memref<100000x32xbf16, #tpu.memory_space<vmem_shared>>
            tpu.enqueue_indirect_dma source(%dma_start3A_141 : memref<128x32xbf16, #tpu.memory_space<vmem>>) target(%dma_start3A_147 : memref<100000x32xbf16, #tpu.memory_space<vmem_shared>>) offsets(%dma_start3A_144 : memref<128xi32, #tpu.memory_space<vmem>>) semaphore(%run_scoped3A_138 : memref<!tpu.dma_semaphore, #tpu.memory_space<semaphore_mem>>) {add = true}
            %dma_wait3A_148 = arith.constant 128 : i32
            %dma_wait3A_149 = arith.constant 0 : i32
            %dma_wait3A_150 = tpu.memref_slice %arg12[%dma_wait3A_148, %dma_wait3A_149] : memref<512x32xbf16, #tpu.memory_space<vmem>> -> memref<128x32xbf16, #tpu.memory_space<vmem>>
            %dma_wait3A_151 = arith.constant 0 : i32
            %dma_wait3A_152 = tpu.memref_slice %arg11[%run_scoped3A_135, %dma_wait3A_151] : memref<4x128xi32, #tpu.memory_space<vmem>> -> memref<1x128xi32, #tpu.memory_space<vmem>>
            %dma_wait3A_153 = tpu.memref_squeeze %dma_wait3A_152 : memref<1x128xi32, #tpu.memory_space<vmem>> -> memref<128xi32, #tpu.memory_space<vmem>>
            %dma_wait3A_154 = arith.constant 0 : i32
            %dma_wait3A_155 = arith.constant 0 : i32
            %dma_wait3A_156 = tpu.memref_slice %arg14[%dma_wait3A_154, %dma_wait3A_155] : memref<100000x32xbf16, #tpu.memory_space<vmem_shared>> -> memref<100000x32xbf16, #tpu.memory_space<vmem_shared>>
            tpu.wait_indirect_dma semaphore(%run_scoped3A_138 : memref<!tpu.dma_semaphore, #tpu.memory_space<semaphore_mem>>) src(%dma_wait3A_150 : memref<128x32xbf16, #tpu.memory_space<vmem>>) dst(%dma_wait3A_156 : memref<100000x32xbf16, #tpu.memory_space<vmem_shared>>)
            tpu.yield
          }) : () -> ()
          %run_scoped3A_136 = arith.constant 2 : i32
          "tpu.region"() ({
            %run_scoped3A_138 = tpu.sem_alloc : memref<!tpu.dma_semaphore, #tpu.memory_space<semaphore_mem>>
            %dma_start3A_139 = arith.constant 256 : i32
            %dma_start3A_140 = arith.constant 0 : i32
            %dma_start3A_141 = tpu.memref_slice %arg12[%dma_start3A_139, %dma_start3A_140] : memref<512x32xbf16, #tpu.memory_space<vmem>> -> memref<128x32xbf16, #tpu.memory_space<vmem>>
            %dma_start3A_142 = arith.constant 0 : i32
            %dma_start3A_143 = tpu.memref_slice %arg11[%run_scoped3A_136, %dma_start3A_142] : memref<4x128xi32, #tpu.memory_space<vmem>> -> memref<1x128xi32, #tpu.memory_space<vmem>>
            %dma_start3A_144 = tpu.memref_squeeze %dma_start3A_143 : memref<1x128xi32, #tpu.memory_space<vmem>> -> memref<128xi32, #tpu.memory_space<vmem>>
            %dma_start3A_145 = arith.constant 0 : i32
            %dma_start3A_146 = arith.constant 0 : i32
            %dma_start3A_147 = tpu.memref_slice %arg14[%dma_start3A_145, %dma_start3A_146] : memref<100000x32xbf16, #tpu.memory_space<vmem_shared>> -> memref<100000x32xbf16, #tpu.memory_space<vmem_shared>>
            tpu.enqueue_indirect_dma source(%dma_start3A_141 : memref<128x32xbf16, #tpu.memory_space<vmem>>) target(%dma_start3A_147 : memref<100000x32xbf16, #tpu.memory_space<vmem_shared>>) offsets(%dma_start3A_144 : memref<128xi32, #tpu.memory_space<vmem>>) semaphore(%run_scoped3A_138 : memref<!tpu.dma_semaphore, #tpu.memory_space<semaphore_mem>>) {add = true}
            %dma_wait3A_148 = arith.constant 256 : i32
            %dma_wait3A_149 = arith.constant 0 : i32
            %dma_wait3A_150 = tpu.memref_slice %arg12[%dma_wait3A_148, %dma_wait3A_149] : memref<512x32xbf16, #tpu.memory_space<vmem>> -> memref<128x32xbf16, #tpu.memory_space<vmem>>
            %dma_wait3A_151 = arith.constant 0 : i32
            %dma_wait3A_152 = tpu.memref_slice %arg11[%run_scoped3A_136, %dma_wait3A_151] : memref<4x128xi32, #tpu.memory_space<vmem>> -> memref<1x128xi32, #tpu.memory_space<vmem>>
            %dma_wait3A_153 = tpu.memref_squeeze %dma_wait3A_152 : memref<1x128xi32, #tpu.memory_space<vmem>> -> memref<128xi32, #tpu.memory_space<vmem>>
            %dma_wait3A_154 = arith.constant 0 : i32
            %dma_wait3A_155 = arith.constant 0 : i32
            %dma_wait3A_156 = tpu.memref_slice %arg14[%dma_wait3A_154, %dma_wait3A_155] : memref<100000x32xbf16, #tpu.memory_space<vmem_shared>> -> memref<100000x32xbf16, #tpu.memory_space<vmem_shared>>
            tpu.wait_indirect_dma semaphore(%run_scoped3A_138 : memref<!tpu.dma_semaphore, #tpu.memory_space<semaphore_mem>>) src(%dma_wait3A_150 : memref<128x32xbf16, #tpu.memory_space<vmem>>) dst(%dma_wait3A_156 : memref<100000x32xbf16, #tpu.memory_space<vmem_shared>>)
            tpu.yield
          }) : () -> ()
          %run_scoped3A_137 = arith.constant 3 : i32
          "tpu.region"() ({
            %run_scoped3A_138 = tpu.sem_alloc : memref<!tpu.dma_semaphore, #tpu.memory_space<semaphore_mem>>
            %dma_start3A_139 = arith.constant 384 : i32
            %dma_start3A_140 = arith.constant 0 : i32
            %dma_start3A_141 = tpu.memref_slice %arg12[%dma_start3A_139, %dma_start3A_140] : memref<512x32xbf16, #tpu.memory_space<vmem>> -> memref<128x32xbf16, #tpu.memory_space<vmem>>
            %dma_start3A_142 = arith.constant 0 : i32
            %dma_start3A_143 = tpu.memref_slice %arg11[%run_scoped3A_137, %dma_start3A_142] : memref<4x128xi32, #tpu.memory_space<vmem>> -> memref<1x128xi32, #tpu.memory_space<vmem>>
            %dma_start3A_144 = tpu.memref_squeeze %dma_start3A_143 : memref<1x128xi32, #tpu.memory_space<vmem>> -> memref<128xi32, #tpu.memory_space<vmem>>
            %dma_start3A_145 = arith.constant 0 : i32
            %dma_start3A_146 = arith.constant 0 : i32
            %dma_start3A_147 = tpu.memref_slice %arg14[%dma_start3A_145, %dma_start3A_146] : memref<100000x32xbf16, #tpu.memory_space<vmem_shared>> -> memref<100000x32xbf16, #tpu.memory_space<vmem_shared>>
            tpu.enqueue_indirect_dma source(%dma_start3A_141 : memref<128x32xbf16, #tpu.memory_space<vmem>>) target(%dma_start3A_147 : memref<100000x32xbf16, #tpu.memory_space<vmem_shared>>) offsets(%dma_start3A_144 : memref<128xi32, #tpu.memory_space<vmem>>) semaphore(%run_scoped3A_138 : memref<!tpu.dma_semaphore, #tpu.memory_space<semaphore_mem>>) {add = true}
            %dma_wait3A_148 = arith.constant 384 : i32
            %dma_wait3A_149 = arith.constant 0 : i32
            %dma_wait3A_150 = tpu.memref_slice %arg12[%dma_wait3A_148, %dma_wait3A_149] : memref<512x32xbf16, #tpu.memory_space<vmem>> -> memref<128x32xbf16, #tpu.memory_space<vmem>>
            %dma_wait3A_151 = arith.constant 0 : i32
            %dma_wait3A_152 = tpu.memref_slice %arg11[%run_scoped3A_137, %dma_wait3A_151] : memref<4x128xi32, #tpu.memory_space<vmem>> -> memref<1x128xi32, #tpu.memory_space<vmem>>
            %dma_wait3A_153 = tpu.memref_squeeze %dma_wait3A_152 : memref<1x128xi32, #tpu.memory_space<vmem>> -> memref<128xi32, #tpu.memory_space<vmem>>
            %dma_wait3A_154 = arith.constant 0 : i32
            %dma_wait3A_155 = arith.constant 0 : i32
            %dma_wait3A_156 = tpu.memref_slice %arg14[%dma_wait3A_154, %dma_wait3A_155] : memref<100000x32xbf16, #tpu.memory_space<vmem_shared>> -> memref<100000x32xbf16, #tpu.memory_space<vmem_shared>>
            tpu.wait_indirect_dma semaphore(%run_scoped3A_138 : memref<!tpu.dma_semaphore, #tpu.memory_space<semaphore_mem>>) src(%dma_wait3A_150 : memref<128x32xbf16, #tpu.memory_space<vmem>>) dst(%dma_wait3A_156 : memref<100000x32xbf16, #tpu.memory_space<vmem_shared>>)
            tpu.yield
          }) : () -> ()
        } else {
        }
      }
      %scan3A_20 = arith.constant 196 : i32
      %barrier3A_21 = arith.constant 0 : index
      tpu.barrier barrier_id(%barrier3A_21)
      %lt3A_22 = arith.constant 15 : i32
      %lt3A_23 = arith.cmpi slt, %arg1, %lt3A_22 : i32
      %convert_element_type3A_24 = arith.extui %lt3A_23 : i1 to i32
      %cond3A_25 = arith.constant 0 : i32
      %cond3A_26 = arith.cmpi ne, %convert_element_type3A_24, %cond3A_25 : i32
      scf.if %cond3A_26 {
        %mul3A = arith.constant 6256 : i32
        %mul3A_32 = arith.muli %arg1, %mul3A : i32
        %multiple_of3A = tpu.assume_multiple %mul3A_32, 16 : i32
        "tpu.region"() ({
          %run_scoped3A = tpu.sem_alloc : memref<!tpu.dma_semaphore, #tpu.memory_space<semaphore_mem>>
          %dma_start3A = arith.constant 0 : i32
          %dma_start3A_33 = tpu.memref_slice %arg9[%multiple_of3A, %dma_start3A] : memref<100000x32xbf16, #tpu.memory_space<hbm>> -> memref<6256x32xbf16, #tpu.memory_space<hbm>>
          %dma_start3A_34 = arith.constant 0 : i32
          %dma_start3A_35 = tpu.memref_slice %arg14[%multiple_of3A, %dma_start3A_34] : memref<100000x32xbf16, #tpu.memory_space<vmem_shared>> -> memref<6256x32xbf16, #tpu.memory_space<vmem_shared>>
          tpu.enqueue_dma source(%dma_start3A_35 : memref<6256x32xbf16, #tpu.memory_space<vmem_shared>>) target(%dma_start3A_33 : memref<6256x32xbf16, #tpu.memory_space<hbm>>) target_semaphore(%run_scoped3A : memref<!tpu.dma_semaphore, #tpu.memory_space<semaphore_mem>>)
          %dma_wait3A = arith.constant 0 : i32
          %dma_wait3A_36 = tpu.memref_slice %arg9[%multiple_of3A, %dma_wait3A] : memref<100000x32xbf16, #tpu.memory_space<hbm>> -> memref<6256x32xbf16, #tpu.memory_space<hbm>>
          %dma_wait3A_37 = arith.constant 0 : i32
          %dma_wait3A_38 = tpu.memref_slice %arg14[%multiple_of3A, %dma_wait3A_37] : memref<100000x32xbf16, #tpu.memory_space<vmem_shared>> -> memref<6256x32xbf16, #tpu.memory_space<vmem_shared>>
          tpu.wait_dma2 semaphore(%run_scoped3A : memref<!tpu.dma_semaphore, #tpu.memory_space<semaphore_mem>>) src(%dma_wait3A_38 : memref<6256x32xbf16, #tpu.memory_space<vmem_shared>>) dst(%dma_wait3A_36 : memref<6256x32xbf16, #tpu.memory_space<hbm>>)
          tpu.yield
        }) : () -> ()
      } else {
      }
      %eq3A_27 = arith.constant 15 : i32
      %eq3A_28 = arith.cmpi eq, %arg1, %eq3A_27 : i32
      %convert_element_type3A_29 = arith.extui %eq3A_28 : i1 to i32
      %cond3A_30 = arith.constant 0 : i32
      %cond3A_31 = arith.cmpi ne, %convert_element_type3A_29, %cond3A_30 : i32
      scf.if %cond3A_31 {
        "tpu.region"() ({
          %run_scoped3A = tpu.sem_alloc : memref<!tpu.dma_semaphore, #tpu.memory_space<semaphore_mem>>
          %dma_start3A = arith.constant 93840 : i32
          %dma_start3A_32 = arith.constant 0 : i32
          %dma_start3A_33 = tpu.memref_slice %arg9[%dma_start3A, %dma_start3A_32] : memref<100000x32xbf16, #tpu.memory_space<hbm>> -> memref<6160x32xbf16, #tpu.memory_space<hbm>>
          %dma_start3A_34 = arith.constant 93840 : i32
          %dma_start3A_35 = arith.constant 0 : i32
          %dma_start3A_36 = tpu.memref_slice %arg14[%dma_start3A_34, %dma_start3A_35] : memref<100000x32xbf16, #tpu.memory_space<vmem_shared>> -> memref<6160x32xbf16, #tpu.memory_space<vmem_shared>>
          tpu.enqueue_dma source(%dma_start3A_36 : memref<6160x32xbf16, #tpu.memory_space<vmem_shared>>) target(%dma_start3A_33 : memref<6160x32xbf16, #tpu.memory_space<hbm>>) target_semaphore(%run_scoped3A : memref<!tpu.dma_semaphore, #tpu.memory_space<semaphore_mem>>)
          %dma_wait3A = arith.constant 93840 : i32
          %dma_wait3A_37 = arith.constant 0 : i32
          %dma_wait3A_38 = tpu.memref_slice %arg9[%dma_wait3A, %dma_wait3A_37] : memref<100000x32xbf16, #tpu.memory_space<hbm>> -> memref<6160x32xbf16, #tpu.memory_space<hbm>>
          %dma_wait3A_39 = arith.constant 93840 : i32
          %dma_wait3A_40 = arith.constant 0 : i32
          %dma_wait3A_41 = tpu.memref_slice %arg14[%dma_wait3A_39, %dma_wait3A_40] : memref<100000x32xbf16, #tpu.memory_space<vmem_shared>> -> memref<6160x32xbf16, #tpu.memory_space<vmem_shared>>
          tpu.wait_dma2 semaphore(%run_scoped3A : memref<!tpu.dma_semaphore, #tpu.memory_space<semaphore_mem>>) src(%dma_wait3A_41 : memref<6160x32xbf16, #tpu.memory_space<vmem_shared>>) dst(%dma_wait3A_38 : memref<6160x32xbf16, #tpu.memory_space<hbm>>)
          tpu.yield
        }) : () -> ()
      } else {
      }
    } else {
    }
    return
  }
}

#map = affine_map<(d0, d1) -> (0, 0)>
module attributes {stable_mosaic.version = 14 : i64} {
  func.func @body(%arg0: i32, %arg1: i32, %arg2: memref<100000x32xbf16, #tpu.memory_space<hbm>>, %arg3: memref<100000x32xbf16, #tpu.memory_space<hbm>>, %arg4: memref<12500x128xi32, #tpu.memory_space<hbm>>, %arg5: memref<12500x128xi32, #tpu.memory_space<hbm>>, %arg6: memref<1600000x128xf32, #tpu.memory_space<hbm>>, %arg7: memref<100000x32xbf16, #tpu.memory_space<hbm>>, %arg8: memref<100000x32xbf16, #tpu.memory_space<hbm>>, %arg9: memref<100000x32xbf16, #tpu.memory_space<hbm>>, %arg10: memref<4x128xi32, #tpu.memory_space<vmem>>, %arg11: memref<4x128xi32, #tpu.memory_space<vmem>>, %arg12: memref<512x32xbf16, #tpu.memory_space<vmem>>, %arg13: memref<512x32xf32, #tpu.memory_space<vmem>>, %arg14: memref<100000x32xbf16, #tpu.memory_space<vmem_shared>>, %arg15: memref<!tpu.dma_semaphore, #tpu.memory_space<semaphore_mem>>, %arg16: memref<!tpu.dma_semaphore, #tpu.memory_space<semaphore_mem>>) attributes {dimension_semantics = [#tpu.dimension_semantics<core_parallel>, #tpu.dimension_semantics<subcore_parallel>], iteration_bounds = array<i64: 2, 16>, scalar_prefetch = 0 : i64, scratch_operands = 7 : i64, tpu.core_type = #tpu.core_type<sc_vector_subcore>, window_params = [{transform_indices = #map}, {transform_indices = #map}, {transform_indices = #map}, {transform_indices = #map}, {transform_indices = #map}, {transform_indices = #map}, {transform_indices = #map}, {transform_indices = #map}]} {
    %eq3A = arith.constant 0 : i32
    %eq3A_0 = arith.cmpi eq, %arg0, %eq3A : i32
    %convert_element_type3A = arith.extui %eq3A_0 : i1 to i32
    %cond3A = arith.constant 0 : i32
    %cond3A_1 = arith.cmpi ne, %convert_element_type3A, %cond3A : i32
    scf.if %cond3A_1 {
      %lt3A = arith.constant 15 : i32
      %lt3A_7 = arith.cmpi slt, %arg1, %lt3A : i32
      %convert_element_type3A_8 = arith.extui %lt3A_7 : i1 to i32
      %cond3A_9 = arith.constant 0 : i32
      %cond3A_10 = arith.cmpi ne, %convert_element_type3A_8, %cond3A_9 : i32
      scf.if %cond3A_10 {
        %mul3A = arith.constant 6256 : i32
        %mul3A_32 = arith.muli %arg1, %mul3A : i32
        %multiple_of3A = tpu.assume_multiple %mul3A_32, 16 : i32
        "tpu.region"() ({
          %run_scoped3A = tpu.sem_alloc : memref<!tpu.dma_semaphore, #tpu.memory_space<semaphore_mem>>
          %dma_start3A = arith.constant 0 : i32
          %dma_start3A_33 = tpu.memref_slice %arg14[%multiple_of3A, %dma_start3A] : memref<100000x32xbf16, #tpu.memory_space<vmem_shared>> -> memref<6256x32xbf16, #tpu.memory_space<vmem_shared>>
          %dma_start3A_34 = arith.constant 0 : i32
          %dma_start3A_35 = tpu.memref_slice %arg7[%multiple_of3A, %dma_start3A_34] : memref<100000x32xbf16, #tpu.memory_space<hbm>> -> memref<6256x32xbf16, #tpu.memory_space<hbm>>
          tpu.enqueue_dma source(%dma_start3A_35 : memref<6256x32xbf16, #tpu.memory_space<hbm>>) target(%dma_start3A_33 : memref<6256x32xbf16, #tpu.memory_space<vmem_shared>>) target_semaphore(%run_scoped3A : memref<!tpu.dma_semaphore, #tpu.memory_space<semaphore_mem>>)
          %dma_wait3A = arith.constant 0 : i32
          %dma_wait3A_36 = tpu.memref_slice %arg14[%multiple_of3A, %dma_wait3A] : memref<100000x32xbf16, #tpu.memory_space<vmem_shared>> -> memref<6256x32xbf16, #tpu.memory_space<vmem_shared>>
          %dma_wait3A_37 = arith.constant 0 : i32
          %dma_wait3A_38 = tpu.memref_slice %arg7[%multiple_of3A, %dma_wait3A_37] : memref<100000x32xbf16, #tpu.memory_space<hbm>> -> memref<6256x32xbf16, #tpu.memory_space<hbm>>
          tpu.wait_dma2 semaphore(%run_scoped3A : memref<!tpu.dma_semaphore, #tpu.memory_space<semaphore_mem>>) src(%dma_wait3A_38 : memref<6256x32xbf16, #tpu.memory_space<hbm>>) dst(%dma_wait3A_36 : memref<6256x32xbf16, #tpu.memory_space<vmem_shared>>)
          tpu.yield
        }) : () -> ()
      } else {
      }
      %eq3A_11 = arith.constant 15 : i32
      %eq3A_12 = arith.cmpi eq, %arg1, %eq3A_11 : i32
      %convert_element_type3A_13 = arith.extui %eq3A_12 : i1 to i32
      %cond3A_14 = arith.constant 0 : i32
      %cond3A_15 = arith.cmpi ne, %convert_element_type3A_13, %cond3A_14 : i32
      scf.if %cond3A_15 {
        "tpu.region"() ({
          %run_scoped3A = tpu.sem_alloc : memref<!tpu.dma_semaphore, #tpu.memory_space<semaphore_mem>>
          %dma_start3A = arith.constant 93840 : i32
          %dma_start3A_32 = arith.constant 0 : i32
          %dma_start3A_33 = tpu.memref_slice %arg14[%dma_start3A, %dma_start3A_32] : memref<100000x32xbf16, #tpu.memory_space<vmem_shared>> -> memref<6160x32xbf16, #tpu.memory_space<vmem_shared>>
          %dma_start3A_34 = arith.constant 93840 : i32
          %dma_start3A_35 = arith.constant 0 : i32
          %dma_start3A_36 = tpu.memref_slice %arg7[%dma_start3A_34, %dma_start3A_35] : memref<100000x32xbf16, #tpu.memory_space<hbm>> -> memref<6160x32xbf16, #tpu.memory_space<hbm>>
          tpu.enqueue_dma source(%dma_start3A_36 : memref<6160x32xbf16, #tpu.memory_space<hbm>>) target(%dma_start3A_33 : memref<6160x32xbf16, #tpu.memory_space<vmem_shared>>) target_semaphore(%run_scoped3A : memref<!tpu.dma_semaphore, #tpu.memory_space<semaphore_mem>>)
          %dma_wait3A = arith.constant 93840 : i32
          %dma_wait3A_37 = arith.constant 0 : i32
          %dma_wait3A_38 = tpu.memref_slice %arg14[%dma_wait3A, %dma_wait3A_37] : memref<100000x32xbf16, #tpu.memory_space<vmem_shared>> -> memref<6160x32xbf16, #tpu.memory_space<vmem_shared>>
          %dma_wait3A_39 = arith.constant 93840 : i32
          %dma_wait3A_40 = arith.constant 0 : i32
          %dma_wait3A_41 = tpu.memref_slice %arg7[%dma_wait3A_39, %dma_wait3A_40] : memref<100000x32xbf16, #tpu.memory_space<hbm>> -> memref<6160x32xbf16, #tpu.memory_space<hbm>>
          tpu.wait_dma2 semaphore(%run_scoped3A : memref<!tpu.dma_semaphore, #tpu.memory_space<semaphore_mem>>) src(%dma_wait3A_41 : memref<6160x32xbf16, #tpu.memory_space<hbm>>) dst(%dma_wait3A_38 : memref<6160x32xbf16, #tpu.memory_space<vmem_shared>>)
          tpu.yield
        }) : () -> ()
      } else {
      }
      %barrier3A = arith.constant 0 : index
      tpu.barrier barrier_id(%barrier3A)
      %scan3A = arith.constant 0 : i32
      %scan3A_16 = arith.constant 0 : i32
      %scan3A_17 = arith.constant 196 : i32
      %scan3A_18 = arith.addi %scan3A_16, %scan3A_17 : i32
      %scan3A_19 = arith.constant 1 : i32
      scf.for %scan3A_32 = %scan3A_16 to %scan3A_18 step %scan3A_19  : i32 {
        %mul3A = arith.constant 16 : i32
        %mul3A_33 = arith.muli %scan3A_32, %mul3A : i32
        %add3A = arith.addi %mul3A_33, %arg1 : i32
        %lt3A_34 = arith.constant 3125 : i32
        %lt3A_35 = arith.cmpi slt, %add3A, %lt3A_34 : i32
        %convert_element_type3A_36 = arith.extui %lt3A_35 : i1 to i32
        %cond3A_37 = arith.constant 0 : i32
        %cond3A_38 = arith.cmpi ne, %convert_element_type3A_36, %cond3A_37 : i32
        scf.if %cond3A_38 {
          %mul3A_39 = arith.constant 4 : i32
          %mul3A_40 = arith.muli %add3A, %mul3A_39 : i32
          %mul3A_41 = arith.constant 512 : i32
          %mul3A_42 = arith.muli %add3A, %mul3A_41 : i32
          "tpu.region"() ({
            %run_scoped3A_138 = tpu.sem_alloc : memref<!tpu.dma_semaphore, #tpu.memory_space<semaphore_mem>>
            %dma_start3A_139 = arith.constant 0 : i32
            %dma_start3A_140 = tpu.memref_slice %arg4[%mul3A_40, %dma_start3A_139] : memref<12500x128xi32, #tpu.memory_space<hbm>> -> memref<4x128xi32, #tpu.memory_space<hbm>>
            %dma_start3A_141 = arith.constant 0 : i32
            %dma_start3A_142 = tpu.memref_slice %arg4[%mul3A_40, %dma_start3A_141] : memref<12500x128xi32, #tpu.memory_space<hbm>> -> memref<4x128xi32, #tpu.memory_space<hbm>>
            tpu.enqueue_dma source(%dma_start3A_142 : memref<4x128xi32, #tpu.memory_space<hbm>>) target(%arg10 : memref<4x128xi32, #tpu.memory_space<vmem>>) target_semaphore(%run_scoped3A_138 : memref<!tpu.dma_semaphore, #tpu.memory_space<semaphore_mem>>)
            %dma_wait3A_143 = arith.constant 0 : i32
            %dma_wait3A_144 = tpu.memref_slice %arg4[%mul3A_40, %dma_wait3A_143] : memref<12500x128xi32, #tpu.memory_space<hbm>> -> memref<4x128xi32, #tpu.memory_space<hbm>>
            %dma_wait3A_145 = arith.constant 0 : i32
            %dma_wait3A_146 = tpu.memref_slice %arg4[%mul3A_40, %dma_wait3A_145] : memref<12500x128xi32, #tpu.memory_space<hbm>> -> memref<4x128xi32, #tpu.memory_space<hbm>>
            tpu.wait_dma2 semaphore(%run_scoped3A_138 : memref<!tpu.dma_semaphore, #tpu.memory_space<semaphore_mem>>) src(%dma_wait3A_146 : memref<4x128xi32, #tpu.memory_space<hbm>>) dst(%arg10 : memref<4x128xi32, #tpu.memory_space<vmem>>)
            tpu.yield
          }) : () -> ()
          "tpu.region"() ({
            %run_scoped3A_138 = tpu.sem_alloc : memref<!tpu.dma_semaphore, #tpu.memory_space<semaphore_mem>>
            %dma_start3A_139 = arith.constant 0 : i32
            %dma_start3A_140 = tpu.memref_slice %arg5[%mul3A_40, %dma_start3A_139] : memref<12500x128xi32, #tpu.memory_space<hbm>> -> memref<4x128xi32, #tpu.memory_space<hbm>>
            %dma_start3A_141 = arith.constant 0 : i32
            %dma_start3A_142 = tpu.memref_slice %arg5[%mul3A_40, %dma_start3A_141] : memref<12500x128xi32, #tpu.memory_space<hbm>> -> memref<4x128xi32, #tpu.memory_space<hbm>>
            tpu.enqueue_dma source(%dma_start3A_142 : memref<4x128xi32, #tpu.memory_space<hbm>>) target(%arg11 : memref<4x128xi32, #tpu.memory_space<vmem>>) target_semaphore(%run_scoped3A_138 : memref<!tpu.dma_semaphore, #tpu.memory_space<semaphore_mem>>)
            %dma_wait3A_143 = arith.constant 0 : i32
            %dma_wait3A_144 = tpu.memref_slice %arg5[%mul3A_40, %dma_wait3A_143] : memref<12500x128xi32, #tpu.memory_space<hbm>> -> memref<4x128xi32, #tpu.memory_space<hbm>>
            %dma_wait3A_145 = arith.constant 0 : i32
            %dma_wait3A_146 = tpu.memref_slice %arg5[%mul3A_40, %dma_wait3A_145] : memref<12500x128xi32, #tpu.memory_space<hbm>> -> memref<4x128xi32, #tpu.memory_space<hbm>>
            tpu.wait_dma2 semaphore(%run_scoped3A_138 : memref<!tpu.dma_semaphore, #tpu.memory_space<semaphore_mem>>) src(%dma_wait3A_146 : memref<4x128xi32, #tpu.memory_space<hbm>>) dst(%arg11 : memref<4x128xi32, #tpu.memory_space<vmem>>)
            tpu.yield
          }) : () -> ()
          %dma_start3A = arith.constant 64 : i32
          %dma_start3A_43 = tpu.memref_slice %arg6[%mul3A_42, %dma_start3A] : memref<1600000x128xf32, #tpu.memory_space<hbm>> -> memref<512x32xf32, #tpu.memory_space<hbm>>
          %dma_start3A_44 = arith.constant 64 : i32
          %dma_start3A_45 = tpu.memref_slice %arg6[%mul3A_42, %dma_start3A_44] : memref<1600000x128xf32, #tpu.memory_space<hbm>> -> memref<512x32xf32, #tpu.memory_space<hbm>>
          tpu.enqueue_dma source(%dma_start3A_45 : memref<512x32xf32, #tpu.memory_space<hbm>>) target(%arg13 : memref<512x32xf32, #tpu.memory_space<vmem>>) target_semaphore(%arg16 : memref<!tpu.dma_semaphore, #tpu.memory_space<semaphore_mem>>)
          %dma_start3A_46 = arith.constant 0 : i32
          %dma_start3A_47 = arith.constant 0 : i32
          %dma_start3A_48 = arith.constant 0 : i32
          %dma_start3A_49 = tpu.memref_slice %arg12[%dma_start3A_47, %dma_start3A_48] : memref<512x32xbf16, #tpu.memory_space<vmem>> -> memref<128x32xbf16, #tpu.memory_space<vmem>>
          %dma_start3A_50 = arith.constant 0 : i32
          %dma_start3A_51 = tpu.memref_slice %arg10[%dma_start3A_46, %dma_start3A_50] : memref<4x128xi32, #tpu.memory_space<vmem>> -> memref<1x128xi32, #tpu.memory_space<vmem>>
          %dma_start3A_52 = tpu.memref_squeeze %dma_start3A_51 : memref<1x128xi32, #tpu.memory_space<vmem>> -> memref<128xi32, #tpu.memory_space<vmem>>
          %dma_start3A_53 = arith.constant 0 : i32
          %dma_start3A_54 = arith.constant 0 : i32
          %dma_start3A_55 = tpu.memref_slice %arg2[%dma_start3A_53, %dma_start3A_54] : memref<100000x32xbf16, #tpu.memory_space<hbm>> -> memref<100000x32xbf16, #tpu.memory_space<hbm>>
          tpu.enqueue_indirect_dma source(%dma_start3A_55 : memref<100000x32xbf16, #tpu.memory_space<hbm>>) target(%dma_start3A_49 : memref<128x32xbf16, #tpu.memory_space<vmem>>) offsets(%dma_start3A_52 : memref<128xi32, #tpu.memory_space<vmem>>) semaphore(%arg15 : memref<!tpu.dma_semaphore, #tpu.memory_space<semaphore_mem>>)
          %dma_start3A_56 = arith.constant 1 : i32
          %dma_start3A_57 = arith.constant 128 : i32
          %dma_start3A_58 = arith.constant 0 : i32
          %dma_start3A_59 = tpu.memref_slice %arg12[%dma_start3A_57, %dma_start3A_58] : memref<512x32xbf16, #tpu.memory_space<vmem>> -> memref<128x32xbf16, #tpu.memory_space<vmem>>
          %dma_start3A_60 = arith.constant 0 : i32
          %dma_start3A_61 = tpu.memref_slice %arg10[%dma_start3A_56, %dma_start3A_60] : memref<4x128xi32, #tpu.memory_space<vmem>> -> memref<1x128xi32, #tpu.memory_space<vmem>>
          %dma_start3A_62 = tpu.memref_squeeze %dma_start3A_61 : memref<1x128xi32, #tpu.memory_space<vmem>> -> memref<128xi32, #tpu.memory_space<vmem>>
          %dma_start3A_63 = arith.constant 0 : i32
          %dma_start3A_64 = arith.constant 0 : i32
          %dma_start3A_65 = tpu.memref_slice %arg2[%dma_start3A_63, %dma_start3A_64] : memref<100000x32xbf16, #tpu.memory_space<hbm>> -> memref<100000x32xbf16, #tpu.memory_space<hbm>>
          tpu.enqueue_indirect_dma source(%dma_start3A_65 : memref<100000x32xbf16, #tpu.memory_space<hbm>>) target(%dma_start3A_59 : memref<128x32xbf16, #tpu.memory_space<vmem>>) offsets(%dma_start3A_62 : memref<128xi32, #tpu.memory_space<vmem>>) semaphore(%arg15 : memref<!tpu.dma_semaphore, #tpu.memory_space<semaphore_mem>>)
          %dma_start3A_66 = arith.constant 2 : i32
          %dma_start3A_67 = arith.constant 256 : i32
          %dma_start3A_68 = arith.constant 0 : i32
          %dma_start3A_69 = tpu.memref_slice %arg12[%dma_start3A_67, %dma_start3A_68] : memref<512x32xbf16, #tpu.memory_space<vmem>> -> memref<128x32xbf16, #tpu.memory_space<vmem>>
          %dma_start3A_70 = arith.constant 0 : i32
          %dma_start3A_71 = tpu.memref_slice %arg10[%dma_start3A_66, %dma_start3A_70] : memref<4x128xi32, #tpu.memory_space<vmem>> -> memref<1x128xi32, #tpu.memory_space<vmem>>
          %dma_start3A_72 = tpu.memref_squeeze %dma_start3A_71 : memref<1x128xi32, #tpu.memory_space<vmem>> -> memref<128xi32, #tpu.memory_space<vmem>>
          %dma_start3A_73 = arith.constant 0 : i32
          %dma_start3A_74 = arith.constant 0 : i32
          %dma_start3A_75 = tpu.memref_slice %arg2[%dma_start3A_73, %dma_start3A_74] : memref<100000x32xbf16, #tpu.memory_space<hbm>> -> memref<100000x32xbf16, #tpu.memory_space<hbm>>
          tpu.enqueue_indirect_dma source(%dma_start3A_75 : memref<100000x32xbf16, #tpu.memory_space<hbm>>) target(%dma_start3A_69 : memref<128x32xbf16, #tpu.memory_space<vmem>>) offsets(%dma_start3A_72 : memref<128xi32, #tpu.memory_space<vmem>>) semaphore(%arg15 : memref<!tpu.dma_semaphore, #tpu.memory_space<semaphore_mem>>)
          %dma_start3A_76 = arith.constant 3 : i32
          %dma_start3A_77 = arith.constant 384 : i32
          %dma_start3A_78 = arith.constant 0 : i32
          %dma_start3A_79 = tpu.memref_slice %arg12[%dma_start3A_77, %dma_start3A_78] : memref<512x32xbf16, #tpu.memory_space<vmem>> -> memref<128x32xbf16, #tpu.memory_space<vmem>>
          %dma_start3A_80 = arith.constant 0 : i32
          %dma_start3A_81 = tpu.memref_slice %arg10[%dma_start3A_76, %dma_start3A_80] : memref<4x128xi32, #tpu.memory_space<vmem>> -> memref<1x128xi32, #tpu.memory_space<vmem>>
          %dma_start3A_82 = tpu.memref_squeeze %dma_start3A_81 : memref<1x128xi32, #tpu.memory_space<vmem>> -> memref<128xi32, #tpu.memory_space<vmem>>
          %dma_start3A_83 = arith.constant 0 : i32
          %dma_start3A_84 = arith.constant 0 : i32
          %dma_start3A_85 = tpu.memref_slice %arg2[%dma_start3A_83, %dma_start3A_84] : memref<100000x32xbf16, #tpu.memory_space<hbm>> -> memref<100000x32xbf16, #tpu.memory_space<hbm>>
          tpu.enqueue_indirect_dma source(%dma_start3A_85 : memref<100000x32xbf16, #tpu.memory_space<hbm>>) target(%dma_start3A_79 : memref<128x32xbf16, #tpu.memory_space<vmem>>) offsets(%dma_start3A_82 : memref<128xi32, #tpu.memory_space<vmem>>) semaphore(%arg15 : memref<!tpu.dma_semaphore, #tpu.memory_space<semaphore_mem>>)
          %dma_wait3A = arith.constant 0 : i32
          %dma_wait3A_86 = arith.constant 0 : i32
          %dma_wait3A_87 = arith.constant 0 : i32
          %dma_wait3A_88 = tpu.memref_slice %arg12[%dma_wait3A_86, %dma_wait3A_87] : memref<512x32xbf16, #tpu.memory_space<vmem>> -> memref<128x32xbf16, #tpu.memory_space<vmem>>
          %dma_wait3A_89 = arith.constant 0 : i32
          %dma_wait3A_90 = tpu.memref_slice %arg10[%dma_wait3A, %dma_wait3A_89] : memref<4x128xi32, #tpu.memory_space<vmem>> -> memref<1x128xi32, #tpu.memory_space<vmem>>
          %dma_wait3A_91 = tpu.memref_squeeze %dma_wait3A_90 : memref<1x128xi32, #tpu.memory_space<vmem>> -> memref<128xi32, #tpu.memory_space<vmem>>
          %dma_wait3A_92 = arith.constant 0 : i32
          %dma_wait3A_93 = arith.constant 0 : i32
          %dma_wait3A_94 = tpu.memref_slice %arg2[%dma_wait3A_92, %dma_wait3A_93] : memref<100000x32xbf16, #tpu.memory_space<hbm>> -> memref<100000x32xbf16, #tpu.memory_space<hbm>>
          tpu.wait_indirect_dma semaphore(%arg15 : memref<!tpu.dma_semaphore, #tpu.memory_space<semaphore_mem>>) src(%dma_wait3A_94 : memref<100000x32xbf16, #tpu.memory_space<hbm>>) dst(%dma_wait3A_88 : memref<128x32xbf16, #tpu.memory_space<vmem>>)
          %dma_wait3A_95 = arith.constant 1 : i32
          %dma_wait3A_96 = arith.constant 128 : i32
          %dma_wait3A_97 = arith.constant 0 : i32
          %dma_wait3A_98 = tpu.memref_slice %arg12[%dma_wait3A_96, %dma_wait3A_97] : memref<512x32xbf16, #tpu.memory_space<vmem>> -> memref<128x32xbf16, #tpu.memory_space<vmem>>
          %dma_wait3A_99 = arith.constant 0 : i32
          %dma_wait3A_100 = tpu.memref_slice %arg10[%dma_wait3A_95, %dma_wait3A_99] : memref<4x128xi32, #tpu.memory_space<vmem>> -> memref<1x128xi32, #tpu.memory_space<vmem>>
          %dma_wait3A_101 = tpu.memref_squeeze %dma_wait3A_100 : memref<1x128xi32, #tpu.memory_space<vmem>> -> memref<128xi32, #tpu.memory_space<vmem>>
          %dma_wait3A_102 = arith.constant 0 : i32
          %dma_wait3A_103 = arith.constant 0 : i32
          %dma_wait3A_104 = tpu.memref_slice %arg2[%dma_wait3A_102, %dma_wait3A_103] : memref<100000x32xbf16, #tpu.memory_space<hbm>> -> memref<100000x32xbf16, #tpu.memory_space<hbm>>
          tpu.wait_indirect_dma semaphore(%arg15 : memref<!tpu.dma_semaphore, #tpu.memory_space<semaphore_mem>>) src(%dma_wait3A_104 : memref<100000x32xbf16, #tpu.memory_space<hbm>>) dst(%dma_wait3A_98 : memref<128x32xbf16, #tpu.memory_space<vmem>>)
          %dma_wait3A_105 = arith.constant 2 : i32
          %dma_wait3A_106 = arith.constant 256 : i32
          %dma_wait3A_107 = arith.constant 0 : i32
          %dma_wait3A_108 = tpu.memref_slice %arg12[%dma_wait3A_106, %dma_wait3A_107] : memref<512x32xbf16, #tpu.memory_space<vmem>> -> memref<128x32xbf16, #tpu.memory_space<vmem>>
          %dma_wait3A_109 = arith.constant 0 : i32
          %dma_wait3A_110 = tpu.memref_slice %arg10[%dma_wait3A_105, %dma_wait3A_109] : memref<4x128xi32, #tpu.memory_space<vmem>> -> memref<1x128xi32, #tpu.memory_space<vmem>>
          %dma_wait3A_111 = tpu.memref_squeeze %dma_wait3A_110 : memref<1x128xi32, #tpu.memory_space<vmem>> -> memref<128xi32, #tpu.memory_space<vmem>>
          %dma_wait3A_112 = arith.constant 0 : i32
          %dma_wait3A_113 = arith.constant 0 : i32
          %dma_wait3A_114 = tpu.memref_slice %arg2[%dma_wait3A_112, %dma_wait3A_113] : memref<100000x32xbf16, #tpu.memory_space<hbm>> -> memref<100000x32xbf16, #tpu.memory_space<hbm>>
          tpu.wait_indirect_dma semaphore(%arg15 : memref<!tpu.dma_semaphore, #tpu.memory_space<semaphore_mem>>) src(%dma_wait3A_114 : memref<100000x32xbf16, #tpu.memory_space<hbm>>) dst(%dma_wait3A_108 : memref<128x32xbf16, #tpu.memory_space<vmem>>)
          %dma_wait3A_115 = arith.constant 3 : i32
          %dma_wait3A_116 = arith.constant 384 : i32
          %dma_wait3A_117 = arith.constant 0 : i32
          %dma_wait3A_118 = tpu.memref_slice %arg12[%dma_wait3A_116, %dma_wait3A_117] : memref<512x32xbf16, #tpu.memory_space<vmem>> -> memref<128x32xbf16, #tpu.memory_space<vmem>>
          %dma_wait3A_119 = arith.constant 0 : i32
          %dma_wait3A_120 = tpu.memref_slice %arg10[%dma_wait3A_115, %dma_wait3A_119] : memref<4x128xi32, #tpu.memory_space<vmem>> -> memref<1x128xi32, #tpu.memory_space<vmem>>
          %dma_wait3A_121 = tpu.memref_squeeze %dma_wait3A_120 : memref<1x128xi32, #tpu.memory_space<vmem>> -> memref<128xi32, #tpu.memory_space<vmem>>
          %dma_wait3A_122 = arith.constant 0 : i32
          %dma_wait3A_123 = arith.constant 0 : i32
          %dma_wait3A_124 = tpu.memref_slice %arg2[%dma_wait3A_122, %dma_wait3A_123] : memref<100000x32xbf16, #tpu.memory_space<hbm>> -> memref<100000x32xbf16, #tpu.memory_space<hbm>>
          tpu.wait_indirect_dma semaphore(%arg15 : memref<!tpu.dma_semaphore, #tpu.memory_space<semaphore_mem>>) src(%dma_wait3A_124 : memref<100000x32xbf16, #tpu.memory_space<hbm>>) dst(%dma_wait3A_118 : memref<128x32xbf16, #tpu.memory_space<vmem>>)
          %dma_wait3A_125 = arith.constant 64 : i32
          %dma_wait3A_126 = tpu.memref_slice %arg6[%mul3A_42, %dma_wait3A_125] : memref<1600000x128xf32, #tpu.memory_space<hbm>> -> memref<512x32xf32, #tpu.memory_space<hbm>>
          %dma_wait3A_127 = arith.constant 64 : i32
          %dma_wait3A_128 = tpu.memref_slice %arg6[%mul3A_42, %dma_wait3A_127] : memref<1600000x128xf32, #tpu.memory_space<hbm>> -> memref<512x32xf32, #tpu.memory_space<hbm>>
          tpu.wait_dma2 semaphore(%arg16 : memref<!tpu.dma_semaphore, #tpu.memory_space<semaphore_mem>>) src(%dma_wait3A_128 : memref<512x32xf32, #tpu.memory_space<hbm>>) dst(%arg13 : memref<512x32xf32, #tpu.memory_space<vmem>>)
          %scan3A_129 = arith.constant 0 : i32
          %scan3A_130 = arith.constant 0 : i32
          %scan3A_131 = arith.constant 128 : i32
          %scan3A_132 = arith.addi %scan3A_130, %scan3A_131 : i32
          %scan3A_133 = arith.constant 1 : i32
          scf.for %scan3A_138 = %scan3A_130 to %scan3A_132 step %scan3A_133  : i32 {
            %mul3A_139 = arith.constant 4 : i32
            %mul3A_140 = arith.muli %scan3A_138, %mul3A_139 : i32
            %add3A_141 = arith.constant 0 : i32
            %add3A_142 = arith.addi %mul3A_140, %add3A_141 : i32
            %get3A = arith.index_cast %add3A_142 : i32 to index
            %get3A_143 = arith.constant 0 : index
            %get3A_144 = tpu.vector_load %arg13[%get3A, %get3A_143] {strides = array<i32>} : memref<512x32xf32, #tpu.memory_space<vmem>>, vector<16xf32>,
            %get3A_145 = arith.index_cast %add3A_142 : i32 to index
            %get3A_146 = arith.constant 16 : index
            %get3A_147 = tpu.vector_load %arg13[%get3A_145, %get3A_146] {strides = array<i32>} : memref<512x32xf32, #tpu.memory_space<vmem>>, vector<16xf32>,
            %pack3A = tpu.pack_subelements %get3A_144, %get3A_147 {pack_format = #tpu.pack_format<interleaved>, positions = array<i32: 0, 1>} : vector<16xf32>, vector<16xf32> -> vector<32xbf16>
            %get3A_148 = arith.index_cast %add3A_142 : i32 to index
            %get3A_149 = arith.constant 0 : index
            %get3A_150 = tpu.vector_load %arg12[%get3A_148, %get3A_149] {strides = array<i32>} : memref<512x32xbf16, #tpu.memory_space<vmem>>, vector<32xbf16>,
            %mul3A_151 = arith.mulf %get3A_150, %pack3A : vector<32xbf16>
            %swap3A = arith.index_cast %add3A_142 : i32 to index
            %swap3A_152 = arith.constant 0 : index
            %swap3A_153 = tpu.vector_load %arg12[%swap3A, %swap3A_152] {strides = array<i32>} : memref<512x32xbf16, #tpu.memory_space<vmem>>, vector<32xbf16>,
            tpu.vector_store %arg12[%swap3A, %swap3A_152], %mul3A_151 {strides = array<i32>} : memref<512x32xbf16, #tpu.memory_space<vmem>>, vector<32xbf16>,
            %mul3A_154 = arith.constant 4 : i32
            %mul3A_155 = arith.muli %scan3A_138, %mul3A_154 : i32
            %add3A_156 = arith.constant 1 : i32
            %add3A_157 = arith.addi %mul3A_155, %add3A_156 : i32
            %get3A_158 = arith.index_cast %add3A_157 : i32 to index
            %get3A_159 = arith.constant 0 : index
            %get3A_160 = tpu.vector_load %arg13[%get3A_158, %get3A_159] {strides = array<i32>} : memref<512x32xf32, #tpu.memory_space<vmem>>, vector<16xf32>,
            %get3A_161 = arith.index_cast %add3A_157 : i32 to index
            %get3A_162 = arith.constant 16 : index
            %get3A_163 = tpu.vector_load %arg13[%get3A_161, %get3A_162] {strides = array<i32>} : memref<512x32xf32, #tpu.memory_space<vmem>>, vector<16xf32>,
            %pack3A_164 = tpu.pack_subelements %get3A_160, %get3A_163 {pack_format = #tpu.pack_format<interleaved>, positions = array<i32: 0, 1>} : vector<16xf32>, vector<16xf32> -> vector<32xbf16>
            %get3A_165 = arith.index_cast %add3A_157 : i32 to index
            %get3A_166 = arith.constant 0 : index
            %get3A_167 = tpu.vector_load %arg12[%get3A_165, %get3A_166] {strides = array<i32>} : memref<512x32xbf16, #tpu.memory_space<vmem>>, vector<32xbf16>,
            %mul3A_168 = arith.mulf %get3A_167, %pack3A_164 : vector<32xbf16>
            %swap3A_169 = arith.index_cast %add3A_157 : i32 to index
            %swap3A_170 = arith.constant 0 : index
            %swap3A_171 = tpu.vector_load %arg12[%swap3A_169, %swap3A_170] {strides = array<i32>} : memref<512x32xbf16, #tpu.memory_space<vmem>>, vector<32xbf16>,
            tpu.vector_store %arg12[%swap3A_169, %swap3A_170], %mul3A_168 {strides = array<i32>} : memref<512x32xbf16, #tpu.memory_space<vmem>>, vector<32xbf16>,
            %mul3A_172 = arith.constant 4 : i32
            %mul3A_173 = arith.muli %scan3A_138, %mul3A_172 : i32
            %add3A_174 = arith.constant 2 : i32
            %add3A_175 = arith.addi %mul3A_173, %add3A_174 : i32
            %get3A_176 = arith.index_cast %add3A_175 : i32 to index
            %get3A_177 = arith.constant 0 : index
            %get3A_178 = tpu.vector_load %arg13[%get3A_176, %get3A_177] {strides = array<i32>} : memref<512x32xf32, #tpu.memory_space<vmem>>, vector<16xf32>,
            %get3A_179 = arith.index_cast %add3A_175 : i32 to index
            %get3A_180 = arith.constant 16 : index
            %get3A_181 = tpu.vector_load %arg13[%get3A_179, %get3A_180] {strides = array<i32>} : memref<512x32xf32, #tpu.memory_space<vmem>>, vector<16xf32>,
            %pack3A_182 = tpu.pack_subelements %get3A_178, %get3A_181 {pack_format = #tpu.pack_format<interleaved>, positions = array<i32: 0, 1>} : vector<16xf32>, vector<16xf32> -> vector<32xbf16>
            %get3A_183 = arith.index_cast %add3A_175 : i32 to index
            %get3A_184 = arith.constant 0 : index
            %get3A_185 = tpu.vector_load %arg12[%get3A_183, %get3A_184] {strides = array<i32>} : memref<512x32xbf16, #tpu.memory_space<vmem>>, vector<32xbf16>,
            %mul3A_186 = arith.mulf %get3A_185, %pack3A_182 : vector<32xbf16>
            %swap3A_187 = arith.index_cast %add3A_175 : i32 to index
            %swap3A_188 = arith.constant 0 : index
            %swap3A_189 = tpu.vector_load %arg12[%swap3A_187, %swap3A_188] {strides = array<i32>} : memref<512x32xbf16, #tpu.memory_space<vmem>>, vector<32xbf16>,
            tpu.vector_store %arg12[%swap3A_187, %swap3A_188], %mul3A_186 {strides = array<i32>} : memref<512x32xbf16, #tpu.memory_space<vmem>>, vector<32xbf16>,
            %mul3A_190 = arith.constant 4 : i32
            %mul3A_191 = arith.muli %scan3A_138, %mul3A_190 : i32
            %add3A_192 = arith.constant 3 : i32
            %add3A_193 = arith.addi %mul3A_191, %add3A_192 : i32
            %get3A_194 = arith.index_cast %add3A_193 : i32 to index
            %get3A_195 = arith.constant 0 : index
            %get3A_196 = tpu.vector_load %arg13[%get3A_194, %get3A_195] {strides = array<i32>} : memref<512x32xf32, #tpu.memory_space<vmem>>, vector<16xf32>,
            %get3A_197 = arith.index_cast %add3A_193 : i32 to index
            %get3A_198 = arith.constant 16 : index
            %get3A_199 = tpu.vector_load %arg13[%get3A_197, %get3A_198] {strides = array<i32>} : memref<512x32xf32, #tpu.memory_space<vmem>>, vector<16xf32>,
            %pack3A_200 = tpu.pack_subelements %get3A_196, %get3A_199 {pack_format = #tpu.pack_format<interleaved>, positions = array<i32: 0, 1>} : vector<16xf32>, vector<16xf32> -> vector<32xbf16>
            %get3A_201 = arith.index_cast %add3A_193 : i32 to index
            %get3A_202 = arith.constant 0 : index
            %get3A_203 = tpu.vector_load %arg12[%get3A_201, %get3A_202] {strides = array<i32>} : memref<512x32xbf16, #tpu.memory_space<vmem>>, vector<32xbf16>,
            %mul3A_204 = arith.mulf %get3A_203, %pack3A_200 : vector<32xbf16>
            %swap3A_205 = arith.index_cast %add3A_193 : i32 to index
            %swap3A_206 = arith.constant 0 : index
            %swap3A_207 = tpu.vector_load %arg12[%swap3A_205, %swap3A_206] {strides = array<i32>} : memref<512x32xbf16, #tpu.memory_space<vmem>>, vector<32xbf16>,
            tpu.vector_store %arg12[%swap3A_205, %swap3A_206], %mul3A_204 {strides = array<i32>} : memref<512x32xbf16, #tpu.memory_space<vmem>>, vector<32xbf16>,
          }
          %scan3A_134 = arith.constant 128 : i32
          %run_scoped3A = arith.constant 0 : i32
          "tpu.region"() ({
            %run_scoped3A_138 = tpu.sem_alloc : memref<!tpu.dma_semaphore, #tpu.memory_space<semaphore_mem>>
            %dma_start3A_139 = arith.constant 0 : i32
            %dma_start3A_140 = arith.constant 0 : i32
            %dma_start3A_141 = tpu.memref_slice %arg12[%dma_start3A_139, %dma_start3A_140] : memref<512x32xbf16, #tpu.memory_space<vmem>> -> memref<128x32xbf16, #tpu.memory_space<vmem>>
            %dma_start3A_142 = arith.constant 0 : i32
            %dma_start3A_143 = tpu.memref_slice %arg11[%run_scoped3A, %dma_start3A_142] : memref<4x128xi32, #tpu.memory_space<vmem>> -> memref<1x128xi32, #tpu.memory_space<vmem>>
            %dma_start3A_144 = tpu.memref_squeeze %dma_start3A_143 : memref<1x128xi32, #tpu.memory_space<vmem>> -> memref<128xi32, #tpu.memory_space<vmem>>
            %dma_start3A_145 = arith.constant 0 : i32
            %dma_start3A_146 = arith.constant 0 : i32
            %dma_start3A_147 = tpu.memref_slice %arg14[%dma_start3A_145, %dma_start3A_146] : memref<100000x32xbf16, #tpu.memory_space<vmem_shared>> -> memref<100000x32xbf16, #tpu.memory_space<vmem_shared>>
            tpu.enqueue_indirect_dma source(%dma_start3A_141 : memref<128x32xbf16, #tpu.memory_space<vmem>>) target(%dma_start3A_147 : memref<100000x32xbf16, #tpu.memory_space<vmem_shared>>) offsets(%dma_start3A_144 : memref<128xi32, #tpu.memory_space<vmem>>) semaphore(%run_scoped3A_138 : memref<!tpu.dma_semaphore, #tpu.memory_space<semaphore_mem>>) {add = true}
            %dma_wait3A_148 = arith.constant 0 : i32
            %dma_wait3A_149 = arith.constant 0 : i32
            %dma_wait3A_150 = tpu.memref_slice %arg12[%dma_wait3A_148, %dma_wait3A_149] : memref<512x32xbf16, #tpu.memory_space<vmem>> -> memref<128x32xbf16, #tpu.memory_space<vmem>>
            %dma_wait3A_151 = arith.constant 0 : i32
            %dma_wait3A_152 = tpu.memref_slice %arg11[%run_scoped3A, %dma_wait3A_151] : memref<4x128xi32, #tpu.memory_space<vmem>> -> memref<1x128xi32, #tpu.memory_space<vmem>>
            %dma_wait3A_153 = tpu.memref_squeeze %dma_wait3A_152 : memref<1x128xi32, #tpu.memory_space<vmem>> -> memref<128xi32, #tpu.memory_space<vmem>>
            %dma_wait3A_154 = arith.constant 0 : i32
            %dma_wait3A_155 = arith.constant 0 : i32
            %dma_wait3A_156 = tpu.memref_slice %arg14[%dma_wait3A_154, %dma_wait3A_155] : memref<100000x32xbf16, #tpu.memory_space<vmem_shared>> -> memref<100000x32xbf16, #tpu.memory_space<vmem_shared>>
            tpu.wait_indirect_dma semaphore(%run_scoped3A_138 : memref<!tpu.dma_semaphore, #tpu.memory_space<semaphore_mem>>) src(%dma_wait3A_150 : memref<128x32xbf16, #tpu.memory_space<vmem>>) dst(%dma_wait3A_156 : memref<100000x32xbf16, #tpu.memory_space<vmem_shared>>)
            tpu.yield
          }) : () -> ()
          %run_scoped3A_135 = arith.constant 1 : i32
          "tpu.region"() ({
            %run_scoped3A_138 = tpu.sem_alloc : memref<!tpu.dma_semaphore, #tpu.memory_space<semaphore_mem>>
            %dma_start3A_139 = arith.constant 128 : i32
            %dma_start3A_140 = arith.constant 0 : i32
            %dma_start3A_141 = tpu.memref_slice %arg12[%dma_start3A_139, %dma_start3A_140] : memref<512x32xbf16, #tpu.memory_space<vmem>> -> memref<128x32xbf16, #tpu.memory_space<vmem>>
            %dma_start3A_142 = arith.constant 0 : i32
            %dma_start3A_143 = tpu.memref_slice %arg11[%run_scoped3A_135, %dma_start3A_142] : memref<4x128xi32, #tpu.memory_space<vmem>> -> memref<1x128xi32, #tpu.memory_space<vmem>>
            %dma_start3A_144 = tpu.memref_squeeze %dma_start3A_143 : memref<1x128xi32, #tpu.memory_space<vmem>> -> memref<128xi32, #tpu.memory_space<vmem>>
            %dma_start3A_145 = arith.constant 0 : i32
            %dma_start3A_146 = arith.constant 0 : i32
            %dma_start3A_147 = tpu.memref_slice %arg14[%dma_start3A_145, %dma_start3A_146] : memref<100000x32xbf16, #tpu.memory_space<vmem_shared>> -> memref<100000x32xbf16, #tpu.memory_space<vmem_shared>>
            tpu.enqueue_indirect_dma source(%dma_start3A_141 : memref<128x32xbf16, #tpu.memory_space<vmem>>) target(%dma_start3A_147 : memref<100000x32xbf16, #tpu.memory_space<vmem_shared>>) offsets(%dma_start3A_144 : memref<128xi32, #tpu.memory_space<vmem>>) semaphore(%run_scoped3A_138 : memref<!tpu.dma_semaphore, #tpu.memory_space<semaphore_mem>>) {add = true}
            %dma_wait3A_148 = arith.constant 128 : i32
            %dma_wait3A_149 = arith.constant 0 : i32
            %dma_wait3A_150 = tpu.memref_slice %arg12[%dma_wait3A_148, %dma_wait3A_149] : memref<512x32xbf16, #tpu.memory_space<vmem>> -> memref<128x32xbf16, #tpu.memory_space<vmem>>
            %dma_wait3A_151 = arith.constant 0 : i32
            %dma_wait3A_152 = tpu.memref_slice %arg11[%run_scoped3A_135, %dma_wait3A_151] : memref<4x128xi32, #tpu.memory_space<vmem>> -> memref<1x128xi32, #tpu.memory_space<vmem>>
            %dma_wait3A_153 = tpu.memref_squeeze %dma_wait3A_152 : memref<1x128xi32, #tpu.memory_space<vmem>> -> memref<128xi32, #tpu.memory_space<vmem>>
            %dma_wait3A_154 = arith.constant 0 : i32
            %dma_wait3A_155 = arith.constant 0 : i32
            %dma_wait3A_156 = tpu.memref_slice %arg14[%dma_wait3A_154, %dma_wait3A_155] : memref<100000x32xbf16, #tpu.memory_space<vmem_shared>> -> memref<100000x32xbf16, #tpu.memory_space<vmem_shared>>
            tpu.wait_indirect_dma semaphore(%run_scoped3A_138 : memref<!tpu.dma_semaphore, #tpu.memory_space<semaphore_mem>>) src(%dma_wait3A_150 : memref<128x32xbf16, #tpu.memory_space<vmem>>) dst(%dma_wait3A_156 : memref<100000x32xbf16, #tpu.memory_space<vmem_shared>>)
            tpu.yield
          }) : () -> ()
          %run_scoped3A_136 = arith.constant 2 : i32
          "tpu.region"() ({
            %run_scoped3A_138 = tpu.sem_alloc : memref<!tpu.dma_semaphore, #tpu.memory_space<semaphore_mem>>
            %dma_start3A_139 = arith.constant 256 : i32
            %dma_start3A_140 = arith.constant 0 : i32
            %dma_start3A_141 = tpu.memref_slice %arg12[%dma_start3A_139, %dma_start3A_140] : memref<512x32xbf16, #tpu.memory_space<vmem>> -> memref<128x32xbf16, #tpu.memory_space<vmem>>
            %dma_start3A_142 = arith.constant 0 : i32
            %dma_start3A_143 = tpu.memref_slice %arg11[%run_scoped3A_136, %dma_start3A_142] : memref<4x128xi32, #tpu.memory_space<vmem>> -> memref<1x128xi32, #tpu.memory_space<vmem>>
            %dma_start3A_144 = tpu.memref_squeeze %dma_start3A_143 : memref<1x128xi32, #tpu.memory_space<vmem>> -> memref<128xi32, #tpu.memory_space<vmem>>
            %dma_start3A_145 = arith.constant 0 : i32
            %dma_start3A_146 = arith.constant 0 : i32
            %dma_start3A_147 = tpu.memref_slice %arg14[%dma_start3A_145, %dma_start3A_146] : memref<100000x32xbf16, #tpu.memory_space<vmem_shared>> -> memref<100000x32xbf16, #tpu.memory_space<vmem_shared>>
            tpu.enqueue_indirect_dma source(%dma_start3A_141 : memref<128x32xbf16, #tpu.memory_space<vmem>>) target(%dma_start3A_147 : memref<100000x32xbf16, #tpu.memory_space<vmem_shared>>) offsets(%dma_start3A_144 : memref<128xi32, #tpu.memory_space<vmem>>) semaphore(%run_scoped3A_138 : memref<!tpu.dma_semaphore, #tpu.memory_space<semaphore_mem>>) {add = true}
            %dma_wait3A_148 = arith.constant 256 : i32
            %dma_wait3A_149 = arith.constant 0 : i32
            %dma_wait3A_150 = tpu.memref_slice %arg12[%dma_wait3A_148, %dma_wait3A_149] : memref<512x32xbf16, #tpu.memory_space<vmem>> -> memref<128x32xbf16, #tpu.memory_space<vmem>>
            %dma_wait3A_151 = arith.constant 0 : i32
            %dma_wait3A_152 = tpu.memref_slice %arg11[%run_scoped3A_136, %dma_wait3A_151] : memref<4x128xi32, #tpu.memory_space<vmem>> -> memref<1x128xi32, #tpu.memory_space<vmem>>
            %dma_wait3A_153 = tpu.memref_squeeze %dma_wait3A_152 : memref<1x128xi32, #tpu.memory_space<vmem>> -> memref<128xi32, #tpu.memory_space<vmem>>
            %dma_wait3A_154 = arith.constant 0 : i32
            %dma_wait3A_155 = arith.constant 0 : i32
            %dma_wait3A_156 = tpu.memref_slice %arg14[%dma_wait3A_154, %dma_wait3A_155] : memref<100000x32xbf16, #tpu.memory_space<vmem_shared>> -> memref<100000x32xbf16, #tpu.memory_space<vmem_shared>>
            tpu.wait_indirect_dma semaphore(%run_scoped3A_138 : memref<!tpu.dma_semaphore, #tpu.memory_space<semaphore_mem>>) src(%dma_wait3A_150 : memref<128x32xbf16, #tpu.memory_space<vmem>>) dst(%dma_wait3A_156 : memref<100000x32xbf16, #tpu.memory_space<vmem_shared>>)
            tpu.yield
          }) : () -> ()
          %run_scoped3A_137 = arith.constant 3 : i32
          "tpu.region"() ({
            %run_scoped3A_138 = tpu.sem_alloc : memref<!tpu.dma_semaphore, #tpu.memory_space<semaphore_mem>>
            %dma_start3A_139 = arith.constant 384 : i32
            %dma_start3A_140 = arith.constant 0 : i32
            %dma_start3A_141 = tpu.memref_slice %arg12[%dma_start3A_139, %dma_start3A_140] : memref<512x32xbf16, #tpu.memory_space<vmem>> -> memref<128x32xbf16, #tpu.memory_space<vmem>>
            %dma_start3A_142 = arith.constant 0 : i32
            %dma_start3A_143 = tpu.memref_slice %arg11[%run_scoped3A_137, %dma_start3A_142] : memref<4x128xi32, #tpu.memory_space<vmem>> -> memref<1x128xi32, #tpu.memory_space<vmem>>
            %dma_start3A_144 = tpu.memref_squeeze %dma_start3A_143 : memref<1x128xi32, #tpu.memory_space<vmem>> -> memref<128xi32, #tpu.memory_space<vmem>>
            %dma_start3A_145 = arith.constant 0 : i32
            %dma_start3A_146 = arith.constant 0 : i32
            %dma_start3A_147 = tpu.memref_slice %arg14[%dma_start3A_145, %dma_start3A_146] : memref<100000x32xbf16, #tpu.memory_space<vmem_shared>> -> memref<100000x32xbf16, #tpu.memory_space<vmem_shared>>
            tpu.enqueue_indirect_dma source(%dma_start3A_141 : memref<128x32xbf16, #tpu.memory_space<vmem>>) target(%dma_start3A_147 : memref<100000x32xbf16, #tpu.memory_space<vmem_shared>>) offsets(%dma_start3A_144 : memref<128xi32, #tpu.memory_space<vmem>>) semaphore(%run_scoped3A_138 : memref<!tpu.dma_semaphore, #tpu.memory_space<semaphore_mem>>) {add = true}
            %dma_wait3A_148 = arith.constant 384 : i32
            %dma_wait3A_149 = arith.constant 0 : i32
            %dma_wait3A_150 = tpu.memref_slice %arg12[%dma_wait3A_148, %dma_wait3A_149] : memref<512x32xbf16, #tpu.memory_space<vmem>> -> memref<128x32xbf16, #tpu.memory_space<vmem>>
            %dma_wait3A_151 = arith.constant 0 : i32
            %dma_wait3A_152 = tpu.memref_slice %arg11[%run_scoped3A_137, %dma_wait3A_151] : memref<4x128xi32, #tpu.memory_space<vmem>> -> memref<1x128xi32, #tpu.memory_space<vmem>>
            %dma_wait3A_153 = tpu.memref_squeeze %dma_wait3A_152 : memref<1x128xi32, #tpu.memory_space<vmem>> -> memref<128xi32, #tpu.memory_space<vmem>>
            %dma_wait3A_154 = arith.constant 0 : i32
            %dma_wait3A_155 = arith.constant 0 : i32
            %dma_wait3A_156 = tpu.memref_slice %arg14[%dma_wait3A_154, %dma_wait3A_155] : memref<100000x32xbf16, #tpu.memory_space<vmem_shared>> -> memref<100000x32xbf16, #tpu.memory_space<vmem_shared>>
            tpu.wait_indirect_dma semaphore(%run_scoped3A_138 : memref<!tpu.dma_semaphore, #tpu.memory_space<semaphore_mem>>) src(%dma_wait3A_150 : memref<128x32xbf16, #tpu.memory_space<vmem>>) dst(%dma_wait3A_156 : memref<100000x32xbf16, #tpu.memory_space<vmem_shared>>)
            tpu.yield
          }) : () -> ()
        } else {
        }
      }
      %scan3A_20 = arith.constant 196 : i32
      %barrier3A_21 = arith.constant 0 : index
      tpu.barrier barrier_id(%barrier3A_21)
      %lt3A_22 = arith.constant 15 : i32
      %lt3A_23 = arith.cmpi slt, %arg1, %lt3A_22 : i32
      %convert_element_type3A_24 = arith.extui %lt3A_23 : i1 to i32
      %cond3A_25 = arith.constant 0 : i32
      %cond3A_26 = arith.cmpi ne, %convert_element_type3A_24, %cond3A_25 : i32
      scf.if %cond3A_26 {
        %mul3A = arith.constant 6256 : i32
        %mul3A_32 = arith.muli %arg1, %mul3A : i32
        %multiple_of3A = tpu.assume_multiple %mul3A_32, 16 : i32
        "tpu.region"() ({
          %run_scoped3A = tpu.sem_alloc : memref<!tpu.dma_semaphore, #tpu.memory_space<semaphore_mem>>
          %dma_start3A = arith.constant 0 : i32
          %dma_start3A_33 = tpu.memref_slice %arg8[%multiple_of3A, %dma_start3A] : memref<100000x32xbf16, #tpu.memory_space<hbm>> -> memref<6256x32xbf16, #tpu.memory_space<hbm>>
          %dma_start3A_34 = arith.constant 0 : i32
          %dma_start3A_35 = tpu.memref_slice %arg14[%multiple_of3A, %dma_start3A_34] : memref<100000x32xbf16, #tpu.memory_space<vmem_shared>> -> memref<6256x32xbf16, #tpu.memory_space<vmem_shared>>
          tpu.enqueue_dma source(%dma_start3A_35 : memref<6256x32xbf16, #tpu.memory_space<vmem_shared>>) target(%dma_start3A_33 : memref<6256x32xbf16, #tpu.memory_space<hbm>>) target_semaphore(%run_scoped3A : memref<!tpu.dma_semaphore, #tpu.memory_space<semaphore_mem>>)
          %dma_wait3A = arith.constant 0 : i32
          %dma_wait3A_36 = tpu.memref_slice %arg8[%multiple_of3A, %dma_wait3A] : memref<100000x32xbf16, #tpu.memory_space<hbm>> -> memref<6256x32xbf16, #tpu.memory_space<hbm>>
          %dma_wait3A_37 = arith.constant 0 : i32
          %dma_wait3A_38 = tpu.memref_slice %arg14[%multiple_of3A, %dma_wait3A_37] : memref<100000x32xbf16, #tpu.memory_space<vmem_shared>> -> memref<6256x32xbf16, #tpu.memory_space<vmem_shared>>
          tpu.wait_dma2 semaphore(%run_scoped3A : memref<!tpu.dma_semaphore, #tpu.memory_space<semaphore_mem>>) src(%dma_wait3A_38 : memref<6256x32xbf16, #tpu.memory_space<vmem_shared>>) dst(%dma_wait3A_36 : memref<6256x32xbf16, #tpu.memory_space<hbm>>)
          tpu.yield
        }) : () -> ()
      } else {
      }
      %eq3A_27 = arith.constant 15 : i32
      %eq3A_28 = arith.cmpi eq, %arg1, %eq3A_27 : i32
      %convert_element_type3A_29 = arith.extui %eq3A_28 : i1 to i32
      %cond3A_30 = arith.constant 0 : i32
      %cond3A_31 = arith.cmpi ne, %convert_element_type3A_29, %cond3A_30 : i32
      scf.if %cond3A_31 {
        "tpu.region"() ({
          %run_scoped3A = tpu.sem_alloc : memref<!tpu.dma_semaphore, #tpu.memory_space<semaphore_mem>>
          %dma_start3A = arith.constant 93840 : i32
          %dma_start3A_32 = arith.constant 0 : i32
          %dma_start3A_33 = tpu.memref_slice %arg8[%dma_start3A, %dma_start3A_32] : memref<100000x32xbf16, #tpu.memory_space<hbm>> -> memref<6160x32xbf16, #tpu.memory_space<hbm>>
          %dma_start3A_34 = arith.constant 93840 : i32
          %dma_start3A_35 = arith.constant 0 : i32
          %dma_start3A_36 = tpu.memref_slice %arg14[%dma_start3A_34, %dma_start3A_35] : memref<100000x32xbf16, #tpu.memory_space<vmem_shared>> -> memref<6160x32xbf16, #tpu.memory_space<vmem_shared>>
          tpu.enqueue_dma source(%dma_start3A_36 : memref<6160x32xbf16, #tpu.memory_space<vmem_shared>>) target(%dma_start3A_33 : memref<6160x32xbf16, #tpu.memory_space<hbm>>) target_semaphore(%run_scoped3A : memref<!tpu.dma_semaphore, #tpu.memory_space<semaphore_mem>>)
          %dma_wait3A = arith.constant 93840 : i32
          %dma_wait3A_37 = arith.constant 0 : i32
          %dma_wait3A_38 = tpu.memref_slice %arg8[%dma_wait3A, %dma_wait3A_37] : memref<100000x32xbf16, #tpu.memory_space<hbm>> -> memref<6160x32xbf16, #tpu.memory_space<hbm>>
          %dma_wait3A_39 = arith.constant 93840 : i32
          %dma_wait3A_40 = arith.constant 0 : i32
          %dma_wait3A_41 = tpu.memref_slice %arg14[%dma_wait3A_39, %dma_wait3A_40] : memref<100000x32xbf16, #tpu.memory_space<vmem_shared>> -> memref<6160x32xbf16, #tpu.memory_space<vmem_shared>>
          tpu.wait_dma2 semaphore(%run_scoped3A : memref<!tpu.dma_semaphore, #tpu.memory_space<semaphore_mem>>) src(%dma_wait3A_41 : memref<6160x32xbf16, #tpu.memory_space<vmem_shared>>) dst(%dma_wait3A_38 : memref<6160x32xbf16, #tpu.memory_space<hbm>>)
          tpu.yield
        }) : () -> ()
      } else {
      }
    } else {
    }
    %eq3A_2 = arith.constant 1 : i32
    %eq3A_3 = arith.cmpi eq, %arg0, %eq3A_2 : i32
    %convert_element_type3A_4 = arith.extui %eq3A_3 : i1 to i32
    %cond3A_5 = arith.constant 0 : i32
    %cond3A_6 = arith.cmpi ne, %convert_element_type3A_4, %cond3A_5 : i32
    scf.if %cond3A_6 {
      %lt3A = arith.constant 15 : i32
      %lt3A_7 = arith.cmpi slt, %arg1, %lt3A : i32
      %convert_element_type3A_8 = arith.extui %lt3A_7 : i1 to i32
      %cond3A_9 = arith.constant 0 : i32
      %cond3A_10 = arith.cmpi ne, %convert_element_type3A_8, %cond3A_9 : i32
      scf.if %cond3A_10 {
        %mul3A = arith.constant 6256 : i32
        %mul3A_32 = arith.muli %arg1, %mul3A : i32
        %multiple_of3A = tpu.assume_multiple %mul3A_32, 16 : i32
        "tpu.region"() ({
          %run_scoped3A = tpu.sem_alloc : memref<!tpu.dma_semaphore, #tpu.memory_space<semaphore_mem>>
          %dma_start3A = arith.constant 0 : i32
          %dma_start3A_33 = tpu.memref_slice %arg14[%multiple_of3A, %dma_start3A] : memref<100000x32xbf16, #tpu.memory_space<vmem_shared>> -> memref<6256x32xbf16, #tpu.memory_space<vmem_shared>>
          %dma_start3A_34 = arith.constant 0 : i32
          %dma_start3A_35 = tpu.memref_slice %arg7[%multiple_of3A, %dma_start3A_34] : memref<100000x32xbf16, #tpu.memory_space<hbm>> -> memref<6256x32xbf16, #tpu.memory_space<hbm>>
          tpu.enqueue_dma source(%dma_start3A_35 : memref<6256x32xbf16, #tpu.memory_space<hbm>>) target(%dma_start3A_33 : memref<6256x32xbf16, #tpu.memory_space<vmem_shared>>) target_semaphore(%run_scoped3A : memref<!tpu.dma_semaphore, #tpu.memory_space<semaphore_mem>>)
          %dma_wait3A = arith.constant 0 : i32
          %dma_wait3A_36 = tpu.memref_slice %arg14[%multiple_of3A, %dma_wait3A] : memref<100000x32xbf16, #tpu.memory_space<vmem_shared>> -> memref<6256x32xbf16, #tpu.memory_space<vmem_shared>>
          %dma_wait3A_37 = arith.constant 0 : i32
          %dma_wait3A_38 = tpu.memref_slice %arg7[%multiple_of3A, %dma_wait3A_37] : memref<100000x32xbf16, #tpu.memory_space<hbm>> -> memref<6256x32xbf16, #tpu.memory_space<hbm>>
          tpu.wait_dma2 semaphore(%run_scoped3A : memref<!tpu.dma_semaphore, #tpu.memory_space<semaphore_mem>>) src(%dma_wait3A_38 : memref<6256x32xbf16, #tpu.memory_space<hbm>>) dst(%dma_wait3A_36 : memref<6256x32xbf16, #tpu.memory_space<vmem_shared>>)
          tpu.yield
        }) : () -> ()
      } else {
      }
      %eq3A_11 = arith.constant 15 : i32
      %eq3A_12 = arith.cmpi eq, %arg1, %eq3A_11 : i32
      %convert_element_type3A_13 = arith.extui %eq3A_12 : i1 to i32
      %cond3A_14 = arith.constant 0 : i32
      %cond3A_15 = arith.cmpi ne, %convert_element_type3A_13, %cond3A_14 : i32
      scf.if %cond3A_15 {
        "tpu.region"() ({
          %run_scoped3A = tpu.sem_alloc : memref<!tpu.dma_semaphore, #tpu.memory_space<semaphore_mem>>
          %dma_start3A = arith.constant 93840 : i32
          %dma_start3A_32 = arith.constant 0 : i32
          %dma_start3A_33 = tpu.memref_slice %arg14[%dma_start3A, %dma_start3A_32] : memref<100000x32xbf16, #tpu.memory_space<vmem_shared>> -> memref<6160x32xbf16, #tpu.memory_space<vmem_shared>>
          %dma_start3A_34 = arith.constant 93840 : i32
          %dma_start3A_35 = arith.constant 0 : i32
          %dma_start3A_36 = tpu.memref_slice %arg7[%dma_start3A_34, %dma_start3A_35] : memref<100000x32xbf16, #tpu.memory_space<hbm>> -> memref<6160x32xbf16, #tpu.memory_space<hbm>>
          tpu.enqueue_dma source(%dma_start3A_36 : memref<6160x32xbf16, #tpu.memory_space<hbm>>) target(%dma_start3A_33 : memref<6160x32xbf16, #tpu.memory_space<vmem_shared>>) target_semaphore(%run_scoped3A : memref<!tpu.dma_semaphore, #tpu.memory_space<semaphore_mem>>)
          %dma_wait3A = arith.constant 93840 : i32
          %dma_wait3A_37 = arith.constant 0 : i32
          %dma_wait3A_38 = tpu.memref_slice %arg14[%dma_wait3A, %dma_wait3A_37] : memref<100000x32xbf16, #tpu.memory_space<vmem_shared>> -> memref<6160x32xbf16, #tpu.memory_space<vmem_shared>>
          %dma_wait3A_39 = arith.constant 93840 : i32
          %dma_wait3A_40 = arith.constant 0 : i32
          %dma_wait3A_41 = tpu.memref_slice %arg7[%dma_wait3A_39, %dma_wait3A_40] : memref<100000x32xbf16, #tpu.memory_space<hbm>> -> memref<6160x32xbf16, #tpu.memory_space<hbm>>
          tpu.wait_dma2 semaphore(%run_scoped3A : memref<!tpu.dma_semaphore, #tpu.memory_space<semaphore_mem>>) src(%dma_wait3A_41 : memref<6160x32xbf16, #tpu.memory_space<hbm>>) dst(%dma_wait3A_38 : memref<6160x32xbf16, #tpu.memory_space<vmem_shared>>)
          tpu.yield
        }) : () -> ()
      } else {
      }
      %barrier3A = arith.constant 0 : index
      tpu.barrier barrier_id(%barrier3A)
      %scan3A = arith.constant 0 : i32
      %scan3A_16 = arith.constant 0 : i32
      %scan3A_17 = arith.constant 196 : i32
      %scan3A_18 = arith.addi %scan3A_16, %scan3A_17 : i32
      %scan3A_19 = arith.constant 1 : i32
      scf.for %scan3A_32 = %scan3A_16 to %scan3A_18 step %scan3A_19  : i32 {
        %mul3A = arith.constant 16 : i32
        %mul3A_33 = arith.muli %scan3A_32, %mul3A : i32
        %add3A = arith.addi %mul3A_33, %arg1 : i32
        %lt3A_34 = arith.constant 3125 : i32
        %lt3A_35 = arith.cmpi slt, %add3A, %lt3A_34 : i32
        %convert_element_type3A_36 = arith.extui %lt3A_35 : i1 to i32
        %cond3A_37 = arith.constant 0 : i32
        %cond3A_38 = arith.cmpi ne, %convert_element_type3A_36, %cond3A_37 : i32
        scf.if %cond3A_38 {
          %mul3A_39 = arith.constant 4 : i32
          %mul3A_40 = arith.muli %add3A, %mul3A_39 : i32
          %mul3A_41 = arith.constant 512 : i32
          %mul3A_42 = arith.muli %add3A, %mul3A_41 : i32
          "tpu.region"() ({
            %run_scoped3A_138 = tpu.sem_alloc : memref<!tpu.dma_semaphore, #tpu.memory_space<semaphore_mem>>
            %dma_start3A_139 = arith.constant 0 : i32
            %dma_start3A_140 = tpu.memref_slice %arg4[%mul3A_40, %dma_start3A_139] : memref<12500x128xi32, #tpu.memory_space<hbm>> -> memref<4x128xi32, #tpu.memory_space<hbm>>
            %dma_start3A_141 = arith.constant 0 : i32
            %dma_start3A_142 = tpu.memref_slice %arg4[%mul3A_40, %dma_start3A_141] : memref<12500x128xi32, #tpu.memory_space<hbm>> -> memref<4x128xi32, #tpu.memory_space<hbm>>
            tpu.enqueue_dma source(%dma_start3A_142 : memref<4x128xi32, #tpu.memory_space<hbm>>) target(%arg10 : memref<4x128xi32, #tpu.memory_space<vmem>>) target_semaphore(%run_scoped3A_138 : memref<!tpu.dma_semaphore, #tpu.memory_space<semaphore_mem>>)
            %dma_wait3A_143 = arith.constant 0 : i32
            %dma_wait3A_144 = tpu.memref_slice %arg4[%mul3A_40, %dma_wait3A_143] : memref<12500x128xi32, #tpu.memory_space<hbm>> -> memref<4x128xi32, #tpu.memory_space<hbm>>
            %dma_wait3A_145 = arith.constant 0 : i32
            %dma_wait3A_146 = tpu.memref_slice %arg4[%mul3A_40, %dma_wait3A_145] : memref<12500x128xi32, #tpu.memory_space<hbm>> -> memref<4x128xi32, #tpu.memory_space<hbm>>
            tpu.wait_dma2 semaphore(%run_scoped3A_138 : memref<!tpu.dma_semaphore, #tpu.memory_space<semaphore_mem>>) src(%dma_wait3A_146 : memref<4x128xi32, #tpu.memory_space<hbm>>) dst(%arg10 : memref<4x128xi32, #tpu.memory_space<vmem>>)
            tpu.yield
          }) : () -> ()
          "tpu.region"() ({
            %run_scoped3A_138 = tpu.sem_alloc : memref<!tpu.dma_semaphore, #tpu.memory_space<semaphore_mem>>
            %dma_start3A_139 = arith.constant 0 : i32
            %dma_start3A_140 = tpu.memref_slice %arg5[%mul3A_40, %dma_start3A_139] : memref<12500x128xi32, #tpu.memory_space<hbm>> -> memref<4x128xi32, #tpu.memory_space<hbm>>
            %dma_start3A_141 = arith.constant 0 : i32
            %dma_start3A_142 = tpu.memref_slice %arg5[%mul3A_40, %dma_start3A_141] : memref<12500x128xi32, #tpu.memory_space<hbm>> -> memref<4x128xi32, #tpu.memory_space<hbm>>
            tpu.enqueue_dma source(%dma_start3A_142 : memref<4x128xi32, #tpu.memory_space<hbm>>) target(%arg11 : memref<4x128xi32, #tpu.memory_space<vmem>>) target_semaphore(%run_scoped3A_138 : memref<!tpu.dma_semaphore, #tpu.memory_space<semaphore_mem>>)
            %dma_wait3A_143 = arith.constant 0 : i32
            %dma_wait3A_144 = tpu.memref_slice %arg5[%mul3A_40, %dma_wait3A_143] : memref<12500x128xi32, #tpu.memory_space<hbm>> -> memref<4x128xi32, #tpu.memory_space<hbm>>
            %dma_wait3A_145 = arith.constant 0 : i32
            %dma_wait3A_146 = tpu.memref_slice %arg5[%mul3A_40, %dma_wait3A_145] : memref<12500x128xi32, #tpu.memory_space<hbm>> -> memref<4x128xi32, #tpu.memory_space<hbm>>
            tpu.wait_dma2 semaphore(%run_scoped3A_138 : memref<!tpu.dma_semaphore, #tpu.memory_space<semaphore_mem>>) src(%dma_wait3A_146 : memref<4x128xi32, #tpu.memory_space<hbm>>) dst(%arg11 : memref<4x128xi32, #tpu.memory_space<vmem>>)
            tpu.yield
          }) : () -> ()
          %dma_start3A = arith.constant 96 : i32
          %dma_start3A_43 = tpu.memref_slice %arg6[%mul3A_42, %dma_start3A] : memref<1600000x128xf32, #tpu.memory_space<hbm>> -> memref<512x32xf32, #tpu.memory_space<hbm>>
          %dma_start3A_44 = arith.constant 96 : i32
          %dma_start3A_45 = tpu.memref_slice %arg6[%mul3A_42, %dma_start3A_44] : memref<1600000x128xf32, #tpu.memory_space<hbm>> -> memref<512x32xf32, #tpu.memory_space<hbm>>
          tpu.enqueue_dma source(%dma_start3A_45 : memref<512x32xf32, #tpu.memory_space<hbm>>) target(%arg13 : memref<512x32xf32, #tpu.memory_space<vmem>>) target_semaphore(%arg16 : memref<!tpu.dma_semaphore, #tpu.memory_space<semaphore_mem>>)
          %dma_start3A_46 = arith.constant 0 : i32
          %dma_start3A_47 = arith.constant 0 : i32
          %dma_start3A_48 = arith.constant 0 : i32
          %dma_start3A_49 = tpu.memref_slice %arg12[%dma_start3A_47, %dma_start3A_48] : memref<512x32xbf16, #tpu.memory_space<vmem>> -> memref<128x32xbf16, #tpu.memory_space<vmem>>
          %dma_start3A_50 = arith.constant 0 : i32
          %dma_start3A_51 = tpu.memref_slice %arg10[%dma_start3A_46, %dma_start3A_50] : memref<4x128xi32, #tpu.memory_space<vmem>> -> memref<1x128xi32, #tpu.memory_space<vmem>>
          %dma_start3A_52 = tpu.memref_squeeze %dma_start3A_51 : memref<1x128xi32, #tpu.memory_space<vmem>> -> memref<128xi32, #tpu.memory_space<vmem>>
          %dma_start3A_53 = arith.constant 0 : i32
          %dma_start3A_54 = arith.constant 0 : i32
          %dma_start3A_55 = tpu.memref_slice %arg3[%dma_start3A_53, %dma_start3A_54] : memref<100000x32xbf16, #tpu.memory_space<hbm>> -> memref<100000x32xbf16, #tpu.memory_space<hbm>>
          tpu.enqueue_indirect_dma source(%dma_start3A_55 : memref<100000x32xbf16, #tpu.memory_space<hbm>>) target(%dma_start3A_49 : memref<128x32xbf16, #tpu.memory_space<vmem>>) offsets(%dma_start3A_52 : memref<128xi32, #tpu.memory_space<vmem>>) semaphore(%arg15 : memref<!tpu.dma_semaphore, #tpu.memory_space<semaphore_mem>>)
          %dma_start3A_56 = arith.constant 1 : i32
          %dma_start3A_57 = arith.constant 128 : i32
          %dma_start3A_58 = arith.constant 0 : i32
          %dma_start3A_59 = tpu.memref_slice %arg12[%dma_start3A_57, %dma_start3A_58] : memref<512x32xbf16, #tpu.memory_space<vmem>> -> memref<128x32xbf16, #tpu.memory_space<vmem>>
          %dma_start3A_60 = arith.constant 0 : i32
          %dma_start3A_61 = tpu.memref_slice %arg10[%dma_start3A_56, %dma_start3A_60] : memref<4x128xi32, #tpu.memory_space<vmem>> -> memref<1x128xi32, #tpu.memory_space<vmem>>
          %dma_start3A_62 = tpu.memref_squeeze %dma_start3A_61 : memref<1x128xi32, #tpu.memory_space<vmem>> -> memref<128xi32, #tpu.memory_space<vmem>>
          %dma_start3A_63 = arith.constant 0 : i32
          %dma_start3A_64 = arith.constant 0 : i32
          %dma_start3A_65 = tpu.memref_slice %arg3[%dma_start3A_63, %dma_start3A_64] : memref<100000x32xbf16, #tpu.memory_space<hbm>> -> memref<100000x32xbf16, #tpu.memory_space<hbm>>
          tpu.enqueue_indirect_dma source(%dma_start3A_65 : memref<100000x32xbf16, #tpu.memory_space<hbm>>) target(%dma_start3A_59 : memref<128x32xbf16, #tpu.memory_space<vmem>>) offsets(%dma_start3A_62 : memref<128xi32, #tpu.memory_space<vmem>>) semaphore(%arg15 : memref<!tpu.dma_semaphore, #tpu.memory_space<semaphore_mem>>)
          %dma_start3A_66 = arith.constant 2 : i32
          %dma_start3A_67 = arith.constant 256 : i32
          %dma_start3A_68 = arith.constant 0 : i32
          %dma_start3A_69 = tpu.memref_slice %arg12[%dma_start3A_67, %dma_start3A_68] : memref<512x32xbf16, #tpu.memory_space<vmem>> -> memref<128x32xbf16, #tpu.memory_space<vmem>>
          %dma_start3A_70 = arith.constant 0 : i32
          %dma_start3A_71 = tpu.memref_slice %arg10[%dma_start3A_66, %dma_start3A_70] : memref<4x128xi32, #tpu.memory_space<vmem>> -> memref<1x128xi32, #tpu.memory_space<vmem>>
          %dma_start3A_72 = tpu.memref_squeeze %dma_start3A_71 : memref<1x128xi32, #tpu.memory_space<vmem>> -> memref<128xi32, #tpu.memory_space<vmem>>
          %dma_start3A_73 = arith.constant 0 : i32
          %dma_start3A_74 = arith.constant 0 : i32
          %dma_start3A_75 = tpu.memref_slice %arg3[%dma_start3A_73, %dma_start3A_74] : memref<100000x32xbf16, #tpu.memory_space<hbm>> -> memref<100000x32xbf16, #tpu.memory_space<hbm>>
          tpu.enqueue_indirect_dma source(%dma_start3A_75 : memref<100000x32xbf16, #tpu.memory_space<hbm>>) target(%dma_start3A_69 : memref<128x32xbf16, #tpu.memory_space<vmem>>) offsets(%dma_start3A_72 : memref<128xi32, #tpu.memory_space<vmem>>) semaphore(%arg15 : memref<!tpu.dma_semaphore, #tpu.memory_space<semaphore_mem>>)
          %dma_start3A_76 = arith.constant 3 : i32
          %dma_start3A_77 = arith.constant 384 : i32
          %dma_start3A_78 = arith.constant 0 : i32
          %dma_start3A_79 = tpu.memref_slice %arg12[%dma_start3A_77, %dma_start3A_78] : memref<512x32xbf16, #tpu.memory_space<vmem>> -> memref<128x32xbf16, #tpu.memory_space<vmem>>
          %dma_start3A_80 = arith.constant 0 : i32
          %dma_start3A_81 = tpu.memref_slice %arg10[%dma_start3A_76, %dma_start3A_80] : memref<4x128xi32, #tpu.memory_space<vmem>> -> memref<1x128xi32, #tpu.memory_space<vmem>>
          %dma_start3A_82 = tpu.memref_squeeze %dma_start3A_81 : memref<1x128xi32, #tpu.memory_space<vmem>> -> memref<128xi32, #tpu.memory_space<vmem>>
          %dma_start3A_83 = arith.constant 0 : i32
          %dma_start3A_84 = arith.constant 0 : i32
          %dma_start3A_85 = tpu.memref_slice %arg3[%dma_start3A_83, %dma_start3A_84] : memref<100000x32xbf16, #tpu.memory_space<hbm>> -> memref<100000x32xbf16, #tpu.memory_space<hbm>>
          tpu.enqueue_indirect_dma source(%dma_start3A_85 : memref<100000x32xbf16, #tpu.memory_space<hbm>>) target(%dma_start3A_79 : memref<128x32xbf16, #tpu.memory_space<vmem>>) offsets(%dma_start3A_82 : memref<128xi32, #tpu.memory_space<vmem>>) semaphore(%arg15 : memref<!tpu.dma_semaphore, #tpu.memory_space<semaphore_mem>>)
          %dma_wait3A = arith.constant 0 : i32
          %dma_wait3A_86 = arith.constant 0 : i32
          %dma_wait3A_87 = arith.constant 0 : i32
          %dma_wait3A_88 = tpu.memref_slice %arg12[%dma_wait3A_86, %dma_wait3A_87] : memref<512x32xbf16, #tpu.memory_space<vmem>> -> memref<128x32xbf16, #tpu.memory_space<vmem>>
          %dma_wait3A_89 = arith.constant 0 : i32
          %dma_wait3A_90 = tpu.memref_slice %arg10[%dma_wait3A, %dma_wait3A_89] : memref<4x128xi32, #tpu.memory_space<vmem>> -> memref<1x128xi32, #tpu.memory_space<vmem>>
          %dma_wait3A_91 = tpu.memref_squeeze %dma_wait3A_90 : memref<1x128xi32, #tpu.memory_space<vmem>> -> memref<128xi32, #tpu.memory_space<vmem>>
          %dma_wait3A_92 = arith.constant 0 : i32
          %dma_wait3A_93 = arith.constant 0 : i32
          %dma_wait3A_94 = tpu.memref_slice %arg3[%dma_wait3A_92, %dma_wait3A_93] : memref<100000x32xbf16, #tpu.memory_space<hbm>> -> memref<100000x32xbf16, #tpu.memory_space<hbm>>
          tpu.wait_indirect_dma semaphore(%arg15 : memref<!tpu.dma_semaphore, #tpu.memory_space<semaphore_mem>>) src(%dma_wait3A_94 : memref<100000x32xbf16, #tpu.memory_space<hbm>>) dst(%dma_wait3A_88 : memref<128x32xbf16, #tpu.memory_space<vmem>>)
          %dma_wait3A_95 = arith.constant 1 : i32
          %dma_wait3A_96 = arith.constant 128 : i32
          %dma_wait3A_97 = arith.constant 0 : i32
          %dma_wait3A_98 = tpu.memref_slice %arg12[%dma_wait3A_96, %dma_wait3A_97] : memref<512x32xbf16, #tpu.memory_space<vmem>> -> memref<128x32xbf16, #tpu.memory_space<vmem>>
          %dma_wait3A_99 = arith.constant 0 : i32
          %dma_wait3A_100 = tpu.memref_slice %arg10[%dma_wait3A_95, %dma_wait3A_99] : memref<4x128xi32, #tpu.memory_space<vmem>> -> memref<1x128xi32, #tpu.memory_space<vmem>>
          %dma_wait3A_101 = tpu.memref_squeeze %dma_wait3A_100 : memref<1x128xi32, #tpu.memory_space<vmem>> -> memref<128xi32, #tpu.memory_space<vmem>>
          %dma_wait3A_102 = arith.constant 0 : i32
          %dma_wait3A_103 = arith.constant 0 : i32
          %dma_wait3A_104 = tpu.memref_slice %arg3[%dma_wait3A_102, %dma_wait3A_103] : memref<100000x32xbf16, #tpu.memory_space<hbm>> -> memref<100000x32xbf16, #tpu.memory_space<hbm>>
          tpu.wait_indirect_dma semaphore(%arg15 : memref<!tpu.dma_semaphore, #tpu.memory_space<semaphore_mem>>) src(%dma_wait3A_104 : memref<100000x32xbf16, #tpu.memory_space<hbm>>) dst(%dma_wait3A_98 : memref<128x32xbf16, #tpu.memory_space<vmem>>)
          %dma_wait3A_105 = arith.constant 2 : i32
          %dma_wait3A_106 = arith.constant 256 : i32
          %dma_wait3A_107 = arith.constant 0 : i32
          %dma_wait3A_108 = tpu.memref_slice %arg12[%dma_wait3A_106, %dma_wait3A_107] : memref<512x32xbf16, #tpu.memory_space<vmem>> -> memref<128x32xbf16, #tpu.memory_space<vmem>>
          %dma_wait3A_109 = arith.constant 0 : i32
          %dma_wait3A_110 = tpu.memref_slice %arg10[%dma_wait3A_105, %dma_wait3A_109] : memref<4x128xi32, #tpu.memory_space<vmem>> -> memref<1x128xi32, #tpu.memory_space<vmem>>
          %dma_wait3A_111 = tpu.memref_squeeze %dma_wait3A_110 : memref<1x128xi32, #tpu.memory_space<vmem>> -> memref<128xi32, #tpu.memory_space<vmem>>
          %dma_wait3A_112 = arith.constant 0 : i32
          %dma_wait3A_113 = arith.constant 0 : i32
          %dma_wait3A_114 = tpu.memref_slice %arg3[%dma_wait3A_112, %dma_wait3A_113] : memref<100000x32xbf16, #tpu.memory_space<hbm>> -> memref<100000x32xbf16, #tpu.memory_space<hbm>>
          tpu.wait_indirect_dma semaphore(%arg15 : memref<!tpu.dma_semaphore, #tpu.memory_space<semaphore_mem>>) src(%dma_wait3A_114 : memref<100000x32xbf16, #tpu.memory_space<hbm>>) dst(%dma_wait3A_108 : memref<128x32xbf16, #tpu.memory_space<vmem>>)
          %dma_wait3A_115 = arith.constant 3 : i32
          %dma_wait3A_116 = arith.constant 384 : i32
          %dma_wait3A_117 = arith.constant 0 : i32
          %dma_wait3A_118 = tpu.memref_slice %arg12[%dma_wait3A_116, %dma_wait3A_117] : memref<512x32xbf16, #tpu.memory_space<vmem>> -> memref<128x32xbf16, #tpu.memory_space<vmem>>
          %dma_wait3A_119 = arith.constant 0 : i32
          %dma_wait3A_120 = tpu.memref_slice %arg10[%dma_wait3A_115, %dma_wait3A_119] : memref<4x128xi32, #tpu.memory_space<vmem>> -> memref<1x128xi32, #tpu.memory_space<vmem>>
          %dma_wait3A_121 = tpu.memref_squeeze %dma_wait3A_120 : memref<1x128xi32, #tpu.memory_space<vmem>> -> memref<128xi32, #tpu.memory_space<vmem>>
          %dma_wait3A_122 = arith.constant 0 : i32
          %dma_wait3A_123 = arith.constant 0 : i32
          %dma_wait3A_124 = tpu.memref_slice %arg3[%dma_wait3A_122, %dma_wait3A_123] : memref<100000x32xbf16, #tpu.memory_space<hbm>> -> memref<100000x32xbf16, #tpu.memory_space<hbm>>
          tpu.wait_indirect_dma semaphore(%arg15 : memref<!tpu.dma_semaphore, #tpu.memory_space<semaphore_mem>>) src(%dma_wait3A_124 : memref<100000x32xbf16, #tpu.memory_space<hbm>>) dst(%dma_wait3A_118 : memref<128x32xbf16, #tpu.memory_space<vmem>>)
          %dma_wait3A_125 = arith.constant 96 : i32
          %dma_wait3A_126 = tpu.memref_slice %arg6[%mul3A_42, %dma_wait3A_125] : memref<1600000x128xf32, #tpu.memory_space<hbm>> -> memref<512x32xf32, #tpu.memory_space<hbm>>
          %dma_wait3A_127 = arith.constant 96 : i32
          %dma_wait3A_128 = tpu.memref_slice %arg6[%mul3A_42, %dma_wait3A_127] : memref<1600000x128xf32, #tpu.memory_space<hbm>> -> memref<512x32xf32, #tpu.memory_space<hbm>>
          tpu.wait_dma2 semaphore(%arg16 : memref<!tpu.dma_semaphore, #tpu.memory_space<semaphore_mem>>) src(%dma_wait3A_128 : memref<512x32xf32, #tpu.memory_space<hbm>>) dst(%arg13 : memref<512x32xf32, #tpu.memory_space<vmem>>)
          %scan3A_129 = arith.constant 0 : i32
          %scan3A_130 = arith.constant 0 : i32
          %scan3A_131 = arith.constant 128 : i32
          %scan3A_132 = arith.addi %scan3A_130, %scan3A_131 : i32
          %scan3A_133 = arith.constant 1 : i32
          scf.for %scan3A_138 = %scan3A_130 to %scan3A_132 step %scan3A_133  : i32 {
            %mul3A_139 = arith.constant 4 : i32
            %mul3A_140 = arith.muli %scan3A_138, %mul3A_139 : i32
            %add3A_141 = arith.constant 0 : i32
            %add3A_142 = arith.addi %mul3A_140, %add3A_141 : i32
            %get3A = arith.index_cast %add3A_142 : i32 to index
            %get3A_143 = arith.constant 0 : index
            %get3A_144 = tpu.vector_load %arg13[%get3A, %get3A_143] {strides = array<i32>} : memref<512x32xf32, #tpu.memory_space<vmem>>, vector<16xf32>,
            %get3A_145 = arith.index_cast %add3A_142 : i32 to index
            %get3A_146 = arith.constant 16 : index
            %get3A_147 = tpu.vector_load %arg13[%get3A_145, %get3A_146] {strides = array<i32>} : memref<512x32xf32, #tpu.memory_space<vmem>>, vector<16xf32>,
            %pack3A = tpu.pack_subelements %get3A_144, %get3A_147 {pack_format = #tpu.pack_format<interleaved>, positions = array<i32: 0, 1>} : vector<16xf32>, vector<16xf32> -> vector<32xbf16>
            %get3A_148 = arith.index_cast %add3A_142 : i32 to index
            %get3A_149 = arith.constant 0 : index
            %get3A_150 = tpu.vector_load %arg12[%get3A_148, %get3A_149] {strides = array<i32>} : memref<512x32xbf16, #tpu.memory_space<vmem>>, vector<32xbf16>,
            %mul3A_151 = arith.mulf %get3A_150, %pack3A : vector<32xbf16>
            %swap3A = arith.index_cast %add3A_142 : i32 to index
            %swap3A_152 = arith.constant 0 : index
            %swap3A_153 = tpu.vector_load %arg12[%swap3A, %swap3A_152] {strides = array<i32>} : memref<512x32xbf16, #tpu.memory_space<vmem>>, vector<32xbf16>,
            tpu.vector_store %arg12[%swap3A, %swap3A_152], %mul3A_151 {strides = array<i32>} : memref<512x32xbf16, #tpu.memory_space<vmem>>, vector<32xbf16>,
            %mul3A_154 = arith.constant 4 : i32
            %mul3A_155 = arith.muli %scan3A_138, %mul3A_154 : i32
            %add3A_156 = arith.constant 1 : i32
            %add3A_157 = arith.addi %mul3A_155, %add3A_156 : i32
            %get3A_158 = arith.index_cast %add3A_157 : i32 to index
            %get3A_159 = arith.constant 0 : index
            %get3A_160 = tpu.vector_load %arg13[%get3A_158, %get3A_159] {strides = array<i32>} : memref<512x32xf32, #tpu.memory_space<vmem>>, vector<16xf32>,
            %get3A_161 = arith.index_cast %add3A_157 : i32 to index
            %get3A_162 = arith.constant 16 : index
            %get3A_163 = tpu.vector_load %arg13[%get3A_161, %get3A_162] {strides = array<i32>} : memref<512x32xf32, #tpu.memory_space<vmem>>, vector<16xf32>,
            %pack3A_164 = tpu.pack_subelements %get3A_160, %get3A_163 {pack_format = #tpu.pack_format<interleaved>, positions = array<i32: 0, 1>} : vector<16xf32>, vector<16xf32> -> vector<32xbf16>
            %get3A_165 = arith.index_cast %add3A_157 : i32 to index
            %get3A_166 = arith.constant 0 : index
            %get3A_167 = tpu.vector_load %arg12[%get3A_165, %get3A_166] {strides = array<i32>} : memref<512x32xbf16, #tpu.memory_space<vmem>>, vector<32xbf16>,
            %mul3A_168 = arith.mulf %get3A_167, %pack3A_164 : vector<32xbf16>
            %swap3A_169 = arith.index_cast %add3A_157 : i32 to index
            %swap3A_170 = arith.constant 0 : index
            %swap3A_171 = tpu.vector_load %arg12[%swap3A_169, %swap3A_170] {strides = array<i32>} : memref<512x32xbf16, #tpu.memory_space<vmem>>, vector<32xbf16>,
            tpu.vector_store %arg12[%swap3A_169, %swap3A_170], %mul3A_168 {strides = array<i32>} : memref<512x32xbf16, #tpu.memory_space<vmem>>, vector<32xbf16>,
            %mul3A_172 = arith.constant 4 : i32
            %mul3A_173 = arith.muli %scan3A_138, %mul3A_172 : i32
            %add3A_174 = arith.constant 2 : i32
            %add3A_175 = arith.addi %mul3A_173, %add3A_174 : i32
            %get3A_176 = arith.index_cast %add3A_175 : i32 to index
            %get3A_177 = arith.constant 0 : index
            %get3A_178 = tpu.vector_load %arg13[%get3A_176, %get3A_177] {strides = array<i32>} : memref<512x32xf32, #tpu.memory_space<vmem>>, vector<16xf32>,
            %get3A_179 = arith.index_cast %add3A_175 : i32 to index
            %get3A_180 = arith.constant 16 : index
            %get3A_181 = tpu.vector_load %arg13[%get3A_179, %get3A_180] {strides = array<i32>} : memref<512x32xf32, #tpu.memory_space<vmem>>, vector<16xf32>,
            %pack3A_182 = tpu.pack_subelements %get3A_178, %get3A_181 {pack_format = #tpu.pack_format<interleaved>, positions = array<i32: 0, 1>} : vector<16xf32>, vector<16xf32> -> vector<32xbf16>
            %get3A_183 = arith.index_cast %add3A_175 : i32 to index
            %get3A_184 = arith.constant 0 : index
            %get3A_185 = tpu.vector_load %arg12[%get3A_183, %get3A_184] {strides = array<i32>} : memref<512x32xbf16, #tpu.memory_space<vmem>>, vector<32xbf16>,
            %mul3A_186 = arith.mulf %get3A_185, %pack3A_182 : vector<32xbf16>
            %swap3A_187 = arith.index_cast %add3A_175 : i32 to index
            %swap3A_188 = arith.constant 0 : index
            %swap3A_189 = tpu.vector_load %arg12[%swap3A_187, %swap3A_188] {strides = array<i32>} : memref<512x32xbf16, #tpu.memory_space<vmem>>, vector<32xbf16>,
            tpu.vector_store %arg12[%swap3A_187, %swap3A_188], %mul3A_186 {strides = array<i32>} : memref<512x32xbf16, #tpu.memory_space<vmem>>, vector<32xbf16>,
            %mul3A_190 = arith.constant 4 : i32
            %mul3A_191 = arith.muli %scan3A_138, %mul3A_190 : i32
            %add3A_192 = arith.constant 3 : i32
            %add3A_193 = arith.addi %mul3A_191, %add3A_192 : i32
            %get3A_194 = arith.index_cast %add3A_193 : i32 to index
            %get3A_195 = arith.constant 0 : index
            %get3A_196 = tpu.vector_load %arg13[%get3A_194, %get3A_195] {strides = array<i32>} : memref<512x32xf32, #tpu.memory_space<vmem>>, vector<16xf32>,
            %get3A_197 = arith.index_cast %add3A_193 : i32 to index
            %get3A_198 = arith.constant 16 : index
            %get3A_199 = tpu.vector_load %arg13[%get3A_197, %get3A_198] {strides = array<i32>} : memref<512x32xf32, #tpu.memory_space<vmem>>, vector<16xf32>,
            %pack3A_200 = tpu.pack_subelements %get3A_196, %get3A_199 {pack_format = #tpu.pack_format<interleaved>, positions = array<i32: 0, 1>} : vector<16xf32>, vector<16xf32> -> vector<32xbf16>
            %get3A_201 = arith.index_cast %add3A_193 : i32 to index
            %get3A_202 = arith.constant 0 : index
            %get3A_203 = tpu.vector_load %arg12[%get3A_201, %get3A_202] {strides = array<i32>} : memref<512x32xbf16, #tpu.memory_space<vmem>>, vector<32xbf16>,
            %mul3A_204 = arith.mulf %get3A_203, %pack3A_200 : vector<32xbf16>
            %swap3A_205 = arith.index_cast %add3A_193 : i32 to index
            %swap3A_206 = arith.constant 0 : index
            %swap3A_207 = tpu.vector_load %arg12[%swap3A_205, %swap3A_206] {strides = array<i32>} : memref<512x32xbf16, #tpu.memory_space<vmem>>, vector<32xbf16>,
            tpu.vector_store %arg12[%swap3A_205, %swap3A_206], %mul3A_204 {strides = array<i32>} : memref<512x32xbf16, #tpu.memory_space<vmem>>, vector<32xbf16>,
          }
          %scan3A_134 = arith.constant 128 : i32
          %run_scoped3A = arith.constant 0 : i32
          "tpu.region"() ({
            %run_scoped3A_138 = tpu.sem_alloc : memref<!tpu.dma_semaphore, #tpu.memory_space<semaphore_mem>>
            %dma_start3A_139 = arith.constant 0 : i32
            %dma_start3A_140 = arith.constant 0 : i32
            %dma_start3A_141 = tpu.memref_slice %arg12[%dma_start3A_139, %dma_start3A_140] : memref<512x32xbf16, #tpu.memory_space<vmem>> -> memref<128x32xbf16, #tpu.memory_space<vmem>>
            %dma_start3A_142 = arith.constant 0 : i32
            %dma_start3A_143 = tpu.memref_slice %arg11[%run_scoped3A, %dma_start3A_142] : memref<4x128xi32, #tpu.memory_space<vmem>> -> memref<1x128xi32, #tpu.memory_space<vmem>>
            %dma_start3A_144 = tpu.memref_squeeze %dma_start3A_143 : memref<1x128xi32, #tpu.memory_space<vmem>> -> memref<128xi32, #tpu.memory_space<vmem>>
            %dma_start3A_145 = arith.constant 0 : i32
            %dma_start3A_146 = arith.constant 0 : i32
            %dma_start3A_147 = tpu.memref_slice %arg14[%dma_start3A_145, %dma_start3A_146] : memref<100000x32xbf16, #tpu.memory_space<vmem_shared>> -> memref<100000x32xbf16, #tpu.memory_space<vmem_shared>>
            tpu.enqueue_indirect_dma source(%dma_start3A_141 : memref<128x32xbf16, #tpu.memory_space<vmem>>) target(%dma_start3A_147 : memref<100000x32xbf16, #tpu.memory_space<vmem_shared>>) offsets(%dma_start3A_144 : memref<128xi32, #tpu.memory_space<vmem>>) semaphore(%run_scoped3A_138 : memref<!tpu.dma_semaphore, #tpu.memory_space<semaphore_mem>>) {add = true}
            %dma_wait3A_148 = arith.constant 0 : i32
            %dma_wait3A_149 = arith.constant 0 : i32
            %dma_wait3A_150 = tpu.memref_slice %arg12[%dma_wait3A_148, %dma_wait3A_149] : memref<512x32xbf16, #tpu.memory_space<vmem>> -> memref<128x32xbf16, #tpu.memory_space<vmem>>
            %dma_wait3A_151 = arith.constant 0 : i32
            %dma_wait3A_152 = tpu.memref_slice %arg11[%run_scoped3A, %dma_wait3A_151] : memref<4x128xi32, #tpu.memory_space<vmem>> -> memref<1x128xi32, #tpu.memory_space<vmem>>
            %dma_wait3A_153 = tpu.memref_squeeze %dma_wait3A_152 : memref<1x128xi32, #tpu.memory_space<vmem>> -> memref<128xi32, #tpu.memory_space<vmem>>
            %dma_wait3A_154 = arith.constant 0 : i32
            %dma_wait3A_155 = arith.constant 0 : i32
            %dma_wait3A_156 = tpu.memref_slice %arg14[%dma_wait3A_154, %dma_wait3A_155] : memref<100000x32xbf16, #tpu.memory_space<vmem_shared>> -> memref<100000x32xbf16, #tpu.memory_space<vmem_shared>>
            tpu.wait_indirect_dma semaphore(%run_scoped3A_138 : memref<!tpu.dma_semaphore, #tpu.memory_space<semaphore_mem>>) src(%dma_wait3A_150 : memref<128x32xbf16, #tpu.memory_space<vmem>>) dst(%dma_wait3A_156 : memref<100000x32xbf16, #tpu.memory_space<vmem_shared>>)
            tpu.yield
          }) : () -> ()
          %run_scoped3A_135 = arith.constant 1 : i32
          "tpu.region"() ({
            %run_scoped3A_138 = tpu.sem_alloc : memref<!tpu.dma_semaphore, #tpu.memory_space<semaphore_mem>>
            %dma_start3A_139 = arith.constant 128 : i32
            %dma_start3A_140 = arith.constant 0 : i32
            %dma_start3A_141 = tpu.memref_slice %arg12[%dma_start3A_139, %dma_start3A_140] : memref<512x32xbf16, #tpu.memory_space<vmem>> -> memref<128x32xbf16, #tpu.memory_space<vmem>>
            %dma_start3A_142 = arith.constant 0 : i32
            %dma_start3A_143 = tpu.memref_slice %arg11[%run_scoped3A_135, %dma_start3A_142] : memref<4x128xi32, #tpu.memory_space<vmem>> -> memref<1x128xi32, #tpu.memory_space<vmem>>
            %dma_start3A_144 = tpu.memref_squeeze %dma_start3A_143 : memref<1x128xi32, #tpu.memory_space<vmem>> -> memref<128xi32, #tpu.memory_space<vmem>>
            %dma_start3A_145 = arith.constant 0 : i32
            %dma_start3A_146 = arith.constant 0 : i32
            %dma_start3A_147 = tpu.memref_slice %arg14[%dma_start3A_145, %dma_start3A_146] : memref<100000x32xbf16, #tpu.memory_space<vmem_shared>> -> memref<100000x32xbf16, #tpu.memory_space<vmem_shared>>
            tpu.enqueue_indirect_dma source(%dma_start3A_141 : memref<128x32xbf16, #tpu.memory_space<vmem>>) target(%dma_start3A_147 : memref<100000x32xbf16, #tpu.memory_space<vmem_shared>>) offsets(%dma_start3A_144 : memref<128xi32, #tpu.memory_space<vmem>>) semaphore(%run_scoped3A_138 : memref<!tpu.dma_semaphore, #tpu.memory_space<semaphore_mem>>) {add = true}
            %dma_wait3A_148 = arith.constant 128 : i32
            %dma_wait3A_149 = arith.constant 0 : i32
            %dma_wait3A_150 = tpu.memref_slice %arg12[%dma_wait3A_148, %dma_wait3A_149] : memref<512x32xbf16, #tpu.memory_space<vmem>> -> memref<128x32xbf16, #tpu.memory_space<vmem>>
            %dma_wait3A_151 = arith.constant 0 : i32
            %dma_wait3A_152 = tpu.memref_slice %arg11[%run_scoped3A_135, %dma_wait3A_151] : memref<4x128xi32, #tpu.memory_space<vmem>> -> memref<1x128xi32, #tpu.memory_space<vmem>>
            %dma_wait3A_153 = tpu.memref_squeeze %dma_wait3A_152 : memref<1x128xi32, #tpu.memory_space<vmem>> -> memref<128xi32, #tpu.memory_space<vmem>>
            %dma_wait3A_154 = arith.constant 0 : i32
            %dma_wait3A_155 = arith.constant 0 : i32
            %dma_wait3A_156 = tpu.memref_slice %arg14[%dma_wait3A_154, %dma_wait3A_155] : memref<100000x32xbf16, #tpu.memory_space<vmem_shared>> -> memref<100000x32xbf16, #tpu.memory_space<vmem_shared>>
            tpu.wait_indirect_dma semaphore(%run_scoped3A_138 : memref<!tpu.dma_semaphore, #tpu.memory_space<semaphore_mem>>) src(%dma_wait3A_150 : memref<128x32xbf16, #tpu.memory_space<vmem>>) dst(%dma_wait3A_156 : memref<100000x32xbf16, #tpu.memory_space<vmem_shared>>)
            tpu.yield
          }) : () -> ()
          %run_scoped3A_136 = arith.constant 2 : i32
          "tpu.region"() ({
            %run_scoped3A_138 = tpu.sem_alloc : memref<!tpu.dma_semaphore, #tpu.memory_space<semaphore_mem>>
            %dma_start3A_139 = arith.constant 256 : i32
            %dma_start3A_140 = arith.constant 0 : i32
            %dma_start3A_141 = tpu.memref_slice %arg12[%dma_start3A_139, %dma_start3A_140] : memref<512x32xbf16, #tpu.memory_space<vmem>> -> memref<128x32xbf16, #tpu.memory_space<vmem>>
            %dma_start3A_142 = arith.constant 0 : i32
            %dma_start3A_143 = tpu.memref_slice %arg11[%run_scoped3A_136, %dma_start3A_142] : memref<4x128xi32, #tpu.memory_space<vmem>> -> memref<1x128xi32, #tpu.memory_space<vmem>>
            %dma_start3A_144 = tpu.memref_squeeze %dma_start3A_143 : memref<1x128xi32, #tpu.memory_space<vmem>> -> memref<128xi32, #tpu.memory_space<vmem>>
            %dma_start3A_145 = arith.constant 0 : i32
            %dma_start3A_146 = arith.constant 0 : i32
            %dma_start3A_147 = tpu.memref_slice %arg14[%dma_start3A_145, %dma_start3A_146] : memref<100000x32xbf16, #tpu.memory_space<vmem_shared>> -> memref<100000x32xbf16, #tpu.memory_space<vmem_shared>>
            tpu.enqueue_indirect_dma source(%dma_start3A_141 : memref<128x32xbf16, #tpu.memory_space<vmem>>) target(%dma_start3A_147 : memref<100000x32xbf16, #tpu.memory_space<vmem_shared>>) offsets(%dma_start3A_144 : memref<128xi32, #tpu.memory_space<vmem>>) semaphore(%run_scoped3A_138 : memref<!tpu.dma_semaphore, #tpu.memory_space<semaphore_mem>>) {add = true}
            %dma_wait3A_148 = arith.constant 256 : i32
            %dma_wait3A_149 = arith.constant 0 : i32
            %dma_wait3A_150 = tpu.memref_slice %arg12[%dma_wait3A_148, %dma_wait3A_149] : memref<512x32xbf16, #tpu.memory_space<vmem>> -> memref<128x32xbf16, #tpu.memory_space<vmem>>
            %dma_wait3A_151 = arith.constant 0 : i32
            %dma_wait3A_152 = tpu.memref_slice %arg11[%run_scoped3A_136, %dma_wait3A_151] : memref<4x128xi32, #tpu.memory_space<vmem>> -> memref<1x128xi32, #tpu.memory_space<vmem>>
            %dma_wait3A_153 = tpu.memref_squeeze %dma_wait3A_152 : memref<1x128xi32, #tpu.memory_space<vmem>> -> memref<128xi32, #tpu.memory_space<vmem>>
            %dma_wait3A_154 = arith.constant 0 : i32
            %dma_wait3A_155 = arith.constant 0 : i32
            %dma_wait3A_156 = tpu.memref_slice %arg14[%dma_wait3A_154, %dma_wait3A_155] : memref<100000x32xbf16, #tpu.memory_space<vmem_shared>> -> memref<100000x32xbf16, #tpu.memory_space<vmem_shared>>
            tpu.wait_indirect_dma semaphore(%run_scoped3A_138 : memref<!tpu.dma_semaphore, #tpu.memory_space<semaphore_mem>>) src(%dma_wait3A_150 : memref<128x32xbf16, #tpu.memory_space<vmem>>) dst(%dma_wait3A_156 : memref<100000x32xbf16, #tpu.memory_space<vmem_shared>>)
            tpu.yield
          }) : () -> ()
          %run_scoped3A_137 = arith.constant 3 : i32
          "tpu.region"() ({
            %run_scoped3A_138 = tpu.sem_alloc : memref<!tpu.dma_semaphore, #tpu.memory_space<semaphore_mem>>
            %dma_start3A_139 = arith.constant 384 : i32
            %dma_start3A_140 = arith.constant 0 : i32
            %dma_start3A_141 = tpu.memref_slice %arg12[%dma_start3A_139, %dma_start3A_140] : memref<512x32xbf16, #tpu.memory_space<vmem>> -> memref<128x32xbf16, #tpu.memory_space<vmem>>
            %dma_start3A_142 = arith.constant 0 : i32
            %dma_start3A_143 = tpu.memref_slice %arg11[%run_scoped3A_137, %dma_start3A_142] : memref<4x128xi32, #tpu.memory_space<vmem>> -> memref<1x128xi32, #tpu.memory_space<vmem>>
            %dma_start3A_144 = tpu.memref_squeeze %dma_start3A_143 : memref<1x128xi32, #tpu.memory_space<vmem>> -> memref<128xi32, #tpu.memory_space<vmem>>
            %dma_start3A_145 = arith.constant 0 : i32
            %dma_start3A_146 = arith.constant 0 : i32
            %dma_start3A_147 = tpu.memref_slice %arg14[%dma_start3A_145, %dma_start3A_146] : memref<100000x32xbf16, #tpu.memory_space<vmem_shared>> -> memref<100000x32xbf16, #tpu.memory_space<vmem_shared>>
            tpu.enqueue_indirect_dma source(%dma_start3A_141 : memref<128x32xbf16, #tpu.memory_space<vmem>>) target(%dma_start3A_147 : memref<100000x32xbf16, #tpu.memory_space<vmem_shared>>) offsets(%dma_start3A_144 : memref<128xi32, #tpu.memory_space<vmem>>) semaphore(%run_scoped3A_138 : memref<!tpu.dma_semaphore, #tpu.memory_space<semaphore_mem>>) {add = true}
            %dma_wait3A_148 = arith.constant 384 : i32
            %dma_wait3A_149 = arith.constant 0 : i32
            %dma_wait3A_150 = tpu.memref_slice %arg12[%dma_wait3A_148, %dma_wait3A_149] : memref<512x32xbf16, #tpu.memory_space<vmem>> -> memref<128x32xbf16, #tpu.memory_space<vmem>>
            %dma_wait3A_151 = arith.constant 0 : i32
            %dma_wait3A_152 = tpu.memref_slice %arg11[%run_scoped3A_137, %dma_wait3A_151] : memref<4x128xi32, #tpu.memory_space<vmem>> -> memref<1x128xi32, #tpu.memory_space<vmem>>
            %dma_wait3A_153 = tpu.memref_squeeze %dma_wait3A_152 : memref<1x128xi32, #tpu.memory_space<vmem>> -> memref<128xi32, #tpu.memory_space<vmem>>
            %dma_wait3A_154 = arith.constant 0 : i32
            %dma_wait3A_155 = arith.constant 0 : i32
            %dma_wait3A_156 = tpu.memref_slice %arg14[%dma_wait3A_154, %dma_wait3A_155] : memref<100000x32xbf16, #tpu.memory_space<vmem_shared>> -> memref<100000x32xbf16, #tpu.memory_space<vmem_shared>>
            tpu.wait_indirect_dma semaphore(%run_scoped3A_138 : memref<!tpu.dma_semaphore, #tpu.memory_space<semaphore_mem>>) src(%dma_wait3A_150 : memref<128x32xbf16, #tpu.memory_space<vmem>>) dst(%dma_wait3A_156 : memref<100000x32xbf16, #tpu.memory_space<vmem_shared>>)
            tpu.yield
          }) : () -> ()
        } else {
        }
      }
      %scan3A_20 = arith.constant 196 : i32
      %barrier3A_21 = arith.constant 0 : index
      tpu.barrier barrier_id(%barrier3A_21)
      %lt3A_22 = arith.constant 15 : i32
      %lt3A_23 = arith.cmpi slt, %arg1, %lt3A_22 : i32
      %convert_element_type3A_24 = arith.extui %lt3A_23 : i1 to i32
      %cond3A_25 = arith.constant 0 : i32
      %cond3A_26 = arith.cmpi ne, %convert_element_type3A_24, %cond3A_25 : i32
      scf.if %cond3A_26 {
        %mul3A = arith.constant 6256 : i32
        %mul3A_32 = arith.muli %arg1, %mul3A : i32
        %multiple_of3A = tpu.assume_multiple %mul3A_32, 16 : i32
        "tpu.region"() ({
          %run_scoped3A = tpu.sem_alloc : memref<!tpu.dma_semaphore, #tpu.memory_space<semaphore_mem>>
          %dma_start3A = arith.constant 0 : i32
          %dma_start3A_33 = tpu.memref_slice %arg9[%multiple_of3A, %dma_start3A] : memref<100000x32xbf16, #tpu.memory_space<hbm>> -> memref<6256x32xbf16, #tpu.memory_space<hbm>>
          %dma_start3A_34 = arith.constant 0 : i32
          %dma_start3A_35 = tpu.memref_slice %arg14[%multiple_of3A, %dma_start3A_34] : memref<100000x32xbf16, #tpu.memory_space<vmem_shared>> -> memref<6256x32xbf16, #tpu.memory_space<vmem_shared>>
          tpu.enqueue_dma source(%dma_start3A_35 : memref<6256x32xbf16, #tpu.memory_space<vmem_shared>>) target(%dma_start3A_33 : memref<6256x32xbf16, #tpu.memory_space<hbm>>) target_semaphore(%run_scoped3A : memref<!tpu.dma_semaphore, #tpu.memory_space<semaphore_mem>>)
          %dma_wait3A = arith.constant 0 : i32
          %dma_wait3A_36 = tpu.memref_slice %arg9[%multiple_of3A, %dma_wait3A] : memref<100000x32xbf16, #tpu.memory_space<hbm>> -> memref<6256x32xbf16, #tpu.memory_space<hbm>>
          %dma_wait3A_37 = arith.constant 0 : i32
          %dma_wait3A_38 = tpu.memref_slice %arg14[%multiple_of3A, %dma_wait3A_37] : memref<100000x32xbf16, #tpu.memory_space<vmem_shared>> -> memref<6256x32xbf16, #tpu.memory_space<vmem_shared>>
          tpu.wait_dma2 semaphore(%run_scoped3A : memref<!tpu.dma_semaphore, #tpu.memory_space<semaphore_mem>>) src(%dma_wait3A_38 : memref<6256x32xbf16, #tpu.memory_space<vmem_shared>>) dst(%dma_wait3A_36 : memref<6256x32xbf16, #tpu.memory_space<hbm>>)
          tpu.yield
        }) : () -> ()
      } else {
      }
      %eq3A_27 = arith.constant 15 : i32
      %eq3A_28 = arith.cmpi eq, %arg1, %eq3A_27 : i32
      %convert_element_type3A_29 = arith.extui %eq3A_28 : i1 to i32
      %cond3A_30 = arith.constant 0 : i32
      %cond3A_31 = arith.cmpi ne, %convert_element_type3A_29, %cond3A_30 : i32
      scf.if %cond3A_31 {
        "tpu.region"() ({
          %run_scoped3A = tpu.sem_alloc : memref<!tpu.dma_semaphore, #tpu.memory_space<semaphore_mem>>
          %dma_start3A = arith.constant 93840 : i32
          %dma_start3A_32 = arith.constant 0 : i32
          %dma_start3A_33 = tpu.memref_slice %arg9[%dma_start3A, %dma_start3A_32] : memref<100000x32xbf16, #tpu.memory_space<hbm>> -> memref<6160x32xbf16, #tpu.memory_space<hbm>>
          %dma_start3A_34 = arith.constant 93840 : i32
          %dma_start3A_35 = arith.constant 0 : i32
          %dma_start3A_36 = tpu.memref_slice %arg14[%dma_start3A_34, %dma_start3A_35] : memref<100000x32xbf16, #tpu.memory_space<vmem_shared>> -> memref<6160x32xbf16, #tpu.memory_space<vmem_shared>>
          tpu.enqueue_dma source(%dma_start3A_36 : memref<6160x32xbf16, #tpu.memory_space<vmem_shared>>) target(%dma_start3A_33 : memref<6160x32xbf16, #tpu.memory_space<hbm>>) target_semaphore(%run_scoped3A : memref<!tpu.dma_semaphore, #tpu.memory_space<semaphore_mem>>)
          %dma_wait3A = arith.constant 93840 : i32
          %dma_wait3A_37 = arith.constant 0 : i32
          %dma_wait3A_38 = tpu.memref_slice %arg9[%dma_wait3A, %dma_wait3A_37] : memref<100000x32xbf16, #tpu.memory_space<hbm>> -> memref<6160x32xbf16, #tpu.memory_space<hbm>>
          %dma_wait3A_39 = arith.constant 93840 : i32
          %dma_wait3A_40 = arith.constant 0 : i32
          %dma_wait3A_41 = tpu.memref_slice %arg14[%dma_wait3A_39, %dma_wait3A_40] : memref<100000x32xbf16, #tpu.memory_space<vmem_shared>> -> memref<6160x32xbf16, #tpu.memory_space<vmem_shared>>
          tpu.wait_dma2 semaphore(%run_scoped3A : memref<!tpu.dma_semaphore, #tpu.memory_space<semaphore_mem>>) src(%dma_wait3A_41 : memref<6160x32xbf16, #tpu.memory_space<vmem_shared>>) dst(%dma_wait3A_38 : memref<6160x32xbf16, #tpu.memory_space<hbm>>)
          tpu.yield
        }) : () -> ()
      } else {
      }
    } else {
    }
    return
  }
}

module attributes {stable_mosaic.version = 14 : i64} {
  func.func @_edge_mlp_body(%arg0: i32, %arg1: memref<8000x8xf32, #tpu.memory_space<vmem>>, %arg2: memref<8x16xf32, #tpu.memory_space<vmem>>, %arg3: memref<16xf32, #tpu.memory_space<vmem>>, %arg4: memref<16x64xf32, #tpu.memory_space<vmem>>, %arg5: memref<64xf32, #tpu.memory_space<vmem>>, %arg6: memref<64x32xf32, #tpu.memory_space<vmem>>, %arg7: memref<8x16xf32, #tpu.memory_space<vmem>>, %arg8: memref<16xf32, #tpu.memory_space<vmem>>, %arg9: memref<16x64xf32, #tpu.memory_space<vmem>>, %arg10: memref<64xf32, #tpu.memory_space<vmem>>, %arg11: memref<64x64xf32, #tpu.memory_space<vmem>>, %arg12: memref<8x16xf32, #tpu.memory_space<vmem>>, %arg13: memref<16xf32, #tpu.memory_space<vmem>>, %arg14: memref<16x64xf32, #tpu.memory_space<vmem>>, %arg15: memref<64xf32, #tpu.memory_space<vmem>>, %arg16: memref<64x64xf32, #tpu.memory_space<vmem>>, %arg17: memref<8000x32xbf16, #tpu.memory_space<vmem>>, %arg18: memref<8000x128xf32, #tpu.memory_space<vmem>>) attributes {dimension_semantics = [#tpu.dimension_semantics<arbitrary>], iteration_bounds = array<i64: 200>, scalar_prefetch = 0 : i64, scratch_operands = 0 : i64, tpu.core_type = #tpu.core_type<tc>, window_params = [{transform_indices = @transform_0, window_bounds = array<i64: 8000, 8>}, {pipeline_mode = #tpu.pipeline_mode<synchronous>, transform_indices = @transform_1, window_bounds = array<i64: 8, 16>}, {pipeline_mode = #tpu.pipeline_mode<synchronous>, transform_indices = @transform_2, window_bounds = array<i64: 16>}, {pipeline_mode = #tpu.pipeline_mode<synchronous>, transform_indices = @transform_3, window_bounds = array<i64: 16, 64>}, {pipeline_mode = #tpu.pipeline_mode<synchronous>, transform_indices = @transform_4, window_bounds = array<i64: 64>}, {pipeline_mode = #tpu.pipeline_mode<synchronous>, transform_indices = @transform_5, window_bounds = array<i64: 64, 32>}, {pipeline_mode = #tpu.pipeline_mode<synchronous>, transform_indices = @transform_6, window_bounds = array<i64: 8, 16>}, {pipeline_mode = #tpu.pipeline_mode<synchronous>, transform_indices = @transform_7, window_bounds = array<i64: 16>}, {pipeline_mode = #tpu.pipeline_mode<synchronous>, transform_indices = @transform_8, window_bounds = array<i64: 16, 64>}, {pipeline_mode = #tpu.pipeline_mode<synchronous>, transform_indices = @transform_9, window_bounds = array<i64: 64>}, {pipeline_mode = #tpu.pipeline_mode<synchronous>, transform_indices = @transform_10, window_bounds = array<i64: 64, 64>}, {pipeline_mode = #tpu.pipeline_mode<synchronous>, transform_indices = @transform_11, window_bounds = array<i64: 8, 16>}, {pipeline_mode = #tpu.pipeline_mode<synchronous>, transform_indices = @transform_12, window_bounds = array<i64: 16>}, {pipeline_mode = #tpu.pipeline_mode<synchronous>, transform_indices = @transform_13, window_bounds = array<i64: 16, 64>}, {pipeline_mode = #tpu.pipeline_mode<synchronous>, transform_indices = @transform_14, window_bounds = array<i64: 64>}, {pipeline_mode = #tpu.pipeline_mode<synchronous>, transform_indices = @transform_15, window_bounds = array<i64: 64, 64>}, {transform_indices = @transform_16, window_bounds = array<i64: 8000, 32>}, {transform_indices = @transform_17, window_bounds = array<i64: 8000, 128>}]} {
    %get3A = arith.constant 0 : index
    %get3A_0 = arith.constant 0 : index
    %get3A_1 = vector.load %arg1[%get3A, %get3A_0] : memref<8000x8xf32, #tpu.memory_space<vmem>>, vector<8000x8xf32>
    %convert_element_type3A = arith.truncf %get3A_1 : vector<8000x8xf32> to vector<8000x8xbf16>
    %get3A_2 = arith.constant 0 : index
    %get3A_3 = arith.constant 0 : index
    %get3A_4 = vector.load %arg2[%get3A_2, %get3A_3] : memref<8x16xf32, #tpu.memory_space<vmem>>, vector<8x16xf32>
    %convert_element_type3A_5 = arith.truncf %get3A_4 : vector<8x16xf32> to vector<8x16xbf16>
    %dot_general3A = arith.constant dense<0.000000e+00> : vector<8000x16xf32>
    %dot_general3A_6 = tpu.matmul %convert_element_type3A, %convert_element_type3A_5, %dot_general3A {dimension_numbers = #tpu.dot_dimension_numbers<[1], [0], [0], [1], [0, 0, 1, 1], [], []>, transpose_lhs_hint = false} : vector<8000x8xbf16>, vector<8x16xbf16>, vector<8000x16xf32> -> vector<8000x16xf32>
    %get3A_7 = arith.constant 0 : index
    %get3A_8 = vector.load %arg3[%get3A_7] : memref<16xf32, #tpu.memory_space<vmem>>, vector<16xf32>
    %broadcast_in_dim3A = vector.shape_cast %get3A_8 : vector<16xf32> to vector<1x16xf32>
    %add3A = vector.broadcast %broadcast_in_dim3A : vector<1x16xf32> to vector<8000x16xf32>
    %add3A_9 = arith.addf %dot_general3A_6, %add3A : vector<8000x16xf32>
    %logistic3A = arith.negf %add3A_9 : vector<8000x16xf32>
    %logistic3A_10 = math.exp %logistic3A : vector<8000x16xf32>
    %logistic3A_11 = arith.constant 1.000000e+00 : f32
    %logistic3A_12 = vector.broadcast %logistic3A_11 : f32 to vector<8000x16xf32>
    %logistic3A_13 = arith.addf %logistic3A_12, %logistic3A_10 : vector<8000x16xf32>
    %logistic3A_14 = arith.divf %logistic3A_12, %logistic3A_13 : vector<8000x16xf32>
    %mul3A = arith.mulf %add3A_9, %logistic3A_14 : vector<8000x16xf32>
    %convert_element_type3A_15 = arith.truncf %mul3A : vector<8000x16xf32> to vector<8000x16xbf16>
    %get3A_16 = arith.constant 0 : index
    %get3A_17 = arith.constant 0 : index
    %get3A_18 = vector.load %arg4[%get3A_16, %get3A_17] : memref<16x64xf32, #tpu.memory_space<vmem>>, vector<16x64xf32>
    %convert_element_type3A_19 = arith.truncf %get3A_18 : vector<16x64xf32> to vector<16x64xbf16>
    %dot_general3A_20 = arith.constant dense<0.000000e+00> : vector<8000x64xf32>
    %dot_general3A_21 = tpu.matmul %convert_element_type3A_15, %convert_element_type3A_19, %dot_general3A_20 {dimension_numbers = #tpu.dot_dimension_numbers<[1], [0], [0], [1], [0, 0, 1, 1], [], []>, transpose_lhs_hint = false} : vector<8000x16xbf16>, vector<16x64xbf16>, vector<8000x64xf32> -> vector<8000x64xf32>
    %get3A_22 = arith.constant 0 : index
    %get3A_23 = vector.load %arg5[%get3A_22] : memref<64xf32, #tpu.memory_space<vmem>>, vector<64xf32>
    %broadcast_in_dim3A_24 = vector.shape_cast %get3A_23 : vector<64xf32> to vector<1x64xf32>
    %add3A_25 = vector.broadcast %broadcast_in_dim3A_24 : vector<1x64xf32> to vector<8000x64xf32>
    %add3A_26 = arith.addf %dot_general3A_21, %add3A_25 : vector<8000x64xf32>
    %logistic3A_27 = arith.negf %add3A_26 : vector<8000x64xf32>
    %logistic3A_28 = math.exp %logistic3A_27 : vector<8000x64xf32>
    %logistic3A_29 = arith.constant 1.000000e+00 : f32
    %logistic3A_30 = vector.broadcast %logistic3A_29 : f32 to vector<8000x64xf32>
    %logistic3A_31 = arith.addf %logistic3A_30, %logistic3A_28 : vector<8000x64xf32>
    %logistic3A_32 = arith.divf %logistic3A_30, %logistic3A_31 : vector<8000x64xf32>
    %mul3A_33 = arith.mulf %add3A_26, %logistic3A_32 : vector<8000x64xf32>
    %convert_element_type3A_34 = arith.truncf %mul3A_33 : vector<8000x64xf32> to vector<8000x64xbf16>
    %get3A_35 = arith.constant 0 : index
    %get3A_36 = arith.constant 0 : index
    %get3A_37 = vector.load %arg6[%get3A_35, %get3A_36] : memref<64x32xf32, #tpu.memory_space<vmem>>, vector<64x32xf32>
    %convert_element_type3A_38 = arith.truncf %get3A_37 : vector<64x32xf32> to vector<64x32xbf16>
    %dot_general3A_39 = arith.constant dense<0.000000e+00> : vector<8000x32xf32>
    %dot_general3A_40 = tpu.matmul %convert_element_type3A_34, %convert_element_type3A_38, %dot_general3A_39 {dimension_numbers = #tpu.dot_dimension_numbers<[1], [0], [0], [1], [0, 0, 1, 1], [], []>, transpose_lhs_hint = false} : vector<8000x64xbf16>, vector<64x32xbf16>, vector<8000x32xf32> -> vector<8000x32xf32>
    %convert_element_type3A_41 = arith.truncf %dot_general3A_40 : vector<8000x32xf32> to vector<8000x32xbf16>
    %swap3A = arith.constant 0 : index
    %swap3A_42 = arith.constant 0 : index
    %swap3A_43 = vector.load %arg17[%swap3A, %swap3A_42] : memref<8000x32xbf16, #tpu.memory_space<vmem>>, vector<8000x32xbf16>
    tpu.vector_store %arg17[%swap3A, %swap3A_42], %convert_element_type3A_41 {strides = array<i32>} : memref<8000x32xbf16, #tpu.memory_space<vmem>>, vector<8000x32xbf16>,
    %get3A_44 = arith.constant 0 : index
    %get3A_45 = arith.constant 0 : index
    %get3A_46 = vector.load %arg7[%get3A_44, %get3A_45] : memref<8x16xf32, #tpu.memory_space<vmem>>, vector<8x16xf32>
    %convert_element_type3A_47 = arith.truncf %get3A_46 : vector<8x16xf32> to vector<8x16xbf16>
    %dot_general3A_48 = arith.constant dense<0.000000e+00> : vector<8000x16xf32>
    %dot_general3A_49 = tpu.matmul %convert_element_type3A, %convert_element_type3A_47, %dot_general3A_48 {dimension_numbers = #tpu.dot_dimension_numbers<[1], [0], [0], [1], [0, 0, 1, 1], [], []>, transpose_lhs_hint = false} : vector<8000x8xbf16>, vector<8x16xbf16>, vector<8000x16xf32> -> vector<8000x16xf32>
    %get3A_50 = arith.constant 0 : index
    %get3A_51 = vector.load %arg8[%get3A_50] : memref<16xf32, #tpu.memory_space<vmem>>, vector<16xf32>
    %broadcast_in_dim3A_52 = vector.shape_cast %get3A_51 : vector<16xf32> to vector<1x16xf32>
    %add3A_53 = vector.broadcast %broadcast_in_dim3A_52 : vector<1x16xf32> to vector<8000x16xf32>
    %add3A_54 = arith.addf %dot_general3A_49, %add3A_53 : vector<8000x16xf32>
    %logistic3A_55 = arith.negf %add3A_54 : vector<8000x16xf32>
    %logistic3A_56 = math.exp %logistic3A_55 : vector<8000x16xf32>
    %logistic3A_57 = arith.constant 1.000000e+00 : f32
    %logistic3A_58 = vector.broadcast %logistic3A_57 : f32 to vector<8000x16xf32>
    %logistic3A_59 = arith.addf %logistic3A_58, %logistic3A_56 : vector<8000x16xf32>
    %logistic3A_60 = arith.divf %logistic3A_58, %logistic3A_59 : vector<8000x16xf32>
    %mul3A_61 = arith.mulf %add3A_54, %logistic3A_60 : vector<8000x16xf32>
    %convert_element_type3A_62 = arith.truncf %mul3A_61 : vector<8000x16xf32> to vector<8000x16xbf16>
    %get3A_63 = arith.constant 0 : index
    %get3A_64 = arith.constant 0 : index
    %get3A_65 = vector.load %arg9[%get3A_63, %get3A_64] : memref<16x64xf32, #tpu.memory_space<vmem>>, vector<16x64xf32>
    %convert_element_type3A_66 = arith.truncf %get3A_65 : vector<16x64xf32> to vector<16x64xbf16>
    %dot_general3A_67 = arith.constant dense<0.000000e+00> : vector<8000x64xf32>
    %dot_general3A_68 = tpu.matmul %convert_element_type3A_62, %convert_element_type3A_66, %dot_general3A_67 {dimension_numbers = #tpu.dot_dimension_numbers<[1], [0], [0], [1], [0, 0, 1, 1], [], []>, transpose_lhs_hint = false} : vector<8000x16xbf16>, vector<16x64xbf16>, vector<8000x64xf32> -> vector<8000x64xf32>
    %get3A_69 = arith.constant 0 : index
    %get3A_70 = vector.load %arg10[%get3A_69] : memref<64xf32, #tpu.memory_space<vmem>>, vector<64xf32>
    %broadcast_in_dim3A_71 = vector.shape_cast %get3A_70 : vector<64xf32> to vector<1x64xf32>
    %add3A_72 = vector.broadcast %broadcast_in_dim3A_71 : vector<1x64xf32> to vector<8000x64xf32>
    %add3A_73 = arith.addf %dot_general3A_68, %add3A_72 : vector<8000x64xf32>
    %logistic3A_74 = arith.negf %add3A_73 : vector<8000x64xf32>
    %logistic3A_75 = math.exp %logistic3A_74 : vector<8000x64xf32>
    %logistic3A_76 = arith.constant 1.000000e+00 : f32
    %logistic3A_77 = vector.broadcast %logistic3A_76 : f32 to vector<8000x64xf32>
    %logistic3A_78 = arith.addf %logistic3A_77, %logistic3A_75 : vector<8000x64xf32>
    %logistic3A_79 = arith.divf %logistic3A_77, %logistic3A_78 : vector<8000x64xf32>
    %mul3A_80 = arith.mulf %add3A_73, %logistic3A_79 : vector<8000x64xf32>
    %convert_element_type3A_81 = arith.truncf %mul3A_80 : vector<8000x64xf32> to vector<8000x64xbf16>
    %get3A_82 = arith.constant 0 : index
    %get3A_83 = arith.constant 0 : index
    %get3A_84 = vector.load %arg11[%get3A_82, %get3A_83] : memref<64x64xf32, #tpu.memory_space<vmem>>, vector<64x64xf32>
    %convert_element_type3A_85 = arith.truncf %get3A_84 : vector<64x64xf32> to vector<64x64xbf16>
    %dot_general3A_86 = arith.constant dense<0.000000e+00> : vector<8000x64xf32>
    %dot_general3A_87 = tpu.matmul %convert_element_type3A_81, %convert_element_type3A_85, %dot_general3A_86 {dimension_numbers = #tpu.dot_dimension_numbers<[1], [0], [0], [1], [0, 0, 1, 1], [], []>, transpose_lhs_hint = false} : vector<8000x64xbf16>, vector<64x64xbf16>, vector<8000x64xf32> -> vector<8000x64xf32>
    %get3A_88 = arith.constant 0 : index
    %get3A_89 = arith.constant 0 : index
    %get3A_90 = vector.load %arg12[%get3A_88, %get3A_89] : memref<8x16xf32, #tpu.memory_space<vmem>>, vector<8x16xf32>
    %convert_element_type3A_91 = arith.truncf %get3A_90 : vector<8x16xf32> to vector<8x16xbf16>
    %dot_general3A_92 = arith.constant dense<0.000000e+00> : vector<8000x16xf32>
    %dot_general3A_93 = tpu.matmul %convert_element_type3A, %convert_element_type3A_91, %dot_general3A_92 {dimension_numbers = #tpu.dot_dimension_numbers<[1], [0], [0], [1], [0, 0, 1, 1], [], []>, transpose_lhs_hint = false} : vector<8000x8xbf16>, vector<8x16xbf16>, vector<8000x16xf32> -> vector<8000x16xf32>
    %get3A_94 = arith.constant 0 : index
    %get3A_95 = vector.load %arg13[%get3A_94] : memref<16xf32, #tpu.memory_space<vmem>>, vector<16xf32>
    %broadcast_in_dim3A_96 = vector.shape_cast %get3A_95 : vector<16xf32> to vector<1x16xf32>
    %add3A_97 = vector.broadcast %broadcast_in_dim3A_96 : vector<1x16xf32> to vector<8000x16xf32>
    %add3A_98 = arith.addf %dot_general3A_93, %add3A_97 : vector<8000x16xf32>
    %logistic3A_99 = arith.negf %add3A_98 : vector<8000x16xf32>
    %logistic3A_100 = math.exp %logistic3A_99 : vector<8000x16xf32>
    %logistic3A_101 = arith.constant 1.000000e+00 : f32
    %logistic3A_102 = vector.broadcast %logistic3A_101 : f32 to vector<8000x16xf32>
    %logistic3A_103 = arith.addf %logistic3A_102, %logistic3A_100 : vector<8000x16xf32>
    %logistic3A_104 = arith.divf %logistic3A_102, %logistic3A_103 : vector<8000x16xf32>
    %mul3A_105 = arith.mulf %add3A_98, %logistic3A_104 : vector<8000x16xf32>
    %convert_element_type3A_106 = arith.truncf %mul3A_105 : vector<8000x16xf32> to vector<8000x16xbf16>
    %get3A_107 = arith.constant 0 : index
    %get3A_108 = arith.constant 0 : index
    %get3A_109 = vector.load %arg14[%get3A_107, %get3A_108] : memref<16x64xf32, #tpu.memory_space<vmem>>, vector<16x64xf32>
    %convert_element_type3A_110 = arith.truncf %get3A_109 : vector<16x64xf32> to vector<16x64xbf16>
    %dot_general3A_111 = arith.constant dense<0.000000e+00> : vector<8000x64xf32>
    %dot_general3A_112 = tpu.matmul %convert_element_type3A_106, %convert_element_type3A_110, %dot_general3A_111 {dimension_numbers = #tpu.dot_dimension_numbers<[1], [0], [0], [1], [0, 0, 1, 1], [], []>, transpose_lhs_hint = false} : vector<8000x16xbf16>, vector<16x64xbf16>, vector<8000x64xf32> -> vector<8000x64xf32>
    %get3A_113 = arith.constant 0 : index
    %get3A_114 = vector.load %arg15[%get3A_113] : memref<64xf32, #tpu.memory_space<vmem>>, vector<64xf32>
    %broadcast_in_dim3A_115 = vector.shape_cast %get3A_114 : vector<64xf32> to vector<1x64xf32>
    %add3A_116 = vector.broadcast %broadcast_in_dim3A_115 : vector<1x64xf32> to vector<8000x64xf32>
    %add3A_117 = arith.addf %dot_general3A_112, %add3A_116 : vector<8000x64xf32>
    %logistic3A_118 = arith.negf %add3A_117 : vector<8000x64xf32>
    %logistic3A_119 = math.exp %logistic3A_118 : vector<8000x64xf32>
    %logistic3A_120 = arith.constant 1.000000e+00 : f32
    %logistic3A_121 = vector.broadcast %logistic3A_120 : f32 to vector<8000x64xf32>
    %logistic3A_122 = arith.addf %logistic3A_121, %logistic3A_119 : vector<8000x64xf32>
    %logistic3A_123 = arith.divf %logistic3A_121, %logistic3A_122 : vector<8000x64xf32>
    %mul3A_124 = arith.mulf %add3A_117, %logistic3A_123 : vector<8000x64xf32>
    %convert_element_type3A_125 = arith.truncf %mul3A_124 : vector<8000x64xf32> to vector<8000x64xbf16>
    %get3A_126 = arith.constant 0 : index
    %get3A_127 = arith.constant 0 : index
    %get3A_128 = vector.load %arg16[%get3A_126, %get3A_127] : memref<64x64xf32, #tpu.memory_space<vmem>>, vector<64x64xf32>
    %convert_element_type3A_129 = arith.truncf %get3A_128 : vector<64x64xf32> to vector<64x64xbf16>
    %dot_general3A_130 = arith.constant dense<0.000000e+00> : vector<8000x64xf32>
    %dot_general3A_131 = tpu.matmul %convert_element_type3A_125, %convert_element_type3A_129, %dot_general3A_130 {dimension_numbers = #tpu.dot_dimension_numbers<[1], [0], [0], [1], [0, 0, 1, 1], [], []>, transpose_lhs_hint = false} : vector<8000x64xbf16>, vector<64x64xbf16>, vector<8000x64xf32> -> vector<8000x64xf32>
    %concatenate3A = tpu.concatenate %dot_general3A_87, %dot_general3A_131 in 1 : vector<8000x64xf32>, vector<8000x64xf32> -> vector<8000x128xf32>
    %swap3A_132 = arith.constant 0 : index
    %swap3A_133 = arith.constant 0 : index
    %swap3A_134 = vector.load %arg18[%swap3A_132, %swap3A_133] : memref<8000x128xf32, #tpu.memory_space<vmem>>, vector<8000x128xf32>
    tpu.vector_store %arg18[%swap3A_132, %swap3A_133], %concatenate3A {strides = array<i32>} : memref<8000x128xf32, #tpu.memory_space<vmem>>, vector<8000x128xf32>,
    return
  }
  func.func @transform_0(%arg0: i32) -> (i32, i32) {
    %c0_i32 = arith.constant 0 : i32
    %c0_i32_0 = arith.constant 0 : i32
    return %arg0, %c0_i32 : i32, i32
  }
  func.func @transform_1(%arg0: i32) -> (i32, i32) {
    %c0_i32 = arith.constant 0 : i32
    %c0_i32_0 = arith.constant 0 : i32
    %c0_i32_1 = arith.constant 0 : i32
    return %c0_i32, %c0_i32_0 : i32, i32
  }
  func.func @transform_2(%arg0: i32) -> i32 {
    %c0_i32 = arith.constant 0 : i32
    %c0_i32_0 = arith.constant 0 : i32
    return %c0_i32 : i32
  }
  func.func @transform_3(%arg0: i32) -> (i32, i32) {
    %c0_i32 = arith.constant 0 : i32
    %c0_i32_0 = arith.constant 0 : i32
    %c0_i32_1 = arith.constant 0 : i32
    return %c0_i32, %c0_i32_0 : i32, i32
  }
  func.func @transform_4(%arg0: i32) -> i32 {
    %c0_i32 = arith.constant 0 : i32
    %c0_i32_0 = arith.constant 0 : i32
    return %c0_i32 : i32
  }
  func.func @transform_5(%arg0: i32) -> (i32, i32) {
    %c0_i32 = arith.constant 0 : i32
    %c0_i32_0 = arith.constant 0 : i32
    %c0_i32_1 = arith.constant 0 : i32
    return %c0_i32, %c0_i32_0 : i32, i32
  }
  func.func @transform_6(%arg0: i32) -> (i32, i32) {
    %c0_i32 = arith.constant 0 : i32
    %c0_i32_0 = arith.constant 0 : i32
    %c0_i32_1 = arith.constant 0 : i32
    return %c0_i32, %c0_i32_0 : i32, i32
  }
  func.func @transform_7(%arg0: i32) -> i32 {
    %c0_i32 = arith.constant 0 : i32
    %c0_i32_0 = arith.constant 0 : i32
    return %c0_i32 : i32
  }
  func.func @transform_8(%arg0: i32) -> (i32, i32) {
    %c0_i32 = arith.constant 0 : i32
    %c0_i32_0 = arith.constant 0 : i32
    %c0_i32_1 = arith.constant 0 : i32
    return %c0_i32, %c0_i32_0 : i32, i32
  }
  func.func @transform_9(%arg0: i32) -> i32 {
    %c0_i32 = arith.constant 0 : i32
    %c0_i32_0 = arith.constant 0 : i32
    return %c0_i32 : i32
  }
  func.func @transform_10(%arg0: i32) -> (i32, i32) {
    %c0_i32 = arith.constant 0 : i32
    %c0_i32_0 = arith.constant 0 : i32
    %c0_i32_1 = arith.constant 0 : i32
    return %c0_i32, %c0_i32_0 : i32, i32
  }
  func.func @transform_11(%arg0: i32) -> (i32, i32) {
    %c0_i32 = arith.constant 0 : i32
    %c0_i32_0 = arith.constant 0 : i32
    %c0_i32_1 = arith.constant 0 : i32
    return %c0_i32, %c0_i32_0 : i32, i32
  }
  func.func @transform_12(%arg0: i32) -> i32 {
    %c0_i32 = arith.constant 0 : i32
    %c0_i32_0 = arith.constant 0 : i32
    return %c0_i32 : i32
  }
  func.func @transform_13(%arg0: i32) -> (i32, i32) {
    %c0_i32 = arith.constant 0 : i32
    %c0_i32_0 = arith.constant 0 : i32
    %c0_i32_1 = arith.constant 0 : i32
    return %c0_i32, %c0_i32_0 : i32, i32
  }
  func.func @transform_14(%arg0: i32) -> i32 {
    %c0_i32 = arith.constant 0 : i32
    %c0_i32_0 = arith.constant 0 : i32
    return %c0_i32 : i32
  }
  func.func @transform_15(%arg0: i32) -> (i32, i32) {
    %c0_i32 = arith.constant 0 : i32
    %c0_i32_0 = arith.constant 0 : i32
    %c0_i32_1 = arith.constant 0 : i32
    return %c0_i32, %c0_i32_0 : i32, i32
  }
  func.func @transform_16(%arg0: i32) -> (i32, i32) {
    %c0_i32 = arith.constant 0 : i32
    %c0_i32_0 = arith.constant 0 : i32
    return %arg0, %c0_i32 : i32, i32
  }
  func.func @transform_17(%arg0: i32) -> (i32, i32) {
    %c0_i32 = arith.constant 0 : i32
    %c0_i32_0 = arith.constant 0 : i32
    return %arg0, %c0_i32 : i32, i32
  }
}

module attributes {stable_mosaic.version = 14 : i64} {
  func.func @_node_pre_body(%arg0: i32, %arg1: memref<2000x8xf32, #tpu.memory_space<vmem>>, %arg2: memref<2000x8xf32, #tpu.memory_space<vmem>>, %arg3: memref<8x8x64xf32, #tpu.memory_space<vmem>>, %arg4: memref<8x32xf32, #tpu.memory_space<vmem>>, %arg5: memref<2000x64xf32, #tpu.memory_space<vmem>>, %arg6: memref<2000x32xbf16, #tpu.memory_space<vmem>>) attributes {dimension_semantics = [#tpu.dimension_semantics<arbitrary>], iteration_bounds = array<i64: 50>, scalar_prefetch = 0 : i64, scratch_operands = 0 : i64, tpu.core_type = #tpu.core_type<tc>, window_params = [{transform_indices = @transform_0, window_bounds = array<i64: 2000, 8>}, {transform_indices = @transform_1, window_bounds = array<i64: 2000, 8>}, {pipeline_mode = #tpu.pipeline_mode<synchronous>, transform_indices = @transform_2, window_bounds = array<i64: 8, 8, 64>}, {pipeline_mode = #tpu.pipeline_mode<synchronous>, transform_indices = @transform_3, window_bounds = array<i64: 8, 32>}, {transform_indices = @transform_4, window_bounds = array<i64: 2000, 64>}, {transform_indices = @transform_5, window_bounds = array<i64: 2000, 32>}]} {
    %get3A = arith.constant 0 : index
    %get3A_0 = arith.constant 0 : index
    %get3A_1 = vector.load %arg1[%get3A, %get3A_0] : memref<2000x8xf32, #tpu.memory_space<vmem>>, vector<2000x8xf32>
    %get3A_2 = arith.constant 0 : index
    %get3A_3 = arith.constant 0 : index
    %get3A_4 = vector.load %arg2[%get3A_2, %get3A_3] : memref<2000x8xf32, #tpu.memory_space<vmem>>, vector<2000x8xf32>
    %broadcast_in_dim3A = arith.constant 0.000000e+00 : f32
    %broadcast_in_dim3A_5 = vector.broadcast %broadcast_in_dim3A : f32 to vector<2000x64xf32>
    %slice3A = vector.extract_strided_slice %get3A_4 {offsets = [0, 0], sizes = [2000, 1], strides = [1, 1]} : vector<2000x8xf32> to vector<2000x1xf32>
    %squeeze3A = vector.shape_cast %slice3A : vector<2000x1xf32> to vector<2000xf32>
    %broadcast_in_dim3A_6 = vector.shape_cast %squeeze3A : vector<2000xf32> to vector<2000x1xf32>
    %mul3A = vector.broadcast %broadcast_in_dim3A_6 : vector<2000x1xf32> to vector<2000x8xf32>
    %mul3A_7 = arith.mulf %get3A_1, %mul3A : vector<2000x8xf32>
    %get3A_8 = arith.constant 0 : index
    %get3A_9 = arith.constant 0 : index
    %get3A_10 = arith.constant 0 : index
    %get3A_11 = vector.load %arg3[%get3A_8, %get3A_9, %get3A_10] : memref<8x8x64xf32, #tpu.memory_space<vmem>>, vector<1x8x64xf32>
    %get3A_12 = vector.shape_cast %get3A_11 : vector<1x8x64xf32> to vector<8x64xf32>
    %dot_general3A = arith.constant dense<0.000000e+00> : vector<2000x64xf32>
    %dot_general3A_13 = tpu.matmul %mul3A_7, %get3A_12, %dot_general3A {dimension_numbers = #tpu.dot_dimension_numbers<[1], [0], [0], [1], [0, 0, 1, 1], [], []>, transpose_lhs_hint = false} : vector<2000x8xf32>, vector<8x64xf32>, vector<2000x64xf32> -> vector<2000x64xf32>
    %add3A = arith.addf %broadcast_in_dim3A_5, %dot_general3A_13 : vector<2000x64xf32>
    %slice3A_14 = vector.extract_strided_slice %get3A_4 {offsets = [0, 1], sizes = [2000, 1], strides = [1, 1]} : vector<2000x8xf32> to vector<2000x1xf32>
    %squeeze3A_15 = vector.shape_cast %slice3A_14 : vector<2000x1xf32> to vector<2000xf32>
    %broadcast_in_dim3A_16 = vector.shape_cast %squeeze3A_15 : vector<2000xf32> to vector<2000x1xf32>
    %mul3A_17 = vector.broadcast %broadcast_in_dim3A_16 : vector<2000x1xf32> to vector<2000x8xf32>
    %mul3A_18 = arith.mulf %get3A_1, %mul3A_17 : vector<2000x8xf32>
    %get3A_19 = arith.constant 1 : index
    %get3A_20 = arith.constant 0 : index
    %get3A_21 = arith.constant 0 : index
    %get3A_22 = vector.load %arg3[%get3A_19, %get3A_20, %get3A_21] : memref<8x8x64xf32, #tpu.memory_space<vmem>>, vector<1x8x64xf32>
    %get3A_23 = vector.shape_cast %get3A_22 : vector<1x8x64xf32> to vector<8x64xf32>
    %dot_general3A_24 = arith.constant dense<0.000000e+00> : vector<2000x64xf32>
    %dot_general3A_25 = tpu.matmul %mul3A_18, %get3A_23, %dot_general3A_24 {dimension_numbers = #tpu.dot_dimension_numbers<[1], [0], [0], [1], [0, 0, 1, 1], [], []>, transpose_lhs_hint = false} : vector<2000x8xf32>, vector<8x64xf32>, vector<2000x64xf32> -> vector<2000x64xf32>
    %add3A_26 = arith.addf %add3A, %dot_general3A_25 : vector<2000x64xf32>
    %slice3A_27 = vector.extract_strided_slice %get3A_4 {offsets = [0, 2], sizes = [2000, 1], strides = [1, 1]} : vector<2000x8xf32> to vector<2000x1xf32>
    %squeeze3A_28 = vector.shape_cast %slice3A_27 : vector<2000x1xf32> to vector<2000xf32>
    %broadcast_in_dim3A_29 = vector.shape_cast %squeeze3A_28 : vector<2000xf32> to vector<2000x1xf32>
    %mul3A_30 = vector.broadcast %broadcast_in_dim3A_29 : vector<2000x1xf32> to vector<2000x8xf32>
    %mul3A_31 = arith.mulf %get3A_1, %mul3A_30 : vector<2000x8xf32>
    %get3A_32 = arith.constant 2 : index
    %get3A_33 = arith.constant 0 : index
    %get3A_34 = arith.constant 0 : index
    %get3A_35 = vector.load %arg3[%get3A_32, %get3A_33, %get3A_34] : memref<8x8x64xf32, #tpu.memory_space<vmem>>, vector<1x8x64xf32>
    %get3A_36 = vector.shape_cast %get3A_35 : vector<1x8x64xf32> to vector<8x64xf32>
    %dot_general3A_37 = arith.constant dense<0.000000e+00> : vector<2000x64xf32>
    %dot_general3A_38 = tpu.matmul %mul3A_31, %get3A_36, %dot_general3A_37 {dimension_numbers = #tpu.dot_dimension_numbers<[1], [0], [0], [1], [0, 0, 1, 1], [], []>, transpose_lhs_hint = false} : vector<2000x8xf32>, vector<8x64xf32>, vector<2000x64xf32> -> vector<2000x64xf32>
    %add3A_39 = arith.addf %add3A_26, %dot_general3A_38 : vector<2000x64xf32>
    %slice3A_40 = vector.extract_strided_slice %get3A_4 {offsets = [0, 3], sizes = [2000, 1], strides = [1, 1]} : vector<2000x8xf32> to vector<2000x1xf32>
    %squeeze3A_41 = vector.shape_cast %slice3A_40 : vector<2000x1xf32> to vector<2000xf32>
    %broadcast_in_dim3A_42 = vector.shape_cast %squeeze3A_41 : vector<2000xf32> to vector<2000x1xf32>
    %mul3A_43 = vector.broadcast %broadcast_in_dim3A_42 : vector<2000x1xf32> to vector<2000x8xf32>
    %mul3A_44 = arith.mulf %get3A_1, %mul3A_43 : vector<2000x8xf32>
    %get3A_45 = arith.constant 3 : index
    %get3A_46 = arith.constant 0 : index
    %get3A_47 = arith.constant 0 : index
    %get3A_48 = vector.load %arg3[%get3A_45, %get3A_46, %get3A_47] : memref<8x8x64xf32, #tpu.memory_space<vmem>>, vector<1x8x64xf32>
    %get3A_49 = vector.shape_cast %get3A_48 : vector<1x8x64xf32> to vector<8x64xf32>
    %dot_general3A_50 = arith.constant dense<0.000000e+00> : vector<2000x64xf32>
    %dot_general3A_51 = tpu.matmul %mul3A_44, %get3A_49, %dot_general3A_50 {dimension_numbers = #tpu.dot_dimension_numbers<[1], [0], [0], [1], [0, 0, 1, 1], [], []>, transpose_lhs_hint = false} : vector<2000x8xf32>, vector<8x64xf32>, vector<2000x64xf32> -> vector<2000x64xf32>
    %add3A_52 = arith.addf %add3A_39, %dot_general3A_51 : vector<2000x64xf32>
    %slice3A_53 = vector.extract_strided_slice %get3A_4 {offsets = [0, 4], sizes = [2000, 1], strides = [1, 1]} : vector<2000x8xf32> to vector<2000x1xf32>
    %squeeze3A_54 = vector.shape_cast %slice3A_53 : vector<2000x1xf32> to vector<2000xf32>
    %broadcast_in_dim3A_55 = vector.shape_cast %squeeze3A_54 : vector<2000xf32> to vector<2000x1xf32>
    %mul3A_56 = vector.broadcast %broadcast_in_dim3A_55 : vector<2000x1xf32> to vector<2000x8xf32>
    %mul3A_57 = arith.mulf %get3A_1, %mul3A_56 : vector<2000x8xf32>
    %get3A_58 = arith.constant 4 : index
    %get3A_59 = arith.constant 0 : index
    %get3A_60 = arith.constant 0 : index
    %get3A_61 = vector.load %arg3[%get3A_58, %get3A_59, %get3A_60] : memref<8x8x64xf32, #tpu.memory_space<vmem>>, vector<1x8x64xf32>
    %get3A_62 = vector.shape_cast %get3A_61 : vector<1x8x64xf32> to vector<8x64xf32>
    %dot_general3A_63 = arith.constant dense<0.000000e+00> : vector<2000x64xf32>
    %dot_general3A_64 = tpu.matmul %mul3A_57, %get3A_62, %dot_general3A_63 {dimension_numbers = #tpu.dot_dimension_numbers<[1], [0], [0], [1], [0, 0, 1, 1], [], []>, transpose_lhs_hint = false} : vector<2000x8xf32>, vector<8x64xf32>, vector<2000x64xf32> -> vector<2000x64xf32>
    %add3A_65 = arith.addf %add3A_52, %dot_general3A_64 : vector<2000x64xf32>
    %slice3A_66 = vector.extract_strided_slice %get3A_4 {offsets = [0, 5], sizes = [2000, 1], strides = [1, 1]} : vector<2000x8xf32> to vector<2000x1xf32>
    %squeeze3A_67 = vector.shape_cast %slice3A_66 : vector<2000x1xf32> to vector<2000xf32>
    %broadcast_in_dim3A_68 = vector.shape_cast %squeeze3A_67 : vector<2000xf32> to vector<2000x1xf32>
    %mul3A_69 = vector.broadcast %broadcast_in_dim3A_68 : vector<2000x1xf32> to vector<2000x8xf32>
    %mul3A_70 = arith.mulf %get3A_1, %mul3A_69 : vector<2000x8xf32>
    %get3A_71 = arith.constant 5 : index
    %get3A_72 = arith.constant 0 : index
    %get3A_73 = arith.constant 0 : index
    %get3A_74 = vector.load %arg3[%get3A_71, %get3A_72, %get3A_73] : memref<8x8x64xf32, #tpu.memory_space<vmem>>, vector<1x8x64xf32>
    %get3A_75 = vector.shape_cast %get3A_74 : vector<1x8x64xf32> to vector<8x64xf32>
    %dot_general3A_76 = arith.constant dense<0.000000e+00> : vector<2000x64xf32>
    %dot_general3A_77 = tpu.matmul %mul3A_70, %get3A_75, %dot_general3A_76 {dimension_numbers = #tpu.dot_dimension_numbers<[1], [0], [0], [1], [0, 0, 1, 1], [], []>, transpose_lhs_hint = false} : vector<2000x8xf32>, vector<8x64xf32>, vector<2000x64xf32> -> vector<2000x64xf32>
    %add3A_78 = arith.addf %add3A_65, %dot_general3A_77 : vector<2000x64xf32>
    %slice3A_79 = vector.extract_strided_slice %get3A_4 {offsets = [0, 6], sizes = [2000, 1], strides = [1, 1]} : vector<2000x8xf32> to vector<2000x1xf32>
    %squeeze3A_80 = vector.shape_cast %slice3A_79 : vector<2000x1xf32> to vector<2000xf32>
    %broadcast_in_dim3A_81 = vector.shape_cast %squeeze3A_80 : vector<2000xf32> to vector<2000x1xf32>
    %mul3A_82 = vector.broadcast %broadcast_in_dim3A_81 : vector<2000x1xf32> to vector<2000x8xf32>
    %mul3A_83 = arith.mulf %get3A_1, %mul3A_82 : vector<2000x8xf32>
    %get3A_84 = arith.constant 6 : index
    %get3A_85 = arith.constant 0 : index
    %get3A_86 = arith.constant 0 : index
    %get3A_87 = vector.load %arg3[%get3A_84, %get3A_85, %get3A_86] : memref<8x8x64xf32, #tpu.memory_space<vmem>>, vector<1x8x64xf32>
    %get3A_88 = vector.shape_cast %get3A_87 : vector<1x8x64xf32> to vector<8x64xf32>
    %dot_general3A_89 = arith.constant dense<0.000000e+00> : vector<2000x64xf32>
    %dot_general3A_90 = tpu.matmul %mul3A_83, %get3A_88, %dot_general3A_89 {dimension_numbers = #tpu.dot_dimension_numbers<[1], [0], [0], [1], [0, 0, 1, 1], [], []>, transpose_lhs_hint = false} : vector<2000x8xf32>, vector<8x64xf32>, vector<2000x64xf32> -> vector<2000x64xf32>
    %add3A_91 = arith.addf %add3A_78, %dot_general3A_90 : vector<2000x64xf32>
    %slice3A_92 = vector.extract_strided_slice %get3A_4 {offsets = [0, 7], sizes = [2000, 1], strides = [1, 1]} : vector<2000x8xf32> to vector<2000x1xf32>
    %squeeze3A_93 = vector.shape_cast %slice3A_92 : vector<2000x1xf32> to vector<2000xf32>
    %broadcast_in_dim3A_94 = vector.shape_cast %squeeze3A_93 : vector<2000xf32> to vector<2000x1xf32>
    %mul3A_95 = vector.broadcast %broadcast_in_dim3A_94 : vector<2000x1xf32> to vector<2000x8xf32>
    %mul3A_96 = arith.mulf %get3A_1, %mul3A_95 : vector<2000x8xf32>
    %get3A_97 = arith.constant 7 : index
    %get3A_98 = arith.constant 0 : index
    %get3A_99 = arith.constant 0 : index
    %get3A_100 = vector.load %arg3[%get3A_97, %get3A_98, %get3A_99] : memref<8x8x64xf32, #tpu.memory_space<vmem>>, vector<1x8x64xf32>
    %get3A_101 = vector.shape_cast %get3A_100 : vector<1x8x64xf32> to vector<8x64xf32>
    %dot_general3A_102 = arith.constant dense<0.000000e+00> : vector<2000x64xf32>
    %dot_general3A_103 = tpu.matmul %mul3A_96, %get3A_101, %dot_general3A_102 {dimension_numbers = #tpu.dot_dimension_numbers<[1], [0], [0], [1], [0, 0, 1, 1], [], []>, transpose_lhs_hint = false} : vector<2000x8xf32>, vector<8x64xf32>, vector<2000x64xf32> -> vector<2000x64xf32>
    %add3A_104 = arith.addf %add3A_91, %dot_general3A_103 : vector<2000x64xf32>
    %mul3A_105 = arith.constant 1.250000e-01 : f32
    %mul3A_106 = vector.broadcast %mul3A_105 : f32 to vector<2000x64xf32>
    %mul3A_107 = arith.mulf %add3A_104, %mul3A_106 : vector<2000x64xf32>
    %swap3A = arith.constant 0 : index
    %swap3A_108 = arith.constant 0 : index
    %swap3A_109 = vector.load %arg5[%swap3A, %swap3A_108] : memref<2000x64xf32, #tpu.memory_space<vmem>>, vector<2000x64xf32>
    tpu.vector_store %arg5[%swap3A, %swap3A_108], %mul3A_107 {strides = array<i32>} : memref<2000x64xf32, #tpu.memory_space<vmem>>, vector<2000x64xf32>,
    %get3A_110 = arith.constant 0 : index
    %get3A_111 = arith.constant 0 : index
    %get3A_112 = vector.load %arg4[%get3A_110, %get3A_111] : memref<8x32xf32, #tpu.memory_space<vmem>>, vector<8x32xf32>
    %dot_general3A_113 = arith.constant dense<0.000000e+00> : vector<2000x32xf32>
    %dot_general3A_114 = tpu.matmul %get3A_1, %get3A_112, %dot_general3A_113 {dimension_numbers = #tpu.dot_dimension_numbers<[1], [0], [0], [1], [0, 0, 1, 1], [], []>, transpose_lhs_hint = false} : vector<2000x8xf32>, vector<8x32xf32>, vector<2000x32xf32> -> vector<2000x32xf32>
    %mul3A_115 = arith.constant 0.353553385 : f32
    %mul3A_116 = vector.broadcast %mul3A_115 : f32 to vector<2000x32xf32>
    %mul3A_117 = arith.mulf %dot_general3A_114, %mul3A_116 : vector<2000x32xf32>
    %convert_element_type3A = arith.truncf %mul3A_117 : vector<2000x32xf32> to vector<2000x32xbf16>
    %swap3A_118 = arith.constant 0 : index
    %swap3A_119 = arith.constant 0 : index
    %swap3A_120 = vector.load %arg6[%swap3A_118, %swap3A_119] : memref<2000x32xbf16, #tpu.memory_space<vmem>>, vector<2000x32xbf16>
    tpu.vector_store %arg6[%swap3A_118, %swap3A_119], %convert_element_type3A {strides = array<i32>} : memref<2000x32xbf16, #tpu.memory_space<vmem>>, vector<2000x32xbf16>,
    return
  }
  func.func @transform_0(%arg0: i32) -> (i32, i32) {
    %c0_i32 = arith.constant 0 : i32
    %c0_i32_0 = arith.constant 0 : i32
    return %arg0, %c0_i32 : i32, i32
  }
  func.func @transform_1(%arg0: i32) -> (i32, i32) {
    %c0_i32 = arith.constant 0 : i32
    %c0_i32_0 = arith.constant 0 : i32
    return %arg0, %c0_i32 : i32, i32
  }
  func.func @transform_2(%arg0: i32) -> (i32, i32, i32) {
    %c0_i32 = arith.constant 0 : i32
    %c0_i32_0 = arith.constant 0 : i32
    %c0_i32_1 = arith.constant 0 : i32
    %c0_i32_2 = arith.constant 0 : i32
    return %c0_i32, %c0_i32_0, %c0_i32_1 : i32, i32, i32
  }
  func.func @transform_3(%arg0: i32) -> (i32, i32) {
    %c0_i32 = arith.constant 0 : i32
    %c0_i32_0 = arith.constant 0 : i32
    %c0_i32_1 = arith.constant 0 : i32
    return %c0_i32, %c0_i32_0 : i32, i32
  }
  func.func @transform_4(%arg0: i32) -> (i32, i32) {
    %c0_i32 = arith.constant 0 : i32
    %c0_i32_0 = arith.constant 0 : i32
    return %arg0, %c0_i32 : i32, i32
  }
  func.func @transform_5(%arg0: i32) -> (i32, i32) {
    %c0_i32 = arith.constant 0 : i32
    %c0_i32_0 = arith.constant 0 : i32
    return %arg0, %c0_i32 : i32, i32
  }
}

module attributes {stable_mosaic.version = 14 : i64} {
  func.func @_combine_body(%arg0: i32, %arg1: memref<2000x64xf32, #tpu.memory_space<vmem>>, %arg2: memref<2000x32xbf16, #tpu.memory_space<vmem>>, %arg3: memref<32x64xf32, #tpu.memory_space<vmem>>, %arg4: memref<2000x32xbf16, #tpu.memory_space<vmem>>, %arg5: memref<32x64xf32, #tpu.memory_space<vmem>>, %arg6: memref<2000x64xf32, #tpu.memory_space<vmem>>) attributes {dimension_semantics = [#tpu.dimension_semantics<arbitrary>], iteration_bounds = array<i64: 50>, scalar_prefetch = 0 : i64, scratch_operands = 0 : i64, tpu.core_type = #tpu.core_type<tc>, window_params = [{transform_indices = @transform_0, window_bounds = array<i64: 2000, 64>}, {transform_indices = @transform_1, window_bounds = array<i64: 2000, 32>}, {pipeline_mode = #tpu.pipeline_mode<synchronous>, transform_indices = @transform_2, window_bounds = array<i64: 32, 64>}, {transform_indices = @transform_3, window_bounds = array<i64: 2000, 32>}, {pipeline_mode = #tpu.pipeline_mode<synchronous>, transform_indices = @transform_4, window_bounds = array<i64: 32, 64>}, {transform_indices = @transform_5, window_bounds = array<i64: 2000, 64>}]} {
    %broadcast_in_dim3A = arith.constant 0.000000e+00 : f32
    %broadcast_in_dim3A_0 = vector.broadcast %broadcast_in_dim3A : f32 to vector<2000x64xf32>
    %get3A = arith.constant 0 : index
    %get3A_1 = arith.constant 0 : index
    %get3A_2 = vector.load %arg2[%get3A, %get3A_1] : memref<2000x32xbf16, #tpu.memory_space<vmem>>, vector<2000x32xbf16>
    %get3A_3 = arith.constant 0 : index
    %get3A_4 = arith.constant 0 : index
    %get3A_5 = vector.load %arg3[%get3A_3, %get3A_4] : memref<32x64xf32, #tpu.memory_space<vmem>>, vector<32x64xf32>
    %convert_element_type3A = arith.truncf %get3A_5 : vector<32x64xf32> to vector<32x64xbf16>
    %dot_general3A = arith.constant dense<0.000000e+00> : vector<2000x64xf32>
    %dot_general3A_6 = tpu.matmul %get3A_2, %convert_element_type3A, %dot_general3A {dimension_numbers = #tpu.dot_dimension_numbers<[1], [0], [0], [1], [0, 0, 1, 1], [], []>, transpose_lhs_hint = false} : vector<2000x32xbf16>, vector<32x64xbf16>, vector<2000x64xf32> -> vector<2000x64xf32>
    %add3A = arith.addf %broadcast_in_dim3A_0, %dot_general3A_6 : vector<2000x64xf32>
    %get3A_7 = arith.constant 0 : index
    %get3A_8 = arith.constant 0 : index
    %get3A_9 = vector.load %arg4[%get3A_7, %get3A_8] : memref<2000x32xbf16, #tpu.memory_space<vmem>>, vector<2000x32xbf16>
    %get3A_10 = arith.constant 0 : index
    %get3A_11 = arith.constant 0 : index
    %get3A_12 = vector.load %arg5[%get3A_10, %get3A_11] : memref<32x64xf32, #tpu.memory_space<vmem>>, vector<32x64xf32>
    %convert_element_type3A_13 = arith.truncf %get3A_12 : vector<32x64xf32> to vector<32x64xbf16>
    %dot_general3A_14 = arith.constant dense<0.000000e+00> : vector<2000x64xf32>
    %dot_general3A_15 = tpu.matmul %get3A_9, %convert_element_type3A_13, %dot_general3A_14 {dimension_numbers = #tpu.dot_dimension_numbers<[1], [0], [0], [1], [0, 0, 1, 1], [], []>, transpose_lhs_hint = false} : vector<2000x32xbf16>, vector<32x64xbf16>, vector<2000x64xf32> -> vector<2000x64xf32>
    %add3A_16 = arith.addf %add3A, %dot_general3A_15 : vector<2000x64xf32>
    %get3A_17 = arith.constant 0 : index
    %get3A_18 = arith.constant 0 : index
    %get3A_19 = vector.load %arg1[%get3A_17, %get3A_18] : memref<2000x64xf32, #tpu.memory_space<vmem>>, vector<2000x64xf32>
    %mul3A = arith.constant 0.0883883461 : f32
    %mul3A_20 = vector.broadcast %mul3A : f32 to vector<2000x64xf32>
    %mul3A_21 = arith.mulf %add3A_16, %mul3A_20 : vector<2000x64xf32>
    %add3A_22 = arith.addf %get3A_19, %mul3A_21 : vector<2000x64xf32>
    %logistic3A = arith.negf %add3A_22 : vector<2000x64xf32>
    %logistic3A_23 = math.exp %logistic3A : vector<2000x64xf32>
    %logistic3A_24 = arith.constant 1.000000e+00 : f32
    %logistic3A_25 = vector.broadcast %logistic3A_24 : f32 to vector<2000x64xf32>
    %logistic3A_26 = arith.addf %logistic3A_25, %logistic3A_23 : vector<2000x64xf32>
    %logistic3A_27 = arith.divf %logistic3A_25, %logistic3A_26 : vector<2000x64xf32>
    %mul3A_28 = arith.mulf %add3A_22, %logistic3A_27 : vector<2000x64xf32>
    %swap3A = arith.constant 0 : index
    %swap3A_29 = arith.constant 0 : index
    %swap3A_30 = vector.load %arg6[%swap3A, %swap3A_29] : memref<2000x64xf32, #tpu.memory_space<vmem>>, vector<2000x64xf32>
    tpu.vector_store %arg6[%swap3A, %swap3A_29], %mul3A_28 {strides = array<i32>} : memref<2000x64xf32, #tpu.memory_space<vmem>>, vector<2000x64xf32>,
    return
  }
  func.func @transform_0(%arg0: i32) -> (i32, i32) {
    %c0_i32 = arith.constant 0 : i32
    %c0_i32_0 = arith.constant 0 : i32
    return %arg0, %c0_i32 : i32, i32
  }
  func.func @transform_1(%arg0: i32) -> (i32, i32) {
    %c0_i32 = arith.constant 0 : i32
    %c0_i32_0 = arith.constant 0 : i32
    return %arg0, %c0_i32 : i32, i32
  }
  func.func @transform_2(%arg0: i32) -> (i32, i32) {
    %c0_i32 = arith.constant 0 : i32
    %c0_i32_0 = arith.constant 0 : i32
    %c0_i32_1 = arith.constant 0 : i32
    return %c0_i32, %c0_i32_0 : i32, i32
  }
  func.func @transform_3(%arg0: i32) -> (i32, i32) {
    %c0_i32 = arith.constant 0 : i32
    %c0_i32_0 = arith.constant 0 : i32
    return %arg0, %c0_i32 : i32, i32
  }
  func.func @transform_4(%arg0: i32) -> (i32, i32) {
    %c0_i32 = arith.constant 0 : i32
    %c0_i32_0 = arith.constant 0 : i32
    %c0_i32_1 = arith.constant 0 : i32
    return %c0_i32, %c0_i32_0 : i32, i32
  }
  func.func @transform_5(%arg0: i32) -> (i32, i32) {
    %c0_i32 = arith.constant 0 : i32
    %c0_i32_0 = arith.constant 0 : i32
    return %arg0, %c0_i32 : i32, i32
  }
}

module attributes {stable_mosaic.version = 14 : i64} {
  func.func @_node_pre_body(%arg0: i32, %arg1: memref<2000x64xf32, #tpu.memory_space<vmem>>, %arg2: memref<2000x8xf32, #tpu.memory_space<vmem>>, %arg3: memref<8x64x64xf32, #tpu.memory_space<vmem>>, %arg4: memref<64x64xf32, #tpu.memory_space<vmem>>, %arg5: memref<2000x64xf32, #tpu.memory_space<vmem>>, %arg6: memref<2000x32xbf16, #tpu.memory_space<vmem>>, %arg7: memref<2000x32xbf16, #tpu.memory_space<vmem>>) attributes {dimension_semantics = [#tpu.dimension_semantics<arbitrary>], iteration_bounds = array<i64: 50>, scalar_prefetch = 0 : i64, scratch_operands = 0 : i64, tpu.core_type = #tpu.core_type<tc>, window_params = [{transform_indices = @transform_0, window_bounds = array<i64: 2000, 64>}, {transform_indices = @transform_1, window_bounds = array<i64: 2000, 8>}, {pipeline_mode = #tpu.pipeline_mode<synchronous>, transform_indices = @transform_2, window_bounds = array<i64: 8, 64, 64>}, {pipeline_mode = #tpu.pipeline_mode<synchronous>, transform_indices = @transform_3, window_bounds = array<i64: 64, 64>}, {transform_indices = @transform_4, window_bounds = array<i64: 2000, 64>}, {transform_indices = @transform_5, window_bounds = array<i64: 2000, 32>}, {transform_indices = @transform_6, window_bounds = array<i64: 2000, 32>}]} {
    %get3A = arith.constant 0 : index
    %get3A_0 = arith.constant 0 : index
    %get3A_1 = vector.load %arg1[%get3A, %get3A_0] : memref<2000x64xf32, #tpu.memory_space<vmem>>, vector<2000x64xf32>
    %get3A_2 = arith.constant 0 : index
    %get3A_3 = arith.constant 0 : index
    %get3A_4 = vector.load %arg2[%get3A_2, %get3A_3] : memref<2000x8xf32, #tpu.memory_space<vmem>>, vector<2000x8xf32>
    %broadcast_in_dim3A = arith.constant 0.000000e+00 : f32
    %broadcast_in_dim3A_5 = vector.broadcast %broadcast_in_dim3A : f32 to vector<2000x64xf32>
    %slice3A = vector.extract_strided_slice %get3A_4 {offsets = [0, 0], sizes = [2000, 1], strides = [1, 1]} : vector<2000x8xf32> to vector<2000x1xf32>
    %squeeze3A = vector.shape_cast %slice3A : vector<2000x1xf32> to vector<2000xf32>
    %broadcast_in_dim3A_6 = vector.shape_cast %squeeze3A : vector<2000xf32> to vector<2000x1xf32>
    %mul3A = vector.broadcast %broadcast_in_dim3A_6 : vector<2000x1xf32> to vector<2000x64xf32>
    %mul3A_7 = arith.mulf %get3A_1, %mul3A : vector<2000x64xf32>
    %get3A_8 = arith.constant 0 : index
    %get3A_9 = arith.constant 0 : index
    %get3A_10 = arith.constant 0 : index
    %get3A_11 = vector.load %arg3[%get3A_8, %get3A_9, %get3A_10] : memref<8x64x64xf32, #tpu.memory_space<vmem>>, vector<1x64x64xf32>
    %get3A_12 = vector.shape_cast %get3A_11 : vector<1x64x64xf32> to vector<64x64xf32>
    %dot_general3A = arith.constant dense<0.000000e+00> : vector<2000x64xf32>
    %dot_general3A_13 = tpu.matmul %mul3A_7, %get3A_12, %dot_general3A {dimension_numbers = #tpu.dot_dimension_numbers<[1], [0], [0], [1], [0, 0, 1, 1], [], []>, transpose_lhs_hint = false} : vector<2000x64xf32>, vector<64x64xf32>, vector<2000x64xf32> -> vector<2000x64xf32>
    %add3A = arith.addf %broadcast_in_dim3A_5, %dot_general3A_13 : vector<2000x64xf32>
    %slice3A_14 = vector.extract_strided_slice %get3A_4 {offsets = [0, 1], sizes = [2000, 1], strides = [1, 1]} : vector<2000x8xf32> to vector<2000x1xf32>
    %squeeze3A_15 = vector.shape_cast %slice3A_14 : vector<2000x1xf32> to vector<2000xf32>
    %broadcast_in_dim3A_16 = vector.shape_cast %squeeze3A_15 : vector<2000xf32> to vector<2000x1xf32>
    %mul3A_17 = vector.broadcast %broadcast_in_dim3A_16 : vector<2000x1xf32> to vector<2000x64xf32>
    %mul3A_18 = arith.mulf %get3A_1, %mul3A_17 : vector<2000x64xf32>
    %get3A_19 = arith.constant 1 : index
    %get3A_20 = arith.constant 0 : index
    %get3A_21 = arith.constant 0 : index
    %get3A_22 = vector.load %arg3[%get3A_19, %get3A_20, %get3A_21] : memref<8x64x64xf32, #tpu.memory_space<vmem>>, vector<1x64x64xf32>
    %get3A_23 = vector.shape_cast %get3A_22 : vector<1x64x64xf32> to vector<64x64xf32>
    %dot_general3A_24 = arith.constant dense<0.000000e+00> : vector<2000x64xf32>
    %dot_general3A_25 = tpu.matmul %mul3A_18, %get3A_23, %dot_general3A_24 {dimension_numbers = #tpu.dot_dimension_numbers<[1], [0], [0], [1], [0, 0, 1, 1], [], []>, transpose_lhs_hint = false} : vector<2000x64xf32>, vector<64x64xf32>, vector<2000x64xf32> -> vector<2000x64xf32>
    %add3A_26 = arith.addf %add3A, %dot_general3A_25 : vector<2000x64xf32>
    %slice3A_27 = vector.extract_strided_slice %get3A_4 {offsets = [0, 2], sizes = [2000, 1], strides = [1, 1]} : vector<2000x8xf32> to vector<2000x1xf32>
    %squeeze3A_28 = vector.shape_cast %slice3A_27 : vector<2000x1xf32> to vector<2000xf32>
    %broadcast_in_dim3A_29 = vector.shape_cast %squeeze3A_28 : vector<2000xf32> to vector<2000x1xf32>
    %mul3A_30 = vector.broadcast %broadcast_in_dim3A_29 : vector<2000x1xf32> to vector<2000x64xf32>
    %mul3A_31 = arith.mulf %get3A_1, %mul3A_30 : vector<2000x64xf32>
    %get3A_32 = arith.constant 2 : index
    %get3A_33 = arith.constant 0 : index
    %get3A_34 = arith.constant 0 : index
    %get3A_35 = vector.load %arg3[%get3A_32, %get3A_33, %get3A_34] : memref<8x64x64xf32, #tpu.memory_space<vmem>>, vector<1x64x64xf32>
    %get3A_36 = vector.shape_cast %get3A_35 : vector<1x64x64xf32> to vector<64x64xf32>
    %dot_general3A_37 = arith.constant dense<0.000000e+00> : vector<2000x64xf32>
    %dot_general3A_38 = tpu.matmul %mul3A_31, %get3A_36, %dot_general3A_37 {dimension_numbers = #tpu.dot_dimension_numbers<[1], [0], [0], [1], [0, 0, 1, 1], [], []>, transpose_lhs_hint = false} : vector<2000x64xf32>, vector<64x64xf32>, vector<2000x64xf32> -> vector<2000x64xf32>
    %add3A_39 = arith.addf %add3A_26, %dot_general3A_38 : vector<2000x64xf32>
    %slice3A_40 = vector.extract_strided_slice %get3A_4 {offsets = [0, 3], sizes = [2000, 1], strides = [1, 1]} : vector<2000x8xf32> to vector<2000x1xf32>
    %squeeze3A_41 = vector.shape_cast %slice3A_40 : vector<2000x1xf32> to vector<2000xf32>
    %broadcast_in_dim3A_42 = vector.shape_cast %squeeze3A_41 : vector<2000xf32> to vector<2000x1xf32>
    %mul3A_43 = vector.broadcast %broadcast_in_dim3A_42 : vector<2000x1xf32> to vector<2000x64xf32>
    %mul3A_44 = arith.mulf %get3A_1, %mul3A_43 : vector<2000x64xf32>
    %get3A_45 = arith.constant 3 : index
    %get3A_46 = arith.constant 0 : index
    %get3A_47 = arith.constant 0 : index
    %get3A_48 = vector.load %arg3[%get3A_45, %get3A_46, %get3A_47] : memref<8x64x64xf32, #tpu.memory_space<vmem>>, vector<1x64x64xf32>
    %get3A_49 = vector.shape_cast %get3A_48 : vector<1x64x64xf32> to vector<64x64xf32>
    %dot_general3A_50 = arith.constant dense<0.000000e+00> : vector<2000x64xf32>
    %dot_general3A_51 = tpu.matmul %mul3A_44, %get3A_49, %dot_general3A_50 {dimension_numbers = #tpu.dot_dimension_numbers<[1], [0], [0], [1], [0, 0, 1, 1], [], []>, transpose_lhs_hint = false} : vector<2000x64xf32>, vector<64x64xf32>, vector<2000x64xf32> -> vector<2000x64xf32>
    %add3A_52 = arith.addf %add3A_39, %dot_general3A_51 : vector<2000x64xf32>
    %slice3A_53 = vector.extract_strided_slice %get3A_4 {offsets = [0, 4], sizes = [2000, 1], strides = [1, 1]} : vector<2000x8xf32> to vector<2000x1xf32>
    %squeeze3A_54 = vector.shape_cast %slice3A_53 : vector<2000x1xf32> to vector<2000xf32>
    %broadcast_in_dim3A_55 = vector.shape_cast %squeeze3A_54 : vector<2000xf32> to vector<2000x1xf32>
    %mul3A_56 = vector.broadcast %broadcast_in_dim3A_55 : vector<2000x1xf32> to vector<2000x64xf32>
    %mul3A_57 = arith.mulf %get3A_1, %mul3A_56 : vector<2000x64xf32>
    %get3A_58 = arith.constant 4 : index
    %get3A_59 = arith.constant 0 : index
    %get3A_60 = arith.constant 0 : index
    %get3A_61 = vector.load %arg3[%get3A_58, %get3A_59, %get3A_60] : memref<8x64x64xf32, #tpu.memory_space<vmem>>, vector<1x64x64xf32>
    %get3A_62 = vector.shape_cast %get3A_61 : vector<1x64x64xf32> to vector<64x64xf32>
    %dot_general3A_63 = arith.constant dense<0.000000e+00> : vector<2000x64xf32>
    %dot_general3A_64 = tpu.matmul %mul3A_57, %get3A_62, %dot_general3A_63 {dimension_numbers = #tpu.dot_dimension_numbers<[1], [0], [0], [1], [0, 0, 1, 1], [], []>, transpose_lhs_hint = false} : vector<2000x64xf32>, vector<64x64xf32>, vector<2000x64xf32> -> vector<2000x64xf32>
    %add3A_65 = arith.addf %add3A_52, %dot_general3A_64 : vector<2000x64xf32>
    %slice3A_66 = vector.extract_strided_slice %get3A_4 {offsets = [0, 5], sizes = [2000, 1], strides = [1, 1]} : vector<2000x8xf32> to vector<2000x1xf32>
    %squeeze3A_67 = vector.shape_cast %slice3A_66 : vector<2000x1xf32> to vector<2000xf32>
    %broadcast_in_dim3A_68 = vector.shape_cast %squeeze3A_67 : vector<2000xf32> to vector<2000x1xf32>
    %mul3A_69 = vector.broadcast %broadcast_in_dim3A_68 : vector<2000x1xf32> to vector<2000x64xf32>
    %mul3A_70 = arith.mulf %get3A_1, %mul3A_69 : vector<2000x64xf32>
    %get3A_71 = arith.constant 5 : index
    %get3A_72 = arith.constant 0 : index
    %get3A_73 = arith.constant 0 : index
    %get3A_74 = vector.load %arg3[%get3A_71, %get3A_72, %get3A_73] : memref<8x64x64xf32, #tpu.memory_space<vmem>>, vector<1x64x64xf32>
    %get3A_75 = vector.shape_cast %get3A_74 : vector<1x64x64xf32> to vector<64x64xf32>
    %dot_general3A_76 = arith.constant dense<0.000000e+00> : vector<2000x64xf32>
    %dot_general3A_77 = tpu.matmul %mul3A_70, %get3A_75, %dot_general3A_76 {dimension_numbers = #tpu.dot_dimension_numbers<[1], [0], [0], [1], [0, 0, 1, 1], [], []>, transpose_lhs_hint = false} : vector<2000x64xf32>, vector<64x64xf32>, vector<2000x64xf32> -> vector<2000x64xf32>
    %add3A_78 = arith.addf %add3A_65, %dot_general3A_77 : vector<2000x64xf32>
    %slice3A_79 = vector.extract_strided_slice %get3A_4 {offsets = [0, 6], sizes = [2000, 1], strides = [1, 1]} : vector<2000x8xf32> to vector<2000x1xf32>
    %squeeze3A_80 = vector.shape_cast %slice3A_79 : vector<2000x1xf32> to vector<2000xf32>
    %broadcast_in_dim3A_81 = vector.shape_cast %squeeze3A_80 : vector<2000xf32> to vector<2000x1xf32>
    %mul3A_82 = vector.broadcast %broadcast_in_dim3A_81 : vector<2000x1xf32> to vector<2000x64xf32>
    %mul3A_83 = arith.mulf %get3A_1, %mul3A_82 : vector<2000x64xf32>
    %get3A_84 = arith.constant 6 : index
    %get3A_85 = arith.constant 0 : index
    %get3A_86 = arith.constant 0 : index
    %get3A_87 = vector.load %arg3[%get3A_84, %get3A_85, %get3A_86] : memref<8x64x64xf32, #tpu.memory_space<vmem>>, vector<1x64x64xf32>
    %get3A_88 = vector.shape_cast %get3A_87 : vector<1x64x64xf32> to vector<64x64xf32>
    %dot_general3A_89 = arith.constant dense<0.000000e+00> : vector<2000x64xf32>
    %dot_general3A_90 = tpu.matmul %mul3A_83, %get3A_88, %dot_general3A_89 {dimension_numbers = #tpu.dot_dimension_numbers<[1], [0], [0], [1], [0, 0, 1, 1], [], []>, transpose_lhs_hint = false} : vector<2000x64xf32>, vector<64x64xf32>, vector<2000x64xf32> -> vector<2000x64xf32>
    %add3A_91 = arith.addf %add3A_78, %dot_general3A_90 : vector<2000x64xf32>
    %slice3A_92 = vector.extract_strided_slice %get3A_4 {offsets = [0, 7], sizes = [2000, 1], strides = [1, 1]} : vector<2000x8xf32> to vector<2000x1xf32>
    %squeeze3A_93 = vector.shape_cast %slice3A_92 : vector<2000x1xf32> to vector<2000xf32>
    %broadcast_in_dim3A_94 = vector.shape_cast %squeeze3A_93 : vector<2000xf32> to vector<2000x1xf32>
    %mul3A_95 = vector.broadcast %broadcast_in_dim3A_94 : vector<2000x1xf32> to vector<2000x64xf32>
    %mul3A_96 = arith.mulf %get3A_1, %mul3A_95 : vector<2000x64xf32>
    %get3A_97 = arith.constant 7 : index
    %get3A_98 = arith.constant 0 : index
    %get3A_99 = arith.constant 0 : index
    %get3A_100 = vector.load %arg3[%get3A_97, %get3A_98, %get3A_99] : memref<8x64x64xf32, #tpu.memory_space<vmem>>, vector<1x64x64xf32>
    %get3A_101 = vector.shape_cast %get3A_100 : vector<1x64x64xf32> to vector<64x64xf32>
    %dot_general3A_102 = arith.constant dense<0.000000e+00> : vector<2000x64xf32>
    %dot_general3A_103 = tpu.matmul %mul3A_96, %get3A_101, %dot_general3A_102 {dimension_numbers = #tpu.dot_dimension_numbers<[1], [0], [0], [1], [0, 0, 1, 1], [], []>, transpose_lhs_hint = false} : vector<2000x64xf32>, vector<64x64xf32>, vector<2000x64xf32> -> vector<2000x64xf32>
    %add3A_104 = arith.addf %add3A_91, %dot_general3A_103 : vector<2000x64xf32>
    %mul3A_105 = arith.constant 0.0441941731 : f32
    %mul3A_106 = vector.broadcast %mul3A_105 : f32 to vector<2000x64xf32>
    %mul3A_107 = arith.mulf %add3A_104, %mul3A_106 : vector<2000x64xf32>
    %swap3A = arith.constant 0 : index
    %swap3A_108 = arith.constant 0 : index
    %swap3A_109 = vector.load %arg5[%swap3A, %swap3A_108] : memref<2000x64xf32, #tpu.memory_space<vmem>>, vector<2000x64xf32>
    tpu.vector_store %arg5[%swap3A, %swap3A_108], %mul3A_107 {strides = array<i32>} : memref<2000x64xf32, #tpu.memory_space<vmem>>, vector<2000x64xf32>,
    %get3A_110 = arith.constant 0 : index
    %get3A_111 = arith.constant 0 : index
    %get3A_112 = vector.load %arg4[%get3A_110, %get3A_111] : memref<64x64xf32, #tpu.memory_space<vmem>>, vector<64x64xf32>
    %dot_general3A_113 = arith.constant dense<0.000000e+00> : vector<2000x64xf32>
    %dot_general3A_114 = tpu.matmul %get3A_1, %get3A_112, %dot_general3A_113 {dimension_numbers = #tpu.dot_dimension_numbers<[1], [0], [0], [1], [0, 0, 1, 1], [], []>, transpose_lhs_hint = false} : vector<2000x64xf32>, vector<64x64xf32>, vector<2000x64xf32> -> vector<2000x64xf32>
    %mul3A_115 = arith.constant 1.250000e-01 : f32
    %mul3A_116 = vector.broadcast %mul3A_115 : f32 to vector<2000x64xf32>
    %mul3A_117 = arith.mulf %dot_general3A_114, %mul3A_116 : vector<2000x64xf32>
    %slice3A_118 = vector.extract_strided_slice %mul3A_117 {offsets = [0, 0], sizes = [2000, 32], strides = [1, 1]} : vector<2000x64xf32> to vector<2000x32xf32>
    %convert_element_type3A = arith.truncf %slice3A_118 : vector<2000x32xf32> to vector<2000x32xbf16>
    %swap3A_119 = arith.constant 0 : index
    %swap3A_120 = arith.constant 0 : index
    %swap3A_121 = vector.load %arg6[%swap3A_119, %swap3A_120] : memref<2000x32xbf16, #tpu.memory_space<vmem>>, vector<2000x32xbf16>
    tpu.vector_store %arg6[%swap3A_119, %swap3A_120], %convert_element_type3A {strides = array<i32>} : memref<2000x32xbf16, #tpu.memory_space<vmem>>, vector<2000x32xbf16>,
    %slice3A_122 = vector.extract_strided_slice %mul3A_117 {offsets = [0, 32], sizes = [2000, 32], strides = [1, 1]} : vector<2000x64xf32> to vector<2000x32xf32>
    %convert_element_type3A_123 = arith.truncf %slice3A_122 : vector<2000x32xf32> to vector<2000x32xbf16>
    %swap3A_124 = arith.constant 0 : index
    %swap3A_125 = arith.constant 0 : index
    %swap3A_126 = vector.load %arg7[%swap3A_124, %swap3A_125] : memref<2000x32xbf16, #tpu.memory_space<vmem>>, vector<2000x32xbf16>
    tpu.vector_store %arg7[%swap3A_124, %swap3A_125], %convert_element_type3A_123 {strides = array<i32>} : memref<2000x32xbf16, #tpu.memory_space<vmem>>, vector<2000x32xbf16>,
    return
  }
  func.func @transform_0(%arg0: i32) -> (i32, i32) {
    %c0_i32 = arith.constant 0 : i32
    %c0_i32_0 = arith.constant 0 : i32
    return %arg0, %c0_i32 : i32, i32
  }
  func.func @transform_1(%arg0: i32) -> (i32, i32) {
    %c0_i32 = arith.constant 0 : i32
    %c0_i32_0 = arith.constant 0 : i32
    return %arg0, %c0_i32 : i32, i32
  }
  func.func @transform_2(%arg0: i32) -> (i32, i32, i32) {
    %c0_i32 = arith.constant 0 : i32
    %c0_i32_0 = arith.constant 0 : i32
    %c0_i32_1 = arith.constant 0 : i32
    %c0_i32_2 = arith.constant 0 : i32
    return %c0_i32, %c0_i32_0, %c0_i32_1 : i32, i32, i32
  }
  func.func @transform_3(%arg0: i32) -> (i32, i32) {
    %c0_i32 = arith.constant 0 : i32
    %c0_i32_0 = arith.constant 0 : i32
    %c0_i32_1 = arith.constant 0 : i32
    return %c0_i32, %c0_i32_0 : i32, i32
  }
  func.func @transform_4(%arg0: i32) -> (i32, i32) {
    %c0_i32 = arith.constant 0 : i32
    %c0_i32_0 = arith.constant 0 : i32
    return %arg0, %c0_i32 : i32, i32
  }
  func.func @transform_5(%arg0: i32) -> (i32, i32) {
    %c0_i32 = arith.constant 0 : i32
    %c0_i32_0 = arith.constant 0 : i32
    return %arg0, %c0_i32 : i32, i32
  }
  func.func @transform_6(%arg0: i32) -> (i32, i32) {
    %c0_i32 = arith.constant 0 : i32
    %c0_i32_0 = arith.constant 0 : i32
    return %arg0, %c0_i32 : i32, i32
  }
}

module attributes {stable_mosaic.version = 14 : i64} {
  func.func @_combine_body(%arg0: i32, %arg1: memref<2000x64xf32, #tpu.memory_space<vmem>>, %arg2: memref<2000x32xbf16, #tpu.memory_space<vmem>>, %arg3: memref<32x64xf32, #tpu.memory_space<vmem>>, %arg4: memref<2000x32xbf16, #tpu.memory_space<vmem>>, %arg5: memref<32x64xf32, #tpu.memory_space<vmem>>, %arg6: memref<2000x64xf32, #tpu.memory_space<vmem>>) attributes {dimension_semantics = [#tpu.dimension_semantics<arbitrary>], iteration_bounds = array<i64: 50>, scalar_prefetch = 0 : i64, scratch_operands = 0 : i64, tpu.core_type = #tpu.core_type<tc>, window_params = [{transform_indices = @transform_0, window_bounds = array<i64: 2000, 64>}, {transform_indices = @transform_1, window_bounds = array<i64: 2000, 32>}, {pipeline_mode = #tpu.pipeline_mode<synchronous>, transform_indices = @transform_2, window_bounds = array<i64: 32, 64>}, {transform_indices = @transform_3, window_bounds = array<i64: 2000, 32>}, {pipeline_mode = #tpu.pipeline_mode<synchronous>, transform_indices = @transform_4, window_bounds = array<i64: 32, 64>}, {transform_indices = @transform_5, window_bounds = array<i64: 2000, 64>}]} {
    %broadcast_in_dim3A = arith.constant 0.000000e+00 : f32
    %broadcast_in_dim3A_0 = vector.broadcast %broadcast_in_dim3A : f32 to vector<2000x64xf32>
    %get3A = arith.constant 0 : index
    %get3A_1 = arith.constant 0 : index
    %get3A_2 = vector.load %arg2[%get3A, %get3A_1] : memref<2000x32xbf16, #tpu.memory_space<vmem>>, vector<2000x32xbf16>
    %get3A_3 = arith.constant 0 : index
    %get3A_4 = arith.constant 0 : index
    %get3A_5 = vector.load %arg3[%get3A_3, %get3A_4] : memref<32x64xf32, #tpu.memory_space<vmem>>, vector<32x64xf32>
    %convert_element_type3A = arith.truncf %get3A_5 : vector<32x64xf32> to vector<32x64xbf16>
    %dot_general3A = arith.constant dense<0.000000e+00> : vector<2000x64xf32>
    %dot_general3A_6 = tpu.matmul %get3A_2, %convert_element_type3A, %dot_general3A {dimension_numbers = #tpu.dot_dimension_numbers<[1], [0], [0], [1], [0, 0, 1, 1], [], []>, transpose_lhs_hint = false} : vector<2000x32xbf16>, vector<32x64xbf16>, vector<2000x64xf32> -> vector<2000x64xf32>
    %add3A = arith.addf %broadcast_in_dim3A_0, %dot_general3A_6 : vector<2000x64xf32>
    %get3A_7 = arith.constant 0 : index
    %get3A_8 = arith.constant 0 : index
    %get3A_9 = vector.load %arg4[%get3A_7, %get3A_8] : memref<2000x32xbf16, #tpu.memory_space<vmem>>, vector<2000x32xbf16>
    %get3A_10 = arith.constant 0 : index
    %get3A_11 = arith.constant 0 : index
    %get3A_12 = vector.load %arg5[%get3A_10, %get3A_11] : memref<32x64xf32, #tpu.memory_space<vmem>>, vector<32x64xf32>
    %convert_element_type3A_13 = arith.truncf %get3A_12 : vector<32x64xf32> to vector<32x64xbf16>
    %dot_general3A_14 = arith.constant dense<0.000000e+00> : vector<2000x64xf32>
    %dot_general3A_15 = tpu.matmul %get3A_9, %convert_element_type3A_13, %dot_general3A_14 {dimension_numbers = #tpu.dot_dimension_numbers<[1], [0], [0], [1], [0, 0, 1, 1], [], []>, transpose_lhs_hint = false} : vector<2000x32xbf16>, vector<32x64xbf16>, vector<2000x64xf32> -> vector<2000x64xf32>
    %add3A_16 = arith.addf %add3A, %dot_general3A_15 : vector<2000x64xf32>
    %get3A_17 = arith.constant 0 : index
    %get3A_18 = arith.constant 0 : index
    %get3A_19 = vector.load %arg1[%get3A_17, %get3A_18] : memref<2000x64xf32, #tpu.memory_space<vmem>>, vector<2000x64xf32>
    %mul3A = arith.constant 3.125000e-02 : f32
    %mul3A_20 = vector.broadcast %mul3A : f32 to vector<2000x64xf32>
    %mul3A_21 = arith.mulf %add3A_16, %mul3A_20 : vector<2000x64xf32>
    %add3A_22 = arith.addf %get3A_19, %mul3A_21 : vector<2000x64xf32>
    %logistic3A = arith.negf %add3A_22 : vector<2000x64xf32>
    %logistic3A_23 = math.exp %logistic3A : vector<2000x64xf32>
    %logistic3A_24 = arith.constant 1.000000e+00 : f32
    %logistic3A_25 = vector.broadcast %logistic3A_24 : f32 to vector<2000x64xf32>
    %logistic3A_26 = arith.addf %logistic3A_25, %logistic3A_23 : vector<2000x64xf32>
    %logistic3A_27 = arith.divf %logistic3A_25, %logistic3A_26 : vector<2000x64xf32>
    %mul3A_28 = arith.mulf %add3A_22, %logistic3A_27 : vector<2000x64xf32>
    %swap3A = arith.constant 0 : index
    %swap3A_29 = arith.constant 0 : index
    %swap3A_30 = vector.load %arg6[%swap3A, %swap3A_29] : memref<2000x64xf32, #tpu.memory_space<vmem>>, vector<2000x64xf32>
    tpu.vector_store %arg6[%swap3A, %swap3A_29], %mul3A_28 {strides = array<i32>} : memref<2000x64xf32, #tpu.memory_space<vmem>>, vector<2000x64xf32>,
    return
  }
  func.func @transform_0(%arg0: i32) -> (i32, i32) {
    %c0_i32 = arith.constant 0 : i32
    %c0_i32_0 = arith.constant 0 : i32
    return %arg0, %c0_i32 : i32, i32
  }
  func.func @transform_1(%arg0: i32) -> (i32, i32) {
    %c0_i32 = arith.constant 0 : i32
    %c0_i32_0 = arith.constant 0 : i32
    return %arg0, %c0_i32 : i32, i32
  }
  func.func @transform_2(%arg0: i32) -> (i32, i32) {
    %c0_i32 = arith.constant 0 : i32
    %c0_i32_0 = arith.constant 0 : i32
    %c0_i32_1 = arith.constant 0 : i32
    return %c0_i32, %c0_i32_0 : i32, i32
  }
  func.func @transform_3(%arg0: i32) -> (i32, i32) {
    %c0_i32 = arith.constant 0 : i32
    %c0_i32_0 = arith.constant 0 : i32
    return %arg0, %c0_i32 : i32, i32
  }
  func.func @transform_4(%arg0: i32) -> (i32, i32) {
    %c0_i32 = arith.constant 0 : i32
    %c0_i32_0 = arith.constant 0 : i32
    %c0_i32_1 = arith.constant 0 : i32
    return %c0_i32, %c0_i32_0 : i32, i32
  }
  func.func @transform_5(%arg0: i32) -> (i32, i32) {
    %c0_i32 = arith.constant 0 : i32
    %c0_i32_0 = arith.constant 0 : i32
    return %arg0, %c0_i32 : i32, i32
  }
}

module attributes {stable_mosaic.version = 14 : i64} {
  func.func @_final_body(%arg0: i32, %arg1: memref<2000x64xf32, #tpu.memory_space<vmem>>, %arg2: memref<2000x8xf32, #tpu.memory_space<vmem>>, %arg3: memref<8x64xf32, #tpu.memory_space<vmem>>, %arg4: memref<2000x1xf32, #tpu.memory_space<vmem>>) attributes {dimension_semantics = [#tpu.dimension_semantics<arbitrary>], iteration_bounds = array<i64: 50>, scalar_prefetch = 0 : i64, scratch_operands = 0 : i64, tpu.core_type = #tpu.core_type<tc>, window_params = [{transform_indices = @transform_0, window_bounds = array<i64: 2000, 64>}, {transform_indices = @transform_1, window_bounds = array<i64: 2000, 8>}, {pipeline_mode = #tpu.pipeline_mode<synchronous>, transform_indices = @transform_2, window_bounds = array<i64: 8, 64>}, {transform_indices = @transform_3, window_bounds = array<i64: 2000, 1>}]} {
    %get3A = arith.constant 0 : index
    %get3A_0 = arith.constant 0 : index
    %get3A_1 = vector.load %arg2[%get3A, %get3A_0] : memref<2000x8xf32, #tpu.memory_space<vmem>>, vector<2000x8xf32>
    %get3A_2 = arith.constant 0 : index
    %get3A_3 = arith.constant 0 : index
    %get3A_4 = vector.load %arg3[%get3A_2, %get3A_3] : memref<8x64xf32, #tpu.memory_space<vmem>>, vector<8x64xf32>
    %dot_general3A = arith.constant dense<0.000000e+00> : vector<2000x64xf32>
    %dot_general3A_5 = tpu.matmul %get3A_1, %get3A_4, %dot_general3A {dimension_numbers = #tpu.dot_dimension_numbers<[1], [0], [0], [1], [0, 0, 1, 1], [], []>, transpose_lhs_hint = false} : vector<2000x8xf32>, vector<8x64xf32>, vector<2000x64xf32> -> vector<2000x64xf32>
    %get3A_6 = arith.constant 0 : index
    %get3A_7 = arith.constant 0 : index
    %get3A_8 = vector.load %arg1[%get3A_6, %get3A_7] : memref<2000x64xf32, #tpu.memory_space<vmem>>, vector<2000x64xf32>
    %mul3A = arith.mulf %get3A_8, %dot_general3A_5 : vector<2000x64xf32>
    %reduce_sum3A = arith.constant dense<0.000000e+00> : vector<2000xf32>
    %reduce_sum3A_9 = vector.multi_reduction <add>, %mul3A, %reduce_sum3A [1] : vector<2000x64xf32> to vector<2000xf32>
    %broadcast_in_dim3A = vector.shape_cast %reduce_sum3A_9 : vector<2000xf32> to vector<2000x1xf32>
    %mul3A_10 = arith.constant 0.0441941731 : f32
    %mul3A_11 = vector.broadcast %mul3A_10 : f32 to vector<2000x1xf32>
    %mul3A_12 = arith.mulf %broadcast_in_dim3A, %mul3A_11 : vector<2000x1xf32>
    %swap3A = arith.constant 0 : index
    %swap3A_13 = arith.constant 0 : index
    %swap3A_14 = vector.load %arg4[%swap3A, %swap3A_13] : memref<2000x1xf32, #tpu.memory_space<vmem>>, vector<2000x1xf32>
    tpu.vector_store %arg4[%swap3A, %swap3A_13], %mul3A_12 {strides = array<i32>} : memref<2000x1xf32, #tpu.memory_space<vmem>>, vector<2000x1xf32>,
    return
  }
  func.func @transform_0(%arg0: i32) -> (i32, i32) {
    %c0_i32 = arith.constant 0 : i32
    %c0_i32_0 = arith.constant 0 : i32
    return %arg0, %c0_i32 : i32, i32
  }
  func.func @transform_1(%arg0: i32) -> (i32, i32) {
    %c0_i32 = arith.constant 0 : i32
    %c0_i32_0 = arith.constant 0 : i32
    return %arg0, %c0_i32 : i32, i32
  }
  func.func @transform_2(%arg0: i32) -> (i32, i32) {
    %c0_i32 = arith.constant 0 : i32
    %c0_i32_0 = arith.constant 0 : i32
    %c0_i32_1 = arith.constant 0 : i32
    return %c0_i32, %c0_i32_0 : i32, i32
  }
  func.func @transform_3(%arg0: i32) -> (i32, i32) {
    %c0_i32 = arith.constant 0 : i32
    %c0_i32_0 = arith.constant 0 : i32
    return %arg0, %c0_i32 : i32, i32
  }
}

</mosaic_0001>

<sc_bundles>
// kernel: kernel.13.cloned.1.call-start
scs
__scs_entry_jumppad:
0x0: {  	(pc) =	sbr.rel $0x88, $3  }
0x1: {  	(tag) =	ssettag $0x0;
	lr =	simm.s32 $0x1  }
0x2: {  	[smem:$0x3F84] =	sst lr;
	_ =	strace $0xD0000000  }
0x3: {  	_ = 	snop  }
0x4: {  	_ = 	snop  }
0x5: {  	_ = 	snop  }
0x6: {  	_ = 	snop  }
0x7: {  	_ = 	snop  }
__scs_overlays_trampoline_lowered:
0x8: {  	[smem:$0x3F93] =	sst s0  }
0x9: {  	[smem:$0x3F94] =	sst s1  }
0xa: {  	[smem:$0x3F95] =	sst s2  }
0xb: {  	[smem:$0x3F96] =	sst s3  }
0xc: {  	[smem:$0x3F97] =	sst s4  }
0xd: {  	[smem:$0x3F98] =	sst s5  }
0xe: {  	[smem:$0x3F99] =	sst s6  }
0xf: {  	[smem:$0x3F9A] =	sst s7  }
0x10: {  	[smem:$0x3F9B] =	sst s8  }
0x11: {  	[smem:$0x3F9C] =	sst s9;
	s0 =	simm.s32 @!p0 $0x0  }
0x12: {  	s1 =	sld [smem:$0x3F82];
	s0 =	simm.s32 @p0 $0x1  }
0x13: {  	[smem:$0x3F9D] =	sst s0;
	s0 =	simm.s32 @!p1 $0x0  }
0x14: {  	s2 =	sld [smem:$0x3F81];
	s0 =	simm.s32 @p1 $0x1  }
0x15: {  	[smem:$0x3F9E] =	sst s0;
	s0 =	simm.s32 @!p2 $0x0  }
0x16: {  	s3 =	sld [smem:$0x3FDB];
	s0 =	simm.s32 @p2 $0x1  }
0x17: {  	s4 =	simm.s32 $0x1BF5;
	[smem:$0x3FA0] =	sst s0  }
0x18: {  	s0 =	sld [smem:$0x3F83];
	_ =	swait.ge [sflag:s4], $0x0  }
0x19: {  	s7 =	sld [smem:$0x3F84]  }
0x1a: {  	s8 =	sadd.s32 $0xFFFFE003, lr  }
0x1b: {  	s9 =	sadd.s32 $0xFFFFFEF7, lr;
	s5 =	simm.s32 $0xFFFFFFFF;
	p2 =	slt.u32 s8, $0xFFFFF086  }
0x1c: {  	p1 =	slt.u32 s9, $0xF7A;
	s5 =	simm.s32 @!p2 $0x0  }
0x1d: {  	s5 =	simm.s32 @p1 $0x1;
	p0 =	seq.s32 s7, s2  }
0x1e: {  	s7 =	smul.u32 @!p0 $0xF7A, s2;
	p2 =	seq.s32 @!p0 s5, $0x0  }
0x1f: {  	s9 =	smul.u32 $0xF7A, s1;
	s8 =	simm.s32 @!p0 $0x1BF5;
	p2 =	por !p2, p0  }
0x20: {  	[sflag:s8] =	ssyncset.s32 @!p0 $0xFFFFF086;
	s6 =	sadd.s32 @!p0 s3, s7;
	s7 =	simm.s32 @!p0 $0x108  }
0x21: {  	s3 =	sadd.s32 s3, s9;
	s6 =	sadd.s32 @!p0 $0x88, s6;
	s7 =	simm.s32 @p2 $0x1082  }
0x22: {  	[simem:s7], [sflag:s8] =	dma.local @!p0 [hbm:s6], $0xF7A  }
0x23: {  	s9 =	sor.u32 $0xD0000000, s2;
	s6 =	simm.s32 $0x108;
	_ =	swait.ge @!p0 [sflag:s8], $0x0  }
0x24: {  	s3 =	sadd.s32 $0x88, s3;
	s6 =	simm.s32 @!p1 $0x1082;
	[sflag:s4] =	ssyncset.s32 $0xFFFFF086  }
0x25: {  	[simem:s6], [sflag:s4] =	dma.local [hbm:s3], $0xF7A  }
0x26: {  	[smem:$0x3F84] =	sst s1;
	(tag) =	ssettag s2;
	_ =	strace s9  }
0x27: {  	s1 =	sld [smem:$0x3F94]  }
0x28: {  	s2 =	sld [smem:$0x3F95]  }
0x29: {  	s4 =	sld [smem:$0x3F97]  }
0x2a: {  	p0 =	seq.s32 s5, $0x0;
	s5 =	sld [smem:$0x3F98]  }
0x2b: {  	s6 =	sld [smem:$0x3F99]  }
0x2c: {  	s7 =	sld [smem:$0x3F9A]  }
0x2d: {  	s3 =	simm.s32 $0x108;
	s8 =	sld [smem:$0x3F9B]  }
0x2e: {  	s3 =	simm.s32 @!p0 $0x1082;
	s9 =	sld [smem:$0x3F9C]  }
0x2f: {  	lr =	sadd.s32 s0, s3;
	s0 =	sld [smem:$0x3F93]  }
0x30: {  	s3 =	sld [smem:$0x3F96]  }
0x31: {  	[smem:$0x3F9F] =	sst s10  }
0x32: {  	s10 =	sld [smem:$0x3F9D];
	_ =	sdelay $0x3  }
0x33: {  	p0 =	seq.s32 s10, $0x1;
	s10 =	sld [smem:$0x3F9F];
	_ =	sdelay $0x3  }
0x34: {  	[smem:$0x3F9F] =	sst s10  }
0x35: {  	s10 =	sld [smem:$0x3F9E];
	_ =	sdelay $0x3  }
0x36: {  	p1 =	seq.s32 s10, $0x1;
	s10 =	sld [smem:$0x3F9F];
	_ =	sdelay $0x3  }
0x37: {  	[smem:$0x3F9F] =	sst s10  }
0x38: {  	s10 =	sld [smem:$0x3FA0]  }
0x39: {  	_ = 	snop;
	(pc) =	sbr.ind lr, $3  }
0x3a: {  	_ = 	snop  }
0x3b: {  	_ = 	snop  }
0x3c: {  	p2 =	seq.s32 s10, $0x1;
	s10 =	sld [smem:$0x3F9F]  }
0x3d: {  	_ =	shalt  }
0x3e: {  	_ =	shalt  }
0x3f: {  	_ =	shalt  }
0x40: {  	_ =	shalt  }
0x41: {  	_ =	shalt  }
0x42: {  	_ =	shalt  }
0x43: {  	_ =	shalt  }
0x44: {  	_ =	shalt  }
0x45: {  	_ =	shalt  }
0x46: {  	_ =	shalt  }
0x47: {  	_ =	shalt  }
0x48: {  	_ =	shalt  }
0x49: {  	_ =	shalt  }
0x4a: {  	_ =	shalt  }
0x4b: {  	_ =	shalt  }
0x4c: {  	_ =	shalt  }
0x4d: {  	_ =	shalt  }
0x4e: {  	_ =	shalt  }
0x4f: {  	_ =	shalt  }
0x50: {  	_ =	shalt  }
0x51: {  	_ =	shalt  }
0x52: {  	_ =	shalt  }
0x53: {  	_ =	shalt  }
0x54: {  	_ =	shalt  }
0x55: {  	_ =	shalt  }
0x56: {  	_ =	shalt  }
0x57: {  	_ =	shalt  }
0x58: {  	_ =	shalt  }
0x59: {  	_ =	shalt  }
0x5a: {  	_ =	shalt  }
0x5b: {  	_ =	shalt  }
0x5c: {  	_ =	shalt  }
0x5d: {  	_ =	shalt  }
0x5e: {  	_ =	shalt  }
0x5f: {  	_ =	shalt  }
0x60: {  	_ =	shalt  }
0x61: {  	_ =	shalt  }
0x62: {  	_ =	shalt  }
0x63: {  	_ =	shalt  }
0x64: {  	_ =	shalt  }
0x65: {  	_ =	shalt  }
0x66: {  	_ =	shalt  }
0x67: {  	_ =	shalt  }
0x68: {  	_ =	shalt  }
0x69: {  	_ =	shalt  }
0x6a: {  	_ =	shalt  }
0x6b: {  	_ =	shalt  }
0x6c: {  	_ =	shalt  }
0x6d: {  	_ =	shalt  }
0x6e: {  	_ =	shalt  }
0x6f: {  	_ =	shalt  }
0x70: {  	_ =	shalt  }
0x71: {  	_ =	shalt  }
0x72: {  	_ =	shalt  }
0x73: {  	_ =	shalt  }
0x74: {  	_ =	shalt  }
0x75: {  	_ =	shalt  }
0x76: {  	_ =	shalt  }
0x77: {  	_ =	shalt  }
0x78: {  	_ =	shalt  }
0x79: {  	_ =	shalt  }
0x7a: {  	_ =	shalt  }
0x7b: {  	_ =	shalt  }
0x7c: {  	_ =	shalt  }
0x7d: {  	_ =	shalt  }
0x7e: {  	_ =	shalt  }
0x7f: {  	_ =	shalt  }
0x80: {  	_ =	shalt  }
0x81: {  	_ =	shalt  }
0x82: {  	_ =	shalt  }
0x83: {  	_ =	shalt  }
0x84: {  	_ =	shalt  }
0x85: {  	_ =	shalt  }
0x86: {  	_ =	shalt  }
0x87: {  	_ =	shalt  }
.Lfunc_end0:
.L_simem_size_0:
called_computation.1_lowered:
.L_overlay_start_0:
0x88: {  	s2 =	sld [smem:$0x3FD9]  }
0x89: {  	s3 =	sld [smem:$0x3FFE];
	_ =	sdelay $0x1  }
0x8a: {  	s1 =	srdreg.scid  }
0x8b: {  	s0 =	sand.u32 $0x1, s1  }
0x8c: {  	s16 =	sshll.u32 s0, $0xA;
	s2 =	sadd.s32 s3, s2  }
0x8d: {  	s2 =	sadd.s32 s2, s16  }
0x8e: {  	[smem:$0x3FAB] =	sst s2  }
0x8f: {  	_ = 	snop  }
0x90: {  	(tm) =	ssettm $0x1  }
0x91: {  	s17 =	sld [smem:$0x3FFB];
	_ =	sdelay $0x3  }
0x92: {  	_ =	strace s17  }
0x93: {  	s2 =	sld [smem:$0x3FFC];
	_ =	sdelay $0x3  }
0x94: {  	_ =	strace s2  }
0x95: {  	s2 =	sld [smem:$0x3FFD];
	_ =	sdelay $0x3  }
0x96: {  	_ =	strace s2  }
0x97: {  	_ =	strace $0x8FFFFFFF  }
0x98: {  	s18 =	sld [smem:$0x3FDB];
	_ =	sdelay $0x1  }
0x99: {  	s19 =	simm.s32 $_scs_section_size  }
0x9a: {  	s4 =	simm.s32 $_size__tile_overlayer_lowered;
	s5 =	simm.s32 $_tile_overlayer_lowered  }
0x9b: {  	s22 =	simm.s32 $0x1BFF;
	s21 =	sshll.u32 s5, $0x1;
	s2 =	sadd.s32 s19, s18  }
0x9c: {  	s6 =	simm.s32 $0x0;
	s20 =	sshll.u32 s4, $0x1;
	s4 =	sadd.s32 s21, s2  }
0x9d: {  	[timem:s6], [sflag:s22] =	dma.local [hbm:s4], s20  }
0x9e: {  	_ =	swait.ge [sflag:s22], s20  }
0x9f: {  	s3 =	ssub.s32 $0x0, s20;
	[sflag:s22] =	ssyncset.done $0x0  }
0xa0: {  	[sflag:s22] =	ssyncadd.s32 s3;
	_ =	sdelay $0x1  }
0xa1: {  	s23 =	simm.s32 $0x1B8B  }
0xa2: {  	_ =	swait.ge [sflag:s23], $0x1  }
0xa3: {  	[sflag:s23] =	ssyncset.done $0x0  }
0xa4: {  	s25 =	simm.s32 $0x1B8E;
	s24 =	sld [smem:$0x3FFE];
	[sflag:s23] =	ssyncadd.s32 $0xFFFFFFFF  }
0xa5: {  	s26 =	simm.s32 $execute0_lowered;
	[smem:$0x3FD2] =	sst s25  }
0xa6: {  	s4 =	sshll.u32 s26, $0x1;
	_ =	strace $0x80000049;
	[dreg:$0x1] =	wrdreg $0xFFFFFFFF  }
0xa7: {  	s28 =	simm.s32 $_size_execute0_lowered;
	s2 =	sadd.s32 s2, s4;
	[dreg:$0x0] =	wrdreg $0x0  }
0xa8: {  	s4 =	sshll.u32 s28, $0x1;
	[dreg:$0x2] =	wrdreg s2  }
0xa9: {  	[dreg:$0x3] =	wrdreg s4  }
0xaa: {  	[dreg:$0x4] =	wrdreg $0xC0  }
0xab: {  	_ =	task [dreg:s6], $0x5FFFF  }
0xac: {  	[dreg:$0x1] =	wrdreg $0xFFFFFFFF  }
0xad: {  	[dreg:$0x0] =	wrdreg $0x60  }
0xae: {  	[dreg:$0x2] =	wrdreg s24  }
0xaf: {  	[dreg:$0x3] =	wrdreg $0x44000  }
0xb0: {  	[dreg:$0x4] =	wrdreg $0x9  }
0xb1: {  	_ =	task.clear_ibuf [dreg:s6], $0x5FFFF;
	_ =	strace $0x90000049  }
0xb2: {  	s29 =	simm.s32 $0x9;
	_ =	strace $0x8000004B  }
0xb3: {  	_ =	swait.ge [sflag:s29], $0x1  }
0xb4: {  	[sflag:s29] =	ssyncadd.s32 $0xFFFFFFFF  }
0xb5: {  	_ =	strace $0x9000004B  }
0xb6: {  	_ =	sfence  }
0xb7: {  	s30 =	sld [smem:$0x0];
	_ =	sdelay $0x2  }
0xb8: {  	s31 =	sshll.u32 s1, $0xD;
	s1 =	sshrl.u32 s1, $0x2  }
0xb9: {  	s3 =	sand.u32 $0x4000, s31;
	s1 =	sadd.s32 s1, s30  }
0xba: {  	s0 =	sor.u32 s3, s0;
	s1 =	sshll.u32 s1, $0x11  }
0xbb: {  	s0 =	sor.u32 s1, s0  }
0xbc: {  	s0 =	sadd.s32 $0x8F2B, s0  }
0xbd: {  	[sflag:s0] =	ssyncadd.remote.s32 $0x1  }
0xbe: {  	_ =	sfence.sel $0xFFFF  }
0xbf: {  	[dreg:$0x0] =	wrdreg $0xFFFFFFFF;
	(pc) =	sbr.abs _section_cstart, $3  }
0xc0: {  	[dreg:$0x1] =	wrdreg $0xFFFFFFFF  }
0xc1: {  	_ =	task.clear_ibuf [dreg:s6], $0x2FFFF;
	_ =	strace $0x9FFFFFFF  }
0xc2: {  	(tm) =	ssettm $0x7FFFFFFF  }
0xc3: {  	_ =	shalt  }
tec
execute0_lowered:
.L_overlay_start_1:
0x0: {  	(tag) =	ssettag $0x1  }
0x1: {  	s0 =	rddreg [dreg:$0x0]  }
0x2: {  	s2 =	rddreg [dreg:$0x1];
	s3 =	simm.s32 $0x0  }
0x3: {  	s1 =	stileid.u32;
	s4 =	srdreg.scid;
	s21 =	simm.s32 $0x4  }
0x4: {  	s22 =	simm.s32 $0x200;
	s28 =	simm.s32 $0x100;
	s29 =	simm.s32 $0x1400  }
0x5: {  	s30 =	simm.s32 $0x180;
	s31 =	simm.s32 $0x1C00;
	s15 =	simm.s32 $0x3  }
0x6: {  	s20 =	simm.s32 $0x0;
	[smem:$0x7FF] =	sst s3;
	s9 =	smul.u32 $0x30E00, s1  }
0x7: {  	s11 =	sand.u32 $0x1, s4;
	s5 =	sadd.s32 $0x83EA00, s0;
	s6 =	sadd.s32 $0x80DC00, s0  }
0x8: {  	s4 =	sadd.s32 $0x7AC000, s0;
	s7 =	sadd.s32 $0xAE00, s0;
	s13 =	sadd.s32 $0x80AB20, s0  }
0x9: {  	s24 =	sadd.s32 $0x8CE320, s0;
	_ =	strace $0x8000004A;
	[dreg:$0x4] =	wrdreg s13  }
0xa: {  	p0 =	seq.s32 s1, $0xF;
	s8 =	ssub.s32 $0x2, s11;
	[dreg:$0x6] =	wrdreg s24  }
0xb: {  	p4 =	seq.s32 s11, $0x1;
	s24 =	simm.s32 $0x80;
	s10 =	sshrl.u32 s9, $0x4  }
0xc: {  	s12 =	sshrl.u32 s8, $0x1;
	s9 =	sshrl.u32 s9, $0x1;
	p2 =	seq.s32 @p4 s1, $0xF  }
0xd: {  	p5 =	seq.s32 @!p4 s1, $0xF;
	s14 =	sadd.s32 s10, s0;
	s12 =	ssub.s32 s8, s12  }
0xe: {  	s8 =	sshll.u32 s11, $0x4;
	s13 =	sadd.s32 s9, s2;
	s0 =	sadd.s32 $0x89D520, s0  }
0xf: {  	p1 =	por !p2, !p4;
	p2 =	por p2, !p4;
	p3 =	por !p5, p4  }
0x10: {  	p4 =	por p5, p4;
	s9 =	simm.s32 $0x2;
	s11 =	simm.s32 $0x280  }
0x11: {  	s10 =	sadd.s32 $0x7DCE00, s14;
	s23 =	sadd.s32 $0x8A0600, s14;
	[dreg:$0x8] =	wrdreg s0  }
0x12: {  	s25 =	sadd.s32 $0x86F800, s14;
	s26 =	smax.u32 s12, $0x1;
	[dreg:$0x3] =	wrdreg s10  }
0x13: {  	s12 =	simm.s32 $0x300;
	s10 =	sadd.s32 $0x16E900, s2;
	[dreg:$0x5] =	wrdreg s23  }
.Ltmp0:
0x14: {  	[dreg:$0x7] =	wrdreg s25;
	s0 =	sshrl.u32 @p0 s10, $0x3;
	(pc) =	sbr.rel .LBB2_1-.Ltmp0, $4  }
0x15: {  	s14 =	simm.s32 $0x380;
	[dreg:$0xa] =	wrdreg s0;
	s0 =	sshll.u32 @!p0 s1, $0x6  }
0x16: {  	[dreg:$0x9] =	wrdreg s26;
	s23 =	simm.s32 $0x2400;
	s0 =	sor.u32 @!p0 $0x1C03, s0  }
0x17: {  	s25 =	simm.s32 $0x400;
	[dreg:$0xb] =	wrdreg s0;
	s0 =	sshrl.u32 @!p0 s13, $0x3  }
0x18: {  	s26 =	simm.s32 $0xC00;
	[dreg:$0xc] =	wrdreg s0;
	s0 =	simm.s32 $0x1  }
.LBB2_7:
0x19: {  	[bflag:$0x0] =	sbarrier.arrive $0xFFFF  }
0x1a: {  	s16 =	sshrl.u32 @!p1 s10, $0x3;
	s17 =	simm.s32 @!p1 $0x1FC3;
	s18 =	rddreg [dreg:$0x8]  }
0x1b: {  	[hbm:s18], [sflag:s17] =	dma.local @!p1 [spmem:s16], $0x3020  }
0x1c: {  	s16 =	simm.s32 @!p1 $0x3  }
0x1d: {  	_ =	swait.ge @!p1 [sflag:s16], $0x3020  }
0x1e: {  	s17 =	sshll.u32 @!p2 s1, $0x6;
	[sflag:s16] =	ssyncset.done @!p1 $0x0;
	s18 =	rddreg [dreg:$0x7]  }
0x1f: {  	[sflag:s16] =	ssyncadd.s32 @!p1 $0xFFFFCFE0;
	s16 =	sor.u32 @!p2 $0x1C03, s17;
	s17 =	sshrl.u32 @!p2 s13, $0x3  }
0x20: {  	[hbm:s18], [sflag:s16] =	dma.local @!p2 [spmem:s17], $0x30E0  }
0x21: {  	s16 =	simm.s32 @!p2 $0x3  }
0x22: {  	_ =	swait.ge @!p2 [sflag:s16], $0x30E0  }
0x23: {  	s17 =	simm.s32 @!p3 $0x1FC3;
	[sflag:s16] =	ssyncset.done @!p2 $0x0  }
0x24: {  	s18 =	rddreg [dreg:$0x6];
	[sflag:s16] =	ssyncadd.s32 @!p2 $0xFFFFCF20;
	s16 =	sshrl.u32 @!p3 s10, $0x3  }
0x25: {  	[hbm:s18], [sflag:s17] =	dma.local @!p3 [spmem:s16], $0x3020  }
0x26: {  	s16 =	simm.s32 @!p3 $0x3  }
0x27: {  	_ =	swait.ge @!p3 [sflag:s16], $0x3020  }
0x28: {  	s17 =	sshll.u32 @!p4 s1, $0x6;
	[sflag:s16] =	ssyncset.done @!p3 $0x0;
	s18 =	rddreg [dreg:$0x5]  }
0x29: {  	[sflag:s16] =	ssyncadd.s32 @!p3 $0xFFFFCFE0;
	s16 =	sor.u32 @!p4 $0x1C03, s17;
	s17 =	sshrl.u32 @!p4 s13, $0x3  }
0x2a: {  	[hbm:s18], [sflag:s16] =	dma.local @!p4 [spmem:s17], $0x30E0  }
0x2b: {  	s16 =	simm.s32 @!p4 $0x3  }
0x2c: {  	_ =	swait.ge @!p4 [sflag:s16], $0x30E0  }
0x2d: {  	s3 =	sadd.s32 $0x1, s3;
	s19 =	rddreg [dreg:$0x9]  }
0x2e: {  	p5 =	sne.s32 s3, s19  }
.Ltmp1:
0x2f: {  	_ = 	snop;
	(pc) =	sbr.rel @!p5 .LBB2_8-.Ltmp1, $3  }
0x30: {  	_ =	sdelay $0x1  }
0x31: {  	[sflag:s16] =	ssyncset.done @!p4 $0x0  }
0x32: {  	[sflag:s16] =	ssyncadd.s32 @!p4 $0xFFFFCF20  }
.LBB2_1:
0x33: {  	s17 =	rddreg [dreg:$0x4]  }
0x34: {  	s16 =	simm.s32 @p0 $0x1FC3;
	s18 =	rddreg [dreg:$0xa]  }
0x35: {  	[spmem:s18], [sflag:s16] =	dma.local @p0 [hbm:s17], $0x3020  }
0x36: {  	s16 =	simm.s32 @p0 $0x3  }
0x37: {  	_ =	swait.ge @p0 [sflag:s16], $0x3020  }
0x38: {  	s17 =	rddreg [dreg:$0xb]  }
0x39: {  	[sflag:s16] =	ssyncset.done @p0 $0x0;
	s18 =	rddreg [dreg:$0xc]  }
0x3a: {  	[sflag:s16] =	ssyncadd.s32 @p0 $0xFFFFCFE0;
	s16 =	rddreg [dreg:$0x3]  }
0x3b: {  	[spmem:s18], [sflag:s17] =	dma.local @!p0 [hbm:s16], $0x30E0  }
0x3c: {  	s16 =	simm.s32 @!p0 $0x3  }
.Ltmp2:
0x3d: {  	_ =	swait.ge @!p0 [sflag:s16], $0x30E0;
	(pc) =	sbr.rel .LBB2_2-.Ltmp2, $4  }
0x3e: {  	[sflag:s16] =	ssyncset.done @!p0 $0x0  }
0x3f: {  	[sflag:s16] =	ssyncadd.s32 @!p0 $0xFFFFCF20  }
0x40: {  	[bflag:$0x0] =	sbarrier.arrive $0xFFFF  }
0x41: {  	s16 =	simm.s32 $0x0  }
.LBB2_6:
0x42: {  	s16 =	sadd.s32 $0x1, s16  }
0x43: {  	p5 =	sne.s32 s16, $0x62  }
.Ltmp3:
0x44: {  	_ = 	snop;
	(pc) =	sbr.rel @!p5 .LBB2_7-.Ltmp3, $1  }
0x45: {  	_ =	sdelay $0x3  }
.LBB2_2:
0x46: {  	s17 =	sshll.u32 s16, $0x5  }
0x47: {  	s17 =	sor.u32 s17, s8  }
0x48: {  	s17 =	sor.u32 s1, s17  }
0x49: {  	p5 =	sgt.u32 s17, $0xC34  }
.Ltmp4:
0x4a: {  	_ = 	snop;
	(pc) =	sbr.rel @p5 .LBB2_6-.Ltmp4, $1  }
0x4b: {  	_ =	sdelay $0x3  }
0x4c: {  	s18 =	sshll.u32 s17, $0x6  }
0x4d: {  	s19 =	sadd.s32 s5, s18  }
0x4e: {  	[tilespmem:s20], [sflag:$0x4] =	stream.linear.gather [hbm4b:s19+s20], $0x200, $0x38;
	[tilespmem:$0x1CAA0] =	vst v63  }
0x4f: {  	_ =	swait.ge [sflag:s21], $0x200  }
0x50: {  	[sflag:s21] =	ssyncset.done $0x0  }
0x51: {  	s18 =	sadd.s32 s6, s18;
	[sflag:s21] =	ssyncadd.s32 $0xFFFFFE00  }
0x52: {  	[tilespmem:s22], [sflag:$0x4] =	stream.linear.gather [hbm4b:s18+s20], $0x200, $0x38;
	[tilespmem:$0x1CAA0] =	vst v63  }
0x53: {  	_ =	swait.ge [sflag:s21], $0x200  }
0x54: {  	s19 =	sshll.u32 s17, $0xA;
	[sflag:s21] =	ssyncset.done $0x0  }
0x55: {  	s17 =	sadd.s32 s7, s19;
	[sflag:s21] =	ssyncadd.s32 $0xFFFFFE00  }
0x56: {  	[tilespmem:s23], [sflag:$0x2] =	stream.linear.gather [hbm4b:s17+s20], $0x2000, $0x38;
	[tilespmem:$0x1CAA0] =	vst v63  }
0x57: {  	_ = 	snop  }
0x58: {  	[tilespmem:s25], [sflag:$0x1] =	stream.indirect.gather [hbm4b:s4+s24], $0x10, s20, s24, $0xb8;
	[tilespmem:$0x1CAA0] =	vst v63  }
0x59: {  	_ = 	snop  }
0x5a: {  	[tilespmem:s26], [sflag:$0x1] =	stream.indirect.gather [hbm4b:s4+s24], $0x10, s24, s24, $0xb8;
	[tilespmem:$0x1CAA0] =	vst v63  }
0x5b: {  	_ = 	snop  }
0x5c: {  	[tilespmem:s29], [sflag:$0x1] =	stream.indirect.gather [hbm4b:s4+s24], $0x10, s28, s24, $0xb8;
	[tilespmem:$0x1CAA0] =	vst v63  }
0x5d: {  	_ = 	snop  }
0x5e: {  	[tilespmem:s31], [sflag:$0x1] =	stream.indirect.gather [hbm4b:s4+s24], $0x10, s30, s24, $0xb8;
	[tilespmem:$0x1CAA0] =	vst v63  }
0x5f: {  	_ =	swait.ge [sflag:s0], $0x800  }
0x60: {  	[sflag:s0] =	ssyncset.done $0x0  }
0x61: {  	[sflag:s0] =	ssyncadd.s32 $0xFFFFF800  }
0x62: {  	_ =	swait.ge [sflag:s0], $0x800  }
0x63: {  	[sflag:s0] =	ssyncset.done $0x0  }
0x64: {  	[sflag:s0] =	ssyncadd.s32 $0xFFFFF800  }
0x65: {  	_ =	swait.ge [sflag:s0], $0x800  }
0x66: {  	[sflag:s0] =	ssyncset.done $0x0  }
0x67: {  	[sflag:s0] =	ssyncadd.s32 $0xFFFFF800  }
0x68: {  	_ =	swait.ge [sflag:s0], $0x800  }
0x69: {  	[sflag:s0] =	ssyncset.done $0x0  }
0x6a: {  	[sflag:s0] =	ssyncadd.s32 $0xFFFFF800  }
0x6b: {  	_ =	swait.ge [sflag:s9], $0x2000  }
0x6c: {  	[sflag:s9] =	ssyncset.done $0x0  }
0x6d: {  	s17 =	simm.s32 $0x0;
	[sflag:s9] =	ssyncadd.s32 $0xFFFFE000  }
0x6e: {  	v5 =	vld [tilespmem:s17+$0x2400]  }
0x6f: {  	v6 =	vld [tilespmem:s17+$0x2410]  }
0x70: {  	v1 =	vld [tilespmem:s17+$0x2420]  }
0x71: {  	v0 =	vld [tilespmem:s17+$0x2430]  }
0x72: {  	v2 =	vld [tilespmem:s17+$0x400]  }
0x73: {  	v4 =	vld [tilespmem:s17+$0x410]  }
0x74: {  	s18 =	simm.s32 $0x100;
	v3 =	vld [tilespmem:s17+$0x420]  }
.LBB2_4:
0x75: {  	s19 =	sshra.s32 s18, $0x2;
	p5 =	sne.s32 s18, $0x7F00;
	v7 =	vld [tilespmem:s17+$0x430];
	v8 =	vmov v1  }
0x76: {  	v9 =	vld [tilespmem:s19+$0x2400];
	v10 =	vmov v0  }
0x77: {  	v11 =	vld [tilespmem:s19+$0x2410];
	v2 =	vmul.bf16 v5, v2  }
.Ltmp5:
0x78: {  	v1 =	vld [tilespmem:s19+$0x2420];
	v4 =	vmul.bf16 v6, v4;
	(pc) =	sbr.rel @p5 .LBB2_4-.Ltmp5, $4  }
0x79: {  	v0 =	vld [tilespmem:s19+$0x2430];
	[tilespmem:s17+$0x400] =	vst v2;
	v3 =	vmul.bf16 v8, v3  }
0x7a: {  	v2 =	vld [tilespmem:s19+$0x400];
	[tilespmem:s17+$0x410] =	vst v4;
	v7 =	vmul.bf16 v10, v7  }
0x7b: {  	v4 =	vld [tilespmem:s19+$0x410];
	[tilespmem:s17+$0x420] =	vst v3;
	v5 =	vmov v9  }
0x7c: {  	s18 =	sadd.s32 $0x100, s18;
	v3 =	vld [tilespmem:s19+$0x420];
	[tilespmem:s17+$0x430] =	vst v7;
	v6 =	vmov v11;
	s17 =	smov.u32 s19  }
0x7d: {  	v7 =	vld [tilespmem:s17+$0x430];
	_ =	sdelay $0x1  }
0x7e: {  	v2 =	vmul.bf16 v5, v2  }
0x7f: {  	v4 =	vmul.bf16 v6, v4  }
0x80: {  	[tilespmem:s17+$0x400] =	vst v2;
	v1 =	vmul.bf16 v1, v3  }
0x81: {  	[tilespmem:s17+$0x410] =	vst v4;
	v0 =	vmul.bf16 v0, v7  }
0x82: {  	[tilespmem:s17+$0x420] =	vst v1  }
0x83: {  	[tilespmem:s17+$0x430] =	vst v0  }
0x84: {  	[spmem:s2] =	stream.indirect.scatter.add.bf16 [tilespmem:s25], [sflag:$0x4], $0x10, s22, s24, $0xb8;
	[tilespmem:$0x1CAA0] =	vst v63  }
0x85: {  	_ =	swait.ge [sflag:s21], $0x800  }
0x86: {  	[sflag:s21] =	ssyncset.done $0x0  }
0x87: {  	[sflag:s21] =	ssyncadd.s32 $0xFFFFF800  }
0x88: {  	[spmem:s2] =	stream.indirect.scatter.add.bf16 [tilespmem:s26], [sflag:$0x4], $0x10, s11, s24, $0xb8;
	[tilespmem:$0x1CAA0] =	vst v63  }
0x89: {  	_ =	swait.ge [sflag:s21], $0x800  }
0x8a: {  	[sflag:s21] =	ssyncset.done $0x0  }
0x8b: {  	[sflag:s21] =	ssyncadd.s32 $0xFFFFF800  }
0x8c: {  	[spmem:s2] =	stream.indirect.scatter.add.bf16 [tilespmem:s29], [sflag:$0x4], $0x10, s12, s24, $0xb8;
	[tilespmem:$0x1CAA0] =	vst v63  }
0x8d: {  	_ =	swait.ge [sflag:s21], $0x800  }
0x8e: {  	[sflag:s21] =	ssyncset.done $0x0  }
.Ltmp6:
0x8f: {  	[sflag:s21] =	ssyncadd.s32 $0xFFFFF800;
	(pc) =	sbr.rel .LBB2_6-.Ltmp6, $4  }
0x90: {  	[spmem:s2] =	stream.indirect.scatter.add.bf16 [tilespmem:s31], [sflag:$0x3], $0x10, s14, s24, $0xb8;
	[tilespmem:$0x1CAA0] =	vst v63  }
0x91: {  	_ =	swait.ge [sflag:s15], $0x800  }
0x92: {  	[sflag:s15] =	ssyncset.done $0x0  }
0x93: {  	[sflag:s15] =	ssyncadd.s32 $0xFFFFF800  }
.LBB2_8:
0x94: {  	_ =	sfence.sel $0x180000  }
0x95: {  	[bflag:$0x0] =	sbarrier.arrive $0xFFFF  }
0x96: {  	_ =	strace $0x9000004A  }
0x97: {  	[bflag:$0x2] =	sbarrier.arrive $0xFFFF  }
0x98: {  	p0 =	sne.s32 s1, $0x0;
	s0 =	rddreg [dreg:$0x2]  }
0x99: {  	s0 =	sadd.s32 @!p0 $0x100000, s0  }
0x9a: {  	[sflag:s0] =	ssyncadd.tile.s32 @!p0 $0x1;
	_ =	shalt  }
.Lfunc_end2:
_tile_overlayer_lowered:
.L_overlay_start_2:
0x9b: {  	(tag) =	ssettag $0x2  }
0x9c: {  	s0 =	rddreg [dreg:$0x0];
	s2 =	stileid.u32  }
0x9d: {  	s1 =	rddreg [dreg:$0x1];
	p0 =	sne.s32 s2, $0x0  }
0x9e: {  	s3 =	rddreg [dreg:$0x2];
	[bflag:$0x3] =	sbarrier.arrive $0xFFFF;
	s2 =	simm.s32 @!p0 $0x1C03  }
0x9f: {  	[timem:s3], [sflag:s2] =	dma.local @!p0 [hbm:s0], s1  }
0xa0: {  	s0 =	simm.s32 @!p0 $0x3  }
0xa1: {  	_ =	swait.ge @!p0 [sflag:s0], s1  }
0xa2: {  	s1 =	ssub.s32 @!p0 $0x0, s1;
	[sflag:s0] =	ssyncset.done @!p0 $0x0  }
0xa3: {  	[sflag:s0] =	ssyncadd.s32 @!p0 s1  }
0xa4: {  	[bflag:$0x3] =	sbarrier.arrive $0xFFFF  }
0xa5: {  	_ =	shalt  }

// kernel: kernel.16.cloned.1.call-start
scs
__scs_entry_jumppad:
0x0: {  	(pc) =	sbr.rel $0x88, $3  }
0x1: {  	(tag) =	ssettag $0x0;
	lr =	simm.s32 $0x1  }
0x2: {  	[smem:$0x3F84] =	sst lr;
	_ =	strace $0xD0000000  }
0x3: {  	_ = 	snop  }
0x4: {  	_ = 	snop  }
0x5: {  	_ = 	snop  }
0x6: {  	_ = 	snop  }
0x7: {  	_ = 	snop  }
__scs_overlays_trampoline_lowered:
0x8: {  	[smem:$0x3F93] =	sst s0  }
0x9: {  	[smem:$0x3F94] =	sst s1  }
0xa: {  	[smem:$0x3F95] =	sst s2  }
0xb: {  	[smem:$0x3F96] =	sst s3  }
0xc: {  	[smem:$0x3F97] =	sst s4  }
0xd: {  	[smem:$0x3F98] =	sst s5  }
0xe: {  	[smem:$0x3F99] =	sst s6  }
0xf: {  	[smem:$0x3F9A] =	sst s7  }
0x10: {  	[smem:$0x3F9B] =	sst s8  }
0x11: {  	[smem:$0x3F9C] =	sst s9;
	s0 =	simm.s32 @!p0 $0x0  }
0x12: {  	s1 =	sld [smem:$0x3F82];
	s0 =	simm.s32 @p0 $0x1  }
0x13: {  	[smem:$0x3F9D] =	sst s0;
	s0 =	simm.s32 @!p1 $0x0  }
0x14: {  	s2 =	sld [smem:$0x3F81];
	s0 =	simm.s32 @p1 $0x1  }
0x15: {  	[smem:$0x3F9E] =	sst s0;
	s0 =	simm.s32 @!p2 $0x0  }
0x16: {  	s3 =	sld [smem:$0x3FDB];
	s0 =	simm.s32 @p2 $0x1  }
0x17: {  	s4 =	simm.s32 $0x1BF5;
	[smem:$0x3FA0] =	sst s0  }
0x18: {  	s0 =	sld [smem:$0x3F83];
	_ =	swait.ge [sflag:s4], $0x0  }
0x19: {  	s7 =	sld [smem:$0x3F84]  }
0x1a: {  	s8 =	sadd.s32 $0xFFFFE003, lr  }
0x1b: {  	s9 =	sadd.s32 $0xFFFFFEF7, lr;
	s5 =	simm.s32 $0xFFFFFFFF;
	p2 =	slt.u32 s8, $0xFFFFF086  }
0x1c: {  	p1 =	slt.u32 s9, $0xF7A;
	s5 =	simm.s32 @!p2 $0x0  }
0x1d: {  	s5 =	simm.s32 @p1 $0x1;
	p0 =	seq.s32 s7, s2  }
0x1e: {  	s7 =	smul.u32 @!p0 $0xF7A, s2;
	p2 =	seq.s32 @!p0 s5, $0x0  }
0x1f: {  	s9 =	smul.u32 $0xF7A, s1;
	s8 =	simm.s32 @!p0 $0x1BF5;
	p2 =	por !p2, p0  }
0x20: {  	[sflag:s8] =	ssyncset.s32 @!p0 $0xFFFFF086;
	s6 =	sadd.s32 @!p0 s3, s7;
	s7 =	simm.s32 @!p0 $0x108  }
0x21: {  	s3 =	sadd.s32 s3, s9;
	s6 =	sadd.s32 @!p0 $0x88, s6;
	s7 =	simm.s32 @p2 $0x1082  }
0x22: {  	[simem:s7], [sflag:s8] =	dma.local @!p0 [hbm:s6], $0xF7A  }
0x23: {  	s9 =	sor.u32 $0xD0000000, s2;
	s6 =	simm.s32 $0x108;
	_ =	swait.ge @!p0 [sflag:s8], $0x0  }
0x24: {  	s3 =	sadd.s32 $0x88, s3;
	s6 =	simm.s32 @!p1 $0x1082;
	[sflag:s4] =	ssyncset.s32 $0xFFFFF086  }
0x25: {  	[simem:s6], [sflag:s4] =	dma.local [hbm:s3], $0xF7A  }
0x26: {  	[smem:$0x3F84] =	sst s1;
	(tag) =	ssettag s2;
	_ =	strace s9  }
0x27: {  	s1 =	sld [smem:$0x3F94]  }
0x28: {  	s2 =	sld [smem:$0x3F95]  }
0x29: {  	s4 =	sld [smem:$0x3F97]  }
0x2a: {  	p0 =	seq.s32 s5, $0x0;
	s5 =	sld [smem:$0x3F98]  }
0x2b: {  	s6 =	sld [smem:$0x3F99]  }
0x2c: {  	s7 =	sld [smem:$0x3F9A]  }
0x2d: {  	s3 =	simm.s32 $0x108;
	s8 =	sld [smem:$0x3F9B]  }
0x2e: {  	s3 =	simm.s32 @!p0 $0x1082;
	s9 =	sld [smem:$0x3F9C]  }
0x2f: {  	lr =	sadd.s32 s0, s3;
	s0 =	sld [smem:$0x3F93]  }
0x30: {  	s3 =	sld [smem:$0x3F96]  }
0x31: {  	[smem:$0x3F9F] =	sst s10  }
0x32: {  	s10 =	sld [smem:$0x3F9D];
	_ =	sdelay $0x3  }
0x33: {  	p0 =	seq.s32 s10, $0x1;
	s10 =	sld [smem:$0x3F9F];
	_ =	sdelay $0x3  }
0x34: {  	[smem:$0x3F9F] =	sst s10  }
0x35: {  	s10 =	sld [smem:$0x3F9E];
	_ =	sdelay $0x3  }
0x36: {  	p1 =	seq.s32 s10, $0x1;
	s10 =	sld [smem:$0x3F9F];
	_ =	sdelay $0x3  }
0x37: {  	[smem:$0x3F9F] =	sst s10  }
0x38: {  	s10 =	sld [smem:$0x3FA0]  }
0x39: {  	_ = 	snop;
	(pc) =	sbr.ind lr, $3  }
0x3a: {  	_ = 	snop  }
0x3b: {  	_ = 	snop  }
0x3c: {  	p2 =	seq.s32 s10, $0x1;
	s10 =	sld [smem:$0x3F9F]  }
0x3d: {  	_ =	shalt  }
0x3e: {  	_ =	shalt  }
0x3f: {  	_ =	shalt  }
0x40: {  	_ =	shalt  }
0x41: {  	_ =	shalt  }
0x42: {  	_ =	shalt  }
0x43: {  	_ =	shalt  }
0x44: {  	_ =	shalt  }
0x45: {  	_ =	shalt  }
0x46: {  	_ =	shalt  }
0x47: {  	_ =	shalt  }
0x48: {  	_ =	shalt  }
0x49: {  	_ =	shalt  }
0x4a: {  	_ =	shalt  }
0x4b: {  	_ =	shalt  }
0x4c: {  	_ =	shalt  }
0x4d: {  	_ =	shalt  }
0x4e: {  	_ =	shalt  }
0x4f: {  	_ =	shalt  }
0x50: {  	_ =	shalt  }
0x51: {  	_ =	shalt  }
0x52: {  	_ =	shalt  }
0x53: {  	_ =	shalt  }
0x54: {  	_ =	shalt  }
0x55: {  	_ =	shalt  }
0x56: {  	_ =	shalt  }
0x57: {  	_ =	shalt  }
0x58: {  	_ =	shalt  }
0x59: {  	_ =	shalt  }
0x5a: {  	_ =	shalt  }
0x5b: {  	_ =	shalt  }
0x5c: {  	_ =	shalt  }
0x5d: {  	_ =	shalt  }
0x5e: {  	_ =	shalt  }
0x5f: {  	_ =	shalt  }
0x60: {  	_ =	shalt  }
0x61: {  	_ =	shalt  }
0x62: {  	_ =	shalt  }
0x63: {  	_ =	shalt  }
0x64: {  	_ =	shalt  }
0x65: {  	_ =	shalt  }
0x66: {  	_ =	shalt  }
0x67: {  	_ =	shalt  }
0x68: {  	_ =	shalt  }
0x69: {  	_ =	shalt  }
0x6a: {  	_ =	shalt  }
0x6b: {  	_ =	shalt  }
0x6c: {  	_ =	shalt  }
0x6d: {  	_ =	shalt  }
0x6e: {  	_ =	shalt  }
0x6f: {  	_ =	shalt  }
0x70: {  	_ =	shalt  }
0x71: {  	_ =	shalt  }
0x72: {  	_ =	shalt  }
0x73: {  	_ =	shalt  }
0x74: {  	_ =	shalt  }
0x75: {  	_ =	shalt  }
0x76: {  	_ =	shalt  }
0x77: {  	_ =	shalt  }
0x78: {  	_ =	shalt  }
0x79: {  	_ =	shalt  }
0x7a: {  	_ =	shalt  }
0x7b: {  	_ =	shalt  }
0x7c: {  	_ =	shalt  }
0x7d: {  	_ =	shalt  }
0x7e: {  	_ =	shalt  }
0x7f: {  	_ =	shalt  }
0x80: {  	_ =	shalt  }
0x81: {  	_ =	shalt  }
0x82: {  	_ =	shalt  }
0x83: {  	_ =	shalt  }
0x84: {  	_ =	shalt  }
0x85: {  	_ =	shalt  }
0x86: {  	_ =	shalt  }
0x87: {  	_ =	shalt  }
.Lfunc_end0:
.L_simem_size_0:
called_computation.2_lowered:
.L_overlay_start_0:
0x88: {  	s2 =	sld [smem:$0x3FD9]  }
0x89: {  	s3 =	sld [smem:$0x3FFE];
	_ =	sdelay $0x1  }
0x8a: {  	s1 =	srdreg.scid  }
0x8b: {  	s0 =	sand.u32 $0x1, s1  }
0x8c: {  	s16 =	sshll.u32 s0, $0xA;
	s2 =	sadd.s32 s3, s2  }
0x8d: {  	s2 =	sadd.s32 s2, s16  }
0x8e: {  	[smem:$0x3FAB] =	sst s2  }
0x8f: {  	_ = 	snop  }
0x90: {  	(tm) =	ssettm $0x1  }
0x91: {  	s17 =	sld [smem:$0x3FFB];
	_ =	sdelay $0x3  }
0x92: {  	_ =	strace s17  }
0x93: {  	s2 =	sld [smem:$0x3FFC];
	_ =	sdelay $0x3  }
0x94: {  	_ =	strace s2  }
0x95: {  	s2 =	sld [smem:$0x3FFD];
	_ =	sdelay $0x3  }
0x96: {  	_ =	strace s2  }
0x97: {  	_ =	strace $0x8FFFFFFF  }
0x98: {  	s18 =	sld [smem:$0x3FDB];
	_ =	sdelay $0x1  }
0x99: {  	s19 =	simm.s32 $_scs_section_size  }
0x9a: {  	s4 =	simm.s32 $_size__tile_overlayer_lowered;
	s5 =	simm.s32 $_tile_overlayer_lowered  }
0x9b: {  	s22 =	simm.s32 $0x1BFF;
	s21 =	sshll.u32 s5, $0x1;
	s2 =	sadd.s32 s19, s18  }
0x9c: {  	s6 =	simm.s32 $0x0;
	s20 =	sshll.u32 s4, $0x1;
	s4 =	sadd.s32 s21, s2  }
0x9d: {  	[timem:s6], [sflag:s22] =	dma.local [hbm:s4], s20  }
0x9e: {  	_ =	swait.ge [sflag:s22], s20  }
0x9f: {  	s3 =	ssub.s32 $0x0, s20;
	[sflag:s22] =	ssyncset.done $0x0  }
0xa0: {  	[sflag:s22] =	ssyncadd.s32 s3;
	_ =	sdelay $0x1  }
0xa1: {  	s23 =	simm.s32 $0x1B8B  }
0xa2: {  	_ =	swait.ge [sflag:s23], $0x1  }
0xa3: {  	[sflag:s23] =	ssyncset.done $0x0  }
0xa4: {  	s25 =	simm.s32 $0x1B8E;
	s24 =	sld [smem:$0x3FFE];
	[sflag:s23] =	ssyncadd.s32 $0xFFFFFFFF  }
0xa5: {  	s26 =	simm.s32 $execute0_lowered;
	[smem:$0x3FD2] =	sst s25  }
0xa6: {  	s4 =	sshll.u32 s26, $0x1;
	_ =	strace $0x8000004C;
	[dreg:$0x1] =	wrdreg $0xFFFFFFFF  }
0xa7: {  	s28 =	simm.s32 $_size_execute0_lowered;
	s2 =	sadd.s32 s2, s4;
	[dreg:$0x0] =	wrdreg $0x0  }
0xa8: {  	s4 =	sshll.u32 s28, $0x1;
	[dreg:$0x2] =	wrdreg s2  }
0xa9: {  	[dreg:$0x3] =	wrdreg s4  }
0xaa: {  	[dreg:$0x4] =	wrdreg $0xC0  }
0xab: {  	_ =	task [dreg:s6], $0x5FFFF  }
0xac: {  	[dreg:$0x1] =	wrdreg $0xFFFFFFFF  }
0xad: {  	[dreg:$0x0] =	wrdreg $0x60  }
0xae: {  	[dreg:$0x2] =	wrdreg s24  }
0xaf: {  	[dreg:$0x3] =	wrdreg $0x64000  }
0xb0: {  	[dreg:$0x4] =	wrdreg $0x9  }
0xb1: {  	_ =	task.clear_ibuf [dreg:s6], $0x5FFFF;
	_ =	strace $0x9000004C  }
0xb2: {  	s29 =	simm.s32 $0x9;
	_ =	strace $0x8000004E  }
0xb3: {  	_ =	swait.ge [sflag:s29], $0x1  }
0xb4: {  	[sflag:s29] =	ssyncadd.s32 $0xFFFFFFFF  }
0xb5: {  	_ =	strace $0x9000004E  }
0xb6: {  	_ =	sfence  }
0xb7: {  	s30 =	sld [smem:$0x0];
	_ =	sdelay $0x2  }
0xb8: {  	s31 =	sshll.u32 s1, $0xD;
	s1 =	sshrl.u32 s1, $0x2  }
0xb9: {  	s3 =	sand.u32 $0x4000, s31;
	s1 =	sadd.s32 s1, s30  }
0xba: {  	s0 =	sor.u32 s3, s0;
	s1 =	sshll.u32 s1, $0x11  }
0xbb: {  	s0 =	sor.u32 s1, s0  }
0xbc: {  	s0 =	sadd.s32 $0x8F2B, s0  }
0xbd: {  	[sflag:s0] =	ssyncadd.remote.s32 $0x1  }
0xbe: {  	_ =	sfence.sel $0xFFFF  }
0xbf: {  	[dreg:$0x0] =	wrdreg $0xFFFFFFFF;
	(pc) =	sbr.abs _section_cstart, $3  }
0xc0: {  	[dreg:$0x1] =	wrdreg $0xFFFFFFFF  }
0xc1: {  	_ =	task.clear_ibuf [dreg:s6], $0x2FFFF;
	_ =	strace $0x9FFFFFFF  }
0xc2: {  	(tm) =	ssettm $0x7FFFFFFF  }
0xc3: {  	_ =	shalt  }
tec
execute0_lowered:
.L_overlay_start_1:
0x0: {  	(tag) =	ssettag $0x1  }
0x1: {  	s0 =	rddreg [dreg:$0x0]  }
0x2: {  	s2 =	rddreg [dreg:$0x1];
	s3 =	simm.s32 $0x0;
	s1 =	stileid.u32  }
0x3: {  	s6 =	srdreg.scid;
	s20 =	simm.s32 $0x4;
	s21 =	simm.s32 $0x200  }
0x4: {  	s22 =	simm.s32 $0x20;
	s29 =	simm.s32 $0x1400;
	s30 =	simm.s32 $0x180  }
0x5: {  	s31 =	simm.s32 $0x1C00;
	s14 =	simm.s32 $0x300;
	s15 =	simm.s32 $0x380  }
0x6: {  	[smem:$0x7FF] =	sst s3;
	s9 =	smul.u32 $0x30E00, s1;
	s4 =	sadd.s32 $0x49EE00, s0  }
0x7: {  	s10 =	sand.u32 $0x1, s6;
	s6 =	sadd.s32 $0x83EA00, s0;
	s7 =	sadd.s32 $0x80DC00, s0  }
0x8: {  	s28 =	simm.s32 $0x100;
	s24 =	sadd.s32 $0x80AB20, s0;
	s26 =	sadd.s32 $0x52E720, s0  }
0x9: {  	s5 =	sadd.s32 $0x7AC000, s0;
	p1 =	seq.s32 s1, $0xF;
	_ =	strace $0x8000004D  }
0xa: {  	s11 =	ssub.s32 $0x2, s10;
	p0 =	seq.s32 s10, $0x1;
	[dreg:$0x4] =	wrdreg s24  }
0xb: {  	s10 =	sadd.s32 $0x16E900, s2;
	[dreg:$0x6] =	wrdreg s26;
	s24 =	simm.s32 $0x2400  }
0xc: {  	s8 =	sshrl.u32 s9, $0x4;
	s13 =	sshrl.u32 s11, $0x1;
	s10 =	sshrl.u32 @p1 s10, $0x3  }
0xd: {  	s12 =	sadd.s32 s8, s0;
	s8 =	sadd.s32 $0x24A9E00, s0;
	s11 =	ssub.s32 s11, s13  }
0xe: {  	s13 =	sadd.s32 $0x24A9E04, s0;
	s0 =	sadd.s32 $0x4FD920, s0;
	[dreg:$0xa] =	wrdreg s10  }
0xf: {  	s26 =	simm.s32 $0xC00;
	s23 =	sadd.s32 $0x7DCE00, s12;
	[dreg:$0x8] =	wrdreg s0  }
0x10: {  	s9 =	sshrl.u32 s9, $0x1;
	s25 =	sadd.s32 $0x500A00, s12;
	[dreg:$0x3] =	wrdreg s23  }
0x11: {  	s12 =	sadd.s32 $0x4CFC00, s12;
	s0 =	sshll.u32 @!p1 s1, $0x6;
	[dreg:$0x5] =	wrdreg s25  }
.Ltmp0:
0x12: {  	s11 =	smax.u32 s11, $0x1;
	[dreg:$0x7] =	wrdreg s12;
	(pc) =	sbr.rel .LBB2_1-.Ltmp0, $4  }
0x13: {  	s9 =	sadd.s32 s9, s2;
	[dreg:$0x9] =	wrdreg s11;
	s0 =	sor.u32 @!p1 $0x1C03, s0  }
0x14: {  	s23 =	simm.s32 $0x80;
	s25 =	simm.s32 $0x400;
	s11 =	simm.s32 $0x2  }
0x15: {  	s12 =	simm.s32 $0x280;
	[dreg:$0xb] =	wrdreg s0;
	s0 =	sshrl.u32 @!p1 s9, $0x3  }
0x16: {  	s9 =	simm.s32 $0x3;
	[dreg:$0xc] =	wrdreg s0;
	s0 =	simm.s32 $0x1  }
.LBB2_15:
0x17: {  	[bflag:$0x0] =	sbarrier.arrive $0xFFFF  }
0x18: {  	s16 =	rddreg [dreg:$0x8]  }
0x19: {  	s10 =	simm.s32 @p1 $0x1FC3;
	s17 =	rddreg [dreg:$0xa]  }
0x1a: {  	[hbm:s16], [sflag:s10] =	dma.local @p1 [spmem:s17], $0x3020  }
0x1b: {  	s10 =	simm.s32 @p1 $0x3  }
0x1c: {  	_ =	swait.ge @p1 [sflag:s10], $0x3020  }
0x1d: {  	s16 =	rddreg [dreg:$0xb]  }
0x1e: {  	[sflag:s10] =	ssyncset.done @p1 $0x0;
	s17 =	rddreg [dreg:$0xc]  }
0x1f: {  	[sflag:s10] =	ssyncadd.s32 @p1 $0xFFFFCFE0;
	s10 =	rddreg [dreg:$0x7]  }
0x20: {  	[hbm:s10], [sflag:s16] =	dma.local @!p1 [spmem:s17], $0x30E0  }
0x21: {  	s10 =	simm.s32 @!p1 $0x3  }
0x22: {  	_ =	swait.ge @!p1 [sflag:s10], $0x30E0  }
0x23: {  	[sflag:s10] =	ssyncset.done @!p1 $0x0  }
0x24: {  	[sflag:s10] =	ssyncadd.s32 @!p1 $0xFFFFCF20  }
.LBB2_16:
0x25: {  	s3 =	sadd.s32 $0x1, s3;
	s10 =	rddreg [dreg:$0x9]  }
0x26: {  	p2 =	sne.s32 s3, s10  }
.Ltmp1:
0x27: {  	_ = 	snop;
	(pc) =	sbr.rel @!p2 .LBB2_17-.Ltmp1, $1  }
0x28: {  	_ =	sdelay $0x3  }
.LBB2_1:
.Ltmp2:
0x29: {  	(pc) =	sbr.rel @!p0 .LBB2_2-.Ltmp2, $1  }
0x2a: {  	_ =	sdelay $0x3  }
0x2b: {  	s16 =	rddreg [dreg:$0x4]  }
0x2c: {  	s10 =	simm.s32 @p1 $0x1FC3;
	s17 =	rddreg [dreg:$0xa]  }
0x2d: {  	[spmem:s17], [sflag:s10] =	dma.local @p1 [hbm:s16], $0x3020  }
0x2e: {  	s10 =	simm.s32 @p1 $0x3  }
0x2f: {  	_ =	swait.ge @p1 [sflag:s10], $0x3020  }
0x30: {  	s16 =	rddreg [dreg:$0xb]  }
0x31: {  	[sflag:s10] =	ssyncset.done @p1 $0x0;
	s17 =	rddreg [dreg:$0xc]  }
0x32: {  	[sflag:s10] =	ssyncadd.s32 @p1 $0xFFFFCFE0;
	s10 =	rddreg [dreg:$0x3]  }
0x33: {  	[spmem:s17], [sflag:s16] =	dma.local @!p1 [hbm:s10], $0x30E0  }
0x34: {  	s10 =	simm.s32 @!p1 $0x3  }
.Ltmp3:
0x35: {  	_ =	swait.ge @!p1 [sflag:s10], $0x30E0;
	(pc) =	sbr.rel .LBB2_10-.Ltmp3, $4  }
0x36: {  	[sflag:s10] =	ssyncset.done @!p1 $0x0  }
0x37: {  	[sflag:s10] =	ssyncadd.s32 @!p1 $0xFFFFCF20  }
0x38: {  	[bflag:$0x0] =	sbarrier.arrive $0xFFFF  }
0x39: {  	s10 =	simm.s32 $0x0  }
.LBB2_14:
0x3a: {  	s10 =	sadd.s32 $0x1, s10  }
0x3b: {  	p2 =	sne.s32 s10, $0xC4  }
.Ltmp4:
0x3c: {  	_ = 	snop;
	(pc) =	sbr.rel @!p2 .LBB2_15-.Ltmp4, $1  }
0x3d: {  	_ =	sdelay $0x3  }
.LBB2_10:
0x3e: {  	s16 =	sshll.u32 s10, $0x4  }
0x3f: {  	s16 =	sor.u32 s1, s16  }
0x40: {  	p2 =	sgt.u32 s16, $0xC34  }
.Ltmp5:
0x41: {  	_ = 	snop;
	(pc) =	sbr.rel @p2 .LBB2_14-.Ltmp5, $1  }
0x42: {  	_ =	sdelay $0x3  }
0x43: {  	s17 =	sshll.u32 s16, $0x6  }
0x44: {  	s19 =	simm.s32 $0x0;
	s18 =	sadd.s32 s6, s17  }
0x45: {  	[tilespmem:s19], [sflag:$0x4] =	stream.linear.gather [hbm4b:s18+s19], $0x200, $0x38;
	[tilespmem:$0x1EAA0] =	vst v63  }
0x46: {  	_ =	swait.ge [sflag:s20], $0x200  }
0x47: {  	[sflag:s20] =	ssyncset.done $0x0  }
0x48: {  	s17 =	sadd.s32 s7, s17;
	[sflag:s20] =	ssyncadd.s32 $0xFFFFFE00  }
0x49: {  	[tilespmem:s21], [sflag:$0x4] =	stream.linear.gather [hbm4b:s17+s19], $0x200, $0x38;
	[tilespmem:$0x1EAA0] =	vst v63  }
0x4a: {  	_ =	swait.ge [sflag:s20], $0x200  }
0x4b: {  	s18 =	sshll.u32 s16, $0xD;
	[sflag:s20] =	ssyncset.done $0x0  }
0x4c: {  	s16 =	sadd.s32 s18, s13;
	[sflag:s20] =	ssyncadd.s32 $0xFFFFFE00  }
0x4d: {  	[tilespmem:s24], [sflag:$0x2] =	stream.strided.gather [hbm4b:s16+s22], $0x4000, s23, s22, $0x38;
	[tilespmem:$0x1EAA0] =	vst v63  }
0x4e: {  	_ = 	snop  }
0x4f: {  	[tilespmem:s25], [sflag:$0x1] =	stream.indirect.gather [hbm4b:s5+s23], $0x10, s19, s23, $0xb8;
	[tilespmem:$0x1EAA0] =	vst v63  }
0x50: {  	_ = 	snop  }
0x51: {  	[tilespmem:s26], [sflag:$0x1] =	stream.indirect.gather [hbm4b:s5+s23], $0x10, s23, s23, $0xb8;
	[tilespmem:$0x1EAA0] =	vst v63  }
0x52: {  	_ = 	snop  }
0x53: {  	[tilespmem:s29], [sflag:$0x1] =	stream.indirect.gather [hbm4b:s5+s23], $0x10, s28, s23, $0xb8;
	[tilespmem:$0x1EAA0] =	vst v63  }
0x54: {  	_ = 	snop  }
0x55: {  	[tilespmem:s31], [sflag:$0x1] =	stream.indirect.gather [hbm4b:s5+s23], $0x10, s30, s23, $0xb8;
	[tilespmem:$0x1EAA0] =	vst v63  }
0x56: {  	_ =	swait.ge [sflag:s0], $0x800  }
0x57: {  	[sflag:s0] =	ssyncset.done $0x0  }
0x58: {  	[sflag:s0] =	ssyncadd.s32 $0xFFFFF800  }
0x59: {  	_ =	swait.ge [sflag:s0], $0x800  }
0x5a: {  	[sflag:s0] =	ssyncset.done $0x0  }
0x5b: {  	[sflag:s0] =	ssyncadd.s32 $0xFFFFF800  }
0x5c: {  	_ =	swait.ge [sflag:s0], $0x800  }
0x5d: {  	[sflag:s0] =	ssyncset.done $0x0  }
0x5e: {  	[sflag:s0] =	ssyncadd.s32 $0xFFFFF800  }
0x5f: {  	_ =	swait.ge [sflag:s0], $0x800  }
0x60: {  	[sflag:s0] =	ssyncset.done $0x0  }
0x61: {  	[sflag:s0] =	ssyncadd.s32 $0xFFFFF800  }
0x62: {  	_ =	swait.ge [sflag:s11], $0x4000  }
0x63: {  	[sflag:s11] =	ssyncset.done $0x0  }
0x64: {  	s16 =	simm.s32 $0x2440;
	[sflag:s11] =	ssyncadd.s32 $0xFFFFC000  }
0x65: {  	v0 =	vld [tilespmem:s16+$0xFFFFFFC0]  }
0x66: {  	s17 =	simm.s32 $0x0;
	v1 =	vld [tilespmem:s16+$0xFFFFFFD0]  }
0x67: {  	v2 =	vld [tilespmem:s17+$0x400];
	_ =	sdelay $0x3  }
0x68: {  	v0 =	vpack.i.f32.bf16 v1, v0  }
0x69: {  	v0 =	vmul.bf16 v2, v0;
	_ =	sdelay $0x1  }
0x6a: {  	[tilespmem:s17+$0x400] =	vst v0  }
0x6b: {  	v0 =	vld [tilespmem:s16+$0xFFFFFFE0]  }
0x6c: {  	v1 =	vld [tilespmem:s16+$0xFFFFFFF0]  }
0x6d: {  	v2 =	vld [tilespmem:s17+$0x410];
	_ =	sdelay $0x3  }
0x6e: {  	v0 =	vpack.i.f32.bf16 v1, v0  }
0x6f: {  	v0 =	vmul.bf16 v2, v0;
	_ =	sdelay $0x1  }
0x70: {  	[tilespmem:s17+$0x410] =	vst v0  }
0x71: {  	v0 =	vld [tilespmem:s16+$0x0]  }
0x72: {  	v1 =	vld [tilespmem:s16+$0x10]  }
0x73: {  	v2 =	vld [tilespmem:s17+$0x420];
	_ =	sdelay $0x3  }
0x74: {  	v0 =	vpack.i.f32.bf16 v1, v0  }
0x75: {  	v0 =	vmul.bf16 v2, v0;
	_ =	sdelay $0x1  }
0x76: {  	[tilespmem:s17+$0x420] =	vst v0;
	v0 =	vld [tilespmem:s17+$0x430]  }
0x77: {  	v1 =	vld [tilespmem:s16+$0x20]  }
0x78: {  	s18 =	simm.s32 $0x100;
	v2 =	vld [tilespmem:s16+$0x30]  }
.LBB2_12:
0x79: {  	_ =	sdelay $0x2  }
0x7a: {  	p2 =	sne.s32 s18, $0x7F00  }
0x7b: {  	s16 =	sadd.s32 $0x80, s16;
	s19 =	smov.u32 s18;
	s18 =	sadd.s32 $0x100, s18;
	v1 =	vpack.i.f32.bf16 v2, v1  }
0x7c: {  	v0 =	vmul.bf16 v0, v1;
	_ =	sdelay $0x1  }
0x7d: {  	[tilespmem:s17+$0x430] =	vst v0  }
0x7e: {  	v0 =	vld [tilespmem:s16+$0xFFFFFFC0]  }
0x7f: {  	s17 =	sshra.s32 s19, $0x2;
	v1 =	vld [tilespmem:s16+$0xFFFFFFD0]  }
0x80: {  	v2 =	vld [tilespmem:s17+$0x400];
	_ =	sdelay $0x3  }
0x81: {  	v0 =	vpack.i.f32.bf16 v1, v0  }
0x82: {  	v0 =	vmul.bf16 v2, v0;
	_ =	sdelay $0x1  }
0x83: {  	[tilespmem:s17+$0x400] =	vst v0;
	v0 =	vld [tilespmem:s17+$0x410]  }
0x84: {  	v1 =	vld [tilespmem:s16+$0xFFFFFFE0]  }
0x85: {  	v2 =	vld [tilespmem:s16+$0xFFFFFFF0];
	_ =	sdelay $0x4  }
0x86: {  	v1 =	vpack.i.f32.bf16 v2, v1  }
0x87: {  	v0 =	vmul.bf16 v0, v1;
	_ =	sdelay $0x1  }
0x88: {  	[tilespmem:s17+$0x410] =	vst v0;
	v0 =	vld [tilespmem:s17+$0x420]  }
0x89: {  	v1 =	vld [tilespmem:s16+$0x0]  }
0x8a: {  	v2 =	vld [tilespmem:s16+$0x10];
	_ =	sdelay $0x4  }
0x8b: {  	v1 =	vpack.i.f32.bf16 v2, v1  }
.Ltmp6:
0x8c: {  	v0 =	vmul.bf16 v0, v1;
	(pc) =	sbr.rel @p2 .LBB2_12-.Ltmp6, $4  }
0x8d: {  	_ = 	snop  }
0x8e: {  	[tilespmem:s17+$0x420] =	vst v0;
	v0 =	vld [tilespmem:s17+$0x430]  }
0x8f: {  	v1 =	vld [tilespmem:s16+$0x20]  }
0x90: {  	v2 =	vld [tilespmem:s16+$0x30]  }
0x91: {  	_ =	sdelay $0x3  }
0x92: {  	v1 =	vpack.i.f32.bf16 v2, v1  }
0x93: {  	v0 =	vmul.bf16 v0, v1;
	_ =	sdelay $0x1  }
0x94: {  	[tilespmem:s17+$0x430] =	vst v0  }
0x95: {  	[spmem:s2] =	stream.indirect.scatter.add.bf16 [tilespmem:s25], [sflag:$0x4], $0x10, s21, s23, $0xb8;
	[tilespmem:$0x1EAA0] =	vst v63  }
0x96: {  	_ =	swait.ge [sflag:s20], $0x800  }
0x97: {  	[sflag:s20] =	ssyncset.done $0x0  }
0x98: {  	[sflag:s20] =	ssyncadd.s32 $0xFFFFF800  }
0x99: {  	[spmem:s2] =	stream.indirect.scatter.add.bf16 [tilespmem:s26], [sflag:$0x4], $0x10, s12, s23, $0xb8;
	[tilespmem:$0x1EAA0] =	vst v63  }
0x9a: {  	_ =	swait.ge [sflag:s20], $0x800  }
0x9b: {  	[sflag:s20] =	ssyncset.done $0x0  }
0x9c: {  	[sflag:s20] =	ssyncadd.s32 $0xFFFFF800  }
0x9d: {  	[spmem:s2] =	stream.indirect.scatter.add.bf16 [tilespmem:s29], [sflag:$0x4], $0x10, s14, s23, $0xb8;
	[tilespmem:$0x1EAA0] =	vst v63  }
0x9e: {  	_ =	swait.ge [sflag:s20], $0x800  }
0x9f: {  	[sflag:s20] =	ssyncset.done $0x0  }
.Ltmp7:
0xa0: {  	[sflag:s20] =	ssyncadd.s32 $0xFFFFF800;
	(pc) =	sbr.rel .LBB2_14-.Ltmp7, $4  }
0xa1: {  	[spmem:s2] =	stream.indirect.scatter.add.bf16 [tilespmem:s31], [sflag:$0x3], $0x10, s15, s23, $0xb8;
	[tilespmem:$0x1EAA0] =	vst v63  }
0xa2: {  	_ =	swait.ge [sflag:s9], $0x800  }
0xa3: {  	[sflag:s9] =	ssyncset.done $0x0  }
0xa4: {  	[sflag:s9] =	ssyncadd.s32 $0xFFFFF800  }
.LBB2_2:
0xa5: {  	s16 =	rddreg [dreg:$0x4]  }
0xa6: {  	s10 =	simm.s32 @p1 $0x1FC3;
	s17 =	rddreg [dreg:$0xa]  }
0xa7: {  	[spmem:s17], [sflag:s10] =	dma.local @p1 [hbm:s16], $0x3020  }
0xa8: {  	s10 =	simm.s32 @p1 $0x3  }
0xa9: {  	_ =	swait.ge @p1 [sflag:s10], $0x3020  }
0xaa: {  	s16 =	rddreg [dreg:$0xb]  }
0xab: {  	[sflag:s10] =	ssyncset.done @p1 $0x0;
	s17 =	rddreg [dreg:$0xc]  }
0xac: {  	[sflag:s10] =	ssyncadd.s32 @p1 $0xFFFFCFE0;
	s10 =	rddreg [dreg:$0x3]  }
0xad: {  	[spmem:s17], [sflag:s16] =	dma.local @!p1 [hbm:s10], $0x30E0  }
0xae: {  	s10 =	simm.s32 @!p1 $0x3  }
.Ltmp8:
0xaf: {  	_ =	swait.ge @!p1 [sflag:s10], $0x30E0;
	(pc) =	sbr.rel .LBB2_3-.Ltmp8, $4  }
0xb0: {  	[sflag:s10] =	ssyncset.done @!p1 $0x0  }
0xb1: {  	[sflag:s10] =	ssyncadd.s32 @!p1 $0xFFFFCF20  }
0xb2: {  	[bflag:$0x0] =	sbarrier.arrive $0xFFFF  }
0xb3: {  	s10 =	simm.s32 $0x0  }
.LBB2_6:
0xb4: {  	v1 =	vpack.i.f32.bf16 v2, v1  }
0xb5: {  	v0 =	vmul.bf16 v0, v1;
	_ =	sdelay $0x1  }
0xb6: {  	[tilespmem:s17+$0x430] =	vst v0  }
0xb7: {  	[spmem:s2] =	stream.indirect.scatter.add.bf16 [tilespmem:s25], [sflag:$0x4], $0x10, s21, s23, $0xb8;
	[tilespmem:$0x1EAA0] =	vst v63  }
0xb8: {  	_ =	swait.ge [sflag:s20], $0x800  }
0xb9: {  	[sflag:s20] =	ssyncset.done $0x0  }
0xba: {  	[sflag:s20] =	ssyncadd.s32 $0xFFFFF800  }
0xbb: {  	[spmem:s2] =	stream.indirect.scatter.add.bf16 [tilespmem:s26], [sflag:$0x4], $0x10, s12, s23, $0xb8;
	[tilespmem:$0x1EAA0] =	vst v63  }
0xbc: {  	_ =	swait.ge [sflag:s20], $0x800  }
0xbd: {  	[sflag:s20] =	ssyncset.done $0x0  }
0xbe: {  	[sflag:s20] =	ssyncadd.s32 $0xFFFFF800  }
0xbf: {  	[spmem:s2] =	stream.indirect.scatter.add.bf16 [tilespmem:s29], [sflag:$0x4], $0x10, s14, s23, $0xb8;
	[tilespmem:$0x1EAA0] =	vst v63  }
0xc0: {  	_ =	swait.ge [sflag:s20], $0x800  }
0xc1: {  	[sflag:s20] =	ssyncset.done $0x0  }
0xc2: {  	[sflag:s20] =	ssyncadd.s32 $0xFFFFF800  }
0xc3: {  	[spmem:s2] =	stream.indirect.scatter.add.bf16 [tilespmem:s31], [sflag:$0x3], $0x10, s15, s23, $0xb8;
	[tilespmem:$0x1EAA0] =	vst v63  }
0xc4: {  	_ =	swait.ge [sflag:s9], $0x800  }
0xc5: {  	[sflag:s9] =	ssyncset.done $0x0  }
0xc6: {  	[sflag:s9] =	ssyncadd.s32 $0xFFFFF800  }
.LBB2_7:
0xc7: {  	s10 =	sadd.s32 $0x1, s10  }
0xc8: {  	p2 =	sne.s32 s10, $0xC4  }
.Ltmp9:
0xc9: {  	_ = 	snop;
	(pc) =	sbr.rel @!p2 .LBB2_8-.Ltmp9, $1  }
0xca: {  	_ =	sdelay $0x3  }
.LBB2_3:
0xcb: {  	s16 =	sshll.u32 s10, $0x4  }
0xcc: {  	s16 =	sor.u32 s1, s16  }
0xcd: {  	p2 =	sgt.u32 s16, $0xC34  }
.Ltmp10:
0xce: {  	_ = 	snop;
	(pc) =	sbr.rel @p2 .LBB2_7-.Ltmp10, $1  }
0xcf: {  	_ =	sdelay $0x3  }
0xd0: {  	s17 =	sshll.u32 s16, $0x6  }
0xd1: {  	s19 =	simm.s32 $0x0;
	s18 =	sadd.s32 s6, s17  }
0xd2: {  	[tilespmem:s19], [sflag:$0x4] =	stream.linear.gather [hbm4b:s18+s19], $0x200, $0x38;
	[tilespmem:$0x1EAA0] =	vst v63  }
0xd3: {  	_ =	swait.ge [sflag:s20], $0x200  }
0xd4: {  	[sflag:s20] =	ssyncset.done $0x0  }
0xd5: {  	s17 =	sadd.s32 s7, s17;
	[sflag:s20] =	ssyncadd.s32 $0xFFFFFE00  }
0xd6: {  	[tilespmem:s21], [sflag:$0x4] =	stream.linear.gather [hbm4b:s17+s19], $0x200, $0x38;
	[tilespmem:$0x1EAA0] =	vst v63  }
0xd7: {  	_ =	swait.ge [sflag:s20], $0x200  }
0xd8: {  	s18 =	sshll.u32 s16, $0xD;
	[sflag:s20] =	ssyncset.done $0x0  }
0xd9: {  	s16 =	sadd.s32 s8, s18;
	[sflag:s20] =	ssyncadd.s32 $0xFFFFFE00  }
0xda: {  	[tilespmem:s24], [sflag:$0x2] =	stream.strided.gather [hbm4b:s16+s22], $0x4000, s23, s22, $0x38;
	[tilespmem:$0x1EAA0] =	vst v63  }
0xdb: {  	_ = 	snop  }
0xdc: {  	[tilespmem:s25], [sflag:$0x1] =	stream.indirect.gather [hbm4b:s4+s23], $0x10, s19, s23, $0xb8;
	[tilespmem:$0x1EAA0] =	vst v63  }
0xdd: {  	_ = 	snop  }
0xde: {  	[tilespmem:s26], [sflag:$0x1] =	stream.indirect.gather [hbm4b:s4+s23], $0x10, s23, s23, $0xb8;
	[tilespmem:$0x1EAA0] =	vst v63  }
0xdf: {  	_ = 	snop  }
0xe0: {  	[tilespmem:s29], [sflag:$0x1] =	stream.indirect.gather [hbm4b:s4+s23], $0x10, s28, s23, $0xb8;
	[tilespmem:$0x1EAA0] =	vst v63  }
0xe1: {  	_ = 	snop  }
0xe2: {  	[tilespmem:s31], [sflag:$0x1] =	stream.indirect.gather [hbm4b:s4+s23], $0x10, s30, s23, $0xb8;
	[tilespmem:$0x1EAA0] =	vst v63  }
0xe3: {  	_ =	swait.ge [sflag:s0], $0x800  }
0xe4: {  	[sflag:s0] =	ssyncset.done $0x0  }
0xe5: {  	[sflag:s0] =	ssyncadd.s32 $0xFFFFF800  }
0xe6: {  	_ =	swait.ge [sflag:s0], $0x800  }
0xe7: {  	[sflag:s0] =	ssyncset.done $0x0  }
0xe8: {  	[sflag:s0] =	ssyncadd.s32 $0xFFFFF800  }
0xe9: {  	_ =	swait.ge [sflag:s0], $0x800  }
0xea: {  	[sflag:s0] =	ssyncset.done $0x0  }
0xeb: {  	[sflag:s0] =	ssyncadd.s32 $0xFFFFF800  }
0xec: {  	_ =	swait.ge [sflag:s0], $0x800  }
0xed: {  	[sflag:s0] =	ssyncset.done $0x0  }
0xee: {  	[sflag:s0] =	ssyncadd.s32 $0xFFFFF800  }
0xef: {  	_ =	swait.ge [sflag:s11], $0x4000  }
0xf0: {  	[sflag:s11] =	ssyncset.done $0x0  }
0xf1: {  	s16 =	simm.s32 $0x2440;
	[sflag:s11] =	ssyncadd.s32 $0xFFFFC000  }
0xf2: {  	v0 =	vld [tilespmem:s16+$0xFFFFFFC0]  }
0xf3: {  	s17 =	simm.s32 $0x0;
	v1 =	vld [tilespmem:s16+$0xFFFFFFD0]  }
0xf4: {  	v2 =	vld [tilespmem:s17+$0x400];
	_ =	sdelay $0x3  }
0xf5: {  	v0 =	vpack.i.f32.bf16 v1, v0  }
0xf6: {  	v0 =	vmul.bf16 v2, v0;
	_ =	sdelay $0x1  }
0xf7: {  	[tilespmem:s17+$0x400] =	vst v0  }
0xf8: {  	v0 =	vld [tilespmem:s16+$0xFFFFFFE0]  }
0xf9: {  	v1 =	vld [tilespmem:s16+$0xFFFFFFF0]  }
0xfa: {  	v2 =	vld [tilespmem:s17+$0x410];
	_ =	sdelay $0x3  }
0xfb: {  	v0 =	vpack.i.f32.bf16 v1, v0  }
0xfc: {  	v0 =	vmul.bf16 v2, v0;
	_ =	sdelay $0x1  }
0xfd: {  	[tilespmem:s17+$0x410] =	vst v0  }
0xfe: {  	v0 =	vld [tilespmem:s16+$0x0]  }
0xff: {  	v1 =	vld [tilespmem:s16+$0x10]  }
0x100: {  	v2 =	vld [tilespmem:s17+$0x420];
	_ =	sdelay $0x3  }
0x101: {  	v0 =	vpack.i.f32.bf16 v1, v0  }
0x102: {  	v0 =	vmul.bf16 v2, v0;
	_ =	sdelay $0x1  }
0x103: {  	[tilespmem:s17+$0x420] =	vst v0  }
0x104: {  	v1 =	vld [tilespmem:s16+$0x20]  }
0x105: {  	v2 =	vld [tilespmem:s16+$0x30]  }
0x106: {  	v0 =	vld [tilespmem:s17+$0x430];
	_ =	sdelay $0x1  }
0x107: {  	s18 =	simm.s32 $0x100  }
.LBB2_5:
0x108: {  	p2 =	sne.s32 s18, $0x7F00  }
0x109: {  	v1 =	vpack.i.f32.bf16 v2, v1;
	s16 =	sadd.s32 $0x80, s16;
	s19 =	smov.u32 s18;
	s18 =	sadd.s32 $0x100, s18  }
0x10a: {  	v0 =	vmul.bf16 v0, v1;
	_ =	sdelay $0x1  }
0x10b: {  	[tilespmem:s17+$0x430] =	vst v0  }
0x10c: {  	v0 =	vld [tilespmem:s16+$0xFFFFFFC0]  }
0x10d: {  	s17 =	sshra.s32 s19, $0x2;
	v1 =	vld [tilespmem:s16+$0xFFFFFFD0]  }
0x10e: {  	v2 =	vld [tilespmem:s17+$0x400];
	_ =	sdelay $0x3  }
0x10f: {  	v0 =	vpack.i.f32.bf16 v1, v0  }
0x110: {  	v0 =	vmul.bf16 v2, v0;
	_ =	sdelay $0x1  }
0x111: {  	[tilespmem:s17+$0x400] =	vst v0;
	v0 =	vld [tilespmem:s17+$0x410]  }
0x112: {  	v1 =	vld [tilespmem:s16+$0xFFFFFFE0]  }
0x113: {  	v2 =	vld [tilespmem:s16+$0xFFFFFFF0];
	_ =	sdelay $0x4  }
0x114: {  	v1 =	vpack.i.f32.bf16 v2, v1  }
0x115: {  	v0 =	vmul.bf16 v0, v1;
	_ =	sdelay $0x1  }
0x116: {  	[tilespmem:s17+$0x410] =	vst v0;
	v0 =	vld [tilespmem:s17+$0x420]  }
0x117: {  	v1 =	vld [tilespmem:s16+$0x0]  }
0x118: {  	v2 =	vld [tilespmem:s16+$0x10];
	_ =	sdelay $0x4  }
0x119: {  	v1 =	vpack.i.f32.bf16 v2, v1  }
.Ltmp11:
0x11a: {  	v0 =	vmul.bf16 v0, v1;
	(pc) =	sbr.rel @p2 .LBB2_5-.Ltmp11, $4  }
0x11b: {  	_ = 	snop  }
0x11c: {  	[tilespmem:s17+$0x420] =	vst v0;
	v0 =	vld [tilespmem:s17+$0x430]  }
0x11d: {  	v1 =	vld [tilespmem:s16+$0x20]  }
0x11e: {  	v2 =	vld [tilespmem:s16+$0x30]  }
.Ltmp12:
0x11f: {  	_ = 	snop;
	(pc) =	sbr.rel .LBB2_6-.Ltmp12, $1  }
0x120: {  	_ =	sdelay $0x3  }
.LBB2_8:
0x121: {  	[bflag:$0x0] =	sbarrier.arrive $0xFFFF  }
0x122: {  	s16 =	rddreg [dreg:$0x6]  }
0x123: {  	s10 =	simm.s32 @p1 $0x1FC3;
	s17 =	rddreg [dreg:$0xa]  }
0x124: {  	[hbm:s16], [sflag:s10] =	dma.local @p1 [spmem:s17], $0x3020  }
0x125: {  	s10 =	simm.s32 @p1 $0x3  }
0x126: {  	_ =	swait.ge @p1 [sflag:s10], $0x3020  }
0x127: {  	s16 =	rddreg [dreg:$0xb]  }
0x128: {  	[sflag:s10] =	ssyncset.done @p1 $0x0;
	s17 =	rddreg [dreg:$0xc]  }
0x129: {  	[sflag:s10] =	ssyncadd.s32 @p1 $0xFFFFCFE0;
	s10 =	rddreg [dreg:$0x5]  }
0x12a: {  	[hbm:s10], [sflag:s16] =	dma.local @!p1 [spmem:s17], $0x30E0  }
.Ltmp13:
0x12b: {  	_ = 	snop;
	(pc) =	sbr.rel .LBB2_16-.Ltmp13, $4  }
0x12c: {  	s10 =	simm.s32 @!p1 $0x3  }
0x12d: {  	_ =	swait.ge @!p1 [sflag:s10], $0x30E0  }
0x12e: {  	[sflag:s10] =	ssyncset.done @!p1 $0x0  }
0x12f: {  	[sflag:s10] =	ssyncadd.s32 @!p1 $0xFFFFCF20  }
.LBB2_17:
0x130: {  	_ =	sfence.sel $0x180000  }
0x131: {  	[bflag:$0x0] =	sbarrier.arrive $0xFFFF  }
0x132: {  	_ =	strace $0x9000004D  }
0x133: {  	[bflag:$0x2] =	sbarrier.arrive $0xFFFF  }
0x134: {  	p0 =	sne.s32 s1, $0x0;
	s0 =	rddreg [dreg:$0x2]  }
0x135: {  	s0 =	sadd.s32 @!p0 $0x100000, s0  }
0x136: {  	[sflag:s0] =	ssyncadd.tile.s32 @!p0 $0x1;
	_ =	shalt  }
.Lfunc_end2:
_tile_overlayer_lowered:
.L_overlay_start_2:
0x137: {  	(tag) =	ssettag $0x2  }
0x138: {  	s0 =	rddreg [dreg:$0x0];
	s2 =	stileid.u32  }
0x139: {  	s1 =	rddreg [dreg:$0x1];
	p0 =	sne.s32 s2, $0x0  }
0x13a: {  	s3 =	rddreg [dreg:$0x2];
	[bflag:$0x3] =	sbarrier.arrive $0xFFFF;
	s2 =	simm.s32 @!p0 $0x1C03  }
0x13b: {  	[timem:s3], [sflag:s2] =	dma.local @!p0 [hbm:s0], s1  }
0x13c: {  	s0 =	simm.s32 @!p0 $0x3  }
0x13d: {  	_ =	swait.ge @!p0 [sflag:s0], s1  }
0x13e: {  	s1 =	ssub.s32 @!p0 $0x0, s1;
	[sflag:s0] =	ssyncset.done @!p0 $0x0  }
0x13f: {  	[sflag:s0] =	ssyncadd.s32 @!p0 s1  }
0x140: {  	[bflag:$0x3] =	sbarrier.arrive $0xFFFF  }
0x141: {  	_ =	shalt  }

// kernel: kernel.19.cloned.1.call-start
scs
__scs_entry_jumppad:
0x0: {  	(pc) =	sbr.rel $0x88, $3  }
0x1: {  	(tag) =	ssettag $0x0;
	lr =	simm.s32 $0x1  }
0x2: {  	[smem:$0x3F84] =	sst lr;
	_ =	strace $0xD0000000  }
0x3: {  	_ = 	snop  }
0x4: {  	_ = 	snop  }
0x5: {  	_ = 	snop  }
0x6: {  	_ = 	snop  }
0x7: {  	_ = 	snop  }
__scs_overlays_trampoline_lowered:
0x8: {  	[smem:$0x3F93] =	sst s0  }
0x9: {  	[smem:$0x3F94] =	sst s1  }
0xa: {  	[smem:$0x3F95] =	sst s2  }
0xb: {  	[smem:$0x3F96] =	sst s3  }
0xc: {  	[smem:$0x3F97] =	sst s4  }
0xd: {  	[smem:$0x3F98] =	sst s5  }
0xe: {  	[smem:$0x3F99] =	sst s6  }
0xf: {  	[smem:$0x3F9A] =	sst s7  }
0x10: {  	[smem:$0x3F9B] =	sst s8  }
0x11: {  	[smem:$0x3F9C] =	sst s9;
	s0 =	simm.s32 @!p0 $0x0  }
0x12: {  	s1 =	sld [smem:$0x3F82];
	s0 =	simm.s32 @p0 $0x1  }
0x13: {  	[smem:$0x3F9D] =	sst s0;
	s0 =	simm.s32 @!p1 $0x0  }
0x14: {  	s2 =	sld [smem:$0x3F81];
	s0 =	simm.s32 @p1 $0x1  }
0x15: {  	[smem:$0x3F9E] =	sst s0;
	s0 =	simm.s32 @!p2 $0x0  }
0x16: {  	s3 =	sld [smem:$0x3FDB];
	s0 =	simm.s32 @p2 $0x1  }
0x17: {  	s4 =	simm.s32 $0x1BF5;
	[smem:$0x3FA0] =	sst s0  }
0x18: {  	s0 =	sld [smem:$0x3F83];
	_ =	swait.ge [sflag:s4], $0x0  }
0x19: {  	s7 =	sld [smem:$0x3F84]  }
0x1a: {  	s8 =	sadd.s32 $0xFFFFE003, lr  }
0x1b: {  	s9 =	sadd.s32 $0xFFFFFEF7, lr;
	s5 =	simm.s32 $0xFFFFFFFF;
	p2 =	slt.u32 s8, $0xFFFFF086  }
0x1c: {  	p1 =	slt.u32 s9, $0xF7A;
	s5 =	simm.s32 @!p2 $0x0  }
0x1d: {  	s5 =	simm.s32 @p1 $0x1;
	p0 =	seq.s32 s7, s2  }
0x1e: {  	s7 =	smul.u32 @!p0 $0xF7A, s2;
	p2 =	seq.s32 @!p0 s5, $0x0  }
0x1f: {  	s9 =	smul.u32 $0xF7A, s1;
	s8 =	simm.s32 @!p0 $0x1BF5;
	p2 =	por !p2, p0  }
0x20: {  	[sflag:s8] =	ssyncset.s32 @!p0 $0xFFFFF086;
	s6 =	sadd.s32 @!p0 s3, s7;
	s7 =	simm.s32 @!p0 $0x108  }
0x21: {  	s3 =	sadd.s32 s3, s9;
	s6 =	sadd.s32 @!p0 $0x88, s6;
	s7 =	simm.s32 @p2 $0x1082  }
0x22: {  	[simem:s7], [sflag:s8] =	dma.local @!p0 [hbm:s6], $0xF7A  }
0x23: {  	s9 =	sor.u32 $0xD0000000, s2;
	s6 =	simm.s32 $0x108;
	_ =	swait.ge @!p0 [sflag:s8], $0x0  }
0x24: {  	s3 =	sadd.s32 $0x88, s3;
	s6 =	simm.s32 @!p1 $0x1082;
	[sflag:s4] =	ssyncset.s32 $0xFFFFF086  }
0x25: {  	[simem:s6], [sflag:s4] =	dma.local [hbm:s3], $0xF7A  }
0x26: {  	[smem:$0x3F84] =	sst s1;
	(tag) =	ssettag s2;
	_ =	strace s9  }
0x27: {  	s1 =	sld [smem:$0x3F94]  }
0x28: {  	s2 =	sld [smem:$0x3F95]  }
0x29: {  	s4 =	sld [smem:$0x3F97]  }
0x2a: {  	p0 =	seq.s32 s5, $0x0;
	s5 =	sld [smem:$0x3F98]  }
0x2b: {  	s6 =	sld [smem:$0x3F99]  }
0x2c: {  	s7 =	sld [smem:$0x3F9A]  }
0x2d: {  	s3 =	simm.s32 $0x108;
	s8 =	sld [smem:$0x3F9B]  }
0x2e: {  	s3 =	simm.s32 @!p0 $0x1082;
	s9 =	sld [smem:$0x3F9C]  }
0x2f: {  	lr =	sadd.s32 s0, s3;
	s0 =	sld [smem:$0x3F93]  }
0x30: {  	s3 =	sld [smem:$0x3F96]  }
0x31: {  	[smem:$0x3F9F] =	sst s10  }
0x32: {  	s10 =	sld [smem:$0x3F9D];
	_ =	sdelay $0x3  }
0x33: {  	p0 =	seq.s32 s10, $0x1;
	s10 =	sld [smem:$0x3F9F];
	_ =	sdelay $0x3  }
0x34: {  	[smem:$0x3F9F] =	sst s10  }
0x35: {  	s10 =	sld [smem:$0x3F9E];
	_ =	sdelay $0x3  }
0x36: {  	p1 =	seq.s32 s10, $0x1;
	s10 =	sld [smem:$0x3F9F];
	_ =	sdelay $0x3  }
0x37: {  	[smem:$0x3F9F] =	sst s10  }
0x38: {  	s10 =	sld [smem:$0x3FA0]  }
0x39: {  	_ = 	snop;
	(pc) =	sbr.ind lr, $3  }
0x3a: {  	_ = 	snop  }
0x3b: {  	_ = 	snop  }
0x3c: {  	p2 =	seq.s32 s10, $0x1;
	s10 =	sld [smem:$0x3F9F]  }
0x3d: {  	_ =	shalt  }
0x3e: {  	_ =	shalt  }
0x3f: {  	_ =	shalt  }
0x40: {  	_ =	shalt  }
0x41: {  	_ =	shalt  }
0x42: {  	_ =	shalt  }
0x43: {  	_ =	shalt  }
0x44: {  	_ =	shalt  }
0x45: {  	_ =	shalt  }
0x46: {  	_ =	shalt  }
0x47: {  	_ =	shalt  }
0x48: {  	_ =	shalt  }
0x49: {  	_ =	shalt  }
0x4a: {  	_ =	shalt  }
0x4b: {  	_ =	shalt  }
0x4c: {  	_ =	shalt  }
0x4d: {  	_ =	shalt  }
0x4e: {  	_ =	shalt  }
0x4f: {  	_ =	shalt  }
0x50: {  	_ =	shalt  }
0x51: {  	_ =	shalt  }
0x52: {  	_ =	shalt  }
0x53: {  	_ =	shalt  }
0x54: {  	_ =	shalt  }
0x55: {  	_ =	shalt  }
0x56: {  	_ =	shalt  }
0x57: {  	_ =	shalt  }
0x58: {  	_ =	shalt  }
0x59: {  	_ =	shalt  }
0x5a: {  	_ =	shalt  }
0x5b: {  	_ =	shalt  }
0x5c: {  	_ =	shalt  }
0x5d: {  	_ =	shalt  }
0x5e: {  	_ =	shalt  }
0x5f: {  	_ =	shalt  }
0x60: {  	_ =	shalt  }
0x61: {  	_ =	shalt  }
0x62: {  	_ =	shalt  }
0x63: {  	_ =	shalt  }
0x64: {  	_ =	shalt  }
0x65: {  	_ =	shalt  }
0x66: {  	_ =	shalt  }
0x67: {  	_ =	shalt  }
0x68: {  	_ =	shalt  }
0x69: {  	_ =	shalt  }
0x6a: {  	_ =	shalt  }
0x6b: {  	_ =	shalt  }
0x6c: {  	_ =	shalt  }
0x6d: {  	_ =	shalt  }
0x6e: {  	_ =	shalt  }
0x6f: {  	_ =	shalt  }
0x70: {  	_ =	shalt  }
0x71: {  	_ =	shalt  }
0x72: {  	_ =	shalt  }
0x73: {  	_ =	shalt  }
0x74: {  	_ =	shalt  }
0x75: {  	_ =	shalt  }
0x76: {  	_ =	shalt  }
0x77: {  	_ =	shalt  }
0x78: {  	_ =	shalt  }
0x79: {  	_ =	shalt  }
0x7a: {  	_ =	shalt  }
0x7b: {  	_ =	shalt  }
0x7c: {  	_ =	shalt  }
0x7d: {  	_ =	shalt  }
0x7e: {  	_ =	shalt  }
0x7f: {  	_ =	shalt  }
0x80: {  	_ =	shalt  }
0x81: {  	_ =	shalt  }
0x82: {  	_ =	shalt  }
0x83: {  	_ =	shalt  }
0x84: {  	_ =	shalt  }
0x85: {  	_ =	shalt  }
0x86: {  	_ =	shalt  }
0x87: {  	_ =	shalt  }
.Lfunc_end0:
.L_simem_size_0:
called_computation.3_lowered:
.L_overlay_start_0:
0x88: {  	s2 =	sld [smem:$0x3FD9]  }
0x89: {  	s3 =	sld [smem:$0x3FFE];
	_ =	sdelay $0x1  }
0x8a: {  	s1 =	srdreg.scid  }
0x8b: {  	s0 =	sand.u32 $0x1, s1  }
0x8c: {  	s16 =	sshll.u32 s0, $0xA;
	s2 =	sadd.s32 s3, s2  }
0x8d: {  	s2 =	sadd.s32 s2, s16  }
0x8e: {  	[smem:$0x3FAB] =	sst s2  }
0x8f: {  	_ = 	snop  }
0x90: {  	(tm) =	ssettm $0x1  }
0x91: {  	s17 =	sld [smem:$0x3FFB];
	_ =	sdelay $0x3  }
0x92: {  	_ =	strace s17  }
0x93: {  	s2 =	sld [smem:$0x3FFC];
	_ =	sdelay $0x3  }
0x94: {  	_ =	strace s2  }
0x95: {  	s2 =	sld [smem:$0x3FFD];
	_ =	sdelay $0x3  }
0x96: {  	_ =	strace s2  }
0x97: {  	_ =	strace $0x8FFFFFFF  }
0x98: {  	s18 =	sld [smem:$0x3FDB];
	_ =	sdelay $0x1  }
0x99: {  	s19 =	simm.s32 $_scs_section_size  }
0x9a: {  	s4 =	simm.s32 $_size__tile_overlayer_lowered;
	s5 =	simm.s32 $_tile_overlayer_lowered  }
0x9b: {  	s22 =	simm.s32 $0x1BFF;
	s21 =	sshll.u32 s5, $0x1;
	s2 =	sadd.s32 s19, s18  }
0x9c: {  	s6 =	simm.s32 $0x0;
	s20 =	sshll.u32 s4, $0x1;
	s4 =	sadd.s32 s21, s2  }
0x9d: {  	[timem:s6], [sflag:s22] =	dma.local [hbm:s4], s20  }
0x9e: {  	_ =	swait.ge [sflag:s22], s20  }
0x9f: {  	s3 =	ssub.s32 $0x0, s20;
	[sflag:s22] =	ssyncset.done $0x0  }
0xa0: {  	[sflag:s22] =	ssyncadd.s32 s3;
	_ =	sdelay $0x1  }
0xa1: {  	s23 =	simm.s32 $0x1B8B  }
0xa2: {  	_ =	swait.ge [sflag:s23], $0x1  }
0xa3: {  	[sflag:s23] =	ssyncset.done $0x0  }
0xa4: {  	s25 =	simm.s32 $0x1B8E;
	s24 =	sld [smem:$0x3FFE];
	[sflag:s23] =	ssyncadd.s32 $0xFFFFFFFF  }
0xa5: {  	s26 =	simm.s32 $execute0_lowered;
	[smem:$0x3FD2] =	sst s25  }
0xa6: {  	s4 =	sshll.u32 s26, $0x1;
	_ =	strace $0x8000004F;
	[dreg:$0x1] =	wrdreg $0xFFFFFFFF  }
0xa7: {  	s28 =	simm.s32 $_size_execute0_lowered;
	s2 =	sadd.s32 s2, s4;
	[dreg:$0x0] =	wrdreg $0x0  }
0xa8: {  	s4 =	sshll.u32 s28, $0x1;
	[dreg:$0x2] =	wrdreg s2  }
0xa9: {  	[dreg:$0x3] =	wrdreg s4  }
0xaa: {  	[dreg:$0x4] =	wrdreg $0xC0  }
0xab: {  	_ =	task [dreg:s6], $0x5FFFF  }
0xac: {  	[dreg:$0x1] =	wrdreg $0xFFFFFFFF  }
0xad: {  	[dreg:$0x0] =	wrdreg $0x60  }
0xae: {  	[dreg:$0x2] =	wrdreg s24  }
0xaf: {  	[dreg:$0x3] =	wrdreg $0x64000  }
0xb0: {  	[dreg:$0x4] =	wrdreg $0x9  }
0xb1: {  	_ =	task.clear_ibuf [dreg:s6], $0x5FFFF;
	_ =	strace $0x9000004F  }
0xb2: {  	s29 =	simm.s32 $0x9;
	_ =	strace $0x80000051  }
0xb3: {  	_ =	swait.ge [sflag:s29], $0x1  }
0xb4: {  	[sflag:s29] =	ssyncadd.s32 $0xFFFFFFFF  }
0xb5: {  	_ =	strace $0x90000051  }
0xb6: {  	_ =	sfence  }
0xb7: {  	s30 =	sld [smem:$0x0];
	_ =	sdelay $0x2  }
0xb8: {  	s31 =	sshll.u32 s1, $0xD;
	s1 =	sshrl.u32 s1, $0x2  }
0xb9: {  	s3 =	sand.u32 $0x4000, s31;
	s1 =	sadd.s32 s1, s30  }
0xba: {  	s0 =	sor.u32 s3, s0;
	s1 =	sshll.u32 s1, $0x11  }
0xbb: {  	s0 =	sor.u32 s1, s0  }
0xbc: {  	s0 =	sadd.s32 $0x8F2B, s0  }
0xbd: {  	[sflag:s0] =	ssyncadd.remote.s32 $0x1  }
0xbe: {  	_ =	sfence.sel $0xFFFF  }
0xbf: {  	[dreg:$0x0] =	wrdreg $0xFFFFFFFF;
	(pc) =	sbr.abs _section_cstart, $3  }
0xc0: {  	[dreg:$0x1] =	wrdreg $0xFFFFFFFF  }
0xc1: {  	_ =	task.clear_ibuf [dreg:s6], $0x2FFFF;
	_ =	strace $0x9FFFFFFF  }
0xc2: {  	(tm) =	ssettm $0x7FFFFFFF  }
0xc3: {  	_ =	shalt  }
tec
execute0_lowered:
.L_overlay_start_1:
0x0: {  	(tag) =	ssettag $0x1  }
0x1: {  	s0 =	rddreg [dreg:$0x0]  }
0x2: {  	s2 =	rddreg [dreg:$0x1]  }
0x3: {  	s3 =	simm.s32 $0x0;
	s1 =	stileid.u32;
	s6 =	srdreg.scid  }
0x4: {  	s29 =	simm.s32 $0x1400;
	s30 =	simm.s32 $0x180;
	s31 =	simm.s32 $0x1C00  }
0x5: {  	s15 =	simm.s32 $0x380;
	[smem:$0x7FF] =	sst s3;
	s8 =	smul.u32 $0x30E00, s1  }
0x6: {  	s4 =	sadd.s32 $0x49EE00, s0;
	s9 =	sand.u32 $0x1, s6;
	s6 =	sadd.s32 $0x83EA00, s0  }
0x7: {  	s7 =	sadd.s32 $0x80DC00, s0;
	s14 =	sadd.s32 $0x16E900, s2  }
0x8: {  	s28 =	simm.s32 $0x100;
	s22 =	sadd.s32 $0x80AB20, s0;
	s24 =	sadd.s32 $0x52E720, s0  }
0x9: {  	s5 =	sadd.s32 $0x7AC000, s0;
	s13 =	sadd.s32 $0x24A9E0C, s0;
	p1 =	seq.s32 s1, $0xF  }
0xa: {  	_ =	strace $0x80000050;
	s11 =	ssub.s32 $0x2, s9;
	[dreg:$0x4] =	wrdreg s22  }
0xb: {  	p0 =	seq.s32 s9, $0x1;
	[dreg:$0x6] =	wrdreg s24;
	s9 =	sshrl.u32 @p1 s14, $0x3  }
0xc: {  	s22 =	simm.s32 $0x20;
	s24 =	simm.s32 $0x2400;
	s14 =	simm.s32 $0x300  }
0xd: {  	s10 =	sshrl.u32 s8, $0x4;
	s20 =	sshrl.u32 s11, $0x1;
	s8 =	sshrl.u32 s8, $0x1  }
0xe: {  	[dreg:$0xa] =	wrdreg s9;
	s12 =	sadd.s32 s10, s0;
	s11 =	ssub.s32 s11, s20  }
0xf: {  	s10 =	sadd.s32 $0x24A9E08, s0;
	s8 =	sadd.s32 s8, s2;
	s0 =	sadd.s32 $0x4FD920, s0  }
0x10: {  	s20 =	simm.s32 $0x4;
	s21 =	sadd.s32 $0x7DCE00, s12;
	[dreg:$0x8] =	wrdreg s0  }
0x11: {  	s23 =	sadd.s32 $0x500A00, s12;
	s25 =	sadd.s32 $0x4CFC00, s12;
	[dreg:$0x3] =	wrdreg s21  }
0x12: {  	s0 =	sshll.u32 @!p1 s1, $0x6;
	s26 =	smax.u32 s11, $0x1;
	[dreg:$0x5] =	wrdreg s23  }
.Ltmp0:
0x13: {  	s11 =	simm.s32 $0x2;
	[dreg:$0x7] =	wrdreg s25;
	(pc) =	sbr.rel .LBB2_1-.Ltmp0, $4  }
0x14: {  	s12 =	simm.s32 $0x280;
	[dreg:$0x9] =	wrdreg s26;
	s0 =	sor.u32 @!p1 $0x1C03, s0  }
0x15: {  	s21 =	simm.s32 $0x200;
	s23 =	simm.s32 $0x80;
	s25 =	simm.s32 $0x400  }
0x16: {  	s26 =	simm.s32 $0xC00;
	[dreg:$0xb] =	wrdreg s0;
	s0 =	sshrl.u32 @!p1 s8, $0x3  }
0x17: {  	s8 =	simm.s32 $0x3;
	[dreg:$0xc] =	wrdreg s0;
	s0 =	simm.s32 $0x1  }
.LBB2_15:
0x18: {  	[bflag:$0x0] =	sbarrier.arrive $0xFFFF  }
0x19: {  	s16 =	rddreg [dreg:$0x8]  }
0x1a: {  	s9 =	simm.s32 @p1 $0x1FC3;
	s17 =	rddreg [dreg:$0xa]  }
0x1b: {  	[hbm:s16], [sflag:s9] =	dma.local @p1 [spmem:s17], $0x3020  }
0x1c: {  	s9 =	simm.s32 @p1 $0x3  }
0x1d: {  	_ =	swait.ge @p1 [sflag:s9], $0x3020  }
0x1e: {  	s16 =	rddreg [dreg:$0xb]  }
0x1f: {  	[sflag:s9] =	ssyncset.done @p1 $0x0;
	s17 =	rddreg [dreg:$0xc]  }
0x20: {  	[sflag:s9] =	ssyncadd.s32 @p1 $0xFFFFCFE0;
	s9 =	rddreg [dreg:$0x7]  }
0x21: {  	[hbm:s9], [sflag:s16] =	dma.local @!p1 [spmem:s17], $0x30E0  }
0x22: {  	s9 =	simm.s32 @!p1 $0x3  }
0x23: {  	_ =	swait.ge @!p1 [sflag:s9], $0x30E0  }
0x24: {  	[sflag:s9] =	ssyncset.done @!p1 $0x0  }
0x25: {  	[sflag:s9] =	ssyncadd.s32 @!p1 $0xFFFFCF20  }
.LBB2_16:
0x26: {  	s3 =	sadd.s32 $0x1, s3;
	s9 =	rddreg [dreg:$0x9]  }
0x27: {  	p2 =	sne.s32 s3, s9  }
.Ltmp1:
0x28: {  	_ = 	snop;
	(pc) =	sbr.rel @!p2 .LBB2_17-.Ltmp1, $1  }
0x29: {  	_ =	sdelay $0x3  }
.LBB2_1:
.Ltmp2:
0x2a: {  	(pc) =	sbr.rel @!p0 .LBB2_2-.Ltmp2, $1  }
0x2b: {  	_ =	sdelay $0x3  }
0x2c: {  	s16 =	rddreg [dreg:$0x4]  }
0x2d: {  	s9 =	simm.s32 @p1 $0x1FC3;
	s17 =	rddreg [dreg:$0xa]  }
0x2e: {  	[spmem:s17], [sflag:s9] =	dma.local @p1 [hbm:s16], $0x3020  }
0x2f: {  	s9 =	simm.s32 @p1 $0x3  }
0x30: {  	_ =	swait.ge @p1 [sflag:s9], $0x3020  }
0x31: {  	s16 =	rddreg [dreg:$0xb]  }
0x32: {  	[sflag:s9] =	ssyncset.done @p1 $0x0;
	s17 =	rddreg [dreg:$0xc]  }
0x33: {  	[sflag:s9] =	ssyncadd.s32 @p1 $0xFFFFCFE0;
	s9 =	rddreg [dreg:$0x3]  }
0x34: {  	[spmem:s17], [sflag:s16] =	dma.local @!p1 [hbm:s9], $0x30E0  }
0x35: {  	s9 =	simm.s32 @!p1 $0x3  }
.Ltmp3:
0x36: {  	_ =	swait.ge @!p1 [sflag:s9], $0x30E0;
	(pc) =	sbr.rel .LBB2_10-.Ltmp3, $4  }
0x37: {  	[sflag:s9] =	ssyncset.done @!p1 $0x0  }
0x38: {  	[sflag:s9] =	ssyncadd.s32 @!p1 $0xFFFFCF20  }
0x39: {  	[bflag:$0x0] =	sbarrier.arrive $0xFFFF  }
0x3a: {  	s9 =	simm.s32 $0x0  }
.LBB2_14:
0x3b: {  	s9 =	sadd.s32 $0x1, s9  }
0x3c: {  	p2 =	sne.s32 s9, $0xC4  }
.Ltmp4:
0x3d: {  	_ = 	snop;
	(pc) =	sbr.rel @!p2 .LBB2_15-.Ltmp4, $1  }
0x3e: {  	_ =	sdelay $0x3  }
.LBB2_10:
0x3f: {  	s16 =	sshll.u32 s9, $0x4  }
0x40: {  	s16 =	sor.u32 s1, s16  }
0x41: {  	p2 =	sgt.u32 s16, $0xC34  }
.Ltmp5:
0x42: {  	_ = 	snop;
	(pc) =	sbr.rel @p2 .LBB2_14-.Ltmp5, $1  }
0x43: {  	_ =	sdelay $0x3  }
0x44: {  	s17 =	sshll.u32 s16, $0x6  }
0x45: {  	s19 =	simm.s32 $0x0;
	s18 =	sadd.s32 s6, s17  }
0x46: {  	[tilespmem:s19], [sflag:$0x4] =	stream.linear.gather [hbm4b:s18+s19], $0x200, $0x38;
	[tilespmem:$0x1EAA0] =	vst v63  }
0x47: {  	_ =	swait.ge [sflag:s20], $0x200  }
0x48: {  	[sflag:s20] =	ssyncset.done $0x0  }
0x49: {  	s17 =	sadd.s32 s7, s17;
	[sflag:s20] =	ssyncadd.s32 $0xFFFFFE00  }
0x4a: {  	[tilespmem:s21], [sflag:$0x4] =	stream.linear.gather [hbm4b:s17+s19], $0x200, $0x38;
	[tilespmem:$0x1EAA0] =	vst v63  }
0x4b: {  	_ =	swait.ge [sflag:s20], $0x200  }
0x4c: {  	s18 =	sshll.u32 s16, $0xD;
	[sflag:s20] =	ssyncset.done $0x0  }
0x4d: {  	s16 =	sadd.s32 s18, s13;
	[sflag:s20] =	ssyncadd.s32 $0xFFFFFE00  }
0x4e: {  	[tilespmem:s24], [sflag:$0x2] =	stream.strided.gather [hbm4b:s16+s22], $0x4000, s23, s22, $0x38;
	[tilespmem:$0x1EAA0] =	vst v63  }
0x4f: {  	_ = 	snop  }
0x50: {  	[tilespmem:s25], [sflag:$0x1] =	stream.indirect.gather [hbm4b:s5+s23], $0x10, s19, s23, $0xb8;
	[tilespmem:$0x1EAA0] =	vst v63  }
0x51: {  	_ = 	snop  }
0x52: {  	[tilespmem:s26], [sflag:$0x1] =	stream.indirect.gather [hbm4b:s5+s23], $0x10, s23, s23, $0xb8;
	[tilespmem:$0x1EAA0] =	vst v63  }
0x53: {  	_ = 	snop  }
0x54: {  	[tilespmem:s29], [sflag:$0x1] =	stream.indirect.gather [hbm4b:s5+s23], $0x10, s28, s23, $0xb8;
	[tilespmem:$0x1EAA0] =	vst v63  }
0x55: {  	_ = 	snop  }
0x56: {  	[tilespmem:s31], [sflag:$0x1] =	stream.indirect.gather [hbm4b:s5+s23], $0x10, s30, s23, $0xb8;
	[tilespmem:$0x1EAA0] =	vst v63  }
0x57: {  	_ =	swait.ge [sflag:s0], $0x800  }
0x58: {  	[sflag:s0] =	ssyncset.done $0x0  }
0x59: {  	[sflag:s0] =	ssyncadd.s32 $0xFFFFF800  }
0x5a: {  	_ =	swait.ge [sflag:s0], $0x800  }
0x5b: {  	[sflag:s0] =	ssyncset.done $0x0  }
0x5c: {  	[sflag:s0] =	ssyncadd.s32 $0xFFFFF800  }
0x5d: {  	_ =	swait.ge [sflag:s0], $0x800  }
0x5e: {  	[sflag:s0] =	ssyncset.done $0x0  }
0x5f: {  	[sflag:s0] =	ssyncadd.s32 $0xFFFFF800  }
0x60: {  	_ =	swait.ge [sflag:s0], $0x800  }
0x61: {  	[sflag:s0] =	ssyncset.done $0x0  }
0x62: {  	[sflag:s0] =	ssyncadd.s32 $0xFFFFF800  }
0x63: {  	_ =	swait.ge [sflag:s11], $0x4000  }
0x64: {  	[sflag:s11] =	ssyncset.done $0x0  }
0x65: {  	s16 =	simm.s32 $0x2440;
	[sflag:s11] =	ssyncadd.s32 $0xFFFFC000  }
0x66: {  	v0 =	vld [tilespmem:s16+$0xFFFFFFC0]  }
0x67: {  	s17 =	simm.s32 $0x0;
	v1 =	vld [tilespmem:s16+$0xFFFFFFD0]  }
0x68: {  	v2 =	vld [tilespmem:s17+$0x400];
	_ =	sdelay $0x3  }
0x69: {  	v0 =	vpack.i.f32.bf16 v1, v0  }
0x6a: {  	v0 =	vmul.bf16 v2, v0;
	_ =	sdelay $0x1  }
0x6b: {  	[tilespmem:s17+$0x400] =	vst v0  }
0x6c: {  	v0 =	vld [tilespmem:s16+$0xFFFFFFE0]  }
0x6d: {  	v1 =	vld [tilespmem:s16+$0xFFFFFFF0]  }
0x6e: {  	v2 =	vld [tilespmem:s17+$0x410];
	_ =	sdelay $0x3  }
0x6f: {  	v0 =	vpack.i.f32.bf16 v1, v0  }
0x70: {  	v0 =	vmul.bf16 v2, v0;
	_ =	sdelay $0x1  }
0x71: {  	[tilespmem:s17+$0x410] =	vst v0  }
0x72: {  	v0 =	vld [tilespmem:s16+$0x0]  }
0x73: {  	v1 =	vld [tilespmem:s16+$0x10]  }
0x74: {  	v2 =	vld [tilespmem:s17+$0x420];
	_ =	sdelay $0x3  }
0x75: {  	v0 =	vpack.i.f32.bf16 v1, v0  }
0x76: {  	v0 =	vmul.bf16 v2, v0;
	_ =	sdelay $0x1  }
0x77: {  	[tilespmem:s17+$0x420] =	vst v0;
	v0 =	vld [tilespmem:s17+$0x430]  }
0x78: {  	v1 =	vld [tilespmem:s16+$0x20]  }
0x79: {  	s18 =	simm.s32 $0x100;
	v2 =	vld [tilespmem:s16+$0x30]  }
.LBB2_12:
0x7a: {  	_ =	sdelay $0x2  }
0x7b: {  	p2 =	sne.s32 s18, $0x7F00  }
0x7c: {  	s16 =	sadd.s32 $0x80, s16;
	s19 =	smov.u32 s18;
	s18 =	sadd.s32 $0x100, s18;
	v1 =	vpack.i.f32.bf16 v2, v1  }
0x7d: {  	v0 =	vmul.bf16 v0, v1;
	_ =	sdelay $0x1  }
0x7e: {  	[tilespmem:s17+$0x430] =	vst v0  }
0x7f: {  	v0 =	vld [tilespmem:s16+$0xFFFFFFC0]  }
0x80: {  	s17 =	sshra.s32 s19, $0x2;
	v1 =	vld [tilespmem:s16+$0xFFFFFFD0]  }
0x81: {  	v2 =	vld [tilespmem:s17+$0x400];
	_ =	sdelay $0x3  }
0x82: {  	v0 =	vpack.i.f32.bf16 v1, v0  }
0x83: {  	v0 =	vmul.bf16 v2, v0;
	_ =	sdelay $0x1  }
0x84: {  	[tilespmem:s17+$0x400] =	vst v0;
	v0 =	vld [tilespmem:s17+$0x410]  }
0x85: {  	v1 =	vld [tilespmem:s16+$0xFFFFFFE0]  }
0x86: {  	v2 =	vld [tilespmem:s16+$0xFFFFFFF0];
	_ =	sdelay $0x4  }
0x87: {  	v1 =	vpack.i.f32.bf16 v2, v1  }
0x88: {  	v0 =	vmul.bf16 v0, v1;
	_ =	sdelay $0x1  }
0x89: {  	[tilespmem:s17+$0x410] =	vst v0;
	v0 =	vld [tilespmem:s17+$0x420]  }
0x8a: {  	v1 =	vld [tilespmem:s16+$0x0]  }
0x8b: {  	v2 =	vld [tilespmem:s16+$0x10];
	_ =	sdelay $0x4  }
0x8c: {  	v1 =	vpack.i.f32.bf16 v2, v1  }
.Ltmp6:
0x8d: {  	v0 =	vmul.bf16 v0, v1;
	(pc) =	sbr.rel @p2 .LBB2_12-.Ltmp6, $4  }
0x8e: {  	_ = 	snop  }
0x8f: {  	[tilespmem:s17+$0x420] =	vst v0;
	v0 =	vld [tilespmem:s17+$0x430]  }
0x90: {  	v1 =	vld [tilespmem:s16+$0x20]  }
0x91: {  	v2 =	vld [tilespmem:s16+$0x30]  }
0x92: {  	_ =	sdelay $0x3  }
0x93: {  	v1 =	vpack.i.f32.bf16 v2, v1  }
0x94: {  	v0 =	vmul.bf16 v0, v1;
	_ =	sdelay $0x1  }
0x95: {  	[tilespmem:s17+$0x430] =	vst v0  }
0x96: {  	[spmem:s2] =	stream.indirect.scatter.add.bf16 [tilespmem:s25], [sflag:$0x4], $0x10, s21, s23, $0xb8;
	[tilespmem:$0x1EAA0] =	vst v63  }
0x97: {  	_ =	swait.ge [sflag:s20], $0x800  }
0x98: {  	[sflag:s20] =	ssyncset.done $0x0  }
0x99: {  	[sflag:s20] =	ssyncadd.s32 $0xFFFFF800  }
0x9a: {  	[spmem:s2] =	stream.indirect.scatter.add.bf16 [tilespmem:s26], [sflag:$0x4], $0x10, s12, s23, $0xb8;
	[tilespmem:$0x1EAA0] =	vst v63  }
0x9b: {  	_ =	swait.ge [sflag:s20], $0x800  }
0x9c: {  	[sflag:s20] =	ssyncset.done $0x0  }
0x9d: {  	[sflag:s20] =	ssyncadd.s32 $0xFFFFF800  }
0x9e: {  	[spmem:s2] =	stream.indirect.scatter.add.bf16 [tilespmem:s29], [sflag:$0x4], $0x10, s14, s23, $0xb8;
	[tilespmem:$0x1EAA0] =	vst v63  }
0x9f: {  	_ =	swait.ge [sflag:s20], $0x800  }
0xa0: {  	[sflag:s20] =	ssyncset.done $0x0  }
.Ltmp7:
0xa1: {  	[sflag:s20] =	ssyncadd.s32 $0xFFFFF800;
	(pc) =	sbr.rel .LBB2_14-.Ltmp7, $4  }
0xa2: {  	[spmem:s2] =	stream.indirect.scatter.add.bf16 [tilespmem:s31], [sflag:$0x3], $0x10, s15, s23, $0xb8;
	[tilespmem:$0x1EAA0] =	vst v63  }
0xa3: {  	_ =	swait.ge [sflag:s8], $0x800  }
0xa4: {  	[sflag:s8] =	ssyncset.done $0x0  }
0xa5: {  	[sflag:s8] =	ssyncadd.s32 $0xFFFFF800  }
.LBB2_2:
0xa6: {  	s16 =	rddreg [dreg:$0x4]  }
0xa7: {  	s9 =	simm.s32 @p1 $0x1FC3;
	s17 =	rddreg [dreg:$0xa]  }
0xa8: {  	[spmem:s17], [sflag:s9] =	dma.local @p1 [hbm:s16], $0x3020  }
0xa9: {  	s9 =	simm.s32 @p1 $0x3  }
0xaa: {  	_ =	swait.ge @p1 [sflag:s9], $0x3020  }
0xab: {  	s16 =	rddreg [dreg:$0xb]  }
0xac: {  	[sflag:s9] =	ssyncset.done @p1 $0x0;
	s17 =	rddreg [dreg:$0xc]  }
0xad: {  	[sflag:s9] =	ssyncadd.s32 @p1 $0xFFFFCFE0;
	s9 =	rddreg [dreg:$0x3]  }
0xae: {  	[spmem:s17], [sflag:s16] =	dma.local @!p1 [hbm:s9], $0x30E0  }
0xaf: {  	s9 =	simm.s32 @!p1 $0x3  }
.Ltmp8:
0xb0: {  	_ =	swait.ge @!p1 [sflag:s9], $0x30E0;
	(pc) =	sbr.rel .LBB2_3-.Ltmp8, $4  }
0xb1: {  	[sflag:s9] =	ssyncset.done @!p1 $0x0  }
0xb2: {  	[sflag:s9] =	ssyncadd.s32 @!p1 $0xFFFFCF20  }
0xb3: {  	[bflag:$0x0] =	sbarrier.arrive $0xFFFF  }
0xb4: {  	s9 =	simm.s32 $0x0  }
.LBB2_6:
0xb5: {  	v1 =	vpack.i.f32.bf16 v2, v1  }
0xb6: {  	v0 =	vmul.bf16 v0, v1;
	_ =	sdelay $0x1  }
0xb7: {  	[tilespmem:s17+$0x430] =	vst v0  }
0xb8: {  	[spmem:s2] =	stream.indirect.scatter.add.bf16 [tilespmem:s25], [sflag:$0x4], $0x10, s21, s23, $0xb8;
	[tilespmem:$0x1EAA0] =	vst v63  }
0xb9: {  	_ =	swait.ge [sflag:s20], $0x800  }
0xba: {  	[sflag:s20] =	ssyncset.done $0x0  }
0xbb: {  	[sflag:s20] =	ssyncadd.s32 $0xFFFFF800  }
0xbc: {  	[spmem:s2] =	stream.indirect.scatter.add.bf16 [tilespmem:s26], [sflag:$0x4], $0x10, s12, s23, $0xb8;
	[tilespmem:$0x1EAA0] =	vst v63  }
0xbd: {  	_ =	swait.ge [sflag:s20], $0x800  }
0xbe: {  	[sflag:s20] =	ssyncset.done $0x0  }
0xbf: {  	[sflag:s20] =	ssyncadd.s32 $0xFFFFF800  }
0xc0: {  	[spmem:s2] =	stream.indirect.scatter.add.bf16 [tilespmem:s29], [sflag:$0x4], $0x10, s14, s23, $0xb8;
	[tilespmem:$0x1EAA0] =	vst v63  }
0xc1: {  	_ =	swait.ge [sflag:s20], $0x800  }
0xc2: {  	[sflag:s20] =	ssyncset.done $0x0  }
0xc3: {  	[sflag:s20] =	ssyncadd.s32 $0xFFFFF800  }
0xc4: {  	[spmem:s2] =	stream.indirect.scatter.add.bf16 [tilespmem:s31], [sflag:$0x3], $0x10, s15, s23, $0xb8;
	[tilespmem:$0x1EAA0] =	vst v63  }
0xc5: {  	_ =	swait.ge [sflag:s8], $0x800  }
0xc6: {  	[sflag:s8] =	ssyncset.done $0x0  }
0xc7: {  	[sflag:s8] =	ssyncadd.s32 $0xFFFFF800  }
.LBB2_7:
0xc8: {  	s9 =	sadd.s32 $0x1, s9  }
0xc9: {  	p2 =	sne.s32 s9, $0xC4  }
.Ltmp9:
0xca: {  	_ = 	snop;
	(pc) =	sbr.rel @!p2 .LBB2_8-.Ltmp9, $1  }
0xcb: {  	_ =	sdelay $0x3  }
.LBB2_3:
0xcc: {  	s16 =	sshll.u32 s9, $0x4  }
0xcd: {  	s16 =	sor.u32 s1, s16  }
0xce: {  	p2 =	sgt.u32 s16, $0xC34  }
.Ltmp10:
0xcf: {  	_ = 	snop;
	(pc) =	sbr.rel @p2 .LBB2_7-.Ltmp10, $1  }
0xd0: {  	_ =	sdelay $0x3  }
0xd1: {  	s17 =	sshll.u32 s16, $0x6  }
0xd2: {  	s19 =	simm.s32 $0x0;
	s18 =	sadd.s32 s6, s17  }
0xd3: {  	[tilespmem:s19], [sflag:$0x4] =	stream.linear.gather [hbm4b:s18+s19], $0x200, $0x38;
	[tilespmem:$0x1EAA0] =	vst v63  }
0xd4: {  	_ =	swait.ge [sflag:s20], $0x200  }
0xd5: {  	[sflag:s20] =	ssyncset.done $0x0  }
0xd6: {  	s17 =	sadd.s32 s7, s17;
	[sflag:s20] =	ssyncadd.s32 $0xFFFFFE00  }
0xd7: {  	[tilespmem:s21], [sflag:$0x4] =	stream.linear.gather [hbm4b:s17+s19], $0x200, $0x38;
	[tilespmem:$0x1EAA0] =	vst v63  }
0xd8: {  	_ =	swait.ge [sflag:s20], $0x200  }
0xd9: {  	s18 =	sshll.u32 s16, $0xD;
	[sflag:s20] =	ssyncset.done $0x0  }
0xda: {  	s16 =	sadd.s32 s18, s10;
	[sflag:s20] =	ssyncadd.s32 $0xFFFFFE00  }
0xdb: {  	[tilespmem:s24], [sflag:$0x2] =	stream.strided.gather [hbm4b:s16+s22], $0x4000, s23, s22, $0x38;
	[tilespmem:$0x1EAA0] =	vst v63  }
0xdc: {  	_ = 	snop  }
0xdd: {  	[tilespmem:s25], [sflag:$0x1] =	stream.indirect.gather [hbm4b:s4+s23], $0x10, s19, s23, $0xb8;
	[tilespmem:$0x1EAA0] =	vst v63  }
0xde: {  	_ = 	snop  }
0xdf: {  	[tilespmem:s26], [sflag:$0x1] =	stream.indirect.gather [hbm4b:s4+s23], $0x10, s23, s23, $0xb8;
	[tilespmem:$0x1EAA0] =	vst v63  }
0xe0: {  	_ = 	snop  }
0xe1: {  	[tilespmem:s29], [sflag:$0x1] =	stream.indirect.gather [hbm4b:s4+s23], $0x10, s28, s23, $0xb8;
	[tilespmem:$0x1EAA0] =	vst v63  }
0xe2: {  	_ = 	snop  }
0xe3: {  	[tilespmem:s31], [sflag:$0x1] =	stream.indirect.gather [hbm4b:s4+s23], $0x10, s30, s23, $0xb8;
	[tilespmem:$0x1EAA0] =	vst v63  }
0xe4: {  	_ =	swait.ge [sflag:s0], $0x800  }
0xe5: {  	[sflag:s0] =	ssyncset.done $0x0  }
0xe6: {  	[sflag:s0] =	ssyncadd.s32 $0xFFFFF800  }
0xe7: {  	_ =	swait.ge [sflag:s0], $0x800  }
0xe8: {  	[sflag:s0] =	ssyncset.done $0x0  }
0xe9: {  	[sflag:s0] =	ssyncadd.s32 $0xFFFFF800  }
0xea: {  	_ =	swait.ge [sflag:s0], $0x800  }
0xeb: {  	[sflag:s0] =	ssyncset.done $0x0  }
0xec: {  	[sflag:s0] =	ssyncadd.s32 $0xFFFFF800  }
0xed: {  	_ =	swait.ge [sflag:s0], $0x800  }
0xee: {  	[sflag:s0] =	ssyncset.done $0x0  }
0xef: {  	[sflag:s0] =	ssyncadd.s32 $0xFFFFF800  }
0xf0: {  	_ =	swait.ge [sflag:s11], $0x4000  }
0xf1: {  	[sflag:s11] =	ssyncset.done $0x0  }
0xf2: {  	s16 =	simm.s32 $0x2440;
	[sflag:s11] =	ssyncadd.s32 $0xFFFFC000  }
0xf3: {  	v0 =	vld [tilespmem:s16+$0xFFFFFFC0]  }
0xf4: {  	s17 =	simm.s32 $0x0;
	v1 =	vld [tilespmem:s16+$0xFFFFFFD0]  }
0xf5: {  	v2 =	vld [tilespmem:s17+$0x400];
	_ =	sdelay $0x3  }
0xf6: {  	v0 =	vpack.i.f32.bf16 v1, v0  }
0xf7: {  	v0 =	vmul.bf16 v2, v0;
	_ =	sdelay $0x1  }
0xf8: {  	[tilespmem:s17+$0x400] =	vst v0  }
0xf9: {  	v0 =	vld [tilespmem:s16+$0xFFFFFFE0]  }
0xfa: {  	v1 =	vld [tilespmem:s16+$0xFFFFFFF0]  }
0xfb: {  	v2 =	vld [tilespmem:s17+$0x410];
	_ =	sdelay $0x3  }
0xfc: {  	v0 =	vpack.i.f32.bf16 v1, v0  }
0xfd: {  	v0 =	vmul.bf16 v2, v0;
	_ =	sdelay $0x1  }
0xfe: {  	[tilespmem:s17+$0x410] =	vst v0  }
0xff: {  	v0 =	vld [tilespmem:s16+$0x0]  }
0x100: {  	v1 =	vld [tilespmem:s16+$0x10]  }
0x101: {  	v2 =	vld [tilespmem:s17+$0x420];
	_ =	sdelay $0x3  }
0x102: {  	v0 =	vpack.i.f32.bf16 v1, v0  }
0x103: {  	v0 =	vmul.bf16 v2, v0;
	_ =	sdelay $0x1  }
0x104: {  	[tilespmem:s17+$0x420] =	vst v0  }
0x105: {  	v1 =	vld [tilespmem:s16+$0x20]  }
0x106: {  	v2 =	vld [tilespmem:s16+$0x30]  }
0x107: {  	v0 =	vld [tilespmem:s17+$0x430];
	_ =	sdelay $0x1  }
0x108: {  	s18 =	simm.s32 $0x100  }
.LBB2_5:
0x109: {  	p2 =	sne.s32 s18, $0x7F00  }
0x10a: {  	v1 =	vpack.i.f32.bf16 v2, v1;
	s16 =	sadd.s32 $0x80, s16;
	s19 =	smov.u32 s18;
	s18 =	sadd.s32 $0x100, s18  }
0x10b: {  	v0 =	vmul.bf16 v0, v1;
	_ =	sdelay $0x1  }
0x10c: {  	[tilespmem:s17+$0x430] =	vst v0  }
0x10d: {  	v0 =	vld [tilespmem:s16+$0xFFFFFFC0]  }
0x10e: {  	s17 =	sshra.s32 s19, $0x2;
	v1 =	vld [tilespmem:s16+$0xFFFFFFD0]  }
0x10f: {  	v2 =	vld [tilespmem:s17+$0x400];
	_ =	sdelay $0x3  }
0x110: {  	v0 =	vpack.i.f32.bf16 v1, v0  }
0x111: {  	v0 =	vmul.bf16 v2, v0;
	_ =	sdelay $0x1  }
0x112: {  	[tilespmem:s17+$0x400] =	vst v0;
	v0 =	vld [tilespmem:s17+$0x410]  }
0x113: {  	v1 =	vld [tilespmem:s16+$0xFFFFFFE0]  }
0x114: {  	v2 =	vld [tilespmem:s16+$0xFFFFFFF0];
	_ =	sdelay $0x4  }
0x115: {  	v1 =	vpack.i.f32.bf16 v2, v1  }
0x116: {  	v0 =	vmul.bf16 v0, v1;
	_ =	sdelay $0x1  }
0x117: {  	[tilespmem:s17+$0x410] =	vst v0;
	v0 =	vld [tilespmem:s17+$0x420]  }
0x118: {  	v1 =	vld [tilespmem:s16+$0x0]  }
0x119: {  	v2 =	vld [tilespmem:s16+$0x10];
	_ =	sdelay $0x4  }
0x11a: {  	v1 =	vpack.i.f32.bf16 v2, v1  }
.Ltmp11:
0x11b: {  	v0 =	vmul.bf16 v0, v1;
	(pc) =	sbr.rel @p2 .LBB2_5-.Ltmp11, $4  }
0x11c: {  	_ = 	snop  }
0x11d: {  	[tilespmem:s17+$0x420] =	vst v0;
	v0 =	vld [tilespmem:s17+$0x430]  }
0x11e: {  	v1 =	vld [tilespmem:s16+$0x20]  }
0x11f: {  	v2 =	vld [tilespmem:s16+$0x30]  }
.Ltmp12:
0x120: {  	_ = 	snop;
	(pc) =	sbr.rel .LBB2_6-.Ltmp12, $1  }
0x121: {  	_ =	sdelay $0x3  }
.LBB2_8:
0x122: {  	[bflag:$0x0] =	sbarrier.arrive $0xFFFF  }
0x123: {  	s16 =	rddreg [dreg:$0x6]  }
0x124: {  	s9 =	simm.s32 @p1 $0x1FC3;
	s17 =	rddreg [dreg:$0xa]  }
0x125: {  	[hbm:s16], [sflag:s9] =	dma.local @p1 [spmem:s17], $0x3020  }
0x126: {  	s9 =	simm.s32 @p1 $0x3  }
0x127: {  	_ =	swait.ge @p1 [sflag:s9], $0x3020  }
0x128: {  	s16 =	rddreg [dreg:$0xb]  }
0x129: {  	[sflag:s9] =	ssyncset.done @p1 $0x0;
	s17 =	rddreg [dreg:$0xc]  }
0x12a: {  	[sflag:s9] =	ssyncadd.s32 @p1 $0xFFFFCFE0;
	s9 =	rddreg [dreg:$0x5]  }
0x12b: {  	[hbm:s9], [sflag:s16] =	dma.local @!p1 [spmem:s17], $0x30E0  }
.Ltmp13:
0x12c: {  	_ = 	snop;
	(pc) =	sbr.rel .LBB2_16-.Ltmp13, $4  }
0x12d: {  	s9 =	simm.s32 @!p1 $0x3  }
0x12e: {  	_ =	swait.ge @!p1 [sflag:s9], $0x30E0  }
0x12f: {  	[sflag:s9] =	ssyncset.done @!p1 $0x0  }
0x130: {  	[sflag:s9] =	ssyncadd.s32 @!p1 $0xFFFFCF20  }
.LBB2_17:
0x131: {  	_ =	sfence.sel $0x180000  }
0x132: {  	[bflag:$0x0] =	sbarrier.arrive $0xFFFF  }
0x133: {  	_ =	strace $0x90000050  }
0x134: {  	[bflag:$0x2] =	sbarrier.arrive $0xFFFF  }
0x135: {  	p0 =	sne.s32 s1, $0x0;
	s0 =	rddreg [dreg:$0x2]  }
0x136: {  	s0 =	sadd.s32 @!p0 $0x100000, s0  }
0x137: {  	[sflag:s0] =	ssyncadd.tile.s32 @!p0 $0x1;
	_ =	shalt  }
.Lfunc_end2:
_tile_overlayer_lowered:
.L_overlay_start_2:
0x138: {  	(tag) =	ssettag $0x2  }
0x139: {  	s0 =	rddreg [dreg:$0x0];
	s2 =	stileid.u32  }
0x13a: {  	s1 =	rddreg [dreg:$0x1];
	p0 =	sne.s32 s2, $0x0  }
0x13b: {  	s3 =	rddreg [dreg:$0x2];
	[bflag:$0x3] =	sbarrier.arrive $0xFFFF;
	s2 =	simm.s32 @!p0 $0x1C03  }
0x13c: {  	[timem:s3], [sflag:s2] =	dma.local @!p0 [hbm:s0], s1  }
0x13d: {  	s0 =	simm.s32 @!p0 $0x3  }
0x13e: {  	_ =	swait.ge @!p0 [sflag:s0], s1  }
0x13f: {  	s1 =	ssub.s32 @!p0 $0x0, s1;
	[sflag:s0] =	ssyncset.done @!p0 $0x0  }
0x140: {  	[sflag:s0] =	ssyncadd.s32 @!p0 s1  }
0x141: {  	[bflag:$0x3] =	sbarrier.arrive $0xFFFF  }
0x142: {  	_ =	shalt  }

// kernel: sparse-core-data-format-call.cloned.1.call-start
scs
called_computation_lowered:
.L_overlay_start_0:
0x0: {  	s1 =	sld [smem:$0x3FD9]  }
0x1: {  	s2 =	sld [smem:$0x3FFE];
	_ =	sdelay $0x1  }
0x2: {  	s3 =	srdreg.scid  }
0x3: {  	s0 =	sand.u32 $0x1, s3  }
0x4: {  	s17 =	sshll.u32 s0, $0xA;
	s1 =	sadd.s32 s2, s1  }
0x5: {  	s1 =	sadd.s32 s1, s17  }
0x6: {  	[smem:$0x3FAB] =	sst s1  }
0x7: {  	_ = 	snop  }
0x8: {  	(tm) =	ssettm $0x1  }
0x9: {  	s18 =	sld [smem:$0x3FFB];
	_ =	sdelay $0x3  }
0xa: {  	_ =	strace s18  }
0xb: {  	s1 =	sld [smem:$0x3FFC];
	_ =	sdelay $0x3  }
0xc: {  	_ =	strace s1  }
0xd: {  	s1 =	sld [smem:$0x3FFD];
	_ =	sdelay $0x3  }
0xe: {  	_ =	strace s1  }
0xf: {  	_ =	strace $0x8FFFFFFF  }
0x10: {  	s19 =	sld [smem:$0x3FDB];
	_ =	sdelay $0x1  }
0x11: {  	s20 =	simm.s32 $_scs_section_size  }
0x12: {  	s4 =	simm.s32 $_size__tile_overlayer_lowered;
	s5 =	simm.s32 $_tile_overlayer_lowered  }
0x13: {  	s23 =	simm.s32 $0x1BFF;
	s22 =	sshll.u32 s5, $0x1;
	s1 =	sadd.s32 s20, s19  }
0x14: {  	s6 =	simm.s32 $0x0;
	s21 =	sshll.u32 s4, $0x1;
	s4 =	sadd.s32 s22, s1  }
0x15: {  	[timem:s6], [sflag:s23] =	dma.local [hbm:s4], s21  }
0x16: {  	_ =	swait.ge [sflag:s23], s21  }
0x17: {  	s2 =	ssub.s32 $0x0, s21;
	[sflag:s23] =	ssyncset.done $0x0  }
0x18: {  	[sflag:s23] =	ssyncadd.s32 s2;
	_ =	sdelay $0x1  }
0x19: {  	s24 =	simm.s32 $0x1B8B  }
0x1a: {  	_ =	swait.ge [sflag:s24], $0x1  }
0x1b: {  	[sflag:s24] =	ssyncset.done $0x0  }
0x1c: {  	s26 =	simm.s32 $0x1B8E;
	s25 =	sld [smem:$0x3FFE];
	[sflag:s24] =	ssyncadd.s32 $0xFFFFFFFF  }
0x1d: {  	s27 =	simm.s32 $execute0_lowered;
	[smem:$0x3FD2] =	sst s26  }
0x1e: {  	s4 =	sshll.u32 s27, $0x1;
	_ =	strace $0x80000046;
	[dreg:$0x1] =	wrdreg $0xFFFFFFFF  }
0x1f: {  	s28 =	simm.s32 $_size_execute0_lowered;
	s1 =	sadd.s32 s1, s4;
	[dreg:$0x0] =	wrdreg $0x0  }
0x20: {  	s4 =	sshll.u32 s28, $0x1;
	[dreg:$0x2] =	wrdreg s1  }
0x21: {  	[dreg:$0x3] =	wrdreg s4  }
0x22: {  	[dreg:$0x4] =	wrdreg $0xC0  }
0x23: {  	_ =	task [dreg:s6], $0x5FFFF  }
0x24: {  	[dreg:$0x1] =	wrdreg $0xFFFFFFFF  }
0x25: {  	[dreg:$0x0] =	wrdreg $0x60  }
0x26: {  	[dreg:$0x2] =	wrdreg s25  }
0x27: {  	[dreg:$0x3] =	wrdreg $0x9  }
0x28: {  	_ =	task.clear_ibuf [dreg:s6], $0x4FFFF;
	_ =	strace $0x90000046  }
0x29: {  	s29 =	simm.s32 $0x9;
	_ =	strace $0x80000048  }
0x2a: {  	_ =	swait.ge [sflag:s29], $0x1  }
0x2b: {  	[sflag:s29] =	ssyncadd.s32 $0xFFFFFFFF  }
0x2c: {  	_ =	strace $0x90000048  }
0x2d: {  	_ =	sfence  }
0x2e: {  	s30 =	sld [smem:$0x0];
	_ =	sdelay $0x2  }
0x2f: {  	s31 =	sshll.u32 s3, $0xD;
	s3 =	sshrl.u32 s3, $0x2  }
0x30: {  	s2 =	sand.u32 $0x4000, s31;
	s1 =	sadd.s32 s3, s30  }
0x31: {  	s0 =	sor.u32 s2, s0;
	s1 =	sshll.u32 s1, $0x11  }
0x32: {  	s0 =	sor.u32 s1, s0  }
0x33: {  	s0 =	sadd.s32 $0x8F2B, s0  }
0x34: {  	[sflag:s0] =	ssyncadd.remote.s32 $0x1  }
0x35: {  	_ =	sfence.sel $0xFFFF  }
0x36: {  	[dreg:$0x0] =	wrdreg $0xFFFFFFFF;
	(pc) =	sbr.abs _section_cstart, $3  }
0x37: {  	[dreg:$0x1] =	wrdreg $0xFFFFFFFF  }
0x38: {  	_ =	task.clear_ibuf [dreg:s6], $0x2FFFF;
	_ =	strace $0x9FFFFFFF  }
0x39: {  	(tm) =	ssettm $0x7FFFFFFF  }
tec
execute0_lowered:
.L_overlay_start_1:
0x0: {  	(tag) =	ssettag $0x1  }
0x1: {  	s0 =	srdreg.scid  }
0x2: {  	s5 =	rddreg [dreg:$0x0];
	s1 =	stileid.u32;
	s4 =	simm.s32 $0x1  }
0x3: {  	s6 =	simm.s32 $0x2;
	s8 =	simm.s32 $0x0;
	s2 =	sshll.u32 s0, $0x4  }
0x4: {  	s9 =	simm.s32 $0x0;
	s13 =	simm.s32 $0x0;
	s2 =	sand.u32 $0x10, s2  }
.Ltmp0:
0x5: {  	s10 =	simm.s32 $0x0;
	s3 =	sor.u32 s1, s2;
	(pc) =	sbr.rel .LBB1_1-.Ltmp0, $4  }
0x6: {  	s0 =	rddreg [dreg:$0x1];
	_ =	strace $0x80000047;
	s3 =	sshll.u32 s3, $0x4  }
0x7: {  	s12 =	simm.s32 $0x0;
	[sflag:s4] =	ssyncpa.u1 $0x0;
	s7 =	ssub.s32 $0x61A0, s3  }
0x8: {  	s2 =	sadd.s32 $0x318200, s5;
	[sflag:s6] =	ssyncpa.u1 $0x0;
	s6 =	sshrl.u32 s7, $0x9  }
0x9: {  	s5 =	sadd.s32 $0xAE00, s5;
	s11 =	smov.u32 s3;
	s7 =	sadd.s32 $0x2, s6  }
.LBB1_7:
0xa: {  	s15 =	sshll.u32 s12, $0xF  }
0xb: {  	s15 =	sand.u32 $0x8000, s15  }
0xc: {  	s16 =	sshll.u32 s10, $0x7;
	s15 =	sshrl.u32 s15, $0x1  }
0xd: {  	s16 =	sadd.s32 s5, s16;
	s15 =	sor.u32 $0x8000, s15  }
0xe: {  	[hbm4b:s16+s8] =	stream.linear.scatter [tilespmem:s15], [sflag:$0x2], s14, $0x38;
	[tilespmem:$0x10000] =	vst v63  }
.LBB1_8:
0xf: {  	p0 =	slt.u32 s12, $0x2  }
0x10: {  	p1 =	sgt.s32 @!p0 s13, $0x6198  }
0x11: {  	s14 =	smov.u32 s13;
	s15 =	sshra.s32 @!p0 s13, $0x1F;
	p1 =	por !p1, p0  }
0x12: {  	s13 =	sand.u32 @!p0 s15, s13;
	s14 =	simm.s32 @p1 $0x6198  }
0x13: {  	s13 =	ssub.s32 @!p0 s14, s13  }
0x14: {  	s13 =	sadd.s32 @!p0 $0xFFFF9E68, s13  }
0x15: {  	s14 =	sshll.u32 @!p0 s13, $0xC  }
0x16: {  	p1 =	sgt.s32 @!p0 s13, $0xF;
	s13 =	ssub.s32 @!p0 $0x10000, s14  }
0x17: {  	s15 =	sadd.s32 $0x200, s11;
	p1 =	por !p1, p0;
	s13 =	sshrl.u32 @!p0 s13, $0x2  }
0x18: {  	s13 =	simm.s32 @!p1 $0x0;
	p1 =	sgt.s32 s15, $0x61A7  }
0x19: {  	s15 =	smov.u32 @p1 s3;
	p1 =	sne.s32 s12, s7  }
.Ltmp1:
0x1a: {  	_ = 	snop;
	(pc) =	sbr.rel @!p1 .LBB1_9-.Ltmp1, $4  }
0x1b: {  	s14 =	simm.s32 @!p0 $0x2  }
0x1c: {  	s9 =	sadd.s32 $0x8000, s9;
	_ =	swait.ge @!p0 [sflag:s14], s13;
	s16 =	ssub.s32 @!p0 $0x0, s13  }
0x1d: {  	s13 =	smov.u32 s10;
	s12 =	sadd.s32 $0x1, s12;
	[sflag:s14] =	ssyncset.done @!p0 $0x0  }
0x1e: {  	s10 =	smov.u32 s11;
	s11 =	smov.u32 s15;
	[sflag:s14] =	ssyncadd.s32 @!p0 s16  }
.LBB1_1:
0x1f: {  	p0 =	sgt.u32 s12, s6  }
0x20: {  	p1 =	sgt.s32 @!p0 s11, $0x6198  }
0x21: {  	s14 =	smov.u32 s11;
	s15 =	sshra.s32 @!p0 s11, $0x1F;
	p1 =	por !p1, p0  }
0x22: {  	s15 =	sand.u32 @!p0 s15, s11;
	s14 =	simm.s32 @p1 $0x6198  }
0x23: {  	s14 =	ssub.s32 @!p0 s14, s15  }
0x24: {  	s14 =	sadd.s32 @!p0 $0xFFFF9E68, s14  }
0x25: {  	s16 =	sshll.u32 @!p0 s11, $0x7;
	s17 =	simm.s32 @!p0 $0x0;
	s15 =	sshll.u32 @!p0 s14, $0xC  }
0x26: {  	p1 =	sgt.s32 @!p0 s14, $0xF;
	s14 =	ssub.s32 @!p0 $0x10000, s15;
	s15 =	sxor.u32 @!p0 $0xFFFFFFFF, s12  }
0x27: {  	p1 =	por !p1, p0;
	s14 =	sshrl.u32 @!p0 s14, $0x2;
	s15 =	sshll.u32 @!p0 s15, $0xE  }
0x28: {  	s16 =	sadd.s32 @!p0 s2, s16;
	s14 =	simm.s32 @!p1 $0x0;
	s15 =	sand.u32 @!p0 $0x4000, s15  }
0x29: {  	[tilespmem:s15], [sflag:$0x1] =	stream.linear.gather @!p0 [hbm4b:s16+s17], s14, $0x38;
	[tilespmem:$0x10000] =	vst v63  }
0x2a: {  	p0 =	seq.s32 s12, $0x0  }
0x2b: {  	p1 =	sge.u32 @!p0 s12, s7  }
0x2c: {  	p0 =	por p0, p1  }
.Ltmp2:
0x2d: {  	_ = 	snop;
	(pc) =	sbr.rel @p0 .LBB1_8-.Ltmp2, $1  }
0x2e: {  	_ =	sdelay $0x3  }
0x2f: {  	p0 =	sgt.s32 s10, $0x6198;
	s14 =	smov.u32 s10;
	s15 =	sshra.s32 s10, $0x1F  }
0x30: {  	s14 =	simm.s32 @!p0 $0x6198;
	s15 =	sand.u32 s15, s10  }
0x31: {  	s14 =	ssub.s32 s14, s15  }
0x32: {  	s16 =	sadd.s32 $0x10, s10;
	s14 =	sadd.s32 $0xFFFF9E68, s14  }
0x33: {  	p1 =	slt.s32 s16, $0x61A8;
	s30 =	sshll.u32 s14, $0xC  }
0x34: {  	s16 =	simm.s32 @!p1 $0x61A8;
	s15 =	ssub.s32 $0x10000, s30  }
0x35: {  	p0 =	sgt.s32 s14, $0xF;
	s14 =	sshrl.u32 s15, $0x2;
	s15 =	ssub.s32 s16, s10  }
0x36: {  	s14 =	simm.s32 @p0 $0x0;
	p0 =	slt.s32 s15, $0x1  }
.Ltmp3:
0x37: {  	_ = 	snop;
	(pc) =	sbr.rel @p0 .LBB1_7-.Ltmp3, $4  }
0x38: {  	_ = 	snop  }
0x39: {  	_ =	swait.ge [sflag:s4], s14  }
0x3a: {  	s31 =	ssub.s32 $0x0, s14;
	[sflag:s4] =	ssyncset.done $0x0  }
0x3b: {  	[sflag:s4] =	ssyncadd.s32 s31  }
0x3c: {  	s16 =	sshrl.u32 s9, $0x1  }
0x3d: {  	s17 =	sand.u32 $0x4000, s16  }
0x3e: {  	s18 =	simm.s32 $0x0;
	s16 =	sor.u32 $0x200, s17;
	s17 =	sor.u32 $0x8080, s17  }
.LBB1_4:
0x3f: {  	v0 =	vld [tilespmem:s16+$0xFFFFFE70]  }
0x40: {  	v1 =	vld [tilespmem:s16+$0x70]  }
0x41: {  	v2 =	vld [tilespmem:s16+$0x0]  }
0x42: {  	v3 =	vld [tilespmem:s16+$0xFFFFFE10]  }
0x43: {  	v4 =	vld [tilespmem:s16+$0x10]  }
0x44: {  	v5 =	vld [tilespmem:s16+$0xFFFFFE20]  }
0x45: {  	v7 =	vld [tilespmem:s16+$0x20]  }
0x46: {  	v11 =	vld [tilespmem:s16+$0x30];
	v6 =	vunpack.i.l.s16.s32 v0;
	v8 =	vunpack.i.u.s16.s32 v0;
	v9 =	vunpack.i.u.s16.s32 v1  }
0x47: {  	v10 =	vunpack.i.l.s16.s32 v1;
	v0 =	vunpack.i.u.s16.s32 v2;
	v1 =	vunpack.i.l.s16.s32 v2;
	v2 =	vld [tilespmem:s16+$0xFFFFFE30]  }
0x48: {  	v8 =	vpack.i.b32.b16 v9, v8;
	v9 =	vunpack.i.u.s16.s32 v3;
	v3 =	vunpack.i.l.s16.s32 v3  }
0x49: {  	v12 =	vld [tilespmem:s16+$0xFFFFFE40];
	v6 =	vpack.i.b32.b16 v10, v6;
	[tilespmem:s17+$0x70] =	vst v8;
	v8 =	vunpack.i.u.s16.s32 v4;
	v4 =	vunpack.i.l.s16.s32 v4  }
0x4a: {  	v13 =	vld [tilespmem:s16+$0x40];
	v10 =	vunpack.i.u.s16.s32 v5;
	v5 =	vunpack.i.l.s16.s32 v5;
	[tilespmem:s17+$0xFFFFFFF0] =	vst v6;
	v3 =	vpack.i.b32.b16 v4, v3  }
0x4b: {  	v6 =	vunpack.i.l.s16.s32 v7;
	v4 =	vld [tilespmem:s16+$0xFFFFFE50];
	[tilespmem:s17+$0xFFFFFF90] =	vst v3;
	v3 =	vpack.i.b32.b16 v8, v9;
	v8 =	vunpack.i.u.s16.s32 v7  }
0x4c: {  	v7 =	vunpack.i.l.s16.s32 v11;
	[tilespmem:s17+$0x10] =	vst v3;
	v3 =	vpack.i.b32.b16 v6, v5;
	v9 =	vunpack.i.u.s16.s32 v2;
	v6 =	vld [tilespmem:s16+$0x50]  }
0x4d: {  	v5 =	vunpack.i.l.s16.s32 v2;
	v2 =	vld [tilespmem:s16+$0xFFFFFE60];
	[tilespmem:s17+$0xFFFFFFA0] =	vst v3;
	v3 =	vpack.i.b32.b16 v8, v10;
	v10 =	vunpack.i.u.s16.s32 v11  }
0x4e: {  	s21 =	simm.s32 $0x0;
	v11 =	vpack.i.b32.b16 v7, v5;
	v7 =	vunpack.i.u.s16.s32 v12;
	v8 =	vunpack.i.l.s16.s32 v12;
	[tilespmem:s17+$0x20] =	vst v3;
	v3 =	vld [tilespmem:s16+$0x60]  }
0x4f: {  	s22 =	sadd.s32 $0x80, s16;
	s20 =	smov.u32 s17;
	s19 =	smov.u32 s17;
	v5 =	vld [tilespmem:s16+$0xFFFFFE00];
	[tilespmem:s17+$0xFFFFFFB0] =	vst v11;
	v10 =	vpack.i.b32.b16 v10, v9;
	v9 =	vunpack.i.u.s16.s32 v13;
	v11 =	vunpack.i.l.s16.s32 v13  }
.LBB1_5:
0x50: {  	v12 =	vld [tilespmem:s22+$0xFFFFFE70];
	[tilespmem:s20+$0x30] =	vst v10;
	v8 =	vpack.i.b32.b16 v11, v8;
	v10 =	vunpack.i.u.s16.s32 v4;
	v4 =	vunpack.i.l.s16.s32 v4  }
0x51: {  	s21 =	sadd.s32 $0x2, s21;
	v7 =	vpack.i.b32.b16 v9, v7;
	v11 =	vld [tilespmem:s22+$0x70];
	[tilespmem:s20+$0xFFFFFFC0] =	vst v8;
	v8 =	vunpack.i.u.s16.s32 v6;
	v6 =	vunpack.i.l.s16.s32 v6  }
0x52: {  	p0 =	slt.u32 s21, $0x6;
	v9 =	vld [tilespmem:s22+$0x0];
	[tilespmem:s20+$0x40] =	vst v7;
	v4 =	vpack.i.b32.b16 v6, v4;
	v6 =	vunpack.i.u.s16.s32 v2;
	v2 =	vunpack.i.l.s16.s32 v2  }
0x53: {  	v7 =	vld [tilespmem:s22+$0xFFFFFE10];
	[tilespmem:s20+$0xFFFFFFD0] =	vst v4;
	v4 =	vpack.i.b32.b16 v8, v10;
	v8 =	vunpack.i.u.s16.s32 v3;
	v3 =	vunpack.i.l.s16.s32 v3  }
0x54: {  	v10 =	vld [tilespmem:s22+$0x10];
	v13 =	vunpack.i.u.s16.s32 v5;
	v5 =	vunpack.i.l.s16.s32 v5;
	[tilespmem:s20+$0x50] =	vst v4;
	v2 =	vpack.i.b32.b16 v3, v2  }
0x55: {  	v3 =	vld [tilespmem:s22+$0xFFFFFE20];
	v4 =	vunpack.i.l.s16.s32 v12;
	v1 =	vpack.i.b32.b16 v1, v5;
	v5 =	vpack.i.b32.b16 v0, v13;
	[tilespmem:s20+$0xFFFFFFE0] =	vst v2  }
0x56: {  	v12 =	vunpack.i.u.s16.s32 v12;
	v2 =	vld [tilespmem:s22+$0x20];
	v13 =	vunpack.i.u.s16.s32 v11;
	v11 =	vunpack.i.l.s16.s32 v11;
	[tilespmem:s20+$0xFFFFFF80] =	vst v1  }
0x57: {  	s20 =	sadd.s32 $0x100, s20;
	v0 =	vunpack.i.u.s16.s32 v9;
	v1 =	vunpack.i.l.s16.s32 v9;
	v9 =	vld [tilespmem:s22+$0xFFFFFE30];
	v12 =	vpack.i.b32.b16 v13, v12;
	[tilespmem:s19+$0x0] =	vst v5  }
0x58: {  	v6 =	vpack.i.b32.b16 v8, v6;
	v5 =	vunpack.i.u.s16.s32 v7;
	v7 =	vunpack.i.l.s16.s32 v7;
	v13 =	vld [tilespmem:s22+$0x30];
	[tilespmem:s20+$0x70] =	vst v12  }
0x59: {  	v4 =	vpack.i.b32.b16 v11, v4;
	v8 =	vunpack.i.u.s16.s32 v10;
	v10 =	vunpack.i.l.s16.s32 v10;
	v12 =	vld [tilespmem:s22+$0xFFFFFE40];
	[tilespmem:s19+$0x60] =	vst v6;
	s19 =	smov.u32 s20  }
0x5a: {  	v6 =	vpack.i.b32.b16 v10, v7;
	v7 =	vunpack.i.u.s16.s32 v3;
	v3 =	vunpack.i.l.s16.s32 v3;
	v11 =	vld [tilespmem:s22+$0x40];
	[tilespmem:s20+$0xFFFFFFF0] =	vst v4  }
.Ltmp4:
0x5b: {  	v5 =	vpack.i.b32.b16 v8, v5;
	[tilespmem:s20+$0xFFFFFF90] =	vst v6;
	v8 =	vunpack.i.u.s16.s32 v2;
	v2 =	vunpack.i.l.s16.s32 v2;
	v4 =	vld [tilespmem:s22+$0xFFFFFE50];
	(pc) =	sbr.rel @p0 .LBB1_5-.Ltmp4, $4  }
0x5c: {  	[tilespmem:s20+$0x10] =	vst v5;
	v2 =	vpack.i.b32.b16 v2, v3;
	v10 =	vunpack.i.u.s16.s32 v9;
	v3 =	vunpack.i.l.s16.s32 v9;
	v6 =	vld [tilespmem:s22+$0x50]  }
0x5d: {  	v5 =	vpack.i.b32.b16 v8, v7;
	[tilespmem:s20+$0xFFFFFFA0] =	vst v2;
	v9 =	vunpack.i.u.s16.s32 v13;
	v7 =	vunpack.i.l.s16.s32 v13;
	v2 =	vld [tilespmem:s22+$0xFFFFFE60]  }
0x5e: {  	[tilespmem:s20+$0x20] =	vst v5;
	v13 =	vpack.i.b32.b16 v7, v3;
	v7 =	vunpack.i.u.s16.s32 v12;
	v8 =	vunpack.i.l.s16.s32 v12;
	v3 =	vld [tilespmem:s22+$0x60]  }
0x5f: {  	v10 =	vpack.i.b32.b16 v9, v10;
	v5 =	vld [tilespmem:s22+$0xFFFFFE00];
	[tilespmem:s20+$0xFFFFFFB0] =	vst v13;
	v9 =	vunpack.i.u.s16.s32 v11;
	v11 =	vunpack.i.l.s16.s32 v11;
	s22 =	sadd.s32 $0x80, s22  }
0x60: {  	[tilespmem:s20+$0x30] =	vst v10;
	v8 =	vpack.i.b32.b16 v11, v8  }
0x61: {  	v51 =	vunpack.i.l.s16.s32 v4;
	v7 =	vpack.i.b32.b16 v9, v7;
	[tilespmem:s20+$0xFFFFFFC0] =	vst v8;
	v52 =	vunpack.i.l.s16.s32 v6  }
0x62: {  	v53 =	vunpack.i.u.s16.s32 v4;
	s18 =	sadd.s32 $0x1, s18;
	v54 =	vunpack.i.u.s16.s32 v6;
	[tilespmem:s20+$0x40] =	vst v7;
	v55 =	vpack.i.b32.b16 v52, v51  }
0x63: {  	p0 =	sne.s32 s18, s15;
	v56 =	vunpack.i.l.s16.s32 v2;
	v4 =	vpack.i.b32.b16 v54, v53;
	[tilespmem:s20+$0xFFFFFFD0] =	vst v55;
	v57 =	vunpack.i.l.s16.s32 v3  }
.Ltmp5:
0x64: {  	[tilespmem:s20+$0x50] =	vst v4;
	v58 =	vunpack.i.l.s16.s32 v5;
	v59 =	vpack.i.b32.b16 v57, v56;
	(pc) =	sbr.rel @p0 .LBB1_4-.Ltmp5, $4  }
.Ltmp6:
0x65: {  	v61 =	vunpack.i.u.s16.s32 v2;
	v62 =	vunpack.i.u.s16.s32 v3;
	v1 =	vpack.i.b32.b16 v1, v58;
	[tilespmem:s20+$0xFFFFFFE0] =	vst v59;
	(pc) =	sbr.rel @!p0 .LBB1_7-.Ltmp6, $4  }
0x66: {  	v60 =	vunpack.i.u.s16.s32 v5;
	v63 =	vpack.i.b32.b16 v62, v61;
	[tilespmem:s20+$0xFFFFFF80] =	vst v1  }
0x67: {  	v0 =	vpack.i.b32.b16 v0, v60;
	[tilespmem:s19+$0x60] =	vst v63  }
0x68: {  	s16 =	sadd.s32 $0x400, s16;
	s17 =	sadd.s32 $0x400, s17;
	[tilespmem:s19+$0x0] =	vst v0  }
0x69: {  	_ = 	snop  }
.LBB1_9:
0x6a: {  	_ =	sfence.sel $0x180000  }
0x6b: {  	s2 =	simm.s32 $0x1;
	[bflag:$0x0] =	sbarrier.arrive $0xFFFF  }
0x6c: {  	s31 =	simm.s32 $0x2;
	[sflag:s2] =	ssyncpa.u1 $0x1  }
0x6d: {  	[sflag:s31] =	ssyncpa.u1 $0x1  }
0x6e: {  	p0 =	sne.s32 s1, $0x0;
	_ =	strace $0x90000047  }
0x6f: {  	s0 =	sadd.s32 @!p0 $0x100000, s0;
	[bflag:$0x2] =	sbarrier.arrive $0xFFFF  }
0x70: {  	[sflag:s0] =	ssyncadd.tile.s32 @!p0 $0x1;
	_ =	shalt  }
.Lfunc_end1:
_tile_overlayer_lowered:
.L_overlay_start_2:
0x71: {  	(tag) =	ssettag $0x2  }
0x72: {  	s0 =	rddreg [dreg:$0x0];
	s2 =	stileid.u32  }
0x73: {  	s1 =	rddreg [dreg:$0x1];
	p0 =	sne.s32 s2, $0x0  }
0x74: {  	s3 =	rddreg [dreg:$0x2];
	[bflag:$0x3] =	sbarrier.arrive $0xFFFF;
	s2 =	simm.s32 @!p0 $0x1C01  }
0x75: {  	[timem:s3], [sflag:s2] =	dma.local @!p0 [hbm:s0], s1  }
0x76: {  	s0 =	simm.s32 @!p0 $0x1  }
0x77: {  	_ =	swait.ge @!p0 [sflag:s0], s1  }
0x78: {  	s1 =	ssub.s32 @!p0 $0x0, s1;
	[sflag:s0] =	ssyncset.done @!p0 $0x0  }
0x79: {  	[sflag:s0] =	ssyncadd.s32 @!p0 s1  }
0x7a: {  	[bflag:$0x3] =	sbarrier.arrive $0xFFFF  }
0x7b: {  	_ =	shalt  }

</sc_bundles>
